<compile_context>
chip_gen: v7x
topology: tpu7x:2x2x1
jax: 0.10.2.dev20260603
libtpu: 0.0.44.dev20260713+nightly
codegen_flags: <defaults>
</compile_context>

<pallas_src>
import functools
import math

import jax
import jax.numpy as jnp
from jax import lax
from jax.experimental import pallas as pl
from jax.experimental.pallas import tpu as pltpu
from jax.experimental.pallas import tpu_sc as plsc

_B = 2
_L = 512
_K = 32
_NATOMS = 5
_NPAIR = _NATOMS * _NATOMS
_NBINS = 37
_DWE = _NPAIR * _NBINS
_DOUT = 64
_NEDGE = _B * _L * _K
_NROWS = _B * _L

_NW = 32
_EPW = _NEDGE // _NW
_CHUNK = 256
_GPC = _CHUNK // 16
_NCHUNK = _EPW // _CHUNK

_LN10K = math.log(10000.0) / 64.0


def _prep_body(x_ref, w_ref, b_ref, ac_ref, we_ref, pew_ref):
    x = x_ref[...]

    def norm3(v):
        n = jnp.sqrt(jnp.sum(v * v, axis=0, keepdims=True))
        return v / jnp.maximum(n, 1e-12)

    n_at = x[0:3]
    ca = x[3:6]
    c_at = x[6:9]
    ca_n = norm3(n_at - ca)
    ca_c = norm3(c_at - ca)
    bis = norm3(ca_n + ca_c)
    perp = norm3(
        jnp.stack(
            [
                ca_n[1] * ca_c[2] - ca_n[2] * ca_c[1],
                ca_n[2] * ca_c[0] - ca_n[0] * ca_c[2],
                ca_n[0] * ca_c[1] - ca_n[1] * ca_c[0],
            ],
            axis=0,
        )
    )
    cb_dir = norm3(-bis + 0.5 * perp)
    vcb = ca + 1.54 * cb_dir
    ac_ref[...] = jnp.concatenate([x, vcb], axis=0)

    we_ref[...] = w_ref[0:_DWE, :]

    pos = lax.broadcasted_iota(jnp.int32, (65, 64), 0).astype(jnp.float32) - 32.0
    col = lax.broadcasted_iota(jnp.int32, (65, 64), 1)
    freq = ((col >> 1) * 2).astype(jnp.float32)
    ang = pos * jnp.exp(freq * (-_LN10K))
    pe = jnp.where((col % 2) == 0, jnp.sin(ang), jnp.cos(ang))
    pew_ref[...] = (
        jnp.dot(pe, w_ref[_DWE:, :], preferred_element_type=jnp.float32)
        + b_ref[...]
    )


def _sc_edges(coords_hbm, t_hbm, nbr_hbm, out_hbm,
              coords_v, t_v, nbr_v, out_v, rb_v):
    wid = lax.axis_index("s") * 2 + lax.axis_index("c")
    ebase = wid * _EPW

    pltpu.sync_copy(coords_hbm, coords_v.at[pl.ds(0, 15 * _NROWS)])
    pltpu.sync_copy(t_hbm, t_v)
    pltpu.sync_copy(nbr_hbm.at[pl.ds(ebase, _EPW)], nbr_v)

    iota16 = lax.iota(jnp.int32, 16)
    b_id = ebase >> 14
    magic = jnp.int32(0x5F3759DF)

    def group_body(g, carry_g):
        e0 = ebase + g * 16
        l_id = (e0 >> 5) & (_L - 1)
        cb_row = (b_id << 9) + l_id
        nv = nbr_v[pl.ds(g * 16, 16)]
        n_row = nv + (b_id << 9)

        cc = [
            jnp.full((16,), coords_v[pl.ds(a * _NROWS + cb_row, 16)][0],
                     jnp.float32)
            for a in range(15)
        ]
        cn = [
            plsc.load_gather(coords_v, [n_row + a * _NROWS])
            for a in range(15)
        ]

        rbs = []
        for ai in range(_NATOMS):
            for aj in range(_NATOMS):
                p = ai * _NATOMS + aj
                dx = cc[3 * ai + 0] - cn[3 * aj + 0]
                dy = cc[3 * ai + 1] - cn[3 * aj + 1]
                dz = cc[3 * ai + 2] - cn[3 * aj + 2]
                s = dx * dx + dy * dy + dz * dz
                s = jnp.maximum(s, 1.0)
                yi = magic - (lax.bitcast_convert_type(s, jnp.int32) >> 1)
                y = lax.bitcast_convert_type(yi, jnp.float32)
                h = s * 0.5
                y = y * (1.5 - h * y * y)
                y = y * (1.5 - h * y * y)
                y = y * (1.5 - h * y * y)
                d = s * y
                xf = 2.0 * d - 4.0
                t = xf.astype(jnp.int32)
                ceil = jnp.where(xf > t.astype(jnp.float32), t + 1, t)
                binp = jnp.clip(ceil, 0, _NBINS - 1)
                rbs.append((binp + p * _NBINS) << 5)
        rel = jnp.clip(nv - l_id, -32, 32)
        rbs.append((rel + (_DWE + 32)) << 5)

        tr_idx = iota16 * 33
        for r in range(26):
            plsc.store_scatter(rb_v, [tr_idx + r], rbs[r])

        obase = (g % _GPC) * 16 * _DOUT

        def edge_body(le, carry):
            ob = obase + le * _DOUT
            v0 = rb_v[pl.ds(le * 33, 16)]
            v1 = rb_v[pl.ds(le * 33 + 16, 16)]
            rows = [v0[r] for r in range(16)] + [v1[r] for r in range(10)]

            def row_halves(rw):
                out = []
                for h in range(2):
                    w = t_v[pl.ds(rw + 16 * h, 16)]
                    bf = plsc.bitcast(w, jnp.bfloat16)
                    a, b = plsc.unpack(bf, format=plsc.PackFormat.INTERLEAVED)
                    out += [a, b]
                return out

            accs = row_halves(rows[0])
            for r in range(1, 26):
                hv = row_halves(rows[r])
                for u in range(4):
                    accs[u] = accs[u] + hv[u]
            for u in range(4):
                out_v[pl.ds(ob + 16 * u, 16)] = accs[u]
            return carry

        lax.fori_loop(0, 16, edge_body, 0)
        return carry_g

    def chunk_body(ci, carry_c):
        lax.fori_loop(ci * _GPC, (ci + 1) * _GPC, group_body, 0)
        off = (ebase + ci * _CHUNK) * _DOUT
        pltpu.sync_copy(out_v, out_hbm.at[pl.ds(off, _CHUNK * _DOUT)])
        return carry_c

    lax.fori_loop(0, _NCHUNK, chunk_body, 0)


_sc_call = functools.partial(
    pl.kernel,
    mesh=plsc.VectorSubcoreMesh(core_axis_name="c", subcore_axis_name="s"),
    out_type=jax.ShapeDtypeStruct((_NEDGE * _DOUT,), jnp.float32),
    compiler_params=pltpu.CompilerParams(needs_layout_passes=False),
    scratch_types=[
        pltpu.VMEM((15 * _NROWS + 16,), jnp.float32),
        pltpu.VMEM(((_DWE + 65) * (_DOUT // 2),), jnp.int32),
        pltpu.VMEM((_EPW,), jnp.int32),
        pltpu.VMEM((_CHUNK * _DOUT,), jnp.float32),
        pltpu.VMEM((16 * 33,), jnp.int32),
    ],
)(_sc_edges)


def kernel(coordinates, neighbor_indices, W_edge, b_edge):
    B, L, _, _ = coordinates.shape
    k = neighbor_indices.shape[-1]
    x_t = coordinates.transpose(2, 3, 0, 1).reshape(12, B * L)
    ac, we_t, pew_t = pl.pallas_call(
        _prep_body,
        out_shape=[
            jax.ShapeDtypeStruct((15, B * L), jnp.float32),
            jax.ShapeDtypeStruct((_DWE, _DOUT), jnp.float32),
            jax.ShapeDtypeStruct((65, _DOUT), jnp.float32),
        ],
    )(x_t, W_edge, b_edge.reshape(1, _DOUT))
    t_full = jnp.concatenate([we_t, pew_t], axis=0)
    halves = [
        jnp.stack(
            [t_full[:, 32 * h : 32 * h + 16], t_full[:, 32 * h + 16 : 32 * h + 32]],
            axis=-1,
        ).reshape(-1, 32)
        for h in range(2)
    ]
    t_bf = jnp.concatenate(halves, axis=1).astype(jnp.bfloat16)
    t_i32 = lax.bitcast_convert_type(
        t_bf.reshape(_DWE + 65, _DOUT // 2, 2), jnp.int32
    ).reshape(-1)
    out_flat = _sc_call(
        ac.reshape(-1),
        t_i32,
        neighbor_indices.reshape(-1).astype(jnp.int32),
    )
    return out_flat.reshape(B, L, k, _DOUT)

# --- scband reference (transcript-rebuilt; emitter-appended) ---
"""Pipeline reference for scband-mpnnedge-encoder-73701638799790 (READ-ONLY COPY).

The authoritative reference and input builder live on the scoring server;
editing this copy changes nothing except your own understanding.
"""

import jax, jax.numpy as jnp
import numpy as np
import math


def _normalize(x):
    n = jnp.linalg.norm(x, axis=-1, keepdims=True)
    return x / jnp.maximum(n, 1e-12)


def _forward(coordinates, neighbor_indices, W_edge, b_edge):
    B, L, _, _ = coordinates.shape
    k = neighbor_indices.shape[-1]
    # virtual Cbeta from backbone N, CA, C
    n = coordinates[:, :, 0]
    ca = coordinates[:, :, 1]
    c = coordinates[:, :, 2]
    ca_n = _normalize(n - ca)
    ca_c = _normalize(c - ca)
    bisector = _normalize(ca_n + ca_c)
    perpendicular = _normalize(jnp.cross(ca_n, ca_c))
    cb_dir = _normalize(-bisector + 0.5 * perpendicular)
    virtual_cb = ca + 1.54 * cb_dir
    all_coords = jnp.concatenate([coordinates, virtual_cb[:, :, None, :]], axis=2)  # [B,L,5,3]
    num_atoms = all_coords.shape[2]
    bins = jnp.linspace(2.0, 20.0, 37)
    feats = []
    for ai in range(num_atoms):
        for aj in range(num_atoms):
            ci = all_coords[:, :, ai]
            cj = all_coords[:, :, aj]
            dm = jnp.linalg.norm(ci[:, :, None, :] - cj[:, None, :, :], axis=-1)  # [B,L,L]
            nd = jnp.take_along_axis(dm, neighbor_indices, axis=2)  # [B,L,k]
            binned = jnp.searchsorted(bins, nd, side='left')  # == torch.bucketize(right=False)
            binned = jnp.clip(binned, 0, 36)
            feats.append(jax.nn.one_hot(binned, 37, dtype=jnp.float32))
    edge_distances = jnp.concatenate(feats, axis=-1)  # [B,L,k,25*37]
    rel = neighbor_indices - jnp.arange(L)[None, :, None]
    rel = jnp.clip(rel, -32, 32)
    pos = rel[..., None].astype(jnp.float32)
    div = jnp.exp(jnp.arange(0, 64, 2, dtype=jnp.float32) * (-(math.log(10000.0) / 64.0)))
    pe = jnp.stack([jnp.sin(pos * div), jnp.cos(pos * div)], axis=-1).reshape(B, L, k, 64)
    edge_features = jnp.concatenate([edge_distances, pe], axis=-1)  # [B,L,k,989]
    out = edge_features @ W_edge + b_edge  # dropout is identity in eval; mask=None
    return out


def setup_inputs(seed: int = 0):
    key = jax.random.key(seed)
    k1, k2, k3 = jax.random.split(key, 3)
    coordinates = jax.random.normal(k1, (2, 512, 4, 3), dtype=jnp.float32)
    neighbor_indices = jax.random.randint(k2, (2, 512, 32), 0, 512)
    edge_input_dim = 5 * 5 * 37 + 64  # 989: what forward actually produces
    W_edge = jax.random.normal(k3, (edge_input_dim, 64), dtype=jnp.float32) * 0.02
    b_edge = jnp.zeros((64,), dtype=jnp.float32)
    return {"coordinates": coordinates, "neighbor_indices": neighbor_indices, "W_edge": W_edge, "b_edge": b_edge}


def reference(coordinates, neighbor_indices, W_edge, b_edge):
    return _forward(coordinates, neighbor_indices, W_edge, b_edge)

if __name__ == "__main__":
    import jax
    _d = setup_inputs()
    print(jax.jit(kernel)(*tuple(_d.values())))

</pallas_src>

<mosaic_0001>
#map = affine_map<(d0, d1) -> (0)>
module attributes {stable_mosaic.version = 14 : i64} {
  func.func @_sc_edges(%arg0: i32, %arg1: i32, %arg2: memref<15360xf32, #tpu.memory_space<hbm>>, %arg3: memref<31680xi32, #tpu.memory_space<hbm>>, %arg4: memref<32768xi32, #tpu.memory_space<hbm>>, %arg5: memref<2097152xf32, #tpu.memory_space<hbm>>, %arg6: memref<15376xf32, #tpu.memory_space<vmem>>, %arg7: memref<31680xi32, #tpu.memory_space<vmem>>, %arg8: memref<1024xi32, #tpu.memory_space<vmem>>, %arg9: memref<16384xf32, #tpu.memory_space<vmem>>, %arg10: memref<528xi32, #tpu.memory_space<vmem>>) attributes {dimension_semantics = [#tpu.dimension_semantics<core_parallel>, #tpu.dimension_semantics<subcore_parallel>], iteration_bounds = array<i64: 2, 16>, scalar_prefetch = 0 : i64, scratch_operands = 5 : i64, tpu.core_type = #tpu.core_type<sc_vector_subcore>, window_params = [{transform_indices = #map}, {transform_indices = #map}, {transform_indices = #map}, {transform_indices = #map}]} {
    %mul3A = arith.constant 2 : i32
    %mul3A_0 = arith.muli %arg1, %mul3A : i32
    %add3A = arith.addi %mul3A_0, %arg0 : i32
    %mul3A_1 = arith.constant 1024 : i32
    %mul3A_2 = arith.muli %add3A, %mul3A_1 : i32
    "tpu.region"() ({
      %run_scoped3A = tpu.sem_alloc : memref<!tpu.dma_semaphore, #tpu.memory_space<semaphore_mem>>
      %dma_start3A = arith.constant 0 : i32
      %dma_start3A_10 = tpu.memref_slice %arg6[%dma_start3A] : memref<15376xf32, #tpu.memory_space<vmem>> -> memref<15360xf32, #tpu.memory_space<vmem>>
      %dma_start3A_11 = arith.constant 0 : i32
      %dma_start3A_12 = tpu.memref_slice %arg6[%dma_start3A_11] : memref<15376xf32, #tpu.memory_space<vmem>> -> memref<15360xf32, #tpu.memory_space<vmem>>
      tpu.enqueue_dma source(%arg2 : memref<15360xf32, #tpu.memory_space<hbm>>) target(%dma_start3A_12 : memref<15360xf32, #tpu.memory_space<vmem>>) target_semaphore(%run_scoped3A : memref<!tpu.dma_semaphore, #tpu.memory_space<semaphore_mem>>)
      %dma_wait3A = arith.constant 0 : i32
      %dma_wait3A_13 = tpu.memref_slice %arg6[%dma_wait3A] : memref<15376xf32, #tpu.memory_space<vmem>> -> memref<15360xf32, #tpu.memory_space<vmem>>
      %dma_wait3A_14 = arith.constant 0 : i32
      %dma_wait3A_15 = tpu.memref_slice %arg6[%dma_wait3A_14] : memref<15376xf32, #tpu.memory_space<vmem>> -> memref<15360xf32, #tpu.memory_space<vmem>>
      tpu.wait_dma2 semaphore(%run_scoped3A : memref<!tpu.dma_semaphore, #tpu.memory_space<semaphore_mem>>) src(%arg2 : memref<15360xf32, #tpu.memory_space<hbm>>) dst(%dma_wait3A_15 : memref<15360xf32, #tpu.memory_space<vmem>>)
      tpu.yield
    }) : () -> ()
    "tpu.region"() ({
      %run_scoped3A = tpu.sem_alloc : memref<!tpu.dma_semaphore, #tpu.memory_space<semaphore_mem>>
      tpu.enqueue_dma source(%arg3 : memref<31680xi32, #tpu.memory_space<hbm>>) target(%arg7 : memref<31680xi32, #tpu.memory_space<vmem>>) target_semaphore(%run_scoped3A : memref<!tpu.dma_semaphore, #tpu.memory_space<semaphore_mem>>)
      tpu.wait_dma2 semaphore(%run_scoped3A : memref<!tpu.dma_semaphore, #tpu.memory_space<semaphore_mem>>) src(%arg3 : memref<31680xi32, #tpu.memory_space<hbm>>) dst(%arg7 : memref<31680xi32, #tpu.memory_space<vmem>>)
      tpu.yield
    }) : () -> ()
    "tpu.region"() ({
      %run_scoped3A = tpu.sem_alloc : memref<!tpu.dma_semaphore, #tpu.memory_space<semaphore_mem>>
      %dma_start3A = tpu.memref_slice %arg4[%mul3A_2] : memref<32768xi32, #tpu.memory_space<hbm>> -> memref<1024xi32, #tpu.memory_space<hbm>>
      %dma_start3A_10 = tpu.memref_slice %arg4[%mul3A_2] : memref<32768xi32, #tpu.memory_space<hbm>> -> memref<1024xi32, #tpu.memory_space<hbm>>
      tpu.enqueue_dma source(%dma_start3A_10 : memref<1024xi32, #tpu.memory_space<hbm>>) target(%arg8 : memref<1024xi32, #tpu.memory_space<vmem>>) target_semaphore(%run_scoped3A : memref<!tpu.dma_semaphore, #tpu.memory_space<semaphore_mem>>)
      %dma_wait3A = tpu.memref_slice %arg4[%mul3A_2] : memref<32768xi32, #tpu.memory_space<hbm>> -> memref<1024xi32, #tpu.memory_space<hbm>>
      %dma_wait3A_11 = tpu.memref_slice %arg4[%mul3A_2] : memref<32768xi32, #tpu.memory_space<hbm>> -> memref<1024xi32, #tpu.memory_space<hbm>>
      tpu.wait_dma2 semaphore(%run_scoped3A : memref<!tpu.dma_semaphore, #tpu.memory_space<semaphore_mem>>) src(%dma_wait3A_11 : memref<1024xi32, #tpu.memory_space<hbm>>) dst(%arg8 : memref<1024xi32, #tpu.memory_space<vmem>>)
      tpu.yield
    }) : () -> ()
    %iota3A = tpu.iota {dimensions = array<i32: 0>} : vector<16xi32>
    %shift_right_arithmetic3A = arith.constant 14 : i32
    %shift_right_arithmetic3A_3 = arith.shrsi %mul3A_2, %shift_right_arithmetic3A : i32
    %scan3A = arith.constant 0 : i32
    %scan3A_4 = arith.constant 1597463007 : i32
    %scan3A_5 = arith.constant 0 : i32
    %scan3A_6 = arith.constant 4 : i32
    %scan3A_7 = arith.addi %scan3A_5, %scan3A_6 : i32
    %scan3A_8 = arith.constant 1 : i32
    scf.for %scan3A_10 = %scan3A_5 to %scan3A_7 step %scan3A_8  : i32 {
      %mul3A_11 = arith.constant 16 : i32
      %mul3A_12 = arith.muli %scan3A_10, %mul3A_11 : i32
      %add3A_13 = arith.constant 1 : i32
      %add3A_14 = arith.addi %scan3A_10, %add3A_13 : i32
      %mul3A_15 = arith.constant 16 : i32
      %mul3A_16 = arith.muli %add3A_14, %mul3A_15 : i32
      %while3A = arith.constant 0 : i32
      %while3A_17 = arith.subi %mul3A_16, %mul3A_12 : i32
      %while3A_18 = arith.addi %mul3A_12, %while3A_17 : i32
      %while3A_19 = arith.constant 1 : i32
      %while3A_20 = arith.divsi %while3A_17, %while3A_19 : i32
      %while3A_21 = arith.muli %while3A_20, %while3A_19 : i32
      %while3A_22 = arith.addi %mul3A_12, %while3A_21 : i32
      %while3A_23 = arith.constant 1 : i32
      scf.for %while3A_30 = %mul3A_12 to %while3A_22 step %while3A_23  : i32 {
        %mul3A_31 = arith.constant 16 : i32
        %mul3A_32 = arith.muli %while3A_30, %mul3A_31 : i32
        %add3A_33 = arith.addi %mul3A_2, %mul3A_32 : i32
        %shift_right_arithmetic3A_34 = arith.constant 5 : i32
        %shift_right_arithmetic3A_35 = arith.shrsi %add3A_33, %shift_right_arithmetic3A_34 : i32
        %and3A = arith.constant 511 : i32
        %and3A_36 = arith.andi %shift_right_arithmetic3A_35, %and3A : i32
        %shift_left3A = arith.constant 9 : i32
        %shift_left3A_37 = arith.shli %shift_right_arithmetic3A_3, %shift_left3A : i32
        %add3A_38 = arith.addi %shift_left3A_37, %and3A_36 : i32
        %mul3A_39 = arith.constant 16 : i32
        %mul3A_40 = arith.muli %while3A_30, %mul3A_39 : i32
        %get3A = arith.index_cast %mul3A_40 : i32 to index
        %get3A_41 = tpu.vector_load %arg8[%get3A] {strides = array<i32>} : memref<1024xi32, #tpu.memory_space<vmem>>, vector<16xi32>,
        %shift_left3A_42 = arith.constant 9 : i32
        %shift_left3A_43 = arith.shli %shift_right_arithmetic3A_3, %shift_left3A_42 : i32
        %add3A_44 = vector.broadcast %shift_left3A_43 : i32 to vector<16xi32>
        %add3A_45 = arith.addi %get3A_41, %add3A_44 : vector<16xi32>
        %add3A_46 = arith.constant 0 : i32
        %add3A_47 = arith.addi %add3A_46, %add3A_38 : i32
        %get3A_48 = arith.index_cast %add3A_47 : i32 to index
        %get3A_49 = tpu.vector_load %arg6[%get3A_48] {strides = array<i32>} : memref<15376xf32, #tpu.memory_space<vmem>>, vector<16xf32>,
        %slice3A = vector.extract_strided_slice %get3A_49 {offsets = [0], sizes = [1], strides = [1]} : vector<16xf32> to vector<1xf32>
        %squeeze3A = vector.extract %slice3A[0] : f32 from vector<1xf32>
        %broadcast_in_dim3A = vector.broadcast %squeeze3A : f32 to vector<16xf32>
        %add3A_50 = arith.constant 1024 : i32
        %add3A_51 = arith.addi %add3A_50, %add3A_38 : i32
        %get3A_52 = arith.index_cast %add3A_51 : i32 to index
        %get3A_53 = tpu.vector_load %arg6[%get3A_52] {strides = array<i32>} : memref<15376xf32, #tpu.memory_space<vmem>>, vector<16xf32>,
        %slice3A_54 = vector.extract_strided_slice %get3A_53 {offsets = [0], sizes = [1], strides = [1]} : vector<16xf32> to vector<1xf32>
        %squeeze3A_55 = vector.extract %slice3A_54[0] : f32 from vector<1xf32>
        %broadcast_in_dim3A_56 = vector.broadcast %squeeze3A_55 : f32 to vector<16xf32>
        %add3A_57 = arith.constant 2048 : i32
        %add3A_58 = arith.addi %add3A_57, %add3A_38 : i32
        %get3A_59 = arith.index_cast %add3A_58 : i32 to index
        %get3A_60 = tpu.vector_load %arg6[%get3A_59] {strides = array<i32>} : memref<15376xf32, #tpu.memory_space<vmem>>, vector<16xf32>,
        %slice3A_61 = vector.extract_strided_slice %get3A_60 {offsets = [0], sizes = [1], strides = [1]} : vector<16xf32> to vector<1xf32>
        %squeeze3A_62 = vector.extract %slice3A_61[0] : f32 from vector<1xf32>
        %broadcast_in_dim3A_63 = vector.broadcast %squeeze3A_62 : f32 to vector<16xf32>
        %add3A_64 = arith.constant 3072 : i32
        %add3A_65 = arith.addi %add3A_64, %add3A_38 : i32
        %get3A_66 = arith.index_cast %add3A_65 : i32 to index
        %get3A_67 = tpu.vector_load %arg6[%get3A_66] {strides = array<i32>} : memref<15376xf32, #tpu.memory_space<vmem>>, vector<16xf32>,
        %slice3A_68 = vector.extract_strided_slice %get3A_67 {offsets = [0], sizes = [1], strides = [1]} : vector<16xf32> to vector<1xf32>
        %squeeze3A_69 = vector.extract %slice3A_68[0] : f32 from vector<1xf32>
        %broadcast_in_dim3A_70 = vector.broadcast %squeeze3A_69 : f32 to vector<16xf32>
        %add3A_71 = arith.constant 4096 : i32
        %add3A_72 = arith.addi %add3A_71, %add3A_38 : i32
        %get3A_73 = arith.index_cast %add3A_72 : i32 to index
        %get3A_74 = tpu.vector_load %arg6[%get3A_73] {strides = array<i32>} : memref<15376xf32, #tpu.memory_space<vmem>>, vector<16xf32>,
        %slice3A_75 = vector.extract_strided_slice %get3A_74 {offsets = [0], sizes = [1], strides = [1]} : vector<16xf32> to vector<1xf32>
        %squeeze3A_76 = vector.extract %slice3A_75[0] : f32 from vector<1xf32>
        %broadcast_in_dim3A_77 = vector.broadcast %squeeze3A_76 : f32 to vector<16xf32>
        %add3A_78 = arith.constant 5120 : i32
        %add3A_79 = arith.addi %add3A_78, %add3A_38 : i32
        %get3A_80 = arith.index_cast %add3A_79 : i32 to index
        %get3A_81 = tpu.vector_load %arg6[%get3A_80] {strides = array<i32>} : memref<15376xf32, #tpu.memory_space<vmem>>, vector<16xf32>,
        %slice3A_82 = vector.extract_strided_slice %get3A_81 {offsets = [0], sizes = [1], strides = [1]} : vector<16xf32> to vector<1xf32>
        %squeeze3A_83 = vector.extract %slice3A_82[0] : f32 from vector<1xf32>
        %broadcast_in_dim3A_84 = vector.broadcast %squeeze3A_83 : f32 to vector<16xf32>
        %add3A_85 = arith.constant 6144 : i32
        %add3A_86 = arith.addi %add3A_85, %add3A_38 : i32
        %get3A_87 = arith.index_cast %add3A_86 : i32 to index
        %get3A_88 = tpu.vector_load %arg6[%get3A_87] {strides = array<i32>} : memref<15376xf32, #tpu.memory_space<vmem>>, vector<16xf32>,
        %slice3A_89 = vector.extract_strided_slice %get3A_88 {offsets = [0], sizes = [1], strides = [1]} : vector<16xf32> to vector<1xf32>
        %squeeze3A_90 = vector.extract %slice3A_89[0] : f32 from vector<1xf32>
        %broadcast_in_dim3A_91 = vector.broadcast %squeeze3A_90 : f32 to vector<16xf32>
        %add3A_92 = arith.constant 7168 : i32
        %add3A_93 = arith.addi %add3A_92, %add3A_38 : i32
        %get3A_94 = arith.index_cast %add3A_93 : i32 to index
        %get3A_95 = tpu.vector_load %arg6[%get3A_94] {strides = array<i32>} : memref<15376xf32, #tpu.memory_space<vmem>>, vector<16xf32>,
        %slice3A_96 = vector.extract_strided_slice %get3A_95 {offsets = [0], sizes = [1], strides = [1]} : vector<16xf32> to vector<1xf32>
        %squeeze3A_97 = vector.extract %slice3A_96[0] : f32 from vector<1xf32>
        %broadcast_in_dim3A_98 = vector.broadcast %squeeze3A_97 : f32 to vector<16xf32>
        %add3A_99 = arith.constant 8192 : i32
        %add3A_100 = arith.addi %add3A_99, %add3A_38 : i32
        %get3A_101 = arith.index_cast %add3A_100 : i32 to index
        %get3A_102 = tpu.vector_load %arg6[%get3A_101] {strides = array<i32>} : memref<15376xf32, #tpu.memory_space<vmem>>, vector<16xf32>,
        %slice3A_103 = vector.extract_strided_slice %get3A_102 {offsets = [0], sizes = [1], strides = [1]} : vector<16xf32> to vector<1xf32>
        %squeeze3A_104 = vector.extract %slice3A_103[0] : f32 from vector<1xf32>
        %broadcast_in_dim3A_105 = vector.broadcast %squeeze3A_104 : f32 to vector<16xf32>
        %add3A_106 = arith.constant 9216 : i32
        %add3A_107 = arith.addi %add3A_106, %add3A_38 : i32
        %get3A_108 = arith.index_cast %add3A_107 : i32 to index
        %get3A_109 = tpu.vector_load %arg6[%get3A_108] {strides = array<i32>} : memref<15376xf32, #tpu.memory_space<vmem>>, vector<16xf32>,
        %slice3A_110 = vector.extract_strided_slice %get3A_109 {offsets = [0], sizes = [1], strides = [1]} : vector<16xf32> to vector<1xf32>
        %squeeze3A_111 = vector.extract %slice3A_110[0] : f32 from vector<1xf32>
        %broadcast_in_dim3A_112 = vector.broadcast %squeeze3A_111 : f32 to vector<16xf32>
        %add3A_113 = arith.constant 10240 : i32
        %add3A_114 = arith.addi %add3A_113, %add3A_38 : i32
        %get3A_115 = arith.index_cast %add3A_114 : i32 to index
        %get3A_116 = tpu.vector_load %arg6[%get3A_115] {strides = array<i32>} : memref<15376xf32, #tpu.memory_space<vmem>>, vector<16xf32>,
        %slice3A_117 = vector.extract_strided_slice %get3A_116 {offsets = [0], sizes = [1], strides = [1]} : vector<16xf32> to vector<1xf32>
        %squeeze3A_118 = vector.extract %slice3A_117[0] : f32 from vector<1xf32>
        %broadcast_in_dim3A_119 = vector.broadcast %squeeze3A_118 : f32 to vector<16xf32>
        %add3A_120 = arith.constant 11264 : i32
        %add3A_121 = arith.addi %add3A_120, %add3A_38 : i32
        %get3A_122 = arith.index_cast %add3A_121 : i32 to index
        %get3A_123 = tpu.vector_load %arg6[%get3A_122] {strides = array<i32>} : memref<15376xf32, #tpu.memory_space<vmem>>, vector<16xf32>,
        %slice3A_124 = vector.extract_strided_slice %get3A_123 {offsets = [0], sizes = [1], strides = [1]} : vector<16xf32> to vector<1xf32>
        %squeeze3A_125 = vector.extract %slice3A_124[0] : f32 from vector<1xf32>
        %broadcast_in_dim3A_126 = vector.broadcast %squeeze3A_125 : f32 to vector<16xf32>
        %add3A_127 = arith.constant 12288 : i32
        %add3A_128 = arith.addi %add3A_127, %add3A_38 : i32
        %get3A_129 = arith.index_cast %add3A_128 : i32 to index
        %get3A_130 = tpu.vector_load %arg6[%get3A_129] {strides = array<i32>} : memref<15376xf32, #tpu.memory_space<vmem>>, vector<16xf32>,
        %slice3A_131 = vector.extract_strided_slice %get3A_130 {offsets = [0], sizes = [1], strides = [1]} : vector<16xf32> to vector<1xf32>
        %squeeze3A_132 = vector.extract %slice3A_131[0] : f32 from vector<1xf32>
        %broadcast_in_dim3A_133 = vector.broadcast %squeeze3A_132 : f32 to vector<16xf32>
        %add3A_134 = arith.constant 13312 : i32
        %add3A_135 = arith.addi %add3A_134, %add3A_38 : i32
        %get3A_136 = arith.index_cast %add3A_135 : i32 to index
        %get3A_137 = tpu.vector_load %arg6[%get3A_136] {strides = array<i32>} : memref<15376xf32, #tpu.memory_space<vmem>>, vector<16xf32>,
        %slice3A_138 = vector.extract_strided_slice %get3A_137 {offsets = [0], sizes = [1], strides = [1]} : vector<16xf32> to vector<1xf32>
        %squeeze3A_139 = vector.extract %slice3A_138[0] : f32 from vector<1xf32>
        %broadcast_in_dim3A_140 = vector.broadcast %squeeze3A_139 : f32 to vector<16xf32>
        %add3A_141 = arith.constant 14336 : i32
        %add3A_142 = arith.addi %add3A_141, %add3A_38 : i32
        %get3A_143 = arith.index_cast %add3A_142 : i32 to index
        %get3A_144 = tpu.vector_load %arg6[%get3A_143] {strides = array<i32>} : memref<15376xf32, #tpu.memory_space<vmem>>, vector<16xf32>,
        %slice3A_145 = vector.extract_strided_slice %get3A_144 {offsets = [0], sizes = [1], strides = [1]} : vector<16xf32> to vector<1xf32>
        %squeeze3A_146 = vector.extract %slice3A_145[0] : f32 from vector<1xf32>
        %broadcast_in_dim3A_147 = vector.broadcast %squeeze3A_146 : f32 to vector<16xf32>
        %add3A_148 = arith.constant 0 : i32
        %add3A_149 = vector.broadcast %add3A_148 : i32 to vector<16xi32>
        %add3A_150 = arith.addi %add3A_45, %add3A_149 : vector<16xi32>
        %gather3A = tpu.vector_load_idx %arg6[%add3A_150] : memref<15376xf32, #tpu.memory_space<vmem>>[vector<16xi32>], vector<16xf32>,
        %add3A_151 = arith.constant 1024 : i32
        %add3A_152 = vector.broadcast %add3A_151 : i32 to vector<16xi32>
        %add3A_153 = arith.addi %add3A_45, %add3A_152 : vector<16xi32>
        %gather3A_154 = tpu.vector_load_idx %arg6[%add3A_153] : memref<15376xf32, #tpu.memory_space<vmem>>[vector<16xi32>], vector<16xf32>,
        %add3A_155 = arith.constant 2048 : i32
        %add3A_156 = vector.broadcast %add3A_155 : i32 to vector<16xi32>
        %add3A_157 = arith.addi %add3A_45, %add3A_156 : vector<16xi32>
        %gather3A_158 = tpu.vector_load_idx %arg6[%add3A_157] : memref<15376xf32, #tpu.memory_space<vmem>>[vector<16xi32>], vector<16xf32>,
        %add3A_159 = arith.constant 3072 : i32
        %add3A_160 = vector.broadcast %add3A_159 : i32 to vector<16xi32>
        %add3A_161 = arith.addi %add3A_45, %add3A_160 : vector<16xi32>
        %gather3A_162 = tpu.vector_load_idx %arg6[%add3A_161] : memref<15376xf32, #tpu.memory_space<vmem>>[vector<16xi32>], vector<16xf32>,
        %add3A_163 = arith.constant 4096 : i32
        %add3A_164 = vector.broadcast %add3A_163 : i32 to vector<16xi32>
        %add3A_165 = arith.addi %add3A_45, %add3A_164 : vector<16xi32>
        %gather3A_166 = tpu.vector_load_idx %arg6[%add3A_165] : memref<15376xf32, #tpu.memory_space<vmem>>[vector<16xi32>], vector<16xf32>,
        %add3A_167 = arith.constant 5120 : i32
        %add3A_168 = vector.broadcast %add3A_167 : i32 to vector<16xi32>
        %add3A_169 = arith.addi %add3A_45, %add3A_168 : vector<16xi32>
        %gather3A_170 = tpu.vector_load_idx %arg6[%add3A_169] : memref<15376xf32, #tpu.memory_space<vmem>>[vector<16xi32>], vector<16xf32>,
        %add3A_171 = arith.constant 6144 : i32
        %add3A_172 = vector.broadcast %add3A_171 : i32 to vector<16xi32>
        %add3A_173 = arith.addi %add3A_45, %add3A_172 : vector<16xi32>
        %gather3A_174 = tpu.vector_load_idx %arg6[%add3A_173] : memref<15376xf32, #tpu.memory_space<vmem>>[vector<16xi32>], vector<16xf32>,
        %add3A_175 = arith.constant 7168 : i32
        %add3A_176 = vector.broadcast %add3A_175 : i32 to vector<16xi32>
        %add3A_177 = arith.addi %add3A_45, %add3A_176 : vector<16xi32>
        %gather3A_178 = tpu.vector_load_idx %arg6[%add3A_177] : memref<15376xf32, #tpu.memory_space<vmem>>[vector<16xi32>], vector<16xf32>,
        %add3A_179 = arith.constant 8192 : i32
        %add3A_180 = vector.broadcast %add3A_179 : i32 to vector<16xi32>
        %add3A_181 = arith.addi %add3A_45, %add3A_180 : vector<16xi32>
        %gather3A_182 = tpu.vector_load_idx %arg6[%add3A_181] : memref<15376xf32, #tpu.memory_space<vmem>>[vector<16xi32>], vector<16xf32>,
        %add3A_183 = arith.constant 9216 : i32
        %add3A_184 = vector.broadcast %add3A_183 : i32 to vector<16xi32>
        %add3A_185 = arith.addi %add3A_45, %add3A_184 : vector<16xi32>
        %gather3A_186 = tpu.vector_load_idx %arg6[%add3A_185] : memref<15376xf32, #tpu.memory_space<vmem>>[vector<16xi32>], vector<16xf32>,
        %add3A_187 = arith.constant 10240 : i32
        %add3A_188 = vector.broadcast %add3A_187 : i32 to vector<16xi32>
        %add3A_189 = arith.addi %add3A_45, %add3A_188 : vector<16xi32>
        %gather3A_190 = tpu.vector_load_idx %arg6[%add3A_189] : memref<15376xf32, #tpu.memory_space<vmem>>[vector<16xi32>], vector<16xf32>,
        %add3A_191 = arith.constant 11264 : i32
        %add3A_192 = vector.broadcast %add3A_191 : i32 to vector<16xi32>
        %add3A_193 = arith.addi %add3A_45, %add3A_192 : vector<16xi32>
        %gather3A_194 = tpu.vector_load_idx %arg6[%add3A_193] : memref<15376xf32, #tpu.memory_space<vmem>>[vector<16xi32>], vector<16xf32>,
        %add3A_195 = arith.constant 12288 : i32
        %add3A_196 = vector.broadcast %add3A_195 : i32 to vector<16xi32>
        %add3A_197 = arith.addi %add3A_45, %add3A_196 : vector<16xi32>
        %gather3A_198 = tpu.vector_load_idx %arg6[%add3A_197] : memref<15376xf32, #tpu.memory_space<vmem>>[vector<16xi32>], vector<16xf32>,
        %add3A_199 = arith.constant 13312 : i32
        %add3A_200 = vector.broadcast %add3A_199 : i32 to vector<16xi32>
        %add3A_201 = arith.addi %add3A_45, %add3A_200 : vector<16xi32>
        %gather3A_202 = tpu.vector_load_idx %arg6[%add3A_201] : memref<15376xf32, #tpu.memory_space<vmem>>[vector<16xi32>], vector<16xf32>,
        %add3A_203 = arith.constant 14336 : i32
        %add3A_204 = vector.broadcast %add3A_203 : i32 to vector<16xi32>
        %add3A_205 = arith.addi %add3A_45, %add3A_204 : vector<16xi32>
        %gather3A_206 = tpu.vector_load_idx %arg6[%add3A_205] : memref<15376xf32, #tpu.memory_space<vmem>>[vector<16xi32>], vector<16xf32>,
        %sub3A = arith.subf %broadcast_in_dim3A, %gather3A : vector<16xf32>
        %sub3A_207 = arith.subf %broadcast_in_dim3A_56, %gather3A_154 : vector<16xf32>
        %sub3A_208 = arith.subf %broadcast_in_dim3A_63, %gather3A_158 : vector<16xf32>
        %mul3A_209 = arith.mulf %sub3A, %sub3A : vector<16xf32>
        %mul3A_210 = arith.mulf %sub3A_207, %sub3A_207 : vector<16xf32>
        %add3A_211 = arith.addf %mul3A_209, %mul3A_210 : vector<16xf32>
        %mul3A_212 = arith.mulf %sub3A_208, %sub3A_208 : vector<16xf32>
        %add3A_213 = arith.addf %add3A_211, %mul3A_212 : vector<16xf32>
        %max3A = arith.constant 1.000000e+00 : f32
        %max3A_214 = vector.broadcast %max3A : f32 to vector<16xf32>
        %max3A_215 = arith.maximumf %add3A_213, %max3A_214 : vector<16xf32>
        %bitcast_convert_type3A = tpu.bitcast %max3A_215 : vector<16xf32> -> vector<16xi32>
        %shift_right_arithmetic3A_216 = arith.constant 1 : i32
        %shift_right_arithmetic3A_217 = vector.broadcast %shift_right_arithmetic3A_216 : i32 to vector<16xi32>
        %shift_right_arithmetic3A_218 = arith.shrsi %bitcast_convert_type3A, %shift_right_arithmetic3A_217 : vector<16xi32>
        %sub3A_219 = vector.broadcast %scan3A_4 : i32 to vector<16xi32>
        %sub3A_220 = arith.subi %sub3A_219, %shift_right_arithmetic3A_218 : vector<16xi32>
        %bitcast_convert_type3A_221 = tpu.bitcast %sub3A_220 : vector<16xi32> -> vector<16xf32>
        %mul3A_222 = arith.constant 5.000000e-01 : f32
        %mul3A_223 = vector.broadcast %mul3A_222 : f32 to vector<16xf32>
        %mul3A_224 = arith.mulf %max3A_215, %mul3A_223 : vector<16xf32>
        %mul3A_225 = arith.mulf %mul3A_224, %bitcast_convert_type3A_221 : vector<16xf32>
        %mul3A_226 = arith.mulf %mul3A_225, %bitcast_convert_type3A_221 : vector<16xf32>
        %sub3A_227 = arith.constant 1.500000e+00 : f32
        %sub3A_228 = vector.broadcast %sub3A_227 : f32 to vector<16xf32>
        %sub3A_229 = arith.subf %sub3A_228, %mul3A_226 : vector<16xf32>
        %mul3A_230 = arith.mulf %bitcast_convert_type3A_221, %sub3A_229 : vector<16xf32>
        %mul3A_231 = arith.mulf %mul3A_224, %mul3A_230 : vector<16xf32>
        %mul3A_232 = arith.mulf %mul3A_231, %mul3A_230 : vector<16xf32>
        %sub3A_233 = arith.constant 1.500000e+00 : f32
        %sub3A_234 = vector.broadcast %sub3A_233 : f32 to vector<16xf32>
        %sub3A_235 = arith.subf %sub3A_234, %mul3A_232 : vector<16xf32>
        %mul3A_236 = arith.mulf %mul3A_230, %sub3A_235 : vector<16xf32>
        %mul3A_237 = arith.mulf %mul3A_224, %mul3A_236 : vector<16xf32>
        %mul3A_238 = arith.mulf %mul3A_237, %mul3A_236 : vector<16xf32>
        %sub3A_239 = arith.constant 1.500000e+00 : f32
        %sub3A_240 = vector.broadcast %sub3A_239 : f32 to vector<16xf32>
        %sub3A_241 = arith.subf %sub3A_240, %mul3A_238 : vector<16xf32>
        %mul3A_242 = arith.mulf %mul3A_236, %sub3A_241 : vector<16xf32>
        %mul3A_243 = arith.mulf %max3A_215, %mul3A_242 : vector<16xf32>
        %mul3A_244 = arith.constant 2.000000e+00 : f32
        %mul3A_245 = vector.broadcast %mul3A_244 : f32 to vector<16xf32>
        %mul3A_246 = arith.mulf %mul3A_245, %mul3A_243 : vector<16xf32>
        %sub3A_247 = arith.constant 4.000000e+00 : f32
        %sub3A_248 = vector.broadcast %sub3A_247 : f32 to vector<16xf32>
        %sub3A_249 = arith.subf %mul3A_246, %sub3A_248 : vector<16xf32>
        %convert_element_type3A = arith.fptosi %sub3A_249 : vector<16xf32> to vector<16xi32>
        %convert_element_type3A_250 = arith.sitofp %convert_element_type3A : vector<16xi32> to vector<16xf32>
        %gt3A = arith.cmpf ogt, %sub3A_249, %convert_element_type3A_250 : vector<16xf32>
        %add3A_251 = arith.constant 1 : i32
        %add3A_252 = vector.broadcast %add3A_251 : i32 to vector<16xi32>
        %add3A_253 = arith.addi %convert_element_type3A, %add3A_252 : vector<16xi32>
        %select_n3A = arith.select %gt3A, %add3A_253, %convert_element_type3A : vector<16xi1>, vector<16xi32>
        %jit3A = arith.constant 0 : i32
        %jit3A_254 = arith.constant 36 : i32
        %max3A_255 = vector.broadcast %jit3A : i32 to vector<16xi32>
        %max3A_256 = arith.maxsi %max3A_255, %select_n3A : vector<16xi32>
        %min3A = vector.broadcast %jit3A_254 : i32 to vector<16xi32>
        %min3A_257 = arith.minsi %min3A, %max3A_256 : vector<16xi32>
        %add3A_258 = arith.constant 0 : i32
        %add3A_259 = vector.broadcast %add3A_258 : i32 to vector<16xi32>
        %add3A_260 = arith.addi %min3A_257, %add3A_259 : vector<16xi32>
        %shift_left3A_261 = arith.constant 5 : i32
        %shift_left3A_262 = vector.broadcast %shift_left3A_261 : i32 to vector<16xi32>
        %shift_left3A_263 = arith.shli %add3A_260, %shift_left3A_262 : vector<16xi32>
        %sub3A_264 = arith.subf %broadcast_in_dim3A, %gather3A_162 : vector<16xf32>
        %sub3A_265 = arith.subf %broadcast_in_dim3A_56, %gather3A_166 : vector<16xf32>
        %sub3A_266 = arith.subf %broadcast_in_dim3A_63, %gather3A_170 : vector<16xf32>
        %mul3A_267 = arith.mulf %sub3A_264, %sub3A_264 : vector<16xf32>
        %mul3A_268 = arith.mulf %sub3A_265, %sub3A_265 : vector<16xf32>
        %add3A_269 = arith.addf %mul3A_267, %mul3A_268 : vector<16xf32>
        %mul3A_270 = arith.mulf %sub3A_266, %sub3A_266 : vector<16xf32>
        %add3A_271 = arith.addf %add3A_269, %mul3A_270 : vector<16xf32>
        %max3A_272 = arith.constant 1.000000e+00 : f32
        %max3A_273 = vector.broadcast %max3A_272 : f32 to vector<16xf32>
        %max3A_274 = arith.maximumf %add3A_271, %max3A_273 : vector<16xf32>
        %bitcast_convert_type3A_275 = tpu.bitcast %max3A_274 : vector<16xf32> -> vector<16xi32>
        %shift_right_arithmetic3A_276 = arith.constant 1 : i32
        %shift_right_arithmetic3A_277 = vector.broadcast %shift_right_arithmetic3A_276 : i32 to vector<16xi32>
        %shift_right_arithmetic3A_278 = arith.shrsi %bitcast_convert_type3A_275, %shift_right_arithmetic3A_277 : vector<16xi32>
        %sub3A_279 = vector.broadcast %scan3A_4 : i32 to vector<16xi32>
        %sub3A_280 = arith.subi %sub3A_279, %shift_right_arithmetic3A_278 : vector<16xi32>
        %bitcast_convert_type3A_281 = tpu.bitcast %sub3A_280 : vector<16xi32> -> vector<16xf32>
        %mul3A_282 = arith.constant 5.000000e-01 : f32
        %mul3A_283 = vector.broadcast %mul3A_282 : f32 to vector<16xf32>
        %mul3A_284 = arith.mulf %max3A_274, %mul3A_283 : vector<16xf32>
        %mul3A_285 = arith.mulf %mul3A_284, %bitcast_convert_type3A_281 : vector<16xf32>
        %mul3A_286 = arith.mulf %mul3A_285, %bitcast_convert_type3A_281 : vector<16xf32>
        %sub3A_287 = arith.constant 1.500000e+00 : f32
        %sub3A_288 = vector.broadcast %sub3A_287 : f32 to vector<16xf32>
        %sub3A_289 = arith.subf %sub3A_288, %mul3A_286 : vector<16xf32>
        %mul3A_290 = arith.mulf %bitcast_convert_type3A_281, %sub3A_289 : vector<16xf32>
        %mul3A_291 = arith.mulf %mul3A_284, %mul3A_290 : vector<16xf32>
        %mul3A_292 = arith.mulf %mul3A_291, %mul3A_290 : vector<16xf32>
        %sub3A_293 = arith.constant 1.500000e+00 : f32
        %sub3A_294 = vector.broadcast %sub3A_293 : f32 to vector<16xf32>
        %sub3A_295 = arith.subf %sub3A_294, %mul3A_292 : vector<16xf32>
        %mul3A_296 = arith.mulf %mul3A_290, %sub3A_295 : vector<16xf32>
        %mul3A_297 = arith.mulf %mul3A_284, %mul3A_296 : vector<16xf32>
        %mul3A_298 = arith.mulf %mul3A_297, %mul3A_296 : vector<16xf32>
        %sub3A_299 = arith.constant 1.500000e+00 : f32
        %sub3A_300 = vector.broadcast %sub3A_299 : f32 to vector<16xf32>
        %sub3A_301 = arith.subf %sub3A_300, %mul3A_298 : vector<16xf32>
        %mul3A_302 = arith.mulf %mul3A_296, %sub3A_301 : vector<16xf32>
        %mul3A_303 = arith.mulf %max3A_274, %mul3A_302 : vector<16xf32>
        %mul3A_304 = arith.constant 2.000000e+00 : f32
        %mul3A_305 = vector.broadcast %mul3A_304 : f32 to vector<16xf32>
        %mul3A_306 = arith.mulf %mul3A_305, %mul3A_303 : vector<16xf32>
        %sub3A_307 = arith.constant 4.000000e+00 : f32
        %sub3A_308 = vector.broadcast %sub3A_307 : f32 to vector<16xf32>
        %sub3A_309 = arith.subf %mul3A_306, %sub3A_308 : vector<16xf32>
        %convert_element_type3A_310 = arith.fptosi %sub3A_309 : vector<16xf32> to vector<16xi32>
        %convert_element_type3A_311 = arith.sitofp %convert_element_type3A_310 : vector<16xi32> to vector<16xf32>
        %gt3A_312 = arith.cmpf ogt, %sub3A_309, %convert_element_type3A_311 : vector<16xf32>
        %add3A_313 = arith.constant 1 : i32
        %add3A_314 = vector.broadcast %add3A_313 : i32 to vector<16xi32>
        %add3A_315 = arith.addi %convert_element_type3A_310, %add3A_314 : vector<16xi32>
        %select_n3A_316 = arith.select %gt3A_312, %add3A_315, %convert_element_type3A_310 : vector<16xi1>, vector<16xi32>
        %jit3A_317 = arith.constant 0 : i32
        %jit3A_318 = arith.constant 36 : i32
        %max3A_319 = vector.broadcast %jit3A_317 : i32 to vector<16xi32>
        %max3A_320 = arith.maxsi %max3A_319, %select_n3A_316 : vector<16xi32>
        %min3A_321 = vector.broadcast %jit3A_318 : i32 to vector<16xi32>
        %min3A_322 = arith.minsi %min3A_321, %max3A_320 : vector<16xi32>
        %add3A_323 = arith.constant 37 : i32
        %add3A_324 = vector.broadcast %add3A_323 : i32 to vector<16xi32>
        %add3A_325 = arith.addi %min3A_322, %add3A_324 : vector<16xi32>
        %shift_left3A_326 = arith.constant 5 : i32
        %shift_left3A_327 = vector.broadcast %shift_left3A_326 : i32 to vector<16xi32>
        %shift_left3A_328 = arith.shli %add3A_325, %shift_left3A_327 : vector<16xi32>
        %sub3A_329 = arith.subf %broadcast_in_dim3A, %gather3A_174 : vector<16xf32>
        %sub3A_330 = arith.subf %broadcast_in_dim3A_56, %gather3A_178 : vector<16xf32>
        %sub3A_331 = arith.subf %broadcast_in_dim3A_63, %gather3A_182 : vector<16xf32>
        %mul3A_332 = arith.mulf %sub3A_329, %sub3A_329 : vector<16xf32>
        %mul3A_333 = arith.mulf %sub3A_330, %sub3A_330 : vector<16xf32>
        %add3A_334 = arith.addf %mul3A_332, %mul3A_333 : vector<16xf32>
        %mul3A_335 = arith.mulf %sub3A_331, %sub3A_331 : vector<16xf32>
        %add3A_336 = arith.addf %add3A_334, %mul3A_335 : vector<16xf32>
        %max3A_337 = arith.constant 1.000000e+00 : f32
        %max3A_338 = vector.broadcast %max3A_337 : f32 to vector<16xf32>
        %max3A_339 = arith.maximumf %add3A_336, %max3A_338 : vector<16xf32>
        %bitcast_convert_type3A_340 = tpu.bitcast %max3A_339 : vector<16xf32> -> vector<16xi32>
        %shift_right_arithmetic3A_341 = arith.constant 1 : i32
        %shift_right_arithmetic3A_342 = vector.broadcast %shift_right_arithmetic3A_341 : i32 to vector<16xi32>
        %shift_right_arithmetic3A_343 = arith.shrsi %bitcast_convert_type3A_340, %shift_right_arithmetic3A_342 : vector<16xi32>
        %sub3A_344 = vector.broadcast %scan3A_4 : i32 to vector<16xi32>
        %sub3A_345 = arith.subi %sub3A_344, %shift_right_arithmetic3A_343 : vector<16xi32>
        %bitcast_convert_type3A_346 = tpu.bitcast %sub3A_345 : vector<16xi32> -> vector<16xf32>
        %mul3A_347 = arith.constant 5.000000e-01 : f32
        %mul3A_348 = vector.broadcast %mul3A_347 : f32 to vector<16xf32>
        %mul3A_349 = arith.mulf %max3A_339, %mul3A_348 : vector<16xf32>
        %mul3A_350 = arith.mulf %mul3A_349, %bitcast_convert_type3A_346 : vector<16xf32>
        %mul3A_351 = arith.mulf %mul3A_350, %bitcast_convert_type3A_346 : vector<16xf32>
        %sub3A_352 = arith.constant 1.500000e+00 : f32
        %sub3A_353 = vector.broadcast %sub3A_352 : f32 to vector<16xf32>
        %sub3A_354 = arith.subf %sub3A_353, %mul3A_351 : vector<16xf32>
        %mul3A_355 = arith.mulf %bitcast_convert_type3A_346, %sub3A_354 : vector<16xf32>
        %mul3A_356 = arith.mulf %mul3A_349, %mul3A_355 : vector<16xf32>
        %mul3A_357 = arith.mulf %mul3A_356, %mul3A_355 : vector<16xf32>
        %sub3A_358 = arith.constant 1.500000e+00 : f32
        %sub3A_359 = vector.broadcast %sub3A_358 : f32 to vector<16xf32>
        %sub3A_360 = arith.subf %sub3A_359, %mul3A_357 : vector<16xf32>
        %mul3A_361 = arith.mulf %mul3A_355, %sub3A_360 : vector<16xf32>
        %mul3A_362 = arith.mulf %mul3A_349, %mul3A_361 : vector<16xf32>
        %mul3A_363 = arith.mulf %mul3A_362, %mul3A_361 : vector<16xf32>
        %sub3A_364 = arith.constant 1.500000e+00 : f32
        %sub3A_365 = vector.broadcast %sub3A_364 : f32 to vector<16xf32>
        %sub3A_366 = arith.subf %sub3A_365, %mul3A_363 : vector<16xf32>
        %mul3A_367 = arith.mulf %mul3A_361, %sub3A_366 : vector<16xf32>
        %mul3A_368 = arith.mulf %max3A_339, %mul3A_367 : vector<16xf32>
        %mul3A_369 = arith.constant 2.000000e+00 : f32
        %mul3A_370 = vector.broadcast %mul3A_369 : f32 to vector<16xf32>
        %mul3A_371 = arith.mulf %mul3A_370, %mul3A_368 : vector<16xf32>
        %sub3A_372 = arith.constant 4.000000e+00 : f32
        %sub3A_373 = vector.broadcast %sub3A_372 : f32 to vector<16xf32>
        %sub3A_374 = arith.subf %mul3A_371, %sub3A_373 : vector<16xf32>
        %convert_element_type3A_375 = arith.fptosi %sub3A_374 : vector<16xf32> to vector<16xi32>
        %convert_element_type3A_376 = arith.sitofp %convert_element_type3A_375 : vector<16xi32> to vector<16xf32>
        %gt3A_377 = arith.cmpf ogt, %sub3A_374, %convert_element_type3A_376 : vector<16xf32>
        %add3A_378 = arith.constant 1 : i32
        %add3A_379 = vector.broadcast %add3A_378 : i32 to vector<16xi32>
        %add3A_380 = arith.addi %convert_element_type3A_375, %add3A_379 : vector<16xi32>
        %select_n3A_381 = arith.select %gt3A_377, %add3A_380, %convert_element_type3A_375 : vector<16xi1>, vector<16xi32>
        %jit3A_382 = arith.constant 0 : i32
        %jit3A_383 = arith.constant 36 : i32
        %max3A_384 = vector.broadcast %jit3A_382 : i32 to vector<16xi32>
        %max3A_385 = arith.maxsi %max3A_384, %select_n3A_381 : vector<16xi32>
        %min3A_386 = vector.broadcast %jit3A_383 : i32 to vector<16xi32>
        %min3A_387 = arith.minsi %min3A_386, %max3A_385 : vector<16xi32>
        %add3A_388 = arith.constant 74 : i32
        %add3A_389 = vector.broadcast %add3A_388 : i32 to vector<16xi32>
        %add3A_390 = arith.addi %min3A_387, %add3A_389 : vector<16xi32>
        %shift_left3A_391 = arith.constant 5 : i32
        %shift_left3A_392 = vector.broadcast %shift_left3A_391 : i32 to vector<16xi32>
        %shift_left3A_393 = arith.shli %add3A_390, %shift_left3A_392 : vector<16xi32>
        %sub3A_394 = arith.subf %broadcast_in_dim3A, %gather3A_186 : vector<16xf32>
        %sub3A_395 = arith.subf %broadcast_in_dim3A_56, %gather3A_190 : vector<16xf32>
        %sub3A_396 = arith.subf %broadcast_in_dim3A_63, %gather3A_194 : vector<16xf32>
        %mul3A_397 = arith.mulf %sub3A_394, %sub3A_394 : vector<16xf32>
        %mul3A_398 = arith.mulf %sub3A_395, %sub3A_395 : vector<16xf32>
        %add3A_399 = arith.addf %mul3A_397, %mul3A_398 : vector<16xf32>
        %mul3A_400 = arith.mulf %sub3A_396, %sub3A_396 : vector<16xf32>
        %add3A_401 = arith.addf %add3A_399, %mul3A_400 : vector<16xf32>
        %max3A_402 = arith.constant 1.000000e+00 : f32
        %max3A_403 = vector.broadcast %max3A_402 : f32 to vector<16xf32>
        %max3A_404 = arith.maximumf %add3A_401, %max3A_403 : vector<16xf32>
        %bitcast_convert_type3A_405 = tpu.bitcast %max3A_404 : vector<16xf32> -> vector<16xi32>
        %shift_right_arithmetic3A_406 = arith.constant 1 : i32
        %shift_right_arithmetic3A_407 = vector.broadcast %shift_right_arithmetic3A_406 : i32 to vector<16xi32>
        %shift_right_arithmetic3A_408 = arith.shrsi %bitcast_convert_type3A_405, %shift_right_arithmetic3A_407 : vector<16xi32>
        %sub3A_409 = vector.broadcast %scan3A_4 : i32 to vector<16xi32>
        %sub3A_410 = arith.subi %sub3A_409, %shift_right_arithmetic3A_408 : vector<16xi32>
        %bitcast_convert_type3A_411 = tpu.bitcast %sub3A_410 : vector<16xi32> -> vector<16xf32>
        %mul3A_412 = arith.constant 5.000000e-01 : f32
        %mul3A_413 = vector.broadcast %mul3A_412 : f32 to vector<16xf32>
        %mul3A_414 = arith.mulf %max3A_404, %mul3A_413 : vector<16xf32>
        %mul3A_415 = arith.mulf %mul3A_414, %bitcast_convert_type3A_411 : vector<16xf32>
        %mul3A_416 = arith.mulf %mul3A_415, %bitcast_convert_type3A_411 : vector<16xf32>
        %sub3A_417 = arith.constant 1.500000e+00 : f32
        %sub3A_418 = vector.broadcast %sub3A_417 : f32 to vector<16xf32>
        %sub3A_419 = arith.subf %sub3A_418, %mul3A_416 : vector<16xf32>
        %mul3A_420 = arith.mulf %bitcast_convert_type3A_411, %sub3A_419 : vector<16xf32>
        %mul3A_421 = arith.mulf %mul3A_414, %mul3A_420 : vector<16xf32>
        %mul3A_422 = arith.mulf %mul3A_421, %mul3A_420 : vector<16xf32>
        %sub3A_423 = arith.constant 1.500000e+00 : f32
        %sub3A_424 = vector.broadcast %sub3A_423 : f32 to vector<16xf32>
        %sub3A_425 = arith.subf %sub3A_424, %mul3A_422 : vector<16xf32>
        %mul3A_426 = arith.mulf %mul3A_420, %sub3A_425 : vector<16xf32>
        %mul3A_427 = arith.mulf %mul3A_414, %mul3A_426 : vector<16xf32>
        %mul3A_428 = arith.mulf %mul3A_427, %mul3A_426 : vector<16xf32>
        %sub3A_429 = arith.constant 1.500000e+00 : f32
        %sub3A_430 = vector.broadcast %sub3A_429 : f32 to vector<16xf32>
        %sub3A_431 = arith.subf %sub3A_430, %mul3A_428 : vector<16xf32>
        %mul3A_432 = arith.mulf %mul3A_426, %sub3A_431 : vector<16xf32>
        %mul3A_433 = arith.mulf %max3A_404, %mul3A_432 : vector<16xf32>
        %mul3A_434 = arith.constant 2.000000e+00 : f32
        %mul3A_435 = vector.broadcast %mul3A_434 : f32 to vector<16xf32>
        %mul3A_436 = arith.mulf %mul3A_435, %mul3A_433 : vector<16xf32>
        %sub3A_437 = arith.constant 4.000000e+00 : f32
        %sub3A_438 = vector.broadcast %sub3A_437 : f32 to vector<16xf32>
        %sub3A_439 = arith.subf %mul3A_436, %sub3A_438 : vector<16xf32>
        %convert_element_type3A_440 = arith.fptosi %sub3A_439 : vector<16xf32> to vector<16xi32>
        %convert_element_type3A_441 = arith.sitofp %convert_element_type3A_440 : vector<16xi32> to vector<16xf32>
        %gt3A_442 = arith.cmpf ogt, %sub3A_439, %convert_element_type3A_441 : vector<16xf32>
        %add3A_443 = arith.constant 1 : i32
        %add3A_444 = vector.broadcast %add3A_443 : i32 to vector<16xi32>
        %add3A_445 = arith.addi %convert_element_type3A_440, %add3A_444 : vector<16xi32>
        %select_n3A_446 = arith.select %gt3A_442, %add3A_445, %convert_element_type3A_440 : vector<16xi1>, vector<16xi32>
        %jit3A_447 = arith.constant 0 : i32
        %jit3A_448 = arith.constant 36 : i32
        %max3A_449 = vector.broadcast %jit3A_447 : i32 to vector<16xi32>
        %max3A_450 = arith.maxsi %max3A_449, %select_n3A_446 : vector<16xi32>
        %min3A_451 = vector.broadcast %jit3A_448 : i32 to vector<16xi32>
        %min3A_452 = arith.minsi %min3A_451, %max3A_450 : vector<16xi32>
        %add3A_453 = arith.constant 111 : i32
        %add3A_454 = vector.broadcast %add3A_453 : i32 to vector<16xi32>
        %add3A_455 = arith.addi %min3A_452, %add3A_454 : vector<16xi32>
        %shift_left3A_456 = arith.constant 5 : i32
        %shift_left3A_457 = vector.broadcast %shift_left3A_456 : i32 to vector<16xi32>
        %shift_left3A_458 = arith.shli %add3A_455, %shift_left3A_457 : vector<16xi32>
        %sub3A_459 = arith.subf %broadcast_in_dim3A, %gather3A_198 : vector<16xf32>
        %sub3A_460 = arith.subf %broadcast_in_dim3A_56, %gather3A_202 : vector<16xf32>
        %sub3A_461 = arith.subf %broadcast_in_dim3A_63, %gather3A_206 : vector<16xf32>
        %mul3A_462 = arith.mulf %sub3A_459, %sub3A_459 : vector<16xf32>
        %mul3A_463 = arith.mulf %sub3A_460, %sub3A_460 : vector<16xf32>
        %add3A_464 = arith.addf %mul3A_462, %mul3A_463 : vector<16xf32>
        %mul3A_465 = arith.mulf %sub3A_461, %sub3A_461 : vector<16xf32>
        %add3A_466 = arith.addf %add3A_464, %mul3A_465 : vector<16xf32>
        %max3A_467 = arith.constant 1.000000e+00 : f32
        %max3A_468 = vector.broadcast %max3A_467 : f32 to vector<16xf32>
        %max3A_469 = arith.maximumf %add3A_466, %max3A_468 : vector<16xf32>
        %bitcast_convert_type3A_470 = tpu.bitcast %max3A_469 : vector<16xf32> -> vector<16xi32>
        %shift_right_arithmetic3A_471 = arith.constant 1 : i32
        %shift_right_arithmetic3A_472 = vector.broadcast %shift_right_arithmetic3A_471 : i32 to vector<16xi32>
        %shift_right_arithmetic3A_473 = arith.shrsi %bitcast_convert_type3A_470, %shift_right_arithmetic3A_472 : vector<16xi32>
        %sub3A_474 = vector.broadcast %scan3A_4 : i32 to vector<16xi32>
        %sub3A_475 = arith.subi %sub3A_474, %shift_right_arithmetic3A_473 : vector<16xi32>
        %bitcast_convert_type3A_476 = tpu.bitcast %sub3A_475 : vector<16xi32> -> vector<16xf32>
        %mul3A_477 = arith.constant 5.000000e-01 : f32
        %mul3A_478 = vector.broadcast %mul3A_477 : f32 to vector<16xf32>
        %mul3A_479 = arith.mulf %max3A_469, %mul3A_478 : vector<16xf32>
        %mul3A_480 = arith.mulf %mul3A_479, %bitcast_convert_type3A_476 : vector<16xf32>
        %mul3A_481 = arith.mulf %mul3A_480, %bitcast_convert_type3A_476 : vector<16xf32>
        %sub3A_482 = arith.constant 1.500000e+00 : f32
        %sub3A_483 = vector.broadcast %sub3A_482 : f32 to vector<16xf32>
        %sub3A_484 = arith.subf %sub3A_483, %mul3A_481 : vector<16xf32>
        %mul3A_485 = arith.mulf %bitcast_convert_type3A_476, %sub3A_484 : vector<16xf32>
        %mul3A_486 = arith.mulf %mul3A_479, %mul3A_485 : vector<16xf32>
        %mul3A_487 = arith.mulf %mul3A_486, %mul3A_485 : vector<16xf32>
        %sub3A_488 = arith.constant 1.500000e+00 : f32
        %sub3A_489 = vector.broadcast %sub3A_488 : f32 to vector<16xf32>
        %sub3A_490 = arith.subf %sub3A_489, %mul3A_487 : vector<16xf32>
        %mul3A_491 = arith.mulf %mul3A_485, %sub3A_490 : vector<16xf32>
        %mul3A_492 = arith.mulf %mul3A_479, %mul3A_491 : vector<16xf32>
        %mul3A_493 = arith.mulf %mul3A_492, %mul3A_491 : vector<16xf32>
        %sub3A_494 = arith.constant 1.500000e+00 : f32
        %sub3A_495 = vector.broadcast %sub3A_494 : f32 to vector<16xf32>
        %sub3A_496 = arith.subf %sub3A_495, %mul3A_493 : vector<16xf32>
        %mul3A_497 = arith.mulf %mul3A_491, %sub3A_496 : vector<16xf32>
        %mul3A_498 = arith.mulf %max3A_469, %mul3A_497 : vector<16xf32>
        %mul3A_499 = arith.constant 2.000000e+00 : f32
        %mul3A_500 = vector.broadcast %mul3A_499 : f32 to vector<16xf32>
        %mul3A_501 = arith.mulf %mul3A_500, %mul3A_498 : vector<16xf32>
        %sub3A_502 = arith.constant 4.000000e+00 : f32
        %sub3A_503 = vector.broadcast %sub3A_502 : f32 to vector<16xf32>
        %sub3A_504 = arith.subf %mul3A_501, %sub3A_503 : vector<16xf32>
        %convert_element_type3A_505 = arith.fptosi %sub3A_504 : vector<16xf32> to vector<16xi32>
        %convert_element_type3A_506 = arith.sitofp %convert_element_type3A_505 : vector<16xi32> to vector<16xf32>
        %gt3A_507 = arith.cmpf ogt, %sub3A_504, %convert_element_type3A_506 : vector<16xf32>
        %add3A_508 = arith.constant 1 : i32
        %add3A_509 = vector.broadcast %add3A_508 : i32 to vector<16xi32>
        %add3A_510 = arith.addi %convert_element_type3A_505, %add3A_509 : vector<16xi32>
        %select_n3A_511 = arith.select %gt3A_507, %add3A_510, %convert_element_type3A_505 : vector<16xi1>, vector<16xi32>
        %jit3A_512 = arith.constant 0 : i32
        %jit3A_513 = arith.constant 36 : i32
        %max3A_514 = vector.broadcast %jit3A_512 : i32 to vector<16xi32>
        %max3A_515 = arith.maxsi %max3A_514, %select_n3A_511 : vector<16xi32>
        %min3A_516 = vector.broadcast %jit3A_513 : i32 to vector<16xi32>
        %min3A_517 = arith.minsi %min3A_516, %max3A_515 : vector<16xi32>
        %add3A_518 = arith.constant 148 : i32
        %add3A_519 = vector.broadcast %add3A_518 : i32 to vector<16xi32>
        %add3A_520 = arith.addi %min3A_517, %add3A_519 : vector<16xi32>
        %shift_left3A_521 = arith.constant 5 : i32
        %shift_left3A_522 = vector.broadcast %shift_left3A_521 : i32 to vector<16xi32>
        %shift_left3A_523 = arith.shli %add3A_520, %shift_left3A_522 : vector<16xi32>
        %sub3A_524 = arith.subf %broadcast_in_dim3A_70, %gather3A : vector<16xf32>
        %sub3A_525 = arith.subf %broadcast_in_dim3A_77, %gather3A_154 : vector<16xf32>
        %sub3A_526 = arith.subf %broadcast_in_dim3A_84, %gather3A_158 : vector<16xf32>
        %mul3A_527 = arith.mulf %sub3A_524, %sub3A_524 : vector<16xf32>
        %mul3A_528 = arith.mulf %sub3A_525, %sub3A_525 : vector<16xf32>
        %add3A_529 = arith.addf %mul3A_527, %mul3A_528 : vector<16xf32>
        %mul3A_530 = arith.mulf %sub3A_526, %sub3A_526 : vector<16xf32>
        %add3A_531 = arith.addf %add3A_529, %mul3A_530 : vector<16xf32>
        %max3A_532 = arith.constant 1.000000e+00 : f32
        %max3A_533 = vector.broadcast %max3A_532 : f32 to vector<16xf32>
        %max3A_534 = arith.maximumf %add3A_531, %max3A_533 : vector<16xf32>
        %bitcast_convert_type3A_535 = tpu.bitcast %max3A_534 : vector<16xf32> -> vector<16xi32>
        %shift_right_arithmetic3A_536 = arith.constant 1 : i32
        %shift_right_arithmetic3A_537 = vector.broadcast %shift_right_arithmetic3A_536 : i32 to vector<16xi32>
        %shift_right_arithmetic3A_538 = arith.shrsi %bitcast_convert_type3A_535, %shift_right_arithmetic3A_537 : vector<16xi32>
        %sub3A_539 = vector.broadcast %scan3A_4 : i32 to vector<16xi32>
        %sub3A_540 = arith.subi %sub3A_539, %shift_right_arithmetic3A_538 : vector<16xi32>
        %bitcast_convert_type3A_541 = tpu.bitcast %sub3A_540 : vector<16xi32> -> vector<16xf32>
        %mul3A_542 = arith.constant 5.000000e-01 : f32
        %mul3A_543 = vector.broadcast %mul3A_542 : f32 to vector<16xf32>
        %mul3A_544 = arith.mulf %max3A_534, %mul3A_543 : vector<16xf32>
        %mul3A_545 = arith.mulf %mul3A_544, %bitcast_convert_type3A_541 : vector<16xf32>
        %mul3A_546 = arith.mulf %mul3A_545, %bitcast_convert_type3A_541 : vector<16xf32>
        %sub3A_547 = arith.constant 1.500000e+00 : f32
        %sub3A_548 = vector.broadcast %sub3A_547 : f32 to vector<16xf32>
        %sub3A_549 = arith.subf %sub3A_548, %mul3A_546 : vector<16xf32>
        %mul3A_550 = arith.mulf %bitcast_convert_type3A_541, %sub3A_549 : vector<16xf32>
        %mul3A_551 = arith.mulf %mul3A_544, %mul3A_550 : vector<16xf32>
        %mul3A_552 = arith.mulf %mul3A_551, %mul3A_550 : vector<16xf32>
        %sub3A_553 = arith.constant 1.500000e+00 : f32
        %sub3A_554 = vector.broadcast %sub3A_553 : f32 to vector<16xf32>
        %sub3A_555 = arith.subf %sub3A_554, %mul3A_552 : vector<16xf32>
        %mul3A_556 = arith.mulf %mul3A_550, %sub3A_555 : vector<16xf32>
        %mul3A_557 = arith.mulf %mul3A_544, %mul3A_556 : vector<16xf32>
        %mul3A_558 = arith.mulf %mul3A_557, %mul3A_556 : vector<16xf32>
        %sub3A_559 = arith.constant 1.500000e+00 : f32
        %sub3A_560 = vector.broadcast %sub3A_559 : f32 to vector<16xf32>
        %sub3A_561 = arith.subf %sub3A_560, %mul3A_558 : vector<16xf32>
        %mul3A_562 = arith.mulf %mul3A_556, %sub3A_561 : vector<16xf32>
        %mul3A_563 = arith.mulf %max3A_534, %mul3A_562 : vector<16xf32>
        %mul3A_564 = arith.constant 2.000000e+00 : f32
        %mul3A_565 = vector.broadcast %mul3A_564 : f32 to vector<16xf32>
        %mul3A_566 = arith.mulf %mul3A_565, %mul3A_563 : vector<16xf32>
        %sub3A_567 = arith.constant 4.000000e+00 : f32
        %sub3A_568 = vector.broadcast %sub3A_567 : f32 to vector<16xf32>
        %sub3A_569 = arith.subf %mul3A_566, %sub3A_568 : vector<16xf32>
        %convert_element_type3A_570 = arith.fptosi %sub3A_569 : vector<16xf32> to vector<16xi32>
        %convert_element_type3A_571 = arith.sitofp %convert_element_type3A_570 : vector<16xi32> to vector<16xf32>
        %gt3A_572 = arith.cmpf ogt, %sub3A_569, %convert_element_type3A_571 : vector<16xf32>
        %add3A_573 = arith.constant 1 : i32
        %add3A_574 = vector.broadcast %add3A_573 : i32 to vector<16xi32>
        %add3A_575 = arith.addi %convert_element_type3A_570, %add3A_574 : vector<16xi32>
        %select_n3A_576 = arith.select %gt3A_572, %add3A_575, %convert_element_type3A_570 : vector<16xi1>, vector<16xi32>
        %jit3A_577 = arith.constant 0 : i32
        %jit3A_578 = arith.constant 36 : i32
        %max3A_579 = vector.broadcast %jit3A_577 : i32 to vector<16xi32>
        %max3A_580 = arith.maxsi %max3A_579, %select_n3A_576 : vector<16xi32>
        %min3A_581 = vector.broadcast %jit3A_578 : i32 to vector<16xi32>
        %min3A_582 = arith.minsi %min3A_581, %max3A_580 : vector<16xi32>
        %add3A_583 = arith.constant 185 : i32
        %add3A_584 = vector.broadcast %add3A_583 : i32 to vector<16xi32>
        %add3A_585 = arith.addi %min3A_582, %add3A_584 : vector<16xi32>
        %shift_left3A_586 = arith.constant 5 : i32
        %shift_left3A_587 = vector.broadcast %shift_left3A_586 : i32 to vector<16xi32>
        %shift_left3A_588 = arith.shli %add3A_585, %shift_left3A_587 : vector<16xi32>
        %sub3A_589 = arith.subf %broadcast_in_dim3A_70, %gather3A_162 : vector<16xf32>
        %sub3A_590 = arith.subf %broadcast_in_dim3A_77, %gather3A_166 : vector<16xf32>
        %sub3A_591 = arith.subf %broadcast_in_dim3A_84, %gather3A_170 : vector<16xf32>
        %mul3A_592 = arith.mulf %sub3A_589, %sub3A_589 : vector<16xf32>
        %mul3A_593 = arith.mulf %sub3A_590, %sub3A_590 : vector<16xf32>
        %add3A_594 = arith.addf %mul3A_592, %mul3A_593 : vector<16xf32>
        %mul3A_595 = arith.mulf %sub3A_591, %sub3A_591 : vector<16xf32>
        %add3A_596 = arith.addf %add3A_594, %mul3A_595 : vector<16xf32>
        %max3A_597 = arith.constant 1.000000e+00 : f32
        %max3A_598 = vector.broadcast %max3A_597 : f32 to vector<16xf32>
        %max3A_599 = arith.maximumf %add3A_596, %max3A_598 : vector<16xf32>
        %bitcast_convert_type3A_600 = tpu.bitcast %max3A_599 : vector<16xf32> -> vector<16xi32>
        %shift_right_arithmetic3A_601 = arith.constant 1 : i32
        %shift_right_arithmetic3A_602 = vector.broadcast %shift_right_arithmetic3A_601 : i32 to vector<16xi32>
        %shift_right_arithmetic3A_603 = arith.shrsi %bitcast_convert_type3A_600, %shift_right_arithmetic3A_602 : vector<16xi32>
        %sub3A_604 = vector.broadcast %scan3A_4 : i32 to vector<16xi32>
        %sub3A_605 = arith.subi %sub3A_604, %shift_right_arithmetic3A_603 : vector<16xi32>
        %bitcast_convert_type3A_606 = tpu.bitcast %sub3A_605 : vector<16xi32> -> vector<16xf32>
        %mul3A_607 = arith.constant 5.000000e-01 : f32
        %mul3A_608 = vector.broadcast %mul3A_607 : f32 to vector<16xf32>
        %mul3A_609 = arith.mulf %max3A_599, %mul3A_608 : vector<16xf32>
        %mul3A_610 = arith.mulf %mul3A_609, %bitcast_convert_type3A_606 : vector<16xf32>
        %mul3A_611 = arith.mulf %mul3A_610, %bitcast_convert_type3A_606 : vector<16xf32>
        %sub3A_612 = arith.constant 1.500000e+00 : f32
        %sub3A_613 = vector.broadcast %sub3A_612 : f32 to vector<16xf32>
        %sub3A_614 = arith.subf %sub3A_613, %mul3A_611 : vector<16xf32>
        %mul3A_615 = arith.mulf %bitcast_convert_type3A_606, %sub3A_614 : vector<16xf32>
        %mul3A_616 = arith.mulf %mul3A_609, %mul3A_615 : vector<16xf32>
        %mul3A_617 = arith.mulf %mul3A_616, %mul3A_615 : vector<16xf32>
        %sub3A_618 = arith.constant 1.500000e+00 : f32
        %sub3A_619 = vector.broadcast %sub3A_618 : f32 to vector<16xf32>
        %sub3A_620 = arith.subf %sub3A_619, %mul3A_617 : vector<16xf32>
        %mul3A_621 = arith.mulf %mul3A_615, %sub3A_620 : vector<16xf32>
        %mul3A_622 = arith.mulf %mul3A_609, %mul3A_621 : vector<16xf32>
        %mul3A_623 = arith.mulf %mul3A_622, %mul3A_621 : vector<16xf32>
        %sub3A_624 = arith.constant 1.500000e+00 : f32
        %sub3A_625 = vector.broadcast %sub3A_624 : f32 to vector<16xf32>
        %sub3A_626 = arith.subf %sub3A_625, %mul3A_623 : vector<16xf32>
        %mul3A_627 = arith.mulf %mul3A_621, %sub3A_626 : vector<16xf32>
        %mul3A_628 = arith.mulf %max3A_599, %mul3A_627 : vector<16xf32>
        %mul3A_629 = arith.constant 2.000000e+00 : f32
        %mul3A_630 = vector.broadcast %mul3A_629 : f32 to vector<16xf32>
        %mul3A_631 = arith.mulf %mul3A_630, %mul3A_628 : vector<16xf32>
        %sub3A_632 = arith.constant 4.000000e+00 : f32
        %sub3A_633 = vector.broadcast %sub3A_632 : f32 to vector<16xf32>
        %sub3A_634 = arith.subf %mul3A_631, %sub3A_633 : vector<16xf32>
        %convert_element_type3A_635 = arith.fptosi %sub3A_634 : vector<16xf32> to vector<16xi32>
        %convert_element_type3A_636 = arith.sitofp %convert_element_type3A_635 : vector<16xi32> to vector<16xf32>
        %gt3A_637 = arith.cmpf ogt, %sub3A_634, %convert_element_type3A_636 : vector<16xf32>
        %add3A_638 = arith.constant 1 : i32
        %add3A_639 = vector.broadcast %add3A_638 : i32 to vector<16xi32>
        %add3A_640 = arith.addi %convert_element_type3A_635, %add3A_639 : vector<16xi32>
        %select_n3A_641 = arith.select %gt3A_637, %add3A_640, %convert_element_type3A_635 : vector<16xi1>, vector<16xi32>
        %jit3A_642 = arith.constant 0 : i32
        %jit3A_643 = arith.constant 36 : i32
        %max3A_644 = vector.broadcast %jit3A_642 : i32 to vector<16xi32>
        %max3A_645 = arith.maxsi %max3A_644, %select_n3A_641 : vector<16xi32>
        %min3A_646 = vector.broadcast %jit3A_643 : i32 to vector<16xi32>
        %min3A_647 = arith.minsi %min3A_646, %max3A_645 : vector<16xi32>
        %add3A_648 = arith.constant 222 : i32
        %add3A_649 = vector.broadcast %add3A_648 : i32 to vector<16xi32>
        %add3A_650 = arith.addi %min3A_647, %add3A_649 : vector<16xi32>
        %shift_left3A_651 = arith.constant 5 : i32
        %shift_left3A_652 = vector.broadcast %shift_left3A_651 : i32 to vector<16xi32>
        %shift_left3A_653 = arith.shli %add3A_650, %shift_left3A_652 : vector<16xi32>
        %sub3A_654 = arith.subf %broadcast_in_dim3A_70, %gather3A_174 : vector<16xf32>
        %sub3A_655 = arith.subf %broadcast_in_dim3A_77, %gather3A_178 : vector<16xf32>
        %sub3A_656 = arith.subf %broadcast_in_dim3A_84, %gather3A_182 : vector<16xf32>
        %mul3A_657 = arith.mulf %sub3A_654, %sub3A_654 : vector<16xf32>
        %mul3A_658 = arith.mulf %sub3A_655, %sub3A_655 : vector<16xf32>
        %add3A_659 = arith.addf %mul3A_657, %mul3A_658 : vector<16xf32>
        %mul3A_660 = arith.mulf %sub3A_656, %sub3A_656 : vector<16xf32>
        %add3A_661 = arith.addf %add3A_659, %mul3A_660 : vector<16xf32>
        %max3A_662 = arith.constant 1.000000e+00 : f32
        %max3A_663 = vector.broadcast %max3A_662 : f32 to vector<16xf32>
        %max3A_664 = arith.maximumf %add3A_661, %max3A_663 : vector<16xf32>
        %bitcast_convert_type3A_665 = tpu.bitcast %max3A_664 : vector<16xf32> -> vector<16xi32>
        %shift_right_arithmetic3A_666 = arith.constant 1 : i32
        %shift_right_arithmetic3A_667 = vector.broadcast %shift_right_arithmetic3A_666 : i32 to vector<16xi32>
        %shift_right_arithmetic3A_668 = arith.shrsi %bitcast_convert_type3A_665, %shift_right_arithmetic3A_667 : vector<16xi32>
        %sub3A_669 = vector.broadcast %scan3A_4 : i32 to vector<16xi32>
        %sub3A_670 = arith.subi %sub3A_669, %shift_right_arithmetic3A_668 : vector<16xi32>
        %bitcast_convert_type3A_671 = tpu.bitcast %sub3A_670 : vector<16xi32> -> vector<16xf32>
        %mul3A_672 = arith.constant 5.000000e-01 : f32
        %mul3A_673 = vector.broadcast %mul3A_672 : f32 to vector<16xf32>
        %mul3A_674 = arith.mulf %max3A_664, %mul3A_673 : vector<16xf32>
        %mul3A_675 = arith.mulf %mul3A_674, %bitcast_convert_type3A_671 : vector<16xf32>
        %mul3A_676 = arith.mulf %mul3A_675, %bitcast_convert_type3A_671 : vector<16xf32>
        %sub3A_677 = arith.constant 1.500000e+00 : f32
        %sub3A_678 = vector.broadcast %sub3A_677 : f32 to vector<16xf32>
        %sub3A_679 = arith.subf %sub3A_678, %mul3A_676 : vector<16xf32>
        %mul3A_680 = arith.mulf %bitcast_convert_type3A_671, %sub3A_679 : vector<16xf32>
        %mul3A_681 = arith.mulf %mul3A_674, %mul3A_680 : vector<16xf32>
        %mul3A_682 = arith.mulf %mul3A_681, %mul3A_680 : vector<16xf32>
        %sub3A_683 = arith.constant 1.500000e+00 : f32
        %sub3A_684 = vector.broadcast %sub3A_683 : f32 to vector<16xf32>
        %sub3A_685 = arith.subf %sub3A_684, %mul3A_682 : vector<16xf32>
        %mul3A_686 = arith.mulf %mul3A_680, %sub3A_685 : vector<16xf32>
        %mul3A_687 = arith.mulf %mul3A_674, %mul3A_686 : vector<16xf32>
        %mul3A_688 = arith.mulf %mul3A_687, %mul3A_686 : vector<16xf32>
        %sub3A_689 = arith.constant 1.500000e+00 : f32
        %sub3A_690 = vector.broadcast %sub3A_689 : f32 to vector<16xf32>
        %sub3A_691 = arith.subf %sub3A_690, %mul3A_688 : vector<16xf32>
        %mul3A_692 = arith.mulf %mul3A_686, %sub3A_691 : vector<16xf32>
        %mul3A_693 = arith.mulf %max3A_664, %mul3A_692 : vector<16xf32>
        %mul3A_694 = arith.constant 2.000000e+00 : f32
        %mul3A_695 = vector.broadcast %mul3A_694 : f32 to vector<16xf32>
        %mul3A_696 = arith.mulf %mul3A_695, %mul3A_693 : vector<16xf32>
        %sub3A_697 = arith.constant 4.000000e+00 : f32
        %sub3A_698 = vector.broadcast %sub3A_697 : f32 to vector<16xf32>
        %sub3A_699 = arith.subf %mul3A_696, %sub3A_698 : vector<16xf32>
        %convert_element_type3A_700 = arith.fptosi %sub3A_699 : vector<16xf32> to vector<16xi32>
        %convert_element_type3A_701 = arith.sitofp %convert_element_type3A_700 : vector<16xi32> to vector<16xf32>
        %gt3A_702 = arith.cmpf ogt, %sub3A_699, %convert_element_type3A_701 : vector<16xf32>
        %add3A_703 = arith.constant 1 : i32
        %add3A_704 = vector.broadcast %add3A_703 : i32 to vector<16xi32>
        %add3A_705 = arith.addi %convert_element_type3A_700, %add3A_704 : vector<16xi32>
        %select_n3A_706 = arith.select %gt3A_702, %add3A_705, %convert_element_type3A_700 : vector<16xi1>, vector<16xi32>
        %jit3A_707 = arith.constant 0 : i32
        %jit3A_708 = arith.constant 36 : i32
        %max3A_709 = vector.broadcast %jit3A_707 : i32 to vector<16xi32>
        %max3A_710 = arith.maxsi %max3A_709, %select_n3A_706 : vector<16xi32>
        %min3A_711 = vector.broadcast %jit3A_708 : i32 to vector<16xi32>
        %min3A_712 = arith.minsi %min3A_711, %max3A_710 : vector<16xi32>
        %add3A_713 = arith.constant 259 : i32
        %add3A_714 = vector.broadcast %add3A_713 : i32 to vector<16xi32>
        %add3A_715 = arith.addi %min3A_712, %add3A_714 : vector<16xi32>
        %shift_left3A_716 = arith.constant 5 : i32
        %shift_left3A_717 = vector.broadcast %shift_left3A_716 : i32 to vector<16xi32>
        %shift_left3A_718 = arith.shli %add3A_715, %shift_left3A_717 : vector<16xi32>
        %sub3A_719 = arith.subf %broadcast_in_dim3A_70, %gather3A_186 : vector<16xf32>
        %sub3A_720 = arith.subf %broadcast_in_dim3A_77, %gather3A_190 : vector<16xf32>
        %sub3A_721 = arith.subf %broadcast_in_dim3A_84, %gather3A_194 : vector<16xf32>
        %mul3A_722 = arith.mulf %sub3A_719, %sub3A_719 : vector<16xf32>
        %mul3A_723 = arith.mulf %sub3A_720, %sub3A_720 : vector<16xf32>
        %add3A_724 = arith.addf %mul3A_722, %mul3A_723 : vector<16xf32>
        %mul3A_725 = arith.mulf %sub3A_721, %sub3A_721 : vector<16xf32>
        %add3A_726 = arith.addf %add3A_724, %mul3A_725 : vector<16xf32>
        %max3A_727 = arith.constant 1.000000e+00 : f32
        %max3A_728 = vector.broadcast %max3A_727 : f32 to vector<16xf32>
        %max3A_729 = arith.maximumf %add3A_726, %max3A_728 : vector<16xf32>
        %bitcast_convert_type3A_730 = tpu.bitcast %max3A_729 : vector<16xf32> -> vector<16xi32>
        %shift_right_arithmetic3A_731 = arith.constant 1 : i32
        %shift_right_arithmetic3A_732 = vector.broadcast %shift_right_arithmetic3A_731 : i32 to vector<16xi32>
        %shift_right_arithmetic3A_733 = arith.shrsi %bitcast_convert_type3A_730, %shift_right_arithmetic3A_732 : vector<16xi32>
        %sub3A_734 = vector.broadcast %scan3A_4 : i32 to vector<16xi32>
        %sub3A_735 = arith.subi %sub3A_734, %shift_right_arithmetic3A_733 : vector<16xi32>
        %bitcast_convert_type3A_736 = tpu.bitcast %sub3A_735 : vector<16xi32> -> vector<16xf32>
        %mul3A_737 = arith.constant 5.000000e-01 : f32
        %mul3A_738 = vector.broadcast %mul3A_737 : f32 to vector<16xf32>
        %mul3A_739 = arith.mulf %max3A_729, %mul3A_738 : vector<16xf32>
        %mul3A_740 = arith.mulf %mul3A_739, %bitcast_convert_type3A_736 : vector<16xf32>
        %mul3A_741 = arith.mulf %mul3A_740, %bitcast_convert_type3A_736 : vector<16xf32>
        %sub3A_742 = arith.constant 1.500000e+00 : f32
        %sub3A_743 = vector.broadcast %sub3A_742 : f32 to vector<16xf32>
        %sub3A_744 = arith.subf %sub3A_743, %mul3A_741 : vector<16xf32>
        %mul3A_745 = arith.mulf %bitcast_convert_type3A_736, %sub3A_744 : vector<16xf32>
        %mul3A_746 = arith.mulf %mul3A_739, %mul3A_745 : vector<16xf32>
        %mul3A_747 = arith.mulf %mul3A_746, %mul3A_745 : vector<16xf32>
        %sub3A_748 = arith.constant 1.500000e+00 : f32
        %sub3A_749 = vector.broadcast %sub3A_748 : f32 to vector<16xf32>
        %sub3A_750 = arith.subf %sub3A_749, %mul3A_747 : vector<16xf32>
        %mul3A_751 = arith.mulf %mul3A_745, %sub3A_750 : vector<16xf32>
        %mul3A_752 = arith.mulf %mul3A_739, %mul3A_751 : vector<16xf32>
        %mul3A_753 = arith.mulf %mul3A_752, %mul3A_751 : vector<16xf32>
        %sub3A_754 = arith.constant 1.500000e+00 : f32
        %sub3A_755 = vector.broadcast %sub3A_754 : f32 to vector<16xf32>
        %sub3A_756 = arith.subf %sub3A_755, %mul3A_753 : vector<16xf32>
        %mul3A_757 = arith.mulf %mul3A_751, %sub3A_756 : vector<16xf32>
        %mul3A_758 = arith.mulf %max3A_729, %mul3A_757 : vector<16xf32>
        %mul3A_759 = arith.constant 2.000000e+00 : f32
        %mul3A_760 = vector.broadcast %mul3A_759 : f32 to vector<16xf32>
        %mul3A_761 = arith.mulf %mul3A_760, %mul3A_758 : vector<16xf32>
        %sub3A_762 = arith.constant 4.000000e+00 : f32
        %sub3A_763 = vector.broadcast %sub3A_762 : f32 to vector<16xf32>
        %sub3A_764 = arith.subf %mul3A_761, %sub3A_763 : vector<16xf32>
        %convert_element_type3A_765 = arith.fptosi %sub3A_764 : vector<16xf32> to vector<16xi32>
        %convert_element_type3A_766 = arith.sitofp %convert_element_type3A_765 : vector<16xi32> to vector<16xf32>
        %gt3A_767 = arith.cmpf ogt, %sub3A_764, %convert_element_type3A_766 : vector<16xf32>
        %add3A_768 = arith.constant 1 : i32
        %add3A_769 = vector.broadcast %add3A_768 : i32 to vector<16xi32>
        %add3A_770 = arith.addi %convert_element_type3A_765, %add3A_769 : vector<16xi32>
        %select_n3A_771 = arith.select %gt3A_767, %add3A_770, %convert_element_type3A_765 : vector<16xi1>, vector<16xi32>
        %jit3A_772 = arith.constant 0 : i32
        %jit3A_773 = arith.constant 36 : i32
        %max3A_774 = vector.broadcast %jit3A_772 : i32 to vector<16xi32>
        %max3A_775 = arith.maxsi %max3A_774, %select_n3A_771 : vector<16xi32>
        %min3A_776 = vector.broadcast %jit3A_773 : i32 to vector<16xi32>
        %min3A_777 = arith.minsi %min3A_776, %max3A_775 : vector<16xi32>
        %add3A_778 = arith.constant 296 : i32
        %add3A_779 = vector.broadcast %add3A_778 : i32 to vector<16xi32>
        %add3A_780 = arith.addi %min3A_777, %add3A_779 : vector<16xi32>
        %shift_left3A_781 = arith.constant 5 : i32
        %shift_left3A_782 = vector.broadcast %shift_left3A_781 : i32 to vector<16xi32>
        %shift_left3A_783 = arith.shli %add3A_780, %shift_left3A_782 : vector<16xi32>
        %sub3A_784 = arith.subf %broadcast_in_dim3A_70, %gather3A_198 : vector<16xf32>
        %sub3A_785 = arith.subf %broadcast_in_dim3A_77, %gather3A_202 : vector<16xf32>
        %sub3A_786 = arith.subf %broadcast_in_dim3A_84, %gather3A_206 : vector<16xf32>
        %mul3A_787 = arith.mulf %sub3A_784, %sub3A_784 : vector<16xf32>
        %mul3A_788 = arith.mulf %sub3A_785, %sub3A_785 : vector<16xf32>
        %add3A_789 = arith.addf %mul3A_787, %mul3A_788 : vector<16xf32>
        %mul3A_790 = arith.mulf %sub3A_786, %sub3A_786 : vector<16xf32>
        %add3A_791 = arith.addf %add3A_789, %mul3A_790 : vector<16xf32>
        %max3A_792 = arith.constant 1.000000e+00 : f32
        %max3A_793 = vector.broadcast %max3A_792 : f32 to vector<16xf32>
        %max3A_794 = arith.maximumf %add3A_791, %max3A_793 : vector<16xf32>
        %bitcast_convert_type3A_795 = tpu.bitcast %max3A_794 : vector<16xf32> -> vector<16xi32>
        %shift_right_arithmetic3A_796 = arith.constant 1 : i32
        %shift_right_arithmetic3A_797 = vector.broadcast %shift_right_arithmetic3A_796 : i32 to vector<16xi32>
        %shift_right_arithmetic3A_798 = arith.shrsi %bitcast_convert_type3A_795, %shift_right_arithmetic3A_797 : vector<16xi32>
        %sub3A_799 = vector.broadcast %scan3A_4 : i32 to vector<16xi32>
        %sub3A_800 = arith.subi %sub3A_799, %shift_right_arithmetic3A_798 : vector<16xi32>
        %bitcast_convert_type3A_801 = tpu.bitcast %sub3A_800 : vector<16xi32> -> vector<16xf32>
        %mul3A_802 = arith.constant 5.000000e-01 : f32
        %mul3A_803 = vector.broadcast %mul3A_802 : f32 to vector<16xf32>
        %mul3A_804 = arith.mulf %max3A_794, %mul3A_803 : vector<16xf32>
        %mul3A_805 = arith.mulf %mul3A_804, %bitcast_convert_type3A_801 : vector<16xf32>
        %mul3A_806 = arith.mulf %mul3A_805, %bitcast_convert_type3A_801 : vector<16xf32>
        %sub3A_807 = arith.constant 1.500000e+00 : f32
        %sub3A_808 = vector.broadcast %sub3A_807 : f32 to vector<16xf32>
        %sub3A_809 = arith.subf %sub3A_808, %mul3A_806 : vector<16xf32>
        %mul3A_810 = arith.mulf %bitcast_convert_type3A_801, %sub3A_809 : vector<16xf32>
        %mul3A_811 = arith.mulf %mul3A_804, %mul3A_810 : vector<16xf32>
        %mul3A_812 = arith.mulf %mul3A_811, %mul3A_810 : vector<16xf32>
        %sub3A_813 = arith.constant 1.500000e+00 : f32
        %sub3A_814 = vector.broadcast %sub3A_813 : f32 to vector<16xf32>
        %sub3A_815 = arith.subf %sub3A_814, %mul3A_812 : vector<16xf32>
        %mul3A_816 = arith.mulf %mul3A_810, %sub3A_815 : vector<16xf32>
        %mul3A_817 = arith.mulf %mul3A_804, %mul3A_816 : vector<16xf32>
        %mul3A_818 = arith.mulf %mul3A_817, %mul3A_816 : vector<16xf32>
        %sub3A_819 = arith.constant 1.500000e+00 : f32
        %sub3A_820 = vector.broadcast %sub3A_819 : f32 to vector<16xf32>
        %sub3A_821 = arith.subf %sub3A_820, %mul3A_818 : vector<16xf32>
        %mul3A_822 = arith.mulf %mul3A_816, %sub3A_821 : vector<16xf32>
        %mul3A_823 = arith.mulf %max3A_794, %mul3A_822 : vector<16xf32>
        %mul3A_824 = arith.constant 2.000000e+00 : f32
        %mul3A_825 = vector.broadcast %mul3A_824 : f32 to vector<16xf32>
        %mul3A_826 = arith.mulf %mul3A_825, %mul3A_823 : vector<16xf32>
        %sub3A_827 = arith.constant 4.000000e+00 : f32
        %sub3A_828 = vector.broadcast %sub3A_827 : f32 to vector<16xf32>
        %sub3A_829 = arith.subf %mul3A_826, %sub3A_828 : vector<16xf32>
        %convert_element_type3A_830 = arith.fptosi %sub3A_829 : vector<16xf32> to vector<16xi32>
        %convert_element_type3A_831 = arith.sitofp %convert_element_type3A_830 : vector<16xi32> to vector<16xf32>
        %gt3A_832 = arith.cmpf ogt, %sub3A_829, %convert_element_type3A_831 : vector<16xf32>
        %add3A_833 = arith.constant 1 : i32
        %add3A_834 = vector.broadcast %add3A_833 : i32 to vector<16xi32>
        %add3A_835 = arith.addi %convert_element_type3A_830, %add3A_834 : vector<16xi32>
        %select_n3A_836 = arith.select %gt3A_832, %add3A_835, %convert_element_type3A_830 : vector<16xi1>, vector<16xi32>
        %jit3A_837 = arith.constant 0 : i32
        %jit3A_838 = arith.constant 36 : i32
        %max3A_839 = vector.broadcast %jit3A_837 : i32 to vector<16xi32>
        %max3A_840 = arith.maxsi %max3A_839, %select_n3A_836 : vector<16xi32>
        %min3A_841 = vector.broadcast %jit3A_838 : i32 to vector<16xi32>
        %min3A_842 = arith.minsi %min3A_841, %max3A_840 : vector<16xi32>
        %add3A_843 = arith.constant 333 : i32
        %add3A_844 = vector.broadcast %add3A_843 : i32 to vector<16xi32>
        %add3A_845 = arith.addi %min3A_842, %add3A_844 : vector<16xi32>
        %shift_left3A_846 = arith.constant 5 : i32
        %shift_left3A_847 = vector.broadcast %shift_left3A_846 : i32 to vector<16xi32>
        %shift_left3A_848 = arith.shli %add3A_845, %shift_left3A_847 : vector<16xi32>
        %sub3A_849 = arith.subf %broadcast_in_dim3A_91, %gather3A : vector<16xf32>
        %sub3A_850 = arith.subf %broadcast_in_dim3A_98, %gather3A_154 : vector<16xf32>
        %sub3A_851 = arith.subf %broadcast_in_dim3A_105, %gather3A_158 : vector<16xf32>
        %mul3A_852 = arith.mulf %sub3A_849, %sub3A_849 : vector<16xf32>
        %mul3A_853 = arith.mulf %sub3A_850, %sub3A_850 : vector<16xf32>
        %add3A_854 = arith.addf %mul3A_852, %mul3A_853 : vector<16xf32>
        %mul3A_855 = arith.mulf %sub3A_851, %sub3A_851 : vector<16xf32>
        %add3A_856 = arith.addf %add3A_854, %mul3A_855 : vector<16xf32>
        %max3A_857 = arith.constant 1.000000e+00 : f32
        %max3A_858 = vector.broadcast %max3A_857 : f32 to vector<16xf32>
        %max3A_859 = arith.maximumf %add3A_856, %max3A_858 : vector<16xf32>
        %bitcast_convert_type3A_860 = tpu.bitcast %max3A_859 : vector<16xf32> -> vector<16xi32>
        %shift_right_arithmetic3A_861 = arith.constant 1 : i32
        %shift_right_arithmetic3A_862 = vector.broadcast %shift_right_arithmetic3A_861 : i32 to vector<16xi32>
        %shift_right_arithmetic3A_863 = arith.shrsi %bitcast_convert_type3A_860, %shift_right_arithmetic3A_862 : vector<16xi32>
        %sub3A_864 = vector.broadcast %scan3A_4 : i32 to vector<16xi32>
        %sub3A_865 = arith.subi %sub3A_864, %shift_right_arithmetic3A_863 : vector<16xi32>
        %bitcast_convert_type3A_866 = tpu.bitcast %sub3A_865 : vector<16xi32> -> vector<16xf32>
        %mul3A_867 = arith.constant 5.000000e-01 : f32
        %mul3A_868 = vector.broadcast %mul3A_867 : f32 to vector<16xf32>
        %mul3A_869 = arith.mulf %max3A_859, %mul3A_868 : vector<16xf32>
        %mul3A_870 = arith.mulf %mul3A_869, %bitcast_convert_type3A_866 : vector<16xf32>
        %mul3A_871 = arith.mulf %mul3A_870, %bitcast_convert_type3A_866 : vector<16xf32>
        %sub3A_872 = arith.constant 1.500000e+00 : f32
        %sub3A_873 = vector.broadcast %sub3A_872 : f32 to vector<16xf32>
        %sub3A_874 = arith.subf %sub3A_873, %mul3A_871 : vector<16xf32>
        %mul3A_875 = arith.mulf %bitcast_convert_type3A_866, %sub3A_874 : vector<16xf32>
        %mul3A_876 = arith.mulf %mul3A_869, %mul3A_875 : vector<16xf32>
        %mul3A_877 = arith.mulf %mul3A_876, %mul3A_875 : vector<16xf32>
        %sub3A_878 = arith.constant 1.500000e+00 : f32
        %sub3A_879 = vector.broadcast %sub3A_878 : f32 to vector<16xf32>
        %sub3A_880 = arith.subf %sub3A_879, %mul3A_877 : vector<16xf32>
        %mul3A_881 = arith.mulf %mul3A_875, %sub3A_880 : vector<16xf32>
        %mul3A_882 = arith.mulf %mul3A_869, %mul3A_881 : vector<16xf32>
        %mul3A_883 = arith.mulf %mul3A_882, %mul3A_881 : vector<16xf32>
        %sub3A_884 = arith.constant 1.500000e+00 : f32
        %sub3A_885 = vector.broadcast %sub3A_884 : f32 to vector<16xf32>
        %sub3A_886 = arith.subf %sub3A_885, %mul3A_883 : vector<16xf32>
        %mul3A_887 = arith.mulf %mul3A_881, %sub3A_886 : vector<16xf32>
        %mul3A_888 = arith.mulf %max3A_859, %mul3A_887 : vector<16xf32>
        %mul3A_889 = arith.constant 2.000000e+00 : f32
        %mul3A_890 = vector.broadcast %mul3A_889 : f32 to vector<16xf32>
        %mul3A_891 = arith.mulf %mul3A_890, %mul3A_888 : vector<16xf32>
        %sub3A_892 = arith.constant 4.000000e+00 : f32
        %sub3A_893 = vector.broadcast %sub3A_892 : f32 to vector<16xf32>
        %sub3A_894 = arith.subf %mul3A_891, %sub3A_893 : vector<16xf32>
        %convert_element_type3A_895 = arith.fptosi %sub3A_894 : vector<16xf32> to vector<16xi32>
        %convert_element_type3A_896 = arith.sitofp %convert_element_type3A_895 : vector<16xi32> to vector<16xf32>
        %gt3A_897 = arith.cmpf ogt, %sub3A_894, %convert_element_type3A_896 : vector<16xf32>
        %add3A_898 = arith.constant 1 : i32
        %add3A_899 = vector.broadcast %add3A_898 : i32 to vector<16xi32>
        %add3A_900 = arith.addi %convert_element_type3A_895, %add3A_899 : vector<16xi32>
        %select_n3A_901 = arith.select %gt3A_897, %add3A_900, %convert_element_type3A_895 : vector<16xi1>, vector<16xi32>
        %jit3A_902 = arith.constant 0 : i32
        %jit3A_903 = arith.constant 36 : i32
        %max3A_904 = vector.broadcast %jit3A_902 : i32 to vector<16xi32>
        %max3A_905 = arith.maxsi %max3A_904, %select_n3A_901 : vector<16xi32>
        %min3A_906 = vector.broadcast %jit3A_903 : i32 to vector<16xi32>
        %min3A_907 = arith.minsi %min3A_906, %max3A_905 : vector<16xi32>
        %add3A_908 = arith.constant 370 : i32
        %add3A_909 = vector.broadcast %add3A_908 : i32 to vector<16xi32>
        %add3A_910 = arith.addi %min3A_907, %add3A_909 : vector<16xi32>
        %shift_left3A_911 = arith.constant 5 : i32
        %shift_left3A_912 = vector.broadcast %shift_left3A_911 : i32 to vector<16xi32>
        %shift_left3A_913 = arith.shli %add3A_910, %shift_left3A_912 : vector<16xi32>
        %sub3A_914 = arith.subf %broadcast_in_dim3A_91, %gather3A_162 : vector<16xf32>
        %sub3A_915 = arith.subf %broadcast_in_dim3A_98, %gather3A_166 : vector<16xf32>
        %sub3A_916 = arith.subf %broadcast_in_dim3A_105, %gather3A_170 : vector<16xf32>
        %mul3A_917 = arith.mulf %sub3A_914, %sub3A_914 : vector<16xf32>
        %mul3A_918 = arith.mulf %sub3A_915, %sub3A_915 : vector<16xf32>
        %add3A_919 = arith.addf %mul3A_917, %mul3A_918 : vector<16xf32>
        %mul3A_920 = arith.mulf %sub3A_916, %sub3A_916 : vector<16xf32>
        %add3A_921 = arith.addf %add3A_919, %mul3A_920 : vector<16xf32>
        %max3A_922 = arith.constant 1.000000e+00 : f32
        %max3A_923 = vector.broadcast %max3A_922 : f32 to vector<16xf32>
        %max3A_924 = arith.maximumf %add3A_921, %max3A_923 : vector<16xf32>
        %bitcast_convert_type3A_925 = tpu.bitcast %max3A_924 : vector<16xf32> -> vector<16xi32>
        %shift_right_arithmetic3A_926 = arith.constant 1 : i32
        %shift_right_arithmetic3A_927 = vector.broadcast %shift_right_arithmetic3A_926 : i32 to vector<16xi32>
        %shift_right_arithmetic3A_928 = arith.shrsi %bitcast_convert_type3A_925, %shift_right_arithmetic3A_927 : vector<16xi32>
        %sub3A_929 = vector.broadcast %scan3A_4 : i32 to vector<16xi32>
        %sub3A_930 = arith.subi %sub3A_929, %shift_right_arithmetic3A_928 : vector<16xi32>
        %bitcast_convert_type3A_931 = tpu.bitcast %sub3A_930 : vector<16xi32> -> vector<16xf32>
        %mul3A_932 = arith.constant 5.000000e-01 : f32
        %mul3A_933 = vector.broadcast %mul3A_932 : f32 to vector<16xf32>
        %mul3A_934 = arith.mulf %max3A_924, %mul3A_933 : vector<16xf32>
        %mul3A_935 = arith.mulf %mul3A_934, %bitcast_convert_type3A_931 : vector<16xf32>
        %mul3A_936 = arith.mulf %mul3A_935, %bitcast_convert_type3A_931 : vector<16xf32>
        %sub3A_937 = arith.constant 1.500000e+00 : f32
        %sub3A_938 = vector.broadcast %sub3A_937 : f32 to vector<16xf32>
        %sub3A_939 = arith.subf %sub3A_938, %mul3A_936 : vector<16xf32>
        %mul3A_940 = arith.mulf %bitcast_convert_type3A_931, %sub3A_939 : vector<16xf32>
        %mul3A_941 = arith.mulf %mul3A_934, %mul3A_940 : vector<16xf32>
        %mul3A_942 = arith.mulf %mul3A_941, %mul3A_940 : vector<16xf32>
        %sub3A_943 = arith.constant 1.500000e+00 : f32
        %sub3A_944 = vector.broadcast %sub3A_943 : f32 to vector<16xf32>
        %sub3A_945 = arith.subf %sub3A_944, %mul3A_942 : vector<16xf32>
        %mul3A_946 = arith.mulf %mul3A_940, %sub3A_945 : vector<16xf32>
        %mul3A_947 = arith.mulf %mul3A_934, %mul3A_946 : vector<16xf32>
        %mul3A_948 = arith.mulf %mul3A_947, %mul3A_946 : vector<16xf32>
        %sub3A_949 = arith.constant 1.500000e+00 : f32
        %sub3A_950 = vector.broadcast %sub3A_949 : f32 to vector<16xf32>
        %sub3A_951 = arith.subf %sub3A_950, %mul3A_948 : vector<16xf32>
        %mul3A_952 = arith.mulf %mul3A_946, %sub3A_951 : vector<16xf32>
        %mul3A_953 = arith.mulf %max3A_924, %mul3A_952 : vector<16xf32>
        %mul3A_954 = arith.constant 2.000000e+00 : f32
        %mul3A_955 = vector.broadcast %mul3A_954 : f32 to vector<16xf32>
        %mul3A_956 = arith.mulf %mul3A_955, %mul3A_953 : vector<16xf32>
        %sub3A_957 = arith.constant 4.000000e+00 : f32
        %sub3A_958 = vector.broadcast %sub3A_957 : f32 to vector<16xf32>
        %sub3A_959 = arith.subf %mul3A_956, %sub3A_958 : vector<16xf32>
        %convert_element_type3A_960 = arith.fptosi %sub3A_959 : vector<16xf32> to vector<16xi32>
        %convert_element_type3A_961 = arith.sitofp %convert_element_type3A_960 : vector<16xi32> to vector<16xf32>
        %gt3A_962 = arith.cmpf ogt, %sub3A_959, %convert_element_type3A_961 : vector<16xf32>
        %add3A_963 = arith.constant 1 : i32
        %add3A_964 = vector.broadcast %add3A_963 : i32 to vector<16xi32>
        %add3A_965 = arith.addi %convert_element_type3A_960, %add3A_964 : vector<16xi32>
        %select_n3A_966 = arith.select %gt3A_962, %add3A_965, %convert_element_type3A_960 : vector<16xi1>, vector<16xi32>
        %jit3A_967 = arith.constant 0 : i32
        %jit3A_968 = arith.constant 36 : i32
        %max3A_969 = vector.broadcast %jit3A_967 : i32 to vector<16xi32>
        %max3A_970 = arith.maxsi %max3A_969, %select_n3A_966 : vector<16xi32>
        %min3A_971 = vector.broadcast %jit3A_968 : i32 to vector<16xi32>
        %min3A_972 = arith.minsi %min3A_971, %max3A_970 : vector<16xi32>
        %add3A_973 = arith.constant 407 : i32
        %add3A_974 = vector.broadcast %add3A_973 : i32 to vector<16xi32>
        %add3A_975 = arith.addi %min3A_972, %add3A_974 : vector<16xi32>
        %shift_left3A_976 = arith.constant 5 : i32
        %shift_left3A_977 = vector.broadcast %shift_left3A_976 : i32 to vector<16xi32>
        %shift_left3A_978 = arith.shli %add3A_975, %shift_left3A_977 : vector<16xi32>
        %sub3A_979 = arith.subf %broadcast_in_dim3A_91, %gather3A_174 : vector<16xf32>
        %sub3A_980 = arith.subf %broadcast_in_dim3A_98, %gather3A_178 : vector<16xf32>
        %sub3A_981 = arith.subf %broadcast_in_dim3A_105, %gather3A_182 : vector<16xf32>
        %mul3A_982 = arith.mulf %sub3A_979, %sub3A_979 : vector<16xf32>
        %mul3A_983 = arith.mulf %sub3A_980, %sub3A_980 : vector<16xf32>
        %add3A_984 = arith.addf %mul3A_982, %mul3A_983 : vector<16xf32>
        %mul3A_985 = arith.mulf %sub3A_981, %sub3A_981 : vector<16xf32>
        %add3A_986 = arith.addf %add3A_984, %mul3A_985 : vector<16xf32>
        %max3A_987 = arith.constant 1.000000e+00 : f32
        %max3A_988 = vector.broadcast %max3A_987 : f32 to vector<16xf32>
        %max3A_989 = arith.maximumf %add3A_986, %max3A_988 : vector<16xf32>
        %bitcast_convert_type3A_990 = tpu.bitcast %max3A_989 : vector<16xf32> -> vector<16xi32>
        %shift_right_arithmetic3A_991 = arith.constant 1 : i32
        %shift_right_arithmetic3A_992 = vector.broadcast %shift_right_arithmetic3A_991 : i32 to vector<16xi32>
        %shift_right_arithmetic3A_993 = arith.shrsi %bitcast_convert_type3A_990, %shift_right_arithmetic3A_992 : vector<16xi32>
        %sub3A_994 = vector.broadcast %scan3A_4 : i32 to vector<16xi32>
        %sub3A_995 = arith.subi %sub3A_994, %shift_right_arithmetic3A_993 : vector<16xi32>
        %bitcast_convert_type3A_996 = tpu.bitcast %sub3A_995 : vector<16xi32> -> vector<16xf32>
        %mul3A_997 = arith.constant 5.000000e-01 : f32
        %mul3A_998 = vector.broadcast %mul3A_997 : f32 to vector<16xf32>
        %mul3A_999 = arith.mulf %max3A_989, %mul3A_998 : vector<16xf32>
        %mul3A_1000 = arith.mulf %mul3A_999, %bitcast_convert_type3A_996 : vector<16xf32>
        %mul3A_1001 = arith.mulf %mul3A_1000, %bitcast_convert_type3A_996 : vector<16xf32>
        %sub3A_1002 = arith.constant 1.500000e+00 : f32
        %sub3A_1003 = vector.broadcast %sub3A_1002 : f32 to vector<16xf32>
        %sub3A_1004 = arith.subf %sub3A_1003, %mul3A_1001 : vector<16xf32>
        %mul3A_1005 = arith.mulf %bitcast_convert_type3A_996, %sub3A_1004 : vector<16xf32>
        %mul3A_1006 = arith.mulf %mul3A_999, %mul3A_1005 : vector<16xf32>
        %mul3A_1007 = arith.mulf %mul3A_1006, %mul3A_1005 : vector<16xf32>
        %sub3A_1008 = arith.constant 1.500000e+00 : f32
        %sub3A_1009 = vector.broadcast %sub3A_1008 : f32 to vector<16xf32>
        %sub3A_1010 = arith.subf %sub3A_1009, %mul3A_1007 : vector<16xf32>
        %mul3A_1011 = arith.mulf %mul3A_1005, %sub3A_1010 : vector<16xf32>
        %mul3A_1012 = arith.mulf %mul3A_999, %mul3A_1011 : vector<16xf32>
        %mul3A_1013 = arith.mulf %mul3A_1012, %mul3A_1011 : vector<16xf32>
        %sub3A_1014 = arith.constant 1.500000e+00 : f32
        %sub3A_1015 = vector.broadcast %sub3A_1014 : f32 to vector<16xf32>
        %sub3A_1016 = arith.subf %sub3A_1015, %mul3A_1013 : vector<16xf32>
        %mul3A_1017 = arith.mulf %mul3A_1011, %sub3A_1016 : vector<16xf32>
        %mul3A_1018 = arith.mulf %max3A_989, %mul3A_1017 : vector<16xf32>
        %mul3A_1019 = arith.constant 2.000000e+00 : f32
        %mul3A_1020 = vector.broadcast %mul3A_1019 : f32 to vector<16xf32>
        %mul3A_1021 = arith.mulf %mul3A_1020, %mul3A_1018 : vector<16xf32>
        %sub3A_1022 = arith.constant 4.000000e+00 : f32
        %sub3A_1023 = vector.broadcast %sub3A_1022 : f32 to vector<16xf32>
        %sub3A_1024 = arith.subf %mul3A_1021, %sub3A_1023 : vector<16xf32>
        %convert_element_type3A_1025 = arith.fptosi %sub3A_1024 : vector<16xf32> to vector<16xi32>
        %convert_element_type3A_1026 = arith.sitofp %convert_element_type3A_1025 : vector<16xi32> to vector<16xf32>
        %gt3A_1027 = arith.cmpf ogt, %sub3A_1024, %convert_element_type3A_1026 : vector<16xf32>
        %add3A_1028 = arith.constant 1 : i32
        %add3A_1029 = vector.broadcast %add3A_1028 : i32 to vector<16xi32>
        %add3A_1030 = arith.addi %convert_element_type3A_1025, %add3A_1029 : vector<16xi32>
        %select_n3A_1031 = arith.select %gt3A_1027, %add3A_1030, %convert_element_type3A_1025 : vector<16xi1>, vector<16xi32>
        %jit3A_1032 = arith.constant 0 : i32
        %jit3A_1033 = arith.constant 36 : i32
        %max3A_1034 = vector.broadcast %jit3A_1032 : i32 to vector<16xi32>
        %max3A_1035 = arith.maxsi %max3A_1034, %select_n3A_1031 : vector<16xi32>
        %min3A_1036 = vector.broadcast %jit3A_1033 : i32 to vector<16xi32>
        %min3A_1037 = arith.minsi %min3A_1036, %max3A_1035 : vector<16xi32>
        %add3A_1038 = arith.constant 444 : i32
        %add3A_1039 = vector.broadcast %add3A_1038 : i32 to vector<16xi32>
        %add3A_1040 = arith.addi %min3A_1037, %add3A_1039 : vector<16xi32>
        %shift_left3A_1041 = arith.constant 5 : i32
        %shift_left3A_1042 = vector.broadcast %shift_left3A_1041 : i32 to vector<16xi32>
        %shift_left3A_1043 = arith.shli %add3A_1040, %shift_left3A_1042 : vector<16xi32>
        %sub3A_1044 = arith.subf %broadcast_in_dim3A_91, %gather3A_186 : vector<16xf32>
        %sub3A_1045 = arith.subf %broadcast_in_dim3A_98, %gather3A_190 : vector<16xf32>
        %sub3A_1046 = arith.subf %broadcast_in_dim3A_105, %gather3A_194 : vector<16xf32>
        %mul3A_1047 = arith.mulf %sub3A_1044, %sub3A_1044 : vector<16xf32>
        %mul3A_1048 = arith.mulf %sub3A_1045, %sub3A_1045 : vector<16xf32>
        %add3A_1049 = arith.addf %mul3A_1047, %mul3A_1048 : vector<16xf32>
        %mul3A_1050 = arith.mulf %sub3A_1046, %sub3A_1046 : vector<16xf32>
        %add3A_1051 = arith.addf %add3A_1049, %mul3A_1050 : vector<16xf32>
        %max3A_1052 = arith.constant 1.000000e+00 : f32
        %max3A_1053 = vector.broadcast %max3A_1052 : f32 to vector<16xf32>
        %max3A_1054 = arith.maximumf %add3A_1051, %max3A_1053 : vector<16xf32>
        %bitcast_convert_type3A_1055 = tpu.bitcast %max3A_1054 : vector<16xf32> -> vector<16xi32>
        %shift_right_arithmetic3A_1056 = arith.constant 1 : i32
        %shift_right_arithmetic3A_1057 = vector.broadcast %shift_right_arithmetic3A_1056 : i32 to vector<16xi32>
        %shift_right_arithmetic3A_1058 = arith.shrsi %bitcast_convert_type3A_1055, %shift_right_arithmetic3A_1057 : vector<16xi32>
        %sub3A_1059 = vector.broadcast %scan3A_4 : i32 to vector<16xi32>
        %sub3A_1060 = arith.subi %sub3A_1059, %shift_right_arithmetic3A_1058 : vector<16xi32>
        %bitcast_convert_type3A_1061 = tpu.bitcast %sub3A_1060 : vector<16xi32> -> vector<16xf32>
        %mul3A_1062 = arith.constant 5.000000e-01 : f32
        %mul3A_1063 = vector.broadcast %mul3A_1062 : f32 to vector<16xf32>
        %mul3A_1064 = arith.mulf %max3A_1054, %mul3A_1063 : vector<16xf32>
        %mul3A_1065 = arith.mulf %mul3A_1064, %bitcast_convert_type3A_1061 : vector<16xf32>
        %mul3A_1066 = arith.mulf %mul3A_1065, %bitcast_convert_type3A_1061 : vector<16xf32>
        %sub3A_1067 = arith.constant 1.500000e+00 : f32
        %sub3A_1068 = vector.broadcast %sub3A_1067 : f32 to vector<16xf32>
        %sub3A_1069 = arith.subf %sub3A_1068, %mul3A_1066 : vector<16xf32>
        %mul3A_1070 = arith.mulf %bitcast_convert_type3A_1061, %sub3A_1069 : vector<16xf32>
        %mul3A_1071 = arith.mulf %mul3A_1064, %mul3A_1070 : vector<16xf32>
        %mul3A_1072 = arith.mulf %mul3A_1071, %mul3A_1070 : vector<16xf32>
        %sub3A_1073 = arith.constant 1.500000e+00 : f32
        %sub3A_1074 = vector.broadcast %sub3A_1073 : f32 to vector<16xf32>
        %sub3A_1075 = arith.subf %sub3A_1074, %mul3A_1072 : vector<16xf32>
        %mul3A_1076 = arith.mulf %mul3A_1070, %sub3A_1075 : vector<16xf32>
        %mul3A_1077 = arith.mulf %mul3A_1064, %mul3A_1076 : vector<16xf32>
        %mul3A_1078 = arith.mulf %mul3A_1077, %mul3A_1076 : vector<16xf32>
        %sub3A_1079 = arith.constant 1.500000e+00 : f32
        %sub3A_1080 = vector.broadcast %sub3A_1079 : f32 to vector<16xf32>
        %sub3A_1081 = arith.subf %sub3A_1080, %mul3A_1078 : vector<16xf32>
        %mul3A_1082 = arith.mulf %mul3A_1076, %sub3A_1081 : vector<16xf32>
        %mul3A_1083 = arith.mulf %max3A_1054, %mul3A_1082 : vector<16xf32>
        %mul3A_1084 = arith.constant 2.000000e+00 : f32
        %mul3A_1085 = vector.broadcast %mul3A_1084 : f32 to vector<16xf32>
        %mul3A_1086 = arith.mulf %mul3A_1085, %mul3A_1083 : vector<16xf32>
        %sub3A_1087 = arith.constant 4.000000e+00 : f32
        %sub3A_1088 = vector.broadcast %sub3A_1087 : f32 to vector<16xf32>
        %sub3A_1089 = arith.subf %mul3A_1086, %sub3A_1088 : vector<16xf32>
        %convert_element_type3A_1090 = arith.fptosi %sub3A_1089 : vector<16xf32> to vector<16xi32>
        %convert_element_type3A_1091 = arith.sitofp %convert_element_type3A_1090 : vector<16xi32> to vector<16xf32>
        %gt3A_1092 = arith.cmpf ogt, %sub3A_1089, %convert_element_type3A_1091 : vector<16xf32>
        %add3A_1093 = arith.constant 1 : i32
        %add3A_1094 = vector.broadcast %add3A_1093 : i32 to vector<16xi32>
        %add3A_1095 = arith.addi %convert_element_type3A_1090, %add3A_1094 : vector<16xi32>
        %select_n3A_1096 = arith.select %gt3A_1092, %add3A_1095, %convert_element_type3A_1090 : vector<16xi1>, vector<16xi32>
        %jit3A_1097 = arith.constant 0 : i32
        %jit3A_1098 = arith.constant 36 : i32
        %max3A_1099 = vector.broadcast %jit3A_1097 : i32 to vector<16xi32>
        %max3A_1100 = arith.maxsi %max3A_1099, %select_n3A_1096 : vector<16xi32>
        %min3A_1101 = vector.broadcast %jit3A_1098 : i32 to vector<16xi32>
        %min3A_1102 = arith.minsi %min3A_1101, %max3A_1100 : vector<16xi32>
        %add3A_1103 = arith.constant 481 : i32
        %add3A_1104 = vector.broadcast %add3A_1103 : i32 to vector<16xi32>
        %add3A_1105 = arith.addi %min3A_1102, %add3A_1104 : vector<16xi32>
        %shift_left3A_1106 = arith.constant 5 : i32
        %shift_left3A_1107 = vector.broadcast %shift_left3A_1106 : i32 to vector<16xi32>
        %shift_left3A_1108 = arith.shli %add3A_1105, %shift_left3A_1107 : vector<16xi32>
        %sub3A_1109 = arith.subf %broadcast_in_dim3A_91, %gather3A_198 : vector<16xf32>
        %sub3A_1110 = arith.subf %broadcast_in_dim3A_98, %gather3A_202 : vector<16xf32>
        %sub3A_1111 = arith.subf %broadcast_in_dim3A_105, %gather3A_206 : vector<16xf32>
        %mul3A_1112 = arith.mulf %sub3A_1109, %sub3A_1109 : vector<16xf32>
        %mul3A_1113 = arith.mulf %sub3A_1110, %sub3A_1110 : vector<16xf32>
        %add3A_1114 = arith.addf %mul3A_1112, %mul3A_1113 : vector<16xf32>
        %mul3A_1115 = arith.mulf %sub3A_1111, %sub3A_1111 : vector<16xf32>
        %add3A_1116 = arith.addf %add3A_1114, %mul3A_1115 : vector<16xf32>
        %max3A_1117 = arith.constant 1.000000e+00 : f32
        %max3A_1118 = vector.broadcast %max3A_1117 : f32 to vector<16xf32>
        %max3A_1119 = arith.maximumf %add3A_1116, %max3A_1118 : vector<16xf32>
        %bitcast_convert_type3A_1120 = tpu.bitcast %max3A_1119 : vector<16xf32> -> vector<16xi32>
        %shift_right_arithmetic3A_1121 = arith.constant 1 : i32
        %shift_right_arithmetic3A_1122 = vector.broadcast %shift_right_arithmetic3A_1121 : i32 to vector<16xi32>
        %shift_right_arithmetic3A_1123 = arith.shrsi %bitcast_convert_type3A_1120, %shift_right_arithmetic3A_1122 : vector<16xi32>
        %sub3A_1124 = vector.broadcast %scan3A_4 : i32 to vector<16xi32>
        %sub3A_1125 = arith.subi %sub3A_1124, %shift_right_arithmetic3A_1123 : vector<16xi32>
        %bitcast_convert_type3A_1126 = tpu.bitcast %sub3A_1125 : vector<16xi32> -> vector<16xf32>
        %mul3A_1127 = arith.constant 5.000000e-01 : f32
        %mul3A_1128 = vector.broadcast %mul3A_1127 : f32 to vector<16xf32>
        %mul3A_1129 = arith.mulf %max3A_1119, %mul3A_1128 : vector<16xf32>
        %mul3A_1130 = arith.mulf %mul3A_1129, %bitcast_convert_type3A_1126 : vector<16xf32>
        %mul3A_1131 = arith.mulf %mul3A_1130, %bitcast_convert_type3A_1126 : vector<16xf32>
        %sub3A_1132 = arith.constant 1.500000e+00 : f32
        %sub3A_1133 = vector.broadcast %sub3A_1132 : f32 to vector<16xf32>
        %sub3A_1134 = arith.subf %sub3A_1133, %mul3A_1131 : vector<16xf32>
        %mul3A_1135 = arith.mulf %bitcast_convert_type3A_1126, %sub3A_1134 : vector<16xf32>
        %mul3A_1136 = arith.mulf %mul3A_1129, %mul3A_1135 : vector<16xf32>
        %mul3A_1137 = arith.mulf %mul3A_1136, %mul3A_1135 : vector<16xf32>
        %sub3A_1138 = arith.constant 1.500000e+00 : f32
        %sub3A_1139 = vector.broadcast %sub3A_1138 : f32 to vector<16xf32>
        %sub3A_1140 = arith.subf %sub3A_1139, %mul3A_1137 : vector<16xf32>
        %mul3A_1141 = arith.mulf %mul3A_1135, %sub3A_1140 : vector<16xf32>
        %mul3A_1142 = arith.mulf %mul3A_1129, %mul3A_1141 : vector<16xf32>
        %mul3A_1143 = arith.mulf %mul3A_1142, %mul3A_1141 : vector<16xf32>
        %sub3A_1144 = arith.constant 1.500000e+00 : f32
        %sub3A_1145 = vector.broadcast %sub3A_1144 : f32 to vector<16xf32>
        %sub3A_1146 = arith.subf %sub3A_1145, %mul3A_1143 : vector<16xf32>
        %mul3A_1147 = arith.mulf %mul3A_1141, %sub3A_1146 : vector<16xf32>
        %mul3A_1148 = arith.mulf %max3A_1119, %mul3A_1147 : vector<16xf32>
        %mul3A_1149 = arith.constant 2.000000e+00 : f32
        %mul3A_1150 = vector.broadcast %mul3A_1149 : f32 to vector<16xf32>
        %mul3A_1151 = arith.mulf %mul3A_1150, %mul3A_1148 : vector<16xf32>
        %sub3A_1152 = arith.constant 4.000000e+00 : f32
        %sub3A_1153 = vector.broadcast %sub3A_1152 : f32 to vector<16xf32>
        %sub3A_1154 = arith.subf %mul3A_1151, %sub3A_1153 : vector<16xf32>
        %convert_element_type3A_1155 = arith.fptosi %sub3A_1154 : vector<16xf32> to vector<16xi32>
        %convert_element_type3A_1156 = arith.sitofp %convert_element_type3A_1155 : vector<16xi32> to vector<16xf32>
        %gt3A_1157 = arith.cmpf ogt, %sub3A_1154, %convert_element_type3A_1156 : vector<16xf32>
        %add3A_1158 = arith.constant 1 : i32
        %add3A_1159 = vector.broadcast %add3A_1158 : i32 to vector<16xi32>
        %add3A_1160 = arith.addi %convert_element_type3A_1155, %add3A_1159 : vector<16xi32>
        %select_n3A_1161 = arith.select %gt3A_1157, %add3A_1160, %convert_element_type3A_1155 : vector<16xi1>, vector<16xi32>
        %jit3A_1162 = arith.constant 0 : i32
        %jit3A_1163 = arith.constant 36 : i32
        %max3A_1164 = vector.broadcast %jit3A_1162 : i32 to vector<16xi32>
        %max3A_1165 = arith.maxsi %max3A_1164, %select_n3A_1161 : vector<16xi32>
        %min3A_1166 = vector.broadcast %jit3A_1163 : i32 to vector<16xi32>
        %min3A_1167 = arith.minsi %min3A_1166, %max3A_1165 : vector<16xi32>
        %add3A_1168 = arith.constant 518 : i32
        %add3A_1169 = vector.broadcast %add3A_1168 : i32 to vector<16xi32>
        %add3A_1170 = arith.addi %min3A_1167, %add3A_1169 : vector<16xi32>
        %shift_left3A_1171 = arith.constant 5 : i32
        %shift_left3A_1172 = vector.broadcast %shift_left3A_1171 : i32 to vector<16xi32>
        %shift_left3A_1173 = arith.shli %add3A_1170, %shift_left3A_1172 : vector<16xi32>
        %sub3A_1174 = arith.subf %broadcast_in_dim3A_112, %gather3A : vector<16xf32>
        %sub3A_1175 = arith.subf %broadcast_in_dim3A_119, %gather3A_154 : vector<16xf32>
        %sub3A_1176 = arith.subf %broadcast_in_dim3A_126, %gather3A_158 : vector<16xf32>
        %mul3A_1177 = arith.mulf %sub3A_1174, %sub3A_1174 : vector<16xf32>
        %mul3A_1178 = arith.mulf %sub3A_1175, %sub3A_1175 : vector<16xf32>
        %add3A_1179 = arith.addf %mul3A_1177, %mul3A_1178 : vector<16xf32>
        %mul3A_1180 = arith.mulf %sub3A_1176, %sub3A_1176 : vector<16xf32>
        %add3A_1181 = arith.addf %add3A_1179, %mul3A_1180 : vector<16xf32>
        %max3A_1182 = arith.constant 1.000000e+00 : f32
        %max3A_1183 = vector.broadcast %max3A_1182 : f32 to vector<16xf32>
        %max3A_1184 = arith.maximumf %add3A_1181, %max3A_1183 : vector<16xf32>
        %bitcast_convert_type3A_1185 = tpu.bitcast %max3A_1184 : vector<16xf32> -> vector<16xi32>
        %shift_right_arithmetic3A_1186 = arith.constant 1 : i32
        %shift_right_arithmetic3A_1187 = vector.broadcast %shift_right_arithmetic3A_1186 : i32 to vector<16xi32>
        %shift_right_arithmetic3A_1188 = arith.shrsi %bitcast_convert_type3A_1185, %shift_right_arithmetic3A_1187 : vector<16xi32>
        %sub3A_1189 = vector.broadcast %scan3A_4 : i32 to vector<16xi32>
        %sub3A_1190 = arith.subi %sub3A_1189, %shift_right_arithmetic3A_1188 : vector<16xi32>
        %bitcast_convert_type3A_1191 = tpu.bitcast %sub3A_1190 : vector<16xi32> -> vector<16xf32>
        %mul3A_1192 = arith.constant 5.000000e-01 : f32
        %mul3A_1193 = vector.broadcast %mul3A_1192 : f32 to vector<16xf32>
        %mul3A_1194 = arith.mulf %max3A_1184, %mul3A_1193 : vector<16xf32>
        %mul3A_1195 = arith.mulf %mul3A_1194, %bitcast_convert_type3A_1191 : vector<16xf32>
        %mul3A_1196 = arith.mulf %mul3A_1195, %bitcast_convert_type3A_1191 : vector<16xf32>
        %sub3A_1197 = arith.constant 1.500000e+00 : f32
        %sub3A_1198 = vector.broadcast %sub3A_1197 : f32 to vector<16xf32>
        %sub3A_1199 = arith.subf %sub3A_1198, %mul3A_1196 : vector<16xf32>
        %mul3A_1200 = arith.mulf %bitcast_convert_type3A_1191, %sub3A_1199 : vector<16xf32>
        %mul3A_1201 = arith.mulf %mul3A_1194, %mul3A_1200 : vector<16xf32>
        %mul3A_1202 = arith.mulf %mul3A_1201, %mul3A_1200 : vector<16xf32>
        %sub3A_1203 = arith.constant 1.500000e+00 : f32
        %sub3A_1204 = vector.broadcast %sub3A_1203 : f32 to vector<16xf32>
        %sub3A_1205 = arith.subf %sub3A_1204, %mul3A_1202 : vector<16xf32>
        %mul3A_1206 = arith.mulf %mul3A_1200, %sub3A_1205 : vector<16xf32>
        %mul3A_1207 = arith.mulf %mul3A_1194, %mul3A_1206 : vector<16xf32>
        %mul3A_1208 = arith.mulf %mul3A_1207, %mul3A_1206 : vector<16xf32>
        %sub3A_1209 = arith.constant 1.500000e+00 : f32
        %sub3A_1210 = vector.broadcast %sub3A_1209 : f32 to vector<16xf32>
        %sub3A_1211 = arith.subf %sub3A_1210, %mul3A_1208 : vector<16xf32>
        %mul3A_1212 = arith.mulf %mul3A_1206, %sub3A_1211 : vector<16xf32>
        %mul3A_1213 = arith.mulf %max3A_1184, %mul3A_1212 : vector<16xf32>
        %mul3A_1214 = arith.constant 2.000000e+00 : f32
        %mul3A_1215 = vector.broadcast %mul3A_1214 : f32 to vector<16xf32>
        %mul3A_1216 = arith.mulf %mul3A_1215, %mul3A_1213 : vector<16xf32>
        %sub3A_1217 = arith.constant 4.000000e+00 : f32
        %sub3A_1218 = vector.broadcast %sub3A_1217 : f32 to vector<16xf32>
        %sub3A_1219 = arith.subf %mul3A_1216, %sub3A_1218 : vector<16xf32>
        %convert_element_type3A_1220 = arith.fptosi %sub3A_1219 : vector<16xf32> to vector<16xi32>
        %convert_element_type3A_1221 = arith.sitofp %convert_element_type3A_1220 : vector<16xi32> to vector<16xf32>
        %gt3A_1222 = arith.cmpf ogt, %sub3A_1219, %convert_element_type3A_1221 : vector<16xf32>
        %add3A_1223 = arith.constant 1 : i32
        %add3A_1224 = vector.broadcast %add3A_1223 : i32 to vector<16xi32>
        %add3A_1225 = arith.addi %convert_element_type3A_1220, %add3A_1224 : vector<16xi32>
        %select_n3A_1226 = arith.select %gt3A_1222, %add3A_1225, %convert_element_type3A_1220 : vector<16xi1>, vector<16xi32>
        %jit3A_1227 = arith.constant 0 : i32
        %jit3A_1228 = arith.constant 36 : i32
        %max3A_1229 = vector.broadcast %jit3A_1227 : i32 to vector<16xi32>
        %max3A_1230 = arith.maxsi %max3A_1229, %select_n3A_1226 : vector<16xi32>
        %min3A_1231 = vector.broadcast %jit3A_1228 : i32 to vector<16xi32>
        %min3A_1232 = arith.minsi %min3A_1231, %max3A_1230 : vector<16xi32>
        %add3A_1233 = arith.constant 555 : i32
        %add3A_1234 = vector.broadcast %add3A_1233 : i32 to vector<16xi32>
        %add3A_1235 = arith.addi %min3A_1232, %add3A_1234 : vector<16xi32>
        %shift_left3A_1236 = arith.constant 5 : i32
        %shift_left3A_1237 = vector.broadcast %shift_left3A_1236 : i32 to vector<16xi32>
        %shift_left3A_1238 = arith.shli %add3A_1235, %shift_left3A_1237 : vector<16xi32>
        %sub3A_1239 = arith.subf %broadcast_in_dim3A_112, %gather3A_162 : vector<16xf32>
        %sub3A_1240 = arith.subf %broadcast_in_dim3A_119, %gather3A_166 : vector<16xf32>
        %sub3A_1241 = arith.subf %broadcast_in_dim3A_126, %gather3A_170 : vector<16xf32>
        %mul3A_1242 = arith.mulf %sub3A_1239, %sub3A_1239 : vector<16xf32>
        %mul3A_1243 = arith.mulf %sub3A_1240, %sub3A_1240 : vector<16xf32>
        %add3A_1244 = arith.addf %mul3A_1242, %mul3A_1243 : vector<16xf32>
        %mul3A_1245 = arith.mulf %sub3A_1241, %sub3A_1241 : vector<16xf32>
        %add3A_1246 = arith.addf %add3A_1244, %mul3A_1245 : vector<16xf32>
        %max3A_1247 = arith.constant 1.000000e+00 : f32
        %max3A_1248 = vector.broadcast %max3A_1247 : f32 to vector<16xf32>
        %max3A_1249 = arith.maximumf %add3A_1246, %max3A_1248 : vector<16xf32>
        %bitcast_convert_type3A_1250 = tpu.bitcast %max3A_1249 : vector<16xf32> -> vector<16xi32>
        %shift_right_arithmetic3A_1251 = arith.constant 1 : i32
        %shift_right_arithmetic3A_1252 = vector.broadcast %shift_right_arithmetic3A_1251 : i32 to vector<16xi32>
        %shift_right_arithmetic3A_1253 = arith.shrsi %bitcast_convert_type3A_1250, %shift_right_arithmetic3A_1252 : vector<16xi32>
        %sub3A_1254 = vector.broadcast %scan3A_4 : i32 to vector<16xi32>
        %sub3A_1255 = arith.subi %sub3A_1254, %shift_right_arithmetic3A_1253 : vector<16xi32>
        %bitcast_convert_type3A_1256 = tpu.bitcast %sub3A_1255 : vector<16xi32> -> vector<16xf32>
        %mul3A_1257 = arith.constant 5.000000e-01 : f32
        %mul3A_1258 = vector.broadcast %mul3A_1257 : f32 to vector<16xf32>
        %mul3A_1259 = arith.mulf %max3A_1249, %mul3A_1258 : vector<16xf32>
        %mul3A_1260 = arith.mulf %mul3A_1259, %bitcast_convert_type3A_1256 : vector<16xf32>
        %mul3A_1261 = arith.mulf %mul3A_1260, %bitcast_convert_type3A_1256 : vector<16xf32>
        %sub3A_1262 = arith.constant 1.500000e+00 : f32
        %sub3A_1263 = vector.broadcast %sub3A_1262 : f32 to vector<16xf32>
        %sub3A_1264 = arith.subf %sub3A_1263, %mul3A_1261 : vector<16xf32>
        %mul3A_1265 = arith.mulf %bitcast_convert_type3A_1256, %sub3A_1264 : vector<16xf32>
        %mul3A_1266 = arith.mulf %mul3A_1259, %mul3A_1265 : vector<16xf32>
        %mul3A_1267 = arith.mulf %mul3A_1266, %mul3A_1265 : vector<16xf32>
        %sub3A_1268 = arith.constant 1.500000e+00 : f32
        %sub3A_1269 = vector.broadcast %sub3A_1268 : f32 to vector<16xf32>
        %sub3A_1270 = arith.subf %sub3A_1269, %mul3A_1267 : vector<16xf32>
        %mul3A_1271 = arith.mulf %mul3A_1265, %sub3A_1270 : vector<16xf32>
        %mul3A_1272 = arith.mulf %mul3A_1259, %mul3A_1271 : vector<16xf32>
        %mul3A_1273 = arith.mulf %mul3A_1272, %mul3A_1271 : vector<16xf32>
        %sub3A_1274 = arith.constant 1.500000e+00 : f32
        %sub3A_1275 = vector.broadcast %sub3A_1274 : f32 to vector<16xf32>
        %sub3A_1276 = arith.subf %sub3A_1275, %mul3A_1273 : vector<16xf32>
        %mul3A_1277 = arith.mulf %mul3A_1271, %sub3A_1276 : vector<16xf32>
        %mul3A_1278 = arith.mulf %max3A_1249, %mul3A_1277 : vector<16xf32>
        %mul3A_1279 = arith.constant 2.000000e+00 : f32
        %mul3A_1280 = vector.broadcast %mul3A_1279 : f32 to vector<16xf32>
        %mul3A_1281 = arith.mulf %mul3A_1280, %mul3A_1278 : vector<16xf32>
        %sub3A_1282 = arith.constant 4.000000e+00 : f32
        %sub3A_1283 = vector.broadcast %sub3A_1282 : f32 to vector<16xf32>
        %sub3A_1284 = arith.subf %mul3A_1281, %sub3A_1283 : vector<16xf32>
        %convert_element_type3A_1285 = arith.fptosi %sub3A_1284 : vector<16xf32> to vector<16xi32>
        %convert_element_type3A_1286 = arith.sitofp %convert_element_type3A_1285 : vector<16xi32> to vector<16xf32>
        %gt3A_1287 = arith.cmpf ogt, %sub3A_1284, %convert_element_type3A_1286 : vector<16xf32>
        %add3A_1288 = arith.constant 1 : i32
        %add3A_1289 = vector.broadcast %add3A_1288 : i32 to vector<16xi32>
        %add3A_1290 = arith.addi %convert_element_type3A_1285, %add3A_1289 : vector<16xi32>
        %select_n3A_1291 = arith.select %gt3A_1287, %add3A_1290, %convert_element_type3A_1285 : vector<16xi1>, vector<16xi32>
        %jit3A_1292 = arith.constant 0 : i32
        %jit3A_1293 = arith.constant 36 : i32
        %max3A_1294 = vector.broadcast %jit3A_1292 : i32 to vector<16xi32>
        %max3A_1295 = arith.maxsi %max3A_1294, %select_n3A_1291 : vector<16xi32>
        %min3A_1296 = vector.broadcast %jit3A_1293 : i32 to vector<16xi32>
        %min3A_1297 = arith.minsi %min3A_1296, %max3A_1295 : vector<16xi32>
        %add3A_1298 = arith.constant 592 : i32
        %add3A_1299 = vector.broadcast %add3A_1298 : i32 to vector<16xi32>
        %add3A_1300 = arith.addi %min3A_1297, %add3A_1299 : vector<16xi32>
        %shift_left3A_1301 = arith.constant 5 : i32
        %shift_left3A_1302 = vector.broadcast %shift_left3A_1301 : i32 to vector<16xi32>
        %shift_left3A_1303 = arith.shli %add3A_1300, %shift_left3A_1302 : vector<16xi32>
        %sub3A_1304 = arith.subf %broadcast_in_dim3A_112, %gather3A_174 : vector<16xf32>
        %sub3A_1305 = arith.subf %broadcast_in_dim3A_119, %gather3A_178 : vector<16xf32>
        %sub3A_1306 = arith.subf %broadcast_in_dim3A_126, %gather3A_182 : vector<16xf32>
        %mul3A_1307 = arith.mulf %sub3A_1304, %sub3A_1304 : vector<16xf32>
        %mul3A_1308 = arith.mulf %sub3A_1305, %sub3A_1305 : vector<16xf32>
        %add3A_1309 = arith.addf %mul3A_1307, %mul3A_1308 : vector<16xf32>
        %mul3A_1310 = arith.mulf %sub3A_1306, %sub3A_1306 : vector<16xf32>
        %add3A_1311 = arith.addf %add3A_1309, %mul3A_1310 : vector<16xf32>
        %max3A_1312 = arith.constant 1.000000e+00 : f32
        %max3A_1313 = vector.broadcast %max3A_1312 : f32 to vector<16xf32>
        %max3A_1314 = arith.maximumf %add3A_1311, %max3A_1313 : vector<16xf32>
        %bitcast_convert_type3A_1315 = tpu.bitcast %max3A_1314 : vector<16xf32> -> vector<16xi32>
        %shift_right_arithmetic3A_1316 = arith.constant 1 : i32
        %shift_right_arithmetic3A_1317 = vector.broadcast %shift_right_arithmetic3A_1316 : i32 to vector<16xi32>
        %shift_right_arithmetic3A_1318 = arith.shrsi %bitcast_convert_type3A_1315, %shift_right_arithmetic3A_1317 : vector<16xi32>
        %sub3A_1319 = vector.broadcast %scan3A_4 : i32 to vector<16xi32>
        %sub3A_1320 = arith.subi %sub3A_1319, %shift_right_arithmetic3A_1318 : vector<16xi32>
        %bitcast_convert_type3A_1321 = tpu.bitcast %sub3A_1320 : vector<16xi32> -> vector<16xf32>
        %mul3A_1322 = arith.constant 5.000000e-01 : f32
        %mul3A_1323 = vector.broadcast %mul3A_1322 : f32 to vector<16xf32>
        %mul3A_1324 = arith.mulf %max3A_1314, %mul3A_1323 : vector<16xf32>
        %mul3A_1325 = arith.mulf %mul3A_1324, %bitcast_convert_type3A_1321 : vector<16xf32>
        %mul3A_1326 = arith.mulf %mul3A_1325, %bitcast_convert_type3A_1321 : vector<16xf32>
        %sub3A_1327 = arith.constant 1.500000e+00 : f32
        %sub3A_1328 = vector.broadcast %sub3A_1327 : f32 to vector<16xf32>
        %sub3A_1329 = arith.subf %sub3A_1328, %mul3A_1326 : vector<16xf32>
        %mul3A_1330 = arith.mulf %bitcast_convert_type3A_1321, %sub3A_1329 : vector<16xf32>
        %mul3A_1331 = arith.mulf %mul3A_1324, %mul3A_1330 : vector<16xf32>
        %mul3A_1332 = arith.mulf %mul3A_1331, %mul3A_1330 : vector<16xf32>
        %sub3A_1333 = arith.constant 1.500000e+00 : f32
        %sub3A_1334 = vector.broadcast %sub3A_1333 : f32 to vector<16xf32>
        %sub3A_1335 = arith.subf %sub3A_1334, %mul3A_1332 : vector<16xf32>
        %mul3A_1336 = arith.mulf %mul3A_1330, %sub3A_1335 : vector<16xf32>
        %mul3A_1337 = arith.mulf %mul3A_1324, %mul3A_1336 : vector<16xf32>
        %mul3A_1338 = arith.mulf %mul3A_1337, %mul3A_1336 : vector<16xf32>
        %sub3A_1339 = arith.constant 1.500000e+00 : f32
        %sub3A_1340 = vector.broadcast %sub3A_1339 : f32 to vector<16xf32>
        %sub3A_1341 = arith.subf %sub3A_1340, %mul3A_1338 : vector<16xf32>
        %mul3A_1342 = arith.mulf %mul3A_1336, %sub3A_1341 : vector<16xf32>
        %mul3A_1343 = arith.mulf %max3A_1314, %mul3A_1342 : vector<16xf32>
        %mul3A_1344 = arith.constant 2.000000e+00 : f32
        %mul3A_1345 = vector.broadcast %mul3A_1344 : f32 to vector<16xf32>
        %mul3A_1346 = arith.mulf %mul3A_1345, %mul3A_1343 : vector<16xf32>
        %sub3A_1347 = arith.constant 4.000000e+00 : f32
        %sub3A_1348 = vector.broadcast %sub3A_1347 : f32 to vector<16xf32>
        %sub3A_1349 = arith.subf %mul3A_1346, %sub3A_1348 : vector<16xf32>
        %convert_element_type3A_1350 = arith.fptosi %sub3A_1349 : vector<16xf32> to vector<16xi32>
        %convert_element_type3A_1351 = arith.sitofp %convert_element_type3A_1350 : vector<16xi32> to vector<16xf32>
        %gt3A_1352 = arith.cmpf ogt, %sub3A_1349, %convert_element_type3A_1351 : vector<16xf32>
        %add3A_1353 = arith.constant 1 : i32
        %add3A_1354 = vector.broadcast %add3A_1353 : i32 to vector<16xi32>
        %add3A_1355 = arith.addi %convert_element_type3A_1350, %add3A_1354 : vector<16xi32>
        %select_n3A_1356 = arith.select %gt3A_1352, %add3A_1355, %convert_element_type3A_1350 : vector<16xi1>, vector<16xi32>
        %jit3A_1357 = arith.constant 0 : i32
        %jit3A_1358 = arith.constant 36 : i32
        %max3A_1359 = vector.broadcast %jit3A_1357 : i32 to vector<16xi32>
        %max3A_1360 = arith.maxsi %max3A_1359, %select_n3A_1356 : vector<16xi32>
        %min3A_1361 = vector.broadcast %jit3A_1358 : i32 to vector<16xi32>
        %min3A_1362 = arith.minsi %min3A_1361, %max3A_1360 : vector<16xi32>
        %add3A_1363 = arith.constant 629 : i32
        %add3A_1364 = vector.broadcast %add3A_1363 : i32 to vector<16xi32>
        %add3A_1365 = arith.addi %min3A_1362, %add3A_1364 : vector<16xi32>
        %shift_left3A_1366 = arith.constant 5 : i32
        %shift_left3A_1367 = vector.broadcast %shift_left3A_1366 : i32 to vector<16xi32>
        %shift_left3A_1368 = arith.shli %add3A_1365, %shift_left3A_1367 : vector<16xi32>
        %sub3A_1369 = arith.subf %broadcast_in_dim3A_112, %gather3A_186 : vector<16xf32>
        %sub3A_1370 = arith.subf %broadcast_in_dim3A_119, %gather3A_190 : vector<16xf32>
        %sub3A_1371 = arith.subf %broadcast_in_dim3A_126, %gather3A_194 : vector<16xf32>
        %mul3A_1372 = arith.mulf %sub3A_1369, %sub3A_1369 : vector<16xf32>
        %mul3A_1373 = arith.mulf %sub3A_1370, %sub3A_1370 : vector<16xf32>
        %add3A_1374 = arith.addf %mul3A_1372, %mul3A_1373 : vector<16xf32>
        %mul3A_1375 = arith.mulf %sub3A_1371, %sub3A_1371 : vector<16xf32>
        %add3A_1376 = arith.addf %add3A_1374, %mul3A_1375 : vector<16xf32>
        %max3A_1377 = arith.constant 1.000000e+00 : f32
        %max3A_1378 = vector.broadcast %max3A_1377 : f32 to vector<16xf32>
        %max3A_1379 = arith.maximumf %add3A_1376, %max3A_1378 : vector<16xf32>
        %bitcast_convert_type3A_1380 = tpu.bitcast %max3A_1379 : vector<16xf32> -> vector<16xi32>
        %shift_right_arithmetic3A_1381 = arith.constant 1 : i32
        %shift_right_arithmetic3A_1382 = vector.broadcast %shift_right_arithmetic3A_1381 : i32 to vector<16xi32>
        %shift_right_arithmetic3A_1383 = arith.shrsi %bitcast_convert_type3A_1380, %shift_right_arithmetic3A_1382 : vector<16xi32>
        %sub3A_1384 = vector.broadcast %scan3A_4 : i32 to vector<16xi32>
        %sub3A_1385 = arith.subi %sub3A_1384, %shift_right_arithmetic3A_1383 : vector<16xi32>
        %bitcast_convert_type3A_1386 = tpu.bitcast %sub3A_1385 : vector<16xi32> -> vector<16xf32>
        %mul3A_1387 = arith.constant 5.000000e-01 : f32
        %mul3A_1388 = vector.broadcast %mul3A_1387 : f32 to vector<16xf32>
        %mul3A_1389 = arith.mulf %max3A_1379, %mul3A_1388 : vector<16xf32>
        %mul3A_1390 = arith.mulf %mul3A_1389, %bitcast_convert_type3A_1386 : vector<16xf32>
        %mul3A_1391 = arith.mulf %mul3A_1390, %bitcast_convert_type3A_1386 : vector<16xf32>
        %sub3A_1392 = arith.constant 1.500000e+00 : f32
        %sub3A_1393 = vector.broadcast %sub3A_1392 : f32 to vector<16xf32>
        %sub3A_1394 = arith.subf %sub3A_1393, %mul3A_1391 : vector<16xf32>
        %mul3A_1395 = arith.mulf %bitcast_convert_type3A_1386, %sub3A_1394 : vector<16xf32>
        %mul3A_1396 = arith.mulf %mul3A_1389, %mul3A_1395 : vector<16xf32>
        %mul3A_1397 = arith.mulf %mul3A_1396, %mul3A_1395 : vector<16xf32>
        %sub3A_1398 = arith.constant 1.500000e+00 : f32
        %sub3A_1399 = vector.broadcast %sub3A_1398 : f32 to vector<16xf32>
        %sub3A_1400 = arith.subf %sub3A_1399, %mul3A_1397 : vector<16xf32>
        %mul3A_1401 = arith.mulf %mul3A_1395, %sub3A_1400 : vector<16xf32>
        %mul3A_1402 = arith.mulf %mul3A_1389, %mul3A_1401 : vector<16xf32>
        %mul3A_1403 = arith.mulf %mul3A_1402, %mul3A_1401 : vector<16xf32>
        %sub3A_1404 = arith.constant 1.500000e+00 : f32
        %sub3A_1405 = vector.broadcast %sub3A_1404 : f32 to vector<16xf32>
        %sub3A_1406 = arith.subf %sub3A_1405, %mul3A_1403 : vector<16xf32>
        %mul3A_1407 = arith.mulf %mul3A_1401, %sub3A_1406 : vector<16xf32>
        %mul3A_1408 = arith.mulf %max3A_1379, %mul3A_1407 : vector<16xf32>
        %mul3A_1409 = arith.constant 2.000000e+00 : f32
        %mul3A_1410 = vector.broadcast %mul3A_1409 : f32 to vector<16xf32>
        %mul3A_1411 = arith.mulf %mul3A_1410, %mul3A_1408 : vector<16xf32>
        %sub3A_1412 = arith.constant 4.000000e+00 : f32
        %sub3A_1413 = vector.broadcast %sub3A_1412 : f32 to vector<16xf32>
        %sub3A_1414 = arith.subf %mul3A_1411, %sub3A_1413 : vector<16xf32>
        %convert_element_type3A_1415 = arith.fptosi %sub3A_1414 : vector<16xf32> to vector<16xi32>
        %convert_element_type3A_1416 = arith.sitofp %convert_element_type3A_1415 : vector<16xi32> to vector<16xf32>
        %gt3A_1417 = arith.cmpf ogt, %sub3A_1414, %convert_element_type3A_1416 : vector<16xf32>
        %add3A_1418 = arith.constant 1 : i32
        %add3A_1419 = vector.broadcast %add3A_1418 : i32 to vector<16xi32>
        %add3A_1420 = arith.addi %convert_element_type3A_1415, %add3A_1419 : vector<16xi32>
        %select_n3A_1421 = arith.select %gt3A_1417, %add3A_1420, %convert_element_type3A_1415 : vector<16xi1>, vector<16xi32>
        %jit3A_1422 = arith.constant 0 : i32
        %jit3A_1423 = arith.constant 36 : i32
        %max3A_1424 = vector.broadcast %jit3A_1422 : i32 to vector<16xi32>
        %max3A_1425 = arith.maxsi %max3A_1424, %select_n3A_1421 : vector<16xi32>
        %min3A_1426 = vector.broadcast %jit3A_1423 : i32 to vector<16xi32>
        %min3A_1427 = arith.minsi %min3A_1426, %max3A_1425 : vector<16xi32>
        %add3A_1428 = arith.constant 666 : i32
        %add3A_1429 = vector.broadcast %add3A_1428 : i32 to vector<16xi32>
        %add3A_1430 = arith.addi %min3A_1427, %add3A_1429 : vector<16xi32>
        %shift_left3A_1431 = arith.constant 5 : i32
        %shift_left3A_1432 = vector.broadcast %shift_left3A_1431 : i32 to vector<16xi32>
        %shift_left3A_1433 = arith.shli %add3A_1430, %shift_left3A_1432 : vector<16xi32>
        %sub3A_1434 = arith.subf %broadcast_in_dim3A_112, %gather3A_198 : vector<16xf32>
        %sub3A_1435 = arith.subf %broadcast_in_dim3A_119, %gather3A_202 : vector<16xf32>
        %sub3A_1436 = arith.subf %broadcast_in_dim3A_126, %gather3A_206 : vector<16xf32>
        %mul3A_1437 = arith.mulf %sub3A_1434, %sub3A_1434 : vector<16xf32>
        %mul3A_1438 = arith.mulf %sub3A_1435, %sub3A_1435 : vector<16xf32>
        %add3A_1439 = arith.addf %mul3A_1437, %mul3A_1438 : vector<16xf32>
        %mul3A_1440 = arith.mulf %sub3A_1436, %sub3A_1436 : vector<16xf32>
        %add3A_1441 = arith.addf %add3A_1439, %mul3A_1440 : vector<16xf32>
        %max3A_1442 = arith.constant 1.000000e+00 : f32
        %max3A_1443 = vector.broadcast %max3A_1442 : f32 to vector<16xf32>
        %max3A_1444 = arith.maximumf %add3A_1441, %max3A_1443 : vector<16xf32>
        %bitcast_convert_type3A_1445 = tpu.bitcast %max3A_1444 : vector<16xf32> -> vector<16xi32>
        %shift_right_arithmetic3A_1446 = arith.constant 1 : i32
        %shift_right_arithmetic3A_1447 = vector.broadcast %shift_right_arithmetic3A_1446 : i32 to vector<16xi32>
        %shift_right_arithmetic3A_1448 = arith.shrsi %bitcast_convert_type3A_1445, %shift_right_arithmetic3A_1447 : vector<16xi32>
        %sub3A_1449 = vector.broadcast %scan3A_4 : i32 to vector<16xi32>
        %sub3A_1450 = arith.subi %sub3A_1449, %shift_right_arithmetic3A_1448 : vector<16xi32>
        %bitcast_convert_type3A_1451 = tpu.bitcast %sub3A_1450 : vector<16xi32> -> vector<16xf32>
        %mul3A_1452 = arith.constant 5.000000e-01 : f32
        %mul3A_1453 = vector.broadcast %mul3A_1452 : f32 to vector<16xf32>
        %mul3A_1454 = arith.mulf %max3A_1444, %mul3A_1453 : vector<16xf32>
        %mul3A_1455 = arith.mulf %mul3A_1454, %bitcast_convert_type3A_1451 : vector<16xf32>
        %mul3A_1456 = arith.mulf %mul3A_1455, %bitcast_convert_type3A_1451 : vector<16xf32>
        %sub3A_1457 = arith.constant 1.500000e+00 : f32
        %sub3A_1458 = vector.broadcast %sub3A_1457 : f32 to vector<16xf32>
        %sub3A_1459 = arith.subf %sub3A_1458, %mul3A_1456 : vector<16xf32>
        %mul3A_1460 = arith.mulf %bitcast_convert_type3A_1451, %sub3A_1459 : vector<16xf32>
        %mul3A_1461 = arith.mulf %mul3A_1454, %mul3A_1460 : vector<16xf32>
        %mul3A_1462 = arith.mulf %mul3A_1461, %mul3A_1460 : vector<16xf32>
        %sub3A_1463 = arith.constant 1.500000e+00 : f32
        %sub3A_1464 = vector.broadcast %sub3A_1463 : f32 to vector<16xf32>
        %sub3A_1465 = arith.subf %sub3A_1464, %mul3A_1462 : vector<16xf32>
        %mul3A_1466 = arith.mulf %mul3A_1460, %sub3A_1465 : vector<16xf32>
        %mul3A_1467 = arith.mulf %mul3A_1454, %mul3A_1466 : vector<16xf32>
        %mul3A_1468 = arith.mulf %mul3A_1467, %mul3A_1466 : vector<16xf32>
        %sub3A_1469 = arith.constant 1.500000e+00 : f32
        %sub3A_1470 = vector.broadcast %sub3A_1469 : f32 to vector<16xf32>
        %sub3A_1471 = arith.subf %sub3A_1470, %mul3A_1468 : vector<16xf32>
        %mul3A_1472 = arith.mulf %mul3A_1466, %sub3A_1471 : vector<16xf32>
        %mul3A_1473 = arith.mulf %max3A_1444, %mul3A_1472 : vector<16xf32>
        %mul3A_1474 = arith.constant 2.000000e+00 : f32
        %mul3A_1475 = vector.broadcast %mul3A_1474 : f32 to vector<16xf32>
        %mul3A_1476 = arith.mulf %mul3A_1475, %mul3A_1473 : vector<16xf32>
        %sub3A_1477 = arith.constant 4.000000e+00 : f32
        %sub3A_1478 = vector.broadcast %sub3A_1477 : f32 to vector<16xf32>
        %sub3A_1479 = arith.subf %mul3A_1476, %sub3A_1478 : vector<16xf32>
        %convert_element_type3A_1480 = arith.fptosi %sub3A_1479 : vector<16xf32> to vector<16xi32>
        %convert_element_type3A_1481 = arith.sitofp %convert_element_type3A_1480 : vector<16xi32> to vector<16xf32>
        %gt3A_1482 = arith.cmpf ogt, %sub3A_1479, %convert_element_type3A_1481 : vector<16xf32>
        %add3A_1483 = arith.constant 1 : i32
        %add3A_1484 = vector.broadcast %add3A_1483 : i32 to vector<16xi32>
        %add3A_1485 = arith.addi %convert_element_type3A_1480, %add3A_1484 : vector<16xi32>
        %select_n3A_1486 = arith.select %gt3A_1482, %add3A_1485, %convert_element_type3A_1480 : vector<16xi1>, vector<16xi32>
        %jit3A_1487 = arith.constant 0 : i32
        %jit3A_1488 = arith.constant 36 : i32
        %max3A_1489 = vector.broadcast %jit3A_1487 : i32 to vector<16xi32>
        %max3A_1490 = arith.maxsi %max3A_1489, %select_n3A_1486 : vector<16xi32>
        %min3A_1491 = vector.broadcast %jit3A_1488 : i32 to vector<16xi32>
        %min3A_1492 = arith.minsi %min3A_1491, %max3A_1490 : vector<16xi32>
        %add3A_1493 = arith.constant 703 : i32
        %add3A_1494 = vector.broadcast %add3A_1493 : i32 to vector<16xi32>
        %add3A_1495 = arith.addi %min3A_1492, %add3A_1494 : vector<16xi32>
        %shift_left3A_1496 = arith.constant 5 : i32
        %shift_left3A_1497 = vector.broadcast %shift_left3A_1496 : i32 to vector<16xi32>
        %shift_left3A_1498 = arith.shli %add3A_1495, %shift_left3A_1497 : vector<16xi32>
        %sub3A_1499 = arith.subf %broadcast_in_dim3A_133, %gather3A : vector<16xf32>
        %sub3A_1500 = arith.subf %broadcast_in_dim3A_140, %gather3A_154 : vector<16xf32>
        %sub3A_1501 = arith.subf %broadcast_in_dim3A_147, %gather3A_158 : vector<16xf32>
        %mul3A_1502 = arith.mulf %sub3A_1499, %sub3A_1499 : vector<16xf32>
        %mul3A_1503 = arith.mulf %sub3A_1500, %sub3A_1500 : vector<16xf32>
        %add3A_1504 = arith.addf %mul3A_1502, %mul3A_1503 : vector<16xf32>
        %mul3A_1505 = arith.mulf %sub3A_1501, %sub3A_1501 : vector<16xf32>
        %add3A_1506 = arith.addf %add3A_1504, %mul3A_1505 : vector<16xf32>
        %max3A_1507 = arith.constant 1.000000e+00 : f32
        %max3A_1508 = vector.broadcast %max3A_1507 : f32 to vector<16xf32>
        %max3A_1509 = arith.maximumf %add3A_1506, %max3A_1508 : vector<16xf32>
        %bitcast_convert_type3A_1510 = tpu.bitcast %max3A_1509 : vector<16xf32> -> vector<16xi32>
        %shift_right_arithmetic3A_1511 = arith.constant 1 : i32
        %shift_right_arithmetic3A_1512 = vector.broadcast %shift_right_arithmetic3A_1511 : i32 to vector<16xi32>
        %shift_right_arithmetic3A_1513 = arith.shrsi %bitcast_convert_type3A_1510, %shift_right_arithmetic3A_1512 : vector<16xi32>
        %sub3A_1514 = vector.broadcast %scan3A_4 : i32 to vector<16xi32>
        %sub3A_1515 = arith.subi %sub3A_1514, %shift_right_arithmetic3A_1513 : vector<16xi32>
        %bitcast_convert_type3A_1516 = tpu.bitcast %sub3A_1515 : vector<16xi32> -> vector<16xf32>
        %mul3A_1517 = arith.constant 5.000000e-01 : f32
        %mul3A_1518 = vector.broadcast %mul3A_1517 : f32 to vector<16xf32>
        %mul3A_1519 = arith.mulf %max3A_1509, %mul3A_1518 : vector<16xf32>
        %mul3A_1520 = arith.mulf %mul3A_1519, %bitcast_convert_type3A_1516 : vector<16xf32>
        %mul3A_1521 = arith.mulf %mul3A_1520, %bitcast_convert_type3A_1516 : vector<16xf32>
        %sub3A_1522 = arith.constant 1.500000e+00 : f32
        %sub3A_1523 = vector.broadcast %sub3A_1522 : f32 to vector<16xf32>
        %sub3A_1524 = arith.subf %sub3A_1523, %mul3A_1521 : vector<16xf32>
        %mul3A_1525 = arith.mulf %bitcast_convert_type3A_1516, %sub3A_1524 : vector<16xf32>
        %mul3A_1526 = arith.mulf %mul3A_1519, %mul3A_1525 : vector<16xf32>
        %mul3A_1527 = arith.mulf %mul3A_1526, %mul3A_1525 : vector<16xf32>
        %sub3A_1528 = arith.constant 1.500000e+00 : f32
        %sub3A_1529 = vector.broadcast %sub3A_1528 : f32 to vector<16xf32>
        %sub3A_1530 = arith.subf %sub3A_1529, %mul3A_1527 : vector<16xf32>
        %mul3A_1531 = arith.mulf %mul3A_1525, %sub3A_1530 : vector<16xf32>
        %mul3A_1532 = arith.mulf %mul3A_1519, %mul3A_1531 : vector<16xf32>
        %mul3A_1533 = arith.mulf %mul3A_1532, %mul3A_1531 : vector<16xf32>
        %sub3A_1534 = arith.constant 1.500000e+00 : f32
        %sub3A_1535 = vector.broadcast %sub3A_1534 : f32 to vector<16xf32>
        %sub3A_1536 = arith.subf %sub3A_1535, %mul3A_1533 : vector<16xf32>
        %mul3A_1537 = arith.mulf %mul3A_1531, %sub3A_1536 : vector<16xf32>
        %mul3A_1538 = arith.mulf %max3A_1509, %mul3A_1537 : vector<16xf32>
        %mul3A_1539 = arith.constant 2.000000e+00 : f32
        %mul3A_1540 = vector.broadcast %mul3A_1539 : f32 to vector<16xf32>
        %mul3A_1541 = arith.mulf %mul3A_1540, %mul3A_1538 : vector<16xf32>
        %sub3A_1542 = arith.constant 4.000000e+00 : f32
        %sub3A_1543 = vector.broadcast %sub3A_1542 : f32 to vector<16xf32>
        %sub3A_1544 = arith.subf %mul3A_1541, %sub3A_1543 : vector<16xf32>
        %convert_element_type3A_1545 = arith.fptosi %sub3A_1544 : vector<16xf32> to vector<16xi32>
        %convert_element_type3A_1546 = arith.sitofp %convert_element_type3A_1545 : vector<16xi32> to vector<16xf32>
        %gt3A_1547 = arith.cmpf ogt, %sub3A_1544, %convert_element_type3A_1546 : vector<16xf32>
        %add3A_1548 = arith.constant 1 : i32
        %add3A_1549 = vector.broadcast %add3A_1548 : i32 to vector<16xi32>
        %add3A_1550 = arith.addi %convert_element_type3A_1545, %add3A_1549 : vector<16xi32>
        %select_n3A_1551 = arith.select %gt3A_1547, %add3A_1550, %convert_element_type3A_1545 : vector<16xi1>, vector<16xi32>
        %jit3A_1552 = arith.constant 0 : i32
        %jit3A_1553 = arith.constant 36 : i32
        %max3A_1554 = vector.broadcast %jit3A_1552 : i32 to vector<16xi32>
        %max3A_1555 = arith.maxsi %max3A_1554, %select_n3A_1551 : vector<16xi32>
        %min3A_1556 = vector.broadcast %jit3A_1553 : i32 to vector<16xi32>
        %min3A_1557 = arith.minsi %min3A_1556, %max3A_1555 : vector<16xi32>
        %add3A_1558 = arith.constant 740 : i32
        %add3A_1559 = vector.broadcast %add3A_1558 : i32 to vector<16xi32>
        %add3A_1560 = arith.addi %min3A_1557, %add3A_1559 : vector<16xi32>
        %shift_left3A_1561 = arith.constant 5 : i32
        %shift_left3A_1562 = vector.broadcast %shift_left3A_1561 : i32 to vector<16xi32>
        %shift_left3A_1563 = arith.shli %add3A_1560, %shift_left3A_1562 : vector<16xi32>
        %sub3A_1564 = arith.subf %broadcast_in_dim3A_133, %gather3A_162 : vector<16xf32>
        %sub3A_1565 = arith.subf %broadcast_in_dim3A_140, %gather3A_166 : vector<16xf32>
        %sub3A_1566 = arith.subf %broadcast_in_dim3A_147, %gather3A_170 : vector<16xf32>
        %mul3A_1567 = arith.mulf %sub3A_1564, %sub3A_1564 : vector<16xf32>
        %mul3A_1568 = arith.mulf %sub3A_1565, %sub3A_1565 : vector<16xf32>
        %add3A_1569 = arith.addf %mul3A_1567, %mul3A_1568 : vector<16xf32>
        %mul3A_1570 = arith.mulf %sub3A_1566, %sub3A_1566 : vector<16xf32>
        %add3A_1571 = arith.addf %add3A_1569, %mul3A_1570 : vector<16xf32>
        %max3A_1572 = arith.constant 1.000000e+00 : f32
        %max3A_1573 = vector.broadcast %max3A_1572 : f32 to vector<16xf32>
        %max3A_1574 = arith.maximumf %add3A_1571, %max3A_1573 : vector<16xf32>
        %bitcast_convert_type3A_1575 = tpu.bitcast %max3A_1574 : vector<16xf32> -> vector<16xi32>
        %shift_right_arithmetic3A_1576 = arith.constant 1 : i32
        %shift_right_arithmetic3A_1577 = vector.broadcast %shift_right_arithmetic3A_1576 : i32 to vector<16xi32>
        %shift_right_arithmetic3A_1578 = arith.shrsi %bitcast_convert_type3A_1575, %shift_right_arithmetic3A_1577 : vector<16xi32>
        %sub3A_1579 = vector.broadcast %scan3A_4 : i32 to vector<16xi32>
        %sub3A_1580 = arith.subi %sub3A_1579, %shift_right_arithmetic3A_1578 : vector<16xi32>
        %bitcast_convert_type3A_1581 = tpu.bitcast %sub3A_1580 : vector<16xi32> -> vector<16xf32>
        %mul3A_1582 = arith.constant 5.000000e-01 : f32
        %mul3A_1583 = vector.broadcast %mul3A_1582 : f32 to vector<16xf32>
        %mul3A_1584 = arith.mulf %max3A_1574, %mul3A_1583 : vector<16xf32>
        %mul3A_1585 = arith.mulf %mul3A_1584, %bitcast_convert_type3A_1581 : vector<16xf32>
        %mul3A_1586 = arith.mulf %mul3A_1585, %bitcast_convert_type3A_1581 : vector<16xf32>
        %sub3A_1587 = arith.constant 1.500000e+00 : f32
        %sub3A_1588 = vector.broadcast %sub3A_1587 : f32 to vector<16xf32>
        %sub3A_1589 = arith.subf %sub3A_1588, %mul3A_1586 : vector<16xf32>
        %mul3A_1590 = arith.mulf %bitcast_convert_type3A_1581, %sub3A_1589 : vector<16xf32>
        %mul3A_1591 = arith.mulf %mul3A_1584, %mul3A_1590 : vector<16xf32>
        %mul3A_1592 = arith.mulf %mul3A_1591, %mul3A_1590 : vector<16xf32>
        %sub3A_1593 = arith.constant 1.500000e+00 : f32
        %sub3A_1594 = vector.broadcast %sub3A_1593 : f32 to vector<16xf32>
        %sub3A_1595 = arith.subf %sub3A_1594, %mul3A_1592 : vector<16xf32>
        %mul3A_1596 = arith.mulf %mul3A_1590, %sub3A_1595 : vector<16xf32>
        %mul3A_1597 = arith.mulf %mul3A_1584, %mul3A_1596 : vector<16xf32>
        %mul3A_1598 = arith.mulf %mul3A_1597, %mul3A_1596 : vector<16xf32>
        %sub3A_1599 = arith.constant 1.500000e+00 : f32
        %sub3A_1600 = vector.broadcast %sub3A_1599 : f32 to vector<16xf32>
        %sub3A_1601 = arith.subf %sub3A_1600, %mul3A_1598 : vector<16xf32>
        %mul3A_1602 = arith.mulf %mul3A_1596, %sub3A_1601 : vector<16xf32>
        %mul3A_1603 = arith.mulf %max3A_1574, %mul3A_1602 : vector<16xf32>
        %mul3A_1604 = arith.constant 2.000000e+00 : f32
        %mul3A_1605 = vector.broadcast %mul3A_1604 : f32 to vector<16xf32>
        %mul3A_1606 = arith.mulf %mul3A_1605, %mul3A_1603 : vector<16xf32>
        %sub3A_1607 = arith.constant 4.000000e+00 : f32
        %sub3A_1608 = vector.broadcast %sub3A_1607 : f32 to vector<16xf32>
        %sub3A_1609 = arith.subf %mul3A_1606, %sub3A_1608 : vector<16xf32>
        %convert_element_type3A_1610 = arith.fptosi %sub3A_1609 : vector<16xf32> to vector<16xi32>
        %convert_element_type3A_1611 = arith.sitofp %convert_element_type3A_1610 : vector<16xi32> to vector<16xf32>
        %gt3A_1612 = arith.cmpf ogt, %sub3A_1609, %convert_element_type3A_1611 : vector<16xf32>
        %add3A_1613 = arith.constant 1 : i32
        %add3A_1614 = vector.broadcast %add3A_1613 : i32 to vector<16xi32>
        %add3A_1615 = arith.addi %convert_element_type3A_1610, %add3A_1614 : vector<16xi32>
        %select_n3A_1616 = arith.select %gt3A_1612, %add3A_1615, %convert_element_type3A_1610 : vector<16xi1>, vector<16xi32>
        %jit3A_1617 = arith.constant 0 : i32
        %jit3A_1618 = arith.constant 36 : i32
        %max3A_1619 = vector.broadcast %jit3A_1617 : i32 to vector<16xi32>
        %max3A_1620 = arith.maxsi %max3A_1619, %select_n3A_1616 : vector<16xi32>
        %min3A_1621 = vector.broadcast %jit3A_1618 : i32 to vector<16xi32>
        %min3A_1622 = arith.minsi %min3A_1621, %max3A_1620 : vector<16xi32>
        %add3A_1623 = arith.constant 777 : i32
        %add3A_1624 = vector.broadcast %add3A_1623 : i32 to vector<16xi32>
        %add3A_1625 = arith.addi %min3A_1622, %add3A_1624 : vector<16xi32>
        %shift_left3A_1626 = arith.constant 5 : i32
        %shift_left3A_1627 = vector.broadcast %shift_left3A_1626 : i32 to vector<16xi32>
        %shift_left3A_1628 = arith.shli %add3A_1625, %shift_left3A_1627 : vector<16xi32>
        %sub3A_1629 = arith.subf %broadcast_in_dim3A_133, %gather3A_174 : vector<16xf32>
        %sub3A_1630 = arith.subf %broadcast_in_dim3A_140, %gather3A_178 : vector<16xf32>
        %sub3A_1631 = arith.subf %broadcast_in_dim3A_147, %gather3A_182 : vector<16xf32>
        %mul3A_1632 = arith.mulf %sub3A_1629, %sub3A_1629 : vector<16xf32>
        %mul3A_1633 = arith.mulf %sub3A_1630, %sub3A_1630 : vector<16xf32>
        %add3A_1634 = arith.addf %mul3A_1632, %mul3A_1633 : vector<16xf32>
        %mul3A_1635 = arith.mulf %sub3A_1631, %sub3A_1631 : vector<16xf32>
        %add3A_1636 = arith.addf %add3A_1634, %mul3A_1635 : vector<16xf32>
        %max3A_1637 = arith.constant 1.000000e+00 : f32
        %max3A_1638 = vector.broadcast %max3A_1637 : f32 to vector<16xf32>
        %max3A_1639 = arith.maximumf %add3A_1636, %max3A_1638 : vector<16xf32>
        %bitcast_convert_type3A_1640 = tpu.bitcast %max3A_1639 : vector<16xf32> -> vector<16xi32>
        %shift_right_arithmetic3A_1641 = arith.constant 1 : i32
        %shift_right_arithmetic3A_1642 = vector.broadcast %shift_right_arithmetic3A_1641 : i32 to vector<16xi32>
        %shift_right_arithmetic3A_1643 = arith.shrsi %bitcast_convert_type3A_1640, %shift_right_arithmetic3A_1642 : vector<16xi32>
        %sub3A_1644 = vector.broadcast %scan3A_4 : i32 to vector<16xi32>
        %sub3A_1645 = arith.subi %sub3A_1644, %shift_right_arithmetic3A_1643 : vector<16xi32>
        %bitcast_convert_type3A_1646 = tpu.bitcast %sub3A_1645 : vector<16xi32> -> vector<16xf32>
        %mul3A_1647 = arith.constant 5.000000e-01 : f32
        %mul3A_1648 = vector.broadcast %mul3A_1647 : f32 to vector<16xf32>
        %mul3A_1649 = arith.mulf %max3A_1639, %mul3A_1648 : vector<16xf32>
        %mul3A_1650 = arith.mulf %mul3A_1649, %bitcast_convert_type3A_1646 : vector<16xf32>
        %mul3A_1651 = arith.mulf %mul3A_1650, %bitcast_convert_type3A_1646 : vector<16xf32>
        %sub3A_1652 = arith.constant 1.500000e+00 : f32
        %sub3A_1653 = vector.broadcast %sub3A_1652 : f32 to vector<16xf32>
        %sub3A_1654 = arith.subf %sub3A_1653, %mul3A_1651 : vector<16xf32>
        %mul3A_1655 = arith.mulf %bitcast_convert_type3A_1646, %sub3A_1654 : vector<16xf32>
        %mul3A_1656 = arith.mulf %mul3A_1649, %mul3A_1655 : vector<16xf32>
        %mul3A_1657 = arith.mulf %mul3A_1656, %mul3A_1655 : vector<16xf32>
        %sub3A_1658 = arith.constant 1.500000e+00 : f32
        %sub3A_1659 = vector.broadcast %sub3A_1658 : f32 to vector<16xf32>
        %sub3A_1660 = arith.subf %sub3A_1659, %mul3A_1657 : vector<16xf32>
        %mul3A_1661 = arith.mulf %mul3A_1655, %sub3A_1660 : vector<16xf32>
        %mul3A_1662 = arith.mulf %mul3A_1649, %mul3A_1661 : vector<16xf32>
        %mul3A_1663 = arith.mulf %mul3A_1662, %mul3A_1661 : vector<16xf32>
        %sub3A_1664 = arith.constant 1.500000e+00 : f32
        %sub3A_1665 = vector.broadcast %sub3A_1664 : f32 to vector<16xf32>
        %sub3A_1666 = arith.subf %sub3A_1665, %mul3A_1663 : vector<16xf32>
        %mul3A_1667 = arith.mulf %mul3A_1661, %sub3A_1666 : vector<16xf32>
        %mul3A_1668 = arith.mulf %max3A_1639, %mul3A_1667 : vector<16xf32>
        %mul3A_1669 = arith.constant 2.000000e+00 : f32
        %mul3A_1670 = vector.broadcast %mul3A_1669 : f32 to vector<16xf32>
        %mul3A_1671 = arith.mulf %mul3A_1670, %mul3A_1668 : vector<16xf32>
        %sub3A_1672 = arith.constant 4.000000e+00 : f32
        %sub3A_1673 = vector.broadcast %sub3A_1672 : f32 to vector<16xf32>
        %sub3A_1674 = arith.subf %mul3A_1671, %sub3A_1673 : vector<16xf32>
        %convert_element_type3A_1675 = arith.fptosi %sub3A_1674 : vector<16xf32> to vector<16xi32>
        %convert_element_type3A_1676 = arith.sitofp %convert_element_type3A_1675 : vector<16xi32> to vector<16xf32>
        %gt3A_1677 = arith.cmpf ogt, %sub3A_1674, %convert_element_type3A_1676 : vector<16xf32>
        %add3A_1678 = arith.constant 1 : i32
        %add3A_1679 = vector.broadcast %add3A_1678 : i32 to vector<16xi32>
        %add3A_1680 = arith.addi %convert_element_type3A_1675, %add3A_1679 : vector<16xi32>
        %select_n3A_1681 = arith.select %gt3A_1677, %add3A_1680, %convert_element_type3A_1675 : vector<16xi1>, vector<16xi32>
        %jit3A_1682 = arith.constant 0 : i32
        %jit3A_1683 = arith.constant 36 : i32
        %max3A_1684 = vector.broadcast %jit3A_1682 : i32 to vector<16xi32>
        %max3A_1685 = arith.maxsi %max3A_1684, %select_n3A_1681 : vector<16xi32>
        %min3A_1686 = vector.broadcast %jit3A_1683 : i32 to vector<16xi32>
        %min3A_1687 = arith.minsi %min3A_1686, %max3A_1685 : vector<16xi32>
        %add3A_1688 = arith.constant 814 : i32
        %add3A_1689 = vector.broadcast %add3A_1688 : i32 to vector<16xi32>
        %add3A_1690 = arith.addi %min3A_1687, %add3A_1689 : vector<16xi32>
        %shift_left3A_1691 = arith.constant 5 : i32
        %shift_left3A_1692 = vector.broadcast %shift_left3A_1691 : i32 to vector<16xi32>
        %shift_left3A_1693 = arith.shli %add3A_1690, %shift_left3A_1692 : vector<16xi32>
        %sub3A_1694 = arith.subf %broadcast_in_dim3A_133, %gather3A_186 : vector<16xf32>
        %sub3A_1695 = arith.subf %broadcast_in_dim3A_140, %gather3A_190 : vector<16xf32>
        %sub3A_1696 = arith.subf %broadcast_in_dim3A_147, %gather3A_194 : vector<16xf32>
        %mul3A_1697 = arith.mulf %sub3A_1694, %sub3A_1694 : vector<16xf32>
        %mul3A_1698 = arith.mulf %sub3A_1695, %sub3A_1695 : vector<16xf32>
        %add3A_1699 = arith.addf %mul3A_1697, %mul3A_1698 : vector<16xf32>
        %mul3A_1700 = arith.mulf %sub3A_1696, %sub3A_1696 : vector<16xf32>
        %add3A_1701 = arith.addf %add3A_1699, %mul3A_1700 : vector<16xf32>
        %max3A_1702 = arith.constant 1.000000e+00 : f32
        %max3A_1703 = vector.broadcast %max3A_1702 : f32 to vector<16xf32>
        %max3A_1704 = arith.maximumf %add3A_1701, %max3A_1703 : vector<16xf32>
        %bitcast_convert_type3A_1705 = tpu.bitcast %max3A_1704 : vector<16xf32> -> vector<16xi32>
        %shift_right_arithmetic3A_1706 = arith.constant 1 : i32
        %shift_right_arithmetic3A_1707 = vector.broadcast %shift_right_arithmetic3A_1706 : i32 to vector<16xi32>
        %shift_right_arithmetic3A_1708 = arith.shrsi %bitcast_convert_type3A_1705, %shift_right_arithmetic3A_1707 : vector<16xi32>
        %sub3A_1709 = vector.broadcast %scan3A_4 : i32 to vector<16xi32>
        %sub3A_1710 = arith.subi %sub3A_1709, %shift_right_arithmetic3A_1708 : vector<16xi32>
        %bitcast_convert_type3A_1711 = tpu.bitcast %sub3A_1710 : vector<16xi32> -> vector<16xf32>
        %mul3A_1712 = arith.constant 5.000000e-01 : f32
        %mul3A_1713 = vector.broadcast %mul3A_1712 : f32 to vector<16xf32>
        %mul3A_1714 = arith.mulf %max3A_1704, %mul3A_1713 : vector<16xf32>
        %mul3A_1715 = arith.mulf %mul3A_1714, %bitcast_convert_type3A_1711 : vector<16xf32>
        %mul3A_1716 = arith.mulf %mul3A_1715, %bitcast_convert_type3A_1711 : vector<16xf32>
        %sub3A_1717 = arith.constant 1.500000e+00 : f32
        %sub3A_1718 = vector.broadcast %sub3A_1717 : f32 to vector<16xf32>
        %sub3A_1719 = arith.subf %sub3A_1718, %mul3A_1716 : vector<16xf32>
        %mul3A_1720 = arith.mulf %bitcast_convert_type3A_1711, %sub3A_1719 : vector<16xf32>
        %mul3A_1721 = arith.mulf %mul3A_1714, %mul3A_1720 : vector<16xf32>
        %mul3A_1722 = arith.mulf %mul3A_1721, %mul3A_1720 : vector<16xf32>
        %sub3A_1723 = arith.constant 1.500000e+00 : f32
        %sub3A_1724 = vector.broadcast %sub3A_1723 : f32 to vector<16xf32>
        %sub3A_1725 = arith.subf %sub3A_1724, %mul3A_1722 : vector<16xf32>
        %mul3A_1726 = arith.mulf %mul3A_1720, %sub3A_1725 : vector<16xf32>
        %mul3A_1727 = arith.mulf %mul3A_1714, %mul3A_1726 : vector<16xf32>
        %mul3A_1728 = arith.mulf %mul3A_1727, %mul3A_1726 : vector<16xf32>
        %sub3A_1729 = arith.constant 1.500000e+00 : f32
        %sub3A_1730 = vector.broadcast %sub3A_1729 : f32 to vector<16xf32>
        %sub3A_1731 = arith.subf %sub3A_1730, %mul3A_1728 : vector<16xf32>
        %mul3A_1732 = arith.mulf %mul3A_1726, %sub3A_1731 : vector<16xf32>
        %mul3A_1733 = arith.mulf %max3A_1704, %mul3A_1732 : vector<16xf32>
        %mul3A_1734 = arith.constant 2.000000e+00 : f32
        %mul3A_1735 = vector.broadcast %mul3A_1734 : f32 to vector<16xf32>
        %mul3A_1736 = arith.mulf %mul3A_1735, %mul3A_1733 : vector<16xf32>
        %sub3A_1737 = arith.constant 4.000000e+00 : f32
        %sub3A_1738 = vector.broadcast %sub3A_1737 : f32 to vector<16xf32>
        %sub3A_1739 = arith.subf %mul3A_1736, %sub3A_1738 : vector<16xf32>
        %convert_element_type3A_1740 = arith.fptosi %sub3A_1739 : vector<16xf32> to vector<16xi32>
        %convert_element_type3A_1741 = arith.sitofp %convert_element_type3A_1740 : vector<16xi32> to vector<16xf32>
        %gt3A_1742 = arith.cmpf ogt, %sub3A_1739, %convert_element_type3A_1741 : vector<16xf32>
        %add3A_1743 = arith.constant 1 : i32
        %add3A_1744 = vector.broadcast %add3A_1743 : i32 to vector<16xi32>
        %add3A_1745 = arith.addi %convert_element_type3A_1740, %add3A_1744 : vector<16xi32>
        %select_n3A_1746 = arith.select %gt3A_1742, %add3A_1745, %convert_element_type3A_1740 : vector<16xi1>, vector<16xi32>
        %jit3A_1747 = arith.constant 0 : i32
        %jit3A_1748 = arith.constant 36 : i32
        %max3A_1749 = vector.broadcast %jit3A_1747 : i32 to vector<16xi32>
        %max3A_1750 = arith.maxsi %max3A_1749, %select_n3A_1746 : vector<16xi32>
        %min3A_1751 = vector.broadcast %jit3A_1748 : i32 to vector<16xi32>
        %min3A_1752 = arith.minsi %min3A_1751, %max3A_1750 : vector<16xi32>
        %add3A_1753 = arith.constant 851 : i32
        %add3A_1754 = vector.broadcast %add3A_1753 : i32 to vector<16xi32>
        %add3A_1755 = arith.addi %min3A_1752, %add3A_1754 : vector<16xi32>
        %shift_left3A_1756 = arith.constant 5 : i32
        %shift_left3A_1757 = vector.broadcast %shift_left3A_1756 : i32 to vector<16xi32>
        %shift_left3A_1758 = arith.shli %add3A_1755, %shift_left3A_1757 : vector<16xi32>
        %sub3A_1759 = arith.subf %broadcast_in_dim3A_133, %gather3A_198 : vector<16xf32>
        %sub3A_1760 = arith.subf %broadcast_in_dim3A_140, %gather3A_202 : vector<16xf32>
        %sub3A_1761 = arith.subf %broadcast_in_dim3A_147, %gather3A_206 : vector<16xf32>
        %mul3A_1762 = arith.mulf %sub3A_1759, %sub3A_1759 : vector<16xf32>
        %mul3A_1763 = arith.mulf %sub3A_1760, %sub3A_1760 : vector<16xf32>
        %add3A_1764 = arith.addf %mul3A_1762, %mul3A_1763 : vector<16xf32>
        %mul3A_1765 = arith.mulf %sub3A_1761, %sub3A_1761 : vector<16xf32>
        %add3A_1766 = arith.addf %add3A_1764, %mul3A_1765 : vector<16xf32>
        %max3A_1767 = arith.constant 1.000000e+00 : f32
        %max3A_1768 = vector.broadcast %max3A_1767 : f32 to vector<16xf32>
        %max3A_1769 = arith.maximumf %add3A_1766, %max3A_1768 : vector<16xf32>
        %bitcast_convert_type3A_1770 = tpu.bitcast %max3A_1769 : vector<16xf32> -> vector<16xi32>
        %shift_right_arithmetic3A_1771 = arith.constant 1 : i32
        %shift_right_arithmetic3A_1772 = vector.broadcast %shift_right_arithmetic3A_1771 : i32 to vector<16xi32>
        %shift_right_arithmetic3A_1773 = arith.shrsi %bitcast_convert_type3A_1770, %shift_right_arithmetic3A_1772 : vector<16xi32>
        %sub3A_1774 = vector.broadcast %scan3A_4 : i32 to vector<16xi32>
        %sub3A_1775 = arith.subi %sub3A_1774, %shift_right_arithmetic3A_1773 : vector<16xi32>
        %bitcast_convert_type3A_1776 = tpu.bitcast %sub3A_1775 : vector<16xi32> -> vector<16xf32>
        %mul3A_1777 = arith.constant 5.000000e-01 : f32
        %mul3A_1778 = vector.broadcast %mul3A_1777 : f32 to vector<16xf32>
        %mul3A_1779 = arith.mulf %max3A_1769, %mul3A_1778 : vector<16xf32>
        %mul3A_1780 = arith.mulf %mul3A_1779, %bitcast_convert_type3A_1776 : vector<16xf32>
        %mul3A_1781 = arith.mulf %mul3A_1780, %bitcast_convert_type3A_1776 : vector<16xf32>
        %sub3A_1782 = arith.constant 1.500000e+00 : f32
        %sub3A_1783 = vector.broadcast %sub3A_1782 : f32 to vector<16xf32>
        %sub3A_1784 = arith.subf %sub3A_1783, %mul3A_1781 : vector<16xf32>
        %mul3A_1785 = arith.mulf %bitcast_convert_type3A_1776, %sub3A_1784 : vector<16xf32>
        %mul3A_1786 = arith.mulf %mul3A_1779, %mul3A_1785 : vector<16xf32>
        %mul3A_1787 = arith.mulf %mul3A_1786, %mul3A_1785 : vector<16xf32>
        %sub3A_1788 = arith.constant 1.500000e+00 : f32
        %sub3A_1789 = vector.broadcast %sub3A_1788 : f32 to vector<16xf32>
        %sub3A_1790 = arith.subf %sub3A_1789, %mul3A_1787 : vector<16xf32>
        %mul3A_1791 = arith.mulf %mul3A_1785, %sub3A_1790 : vector<16xf32>
        %mul3A_1792 = arith.mulf %mul3A_1779, %mul3A_1791 : vector<16xf32>
        %mul3A_1793 = arith.mulf %mul3A_1792, %mul3A_1791 : vector<16xf32>
        %sub3A_1794 = arith.constant 1.500000e+00 : f32
        %sub3A_1795 = vector.broadcast %sub3A_1794 : f32 to vector<16xf32>
        %sub3A_1796 = arith.subf %sub3A_1795, %mul3A_1793 : vector<16xf32>
        %mul3A_1797 = arith.mulf %mul3A_1791, %sub3A_1796 : vector<16xf32>
        %mul3A_1798 = arith.mulf %max3A_1769, %mul3A_1797 : vector<16xf32>
        %mul3A_1799 = arith.constant 2.000000e+00 : f32
        %mul3A_1800 = vector.broadcast %mul3A_1799 : f32 to vector<16xf32>
        %mul3A_1801 = arith.mulf %mul3A_1800, %mul3A_1798 : vector<16xf32>
        %sub3A_1802 = arith.constant 4.000000e+00 : f32
        %sub3A_1803 = vector.broadcast %sub3A_1802 : f32 to vector<16xf32>
        %sub3A_1804 = arith.subf %mul3A_1801, %sub3A_1803 : vector<16xf32>
        %convert_element_type3A_1805 = arith.fptosi %sub3A_1804 : vector<16xf32> to vector<16xi32>
        %convert_element_type3A_1806 = arith.sitofp %convert_element_type3A_1805 : vector<16xi32> to vector<16xf32>
        %gt3A_1807 = arith.cmpf ogt, %sub3A_1804, %convert_element_type3A_1806 : vector<16xf32>
        %add3A_1808 = arith.constant 1 : i32
        %add3A_1809 = vector.broadcast %add3A_1808 : i32 to vector<16xi32>
        %add3A_1810 = arith.addi %convert_element_type3A_1805, %add3A_1809 : vector<16xi32>
        %select_n3A_1811 = arith.select %gt3A_1807, %add3A_1810, %convert_element_type3A_1805 : vector<16xi1>, vector<16xi32>
        %jit3A_1812 = arith.constant 0 : i32
        %jit3A_1813 = arith.constant 36 : i32
        %max3A_1814 = vector.broadcast %jit3A_1812 : i32 to vector<16xi32>
        %max3A_1815 = arith.maxsi %max3A_1814, %select_n3A_1811 : vector<16xi32>
        %min3A_1816 = vector.broadcast %jit3A_1813 : i32 to vector<16xi32>
        %min3A_1817 = arith.minsi %min3A_1816, %max3A_1815 : vector<16xi32>
        %add3A_1818 = arith.constant 888 : i32
        %add3A_1819 = vector.broadcast %add3A_1818 : i32 to vector<16xi32>
        %add3A_1820 = arith.addi %min3A_1817, %add3A_1819 : vector<16xi32>
        %shift_left3A_1821 = arith.constant 5 : i32
        %shift_left3A_1822 = vector.broadcast %shift_left3A_1821 : i32 to vector<16xi32>
        %shift_left3A_1823 = arith.shli %add3A_1820, %shift_left3A_1822 : vector<16xi32>
        %sub3A_1824 = vector.broadcast %and3A_36 : i32 to vector<16xi32>
        %sub3A_1825 = arith.subi %get3A_41, %sub3A_1824 : vector<16xi32>
        %jit3A_1826 = arith.constant -32 : i32
        %jit3A_1827 = arith.constant 32 : i32
        %max3A_1828 = vector.broadcast %jit3A_1826 : i32 to vector<16xi32>
        %max3A_1829 = arith.maxsi %max3A_1828, %sub3A_1825 : vector<16xi32>
        %min3A_1830 = vector.broadcast %jit3A_1827 : i32 to vector<16xi32>
        %min3A_1831 = arith.minsi %min3A_1830, %max3A_1829 : vector<16xi32>
        %add3A_1832 = arith.constant 957 : i32
        %add3A_1833 = vector.broadcast %add3A_1832 : i32 to vector<16xi32>
        %add3A_1834 = arith.addi %min3A_1831, %add3A_1833 : vector<16xi32>
        %shift_left3A_1835 = arith.constant 5 : i32
        %shift_left3A_1836 = vector.broadcast %shift_left3A_1835 : i32 to vector<16xi32>
        %shift_left3A_1837 = arith.shli %add3A_1834, %shift_left3A_1836 : vector<16xi32>
        %mul3A_1838 = arith.constant 33 : i32
        %mul3A_1839 = vector.broadcast %mul3A_1838 : i32 to vector<16xi32>
        %mul3A_1840 = arith.muli %iota3A, %mul3A_1839 : vector<16xi32>
        %add3A_1841 = arith.constant 0 : i32
        %add3A_1842 = vector.broadcast %add3A_1841 : i32 to vector<16xi32>
        %add3A_1843 = arith.addi %mul3A_1840, %add3A_1842 : vector<16xi32>
        tpu.vector_store_idx %arg10[%add3A_1843], %shift_left3A_263 : memref<528xi32, #tpu.memory_space<vmem>>[vector<16xi32>], vector<16xi32>,
        %add3A_1844 = arith.constant 1 : i32
        %add3A_1845 = vector.broadcast %add3A_1844 : i32 to vector<16xi32>
        %add3A_1846 = arith.addi %mul3A_1840, %add3A_1845 : vector<16xi32>
        tpu.vector_store_idx %arg10[%add3A_1846], %shift_left3A_328 : memref<528xi32, #tpu.memory_space<vmem>>[vector<16xi32>], vector<16xi32>,
        %add3A_1847 = arith.constant 2 : i32
        %add3A_1848 = vector.broadcast %add3A_1847 : i32 to vector<16xi32>
        %add3A_1849 = arith.addi %mul3A_1840, %add3A_1848 : vector<16xi32>
        tpu.vector_store_idx %arg10[%add3A_1849], %shift_left3A_393 : memref<528xi32, #tpu.memory_space<vmem>>[vector<16xi32>], vector<16xi32>,
        %add3A_1850 = arith.constant 3 : i32
        %add3A_1851 = vector.broadcast %add3A_1850 : i32 to vector<16xi32>
        %add3A_1852 = arith.addi %mul3A_1840, %add3A_1851 : vector<16xi32>
        tpu.vector_store_idx %arg10[%add3A_1852], %shift_left3A_458 : memref<528xi32, #tpu.memory_space<vmem>>[vector<16xi32>], vector<16xi32>,
        %add3A_1853 = arith.constant 4 : i32
        %add3A_1854 = vector.broadcast %add3A_1853 : i32 to vector<16xi32>
        %add3A_1855 = arith.addi %mul3A_1840, %add3A_1854 : vector<16xi32>
        tpu.vector_store_idx %arg10[%add3A_1855], %shift_left3A_523 : memref<528xi32, #tpu.memory_space<vmem>>[vector<16xi32>], vector<16xi32>,
        %add3A_1856 = arith.constant 5 : i32
        %add3A_1857 = vector.broadcast %add3A_1856 : i32 to vector<16xi32>
        %add3A_1858 = arith.addi %mul3A_1840, %add3A_1857 : vector<16xi32>
        tpu.vector_store_idx %arg10[%add3A_1858], %shift_left3A_588 : memref<528xi32, #tpu.memory_space<vmem>>[vector<16xi32>], vector<16xi32>,
        %add3A_1859 = arith.constant 6 : i32
        %add3A_1860 = vector.broadcast %add3A_1859 : i32 to vector<16xi32>
        %add3A_1861 = arith.addi %mul3A_1840, %add3A_1860 : vector<16xi32>
        tpu.vector_store_idx %arg10[%add3A_1861], %shift_left3A_653 : memref<528xi32, #tpu.memory_space<vmem>>[vector<16xi32>], vector<16xi32>,
        %add3A_1862 = arith.constant 7 : i32
        %add3A_1863 = vector.broadcast %add3A_1862 : i32 to vector<16xi32>
        %add3A_1864 = arith.addi %mul3A_1840, %add3A_1863 : vector<16xi32>
        tpu.vector_store_idx %arg10[%add3A_1864], %shift_left3A_718 : memref<528xi32, #tpu.memory_space<vmem>>[vector<16xi32>], vector<16xi32>,
        %add3A_1865 = arith.constant 8 : i32
        %add3A_1866 = vector.broadcast %add3A_1865 : i32 to vector<16xi32>
        %add3A_1867 = arith.addi %mul3A_1840, %add3A_1866 : vector<16xi32>
        tpu.vector_store_idx %arg10[%add3A_1867], %shift_left3A_783 : memref<528xi32, #tpu.memory_space<vmem>>[vector<16xi32>], vector<16xi32>,
        %add3A_1868 = arith.constant 9 : i32
        %add3A_1869 = vector.broadcast %add3A_1868 : i32 to vector<16xi32>
        %add3A_1870 = arith.addi %mul3A_1840, %add3A_1869 : vector<16xi32>
        tpu.vector_store_idx %arg10[%add3A_1870], %shift_left3A_848 : memref<528xi32, #tpu.memory_space<vmem>>[vector<16xi32>], vector<16xi32>,
        %add3A_1871 = arith.constant 10 : i32
        %add3A_1872 = vector.broadcast %add3A_1871 : i32 to vector<16xi32>
        %add3A_1873 = arith.addi %mul3A_1840, %add3A_1872 : vector<16xi32>
        tpu.vector_store_idx %arg10[%add3A_1873], %shift_left3A_913 : memref<528xi32, #tpu.memory_space<vmem>>[vector<16xi32>], vector<16xi32>,
        %add3A_1874 = arith.constant 11 : i32
        %add3A_1875 = vector.broadcast %add3A_1874 : i32 to vector<16xi32>
        %add3A_1876 = arith.addi %mul3A_1840, %add3A_1875 : vector<16xi32>
        tpu.vector_store_idx %arg10[%add3A_1876], %shift_left3A_978 : memref<528xi32, #tpu.memory_space<vmem>>[vector<16xi32>], vector<16xi32>,
        %add3A_1877 = arith.constant 12 : i32
        %add3A_1878 = vector.broadcast %add3A_1877 : i32 to vector<16xi32>
        %add3A_1879 = arith.addi %mul3A_1840, %add3A_1878 : vector<16xi32>
        tpu.vector_store_idx %arg10[%add3A_1879], %shift_left3A_1043 : memref<528xi32, #tpu.memory_space<vmem>>[vector<16xi32>], vector<16xi32>,
        %add3A_1880 = arith.constant 13 : i32
        %add3A_1881 = vector.broadcast %add3A_1880 : i32 to vector<16xi32>
        %add3A_1882 = arith.addi %mul3A_1840, %add3A_1881 : vector<16xi32>
        tpu.vector_store_idx %arg10[%add3A_1882], %shift_left3A_1108 : memref<528xi32, #tpu.memory_space<vmem>>[vector<16xi32>], vector<16xi32>,
        %add3A_1883 = arith.constant 14 : i32
        %add3A_1884 = vector.broadcast %add3A_1883 : i32 to vector<16xi32>
        %add3A_1885 = arith.addi %mul3A_1840, %add3A_1884 : vector<16xi32>
        tpu.vector_store_idx %arg10[%add3A_1885], %shift_left3A_1173 : memref<528xi32, #tpu.memory_space<vmem>>[vector<16xi32>], vector<16xi32>,
        %add3A_1886 = arith.constant 15 : i32
        %add3A_1887 = vector.broadcast %add3A_1886 : i32 to vector<16xi32>
        %add3A_1888 = arith.addi %mul3A_1840, %add3A_1887 : vector<16xi32>
        tpu.vector_store_idx %arg10[%add3A_1888], %shift_left3A_1238 : memref<528xi32, #tpu.memory_space<vmem>>[vector<16xi32>], vector<16xi32>,
        %add3A_1889 = arith.constant 16 : i32
        %add3A_1890 = vector.broadcast %add3A_1889 : i32 to vector<16xi32>
        %add3A_1891 = arith.addi %mul3A_1840, %add3A_1890 : vector<16xi32>
        tpu.vector_store_idx %arg10[%add3A_1891], %shift_left3A_1303 : memref<528xi32, #tpu.memory_space<vmem>>[vector<16xi32>], vector<16xi32>,
        %add3A_1892 = arith.constant 17 : i32
        %add3A_1893 = vector.broadcast %add3A_1892 : i32 to vector<16xi32>
        %add3A_1894 = arith.addi %mul3A_1840, %add3A_1893 : vector<16xi32>
        tpu.vector_store_idx %arg10[%add3A_1894], %shift_left3A_1368 : memref<528xi32, #tpu.memory_space<vmem>>[vector<16xi32>], vector<16xi32>,
        %add3A_1895 = arith.constant 18 : i32
        %add3A_1896 = vector.broadcast %add3A_1895 : i32 to vector<16xi32>
        %add3A_1897 = arith.addi %mul3A_1840, %add3A_1896 : vector<16xi32>
        tpu.vector_store_idx %arg10[%add3A_1897], %shift_left3A_1433 : memref<528xi32, #tpu.memory_space<vmem>>[vector<16xi32>], vector<16xi32>,
        %add3A_1898 = arith.constant 19 : i32
        %add3A_1899 = vector.broadcast %add3A_1898 : i32 to vector<16xi32>
        %add3A_1900 = arith.addi %mul3A_1840, %add3A_1899 : vector<16xi32>
        tpu.vector_store_idx %arg10[%add3A_1900], %shift_left3A_1498 : memref<528xi32, #tpu.memory_space<vmem>>[vector<16xi32>], vector<16xi32>,
        %add3A_1901 = arith.constant 20 : i32
        %add3A_1902 = vector.broadcast %add3A_1901 : i32 to vector<16xi32>
        %add3A_1903 = arith.addi %mul3A_1840, %add3A_1902 : vector<16xi32>
        tpu.vector_store_idx %arg10[%add3A_1903], %shift_left3A_1563 : memref<528xi32, #tpu.memory_space<vmem>>[vector<16xi32>], vector<16xi32>,
        %add3A_1904 = arith.constant 21 : i32
        %add3A_1905 = vector.broadcast %add3A_1904 : i32 to vector<16xi32>
        %add3A_1906 = arith.addi %mul3A_1840, %add3A_1905 : vector<16xi32>
        tpu.vector_store_idx %arg10[%add3A_1906], %shift_left3A_1628 : memref<528xi32, #tpu.memory_space<vmem>>[vector<16xi32>], vector<16xi32>,
        %add3A_1907 = arith.constant 22 : i32
        %add3A_1908 = vector.broadcast %add3A_1907 : i32 to vector<16xi32>
        %add3A_1909 = arith.addi %mul3A_1840, %add3A_1908 : vector<16xi32>
        tpu.vector_store_idx %arg10[%add3A_1909], %shift_left3A_1693 : memref<528xi32, #tpu.memory_space<vmem>>[vector<16xi32>], vector<16xi32>,
        %add3A_1910 = arith.constant 23 : i32
        %add3A_1911 = vector.broadcast %add3A_1910 : i32 to vector<16xi32>
        %add3A_1912 = arith.addi %mul3A_1840, %add3A_1911 : vector<16xi32>
        tpu.vector_store_idx %arg10[%add3A_1912], %shift_left3A_1758 : memref<528xi32, #tpu.memory_space<vmem>>[vector<16xi32>], vector<16xi32>,
        %add3A_1913 = arith.constant 24 : i32
        %add3A_1914 = vector.broadcast %add3A_1913 : i32 to vector<16xi32>
        %add3A_1915 = arith.addi %mul3A_1840, %add3A_1914 : vector<16xi32>
        tpu.vector_store_idx %arg10[%add3A_1915], %shift_left3A_1823 : memref<528xi32, #tpu.memory_space<vmem>>[vector<16xi32>], vector<16xi32>,
        %add3A_1916 = arith.constant 25 : i32
        %add3A_1917 = vector.broadcast %add3A_1916 : i32 to vector<16xi32>
        %add3A_1918 = arith.addi %mul3A_1840, %add3A_1917 : vector<16xi32>
        tpu.vector_store_idx %arg10[%add3A_1918], %shift_left3A_1837 : memref<528xi32, #tpu.memory_space<vmem>>[vector<16xi32>], vector<16xi32>,
        %jit3A_1919 = arith.constant 16 : i32
        %eq3A = arith.constant 0 : i32
        %eq3A_1920 = arith.cmpi eq, %jit3A_1919, %eq3A : i32
        %jit3A_1921 = arith.constant 1 : i32
        %select_n3A_1922 = arith.select %eq3A_1920, %jit3A_1921, %jit3A_1919 : i32
        %rem3A = arith.remsi %while3A_30, %select_n3A_1922 : i32
        %ne3A = arith.constant 0 : i32
        %ne3A_1923 = arith.cmpi ne, %rem3A, %ne3A : i32
        %lt3A = arith.constant 0 : i32
        %lt3A_1924 = arith.cmpi slt, %rem3A, %lt3A : i32
        %lt3A_1925 = arith.constant 0 : i32
        %lt3A_1926 = arith.cmpi slt, %select_n3A_1922, %lt3A_1925 : i32
        %ne3A_1927 = arith.xori %lt3A_1924, %lt3A_1926 : i1
        %and3A_1928 = arith.andi %ne3A_1927, %ne3A_1923 : i1
        %add3A_1929 = arith.addi %rem3A, %select_n3A_1922 : i32
        %select_n3A_1930 = arith.select %and3A_1928, %add3A_1929, %rem3A : i32
        %mul3A_1931 = arith.constant 16 : i32
        %mul3A_1932 = arith.muli %select_n3A_1930, %mul3A_1931 : i32
        %mul3A_1933 = arith.constant 64 : i32
        %mul3A_1934 = arith.muli %mul3A_1932, %mul3A_1933 : i32
        %scan3A_1935 = arith.constant 0 : i32
        %scan3A_1936 = arith.constant 0 : i32
        %scan3A_1937 = arith.constant 16 : i32
        %scan3A_1938 = arith.addi %scan3A_1936, %scan3A_1937 : i32
        %scan3A_1939 = arith.constant 1 : i32
        scf.for %scan3A_1941 = %scan3A_1936 to %scan3A_1938 step %scan3A_1939  : i32 {
          %mul3A_1942 = arith.constant 64 : i32
          %mul3A_1943 = arith.muli %scan3A_1941, %mul3A_1942 : i32
          %add3A_1944 = arith.addi %mul3A_1934, %mul3A_1943 : i32
          %mul3A_1945 = arith.constant 33 : i32
          %mul3A_1946 = arith.muli %scan3A_1941, %mul3A_1945 : i32
          %get3A_1947 = arith.index_cast %mul3A_1946 : i32 to index
          %get3A_1948 = tpu.vector_load %arg10[%get3A_1947] {strides = array<i32>} : memref<528xi32, #tpu.memory_space<vmem>>, vector<16xi32>,
          %mul3A_1949 = arith.constant 33 : i32
          %mul3A_1950 = arith.muli %scan3A_1941, %mul3A_1949 : i32
          %add3A_1951 = arith.constant 16 : i32
          %add3A_1952 = arith.addi %mul3A_1950, %add3A_1951 : i32
          %get3A_1953 = arith.index_cast %add3A_1952 : i32 to index
          %get3A_1954 = tpu.vector_load %arg10[%get3A_1953] {strides = array<i32>} : memref<528xi32, #tpu.memory_space<vmem>>, vector<16xi32>,
          %slice3A_1955 = vector.extract_strided_slice %get3A_1948 {offsets = [0], sizes = [1], strides = [1]} : vector<16xi32> to vector<1xi32>
          %squeeze3A_1956 = vector.extract %slice3A_1955[0] : i32 from vector<1xi32>
          %slice3A_1957 = vector.extract_strided_slice %get3A_1948 {offsets = [1], sizes = [1], strides = [1]} : vector<16xi32> to vector<1xi32>
          %squeeze3A_1958 = vector.extract %slice3A_1957[0] : i32 from vector<1xi32>
          %slice3A_1959 = vector.extract_strided_slice %get3A_1948 {offsets = [2], sizes = [1], strides = [1]} : vector<16xi32> to vector<1xi32>
          %squeeze3A_1960 = vector.extract %slice3A_1959[0] : i32 from vector<1xi32>
          %slice3A_1961 = vector.extract_strided_slice %get3A_1948 {offsets = [3], sizes = [1], strides = [1]} : vector<16xi32> to vector<1xi32>
          %squeeze3A_1962 = vector.extract %slice3A_1961[0] : i32 from vector<1xi32>
          %slice3A_1963 = vector.extract_strided_slice %get3A_1948 {offsets = [4], sizes = [1], strides = [1]} : vector<16xi32> to vector<1xi32>
          %squeeze3A_1964 = vector.extract %slice3A_1963[0] : i32 from vector<1xi32>
          %slice3A_1965 = vector.extract_strided_slice %get3A_1948 {offsets = [5], sizes = [1], strides = [1]} : vector<16xi32> to vector<1xi32>
          %squeeze3A_1966 = vector.extract %slice3A_1965[0] : i32 from vector<1xi32>
          %slice3A_1967 = vector.extract_strided_slice %get3A_1948 {offsets = [6], sizes = [1], strides = [1]} : vector<16xi32> to vector<1xi32>
          %squeeze3A_1968 = vector.extract %slice3A_1967[0] : i32 from vector<1xi32>
          %slice3A_1969 = vector.extract_strided_slice %get3A_1948 {offsets = [7], sizes = [1], strides = [1]} : vector<16xi32> to vector<1xi32>
          %squeeze3A_1970 = vector.extract %slice3A_1969[0] : i32 from vector<1xi32>
          %slice3A_1971 = vector.extract_strided_slice %get3A_1948 {offsets = [8], sizes = [1], strides = [1]} : vector<16xi32> to vector<1xi32>
          %squeeze3A_1972 = vector.extract %slice3A_1971[0] : i32 from vector<1xi32>
          %slice3A_1973 = vector.extract_strided_slice %get3A_1948 {offsets = [9], sizes = [1], strides = [1]} : vector<16xi32> to vector<1xi32>
          %squeeze3A_1974 = vector.extract %slice3A_1973[0] : i32 from vector<1xi32>
          %slice3A_1975 = vector.extract_strided_slice %get3A_1948 {offsets = [10], sizes = [1], strides = [1]} : vector<16xi32> to vector<1xi32>
          %squeeze3A_1976 = vector.extract %slice3A_1975[0] : i32 from vector<1xi32>
          %slice3A_1977 = vector.extract_strided_slice %get3A_1948 {offsets = [11], sizes = [1], strides = [1]} : vector<16xi32> to vector<1xi32>
          %squeeze3A_1978 = vector.extract %slice3A_1977[0] : i32 from vector<1xi32>
          %slice3A_1979 = vector.extract_strided_slice %get3A_1948 {offsets = [12], sizes = [1], strides = [1]} : vector<16xi32> to vector<1xi32>
          %squeeze3A_1980 = vector.extract %slice3A_1979[0] : i32 from vector<1xi32>
          %slice3A_1981 = vector.extract_strided_slice %get3A_1948 {offsets = [13], sizes = [1], strides = [1]} : vector<16xi32> to vector<1xi32>
          %squeeze3A_1982 = vector.extract %slice3A_1981[0] : i32 from vector<1xi32>
          %slice3A_1983 = vector.extract_strided_slice %get3A_1948 {offsets = [14], sizes = [1], strides = [1]} : vector<16xi32> to vector<1xi32>
          %squeeze3A_1984 = vector.extract %slice3A_1983[0] : i32 from vector<1xi32>
          %slice3A_1985 = vector.extract_strided_slice %get3A_1948 {offsets = [15], sizes = [1], strides = [1]} : vector<16xi32> to vector<1xi32>
          %squeeze3A_1986 = vector.extract %slice3A_1985[0] : i32 from vector<1xi32>
          %slice3A_1987 = vector.extract_strided_slice %get3A_1954 {offsets = [0], sizes = [1], strides = [1]} : vector<16xi32> to vector<1xi32>
          %squeeze3A_1988 = vector.extract %slice3A_1987[0] : i32 from vector<1xi32>
          %slice3A_1989 = vector.extract_strided_slice %get3A_1954 {offsets = [1], sizes = [1], strides = [1]} : vector<16xi32> to vector<1xi32>
          %squeeze3A_1990 = vector.extract %slice3A_1989[0] : i32 from vector<1xi32>
          %slice3A_1991 = vector.extract_strided_slice %get3A_1954 {offsets = [2], sizes = [1], strides = [1]} : vector<16xi32> to vector<1xi32>
          %squeeze3A_1992 = vector.extract %slice3A_1991[0] : i32 from vector<1xi32>
          %slice3A_1993 = vector.extract_strided_slice %get3A_1954 {offsets = [3], sizes = [1], strides = [1]} : vector<16xi32> to vector<1xi32>
          %squeeze3A_1994 = vector.extract %slice3A_1993[0] : i32 from vector<1xi32>
          %slice3A_1995 = vector.extract_strided_slice %get3A_1954 {offsets = [4], sizes = [1], strides = [1]} : vector<16xi32> to vector<1xi32>
          %squeeze3A_1996 = vector.extract %slice3A_1995[0] : i32 from vector<1xi32>
          %slice3A_1997 = vector.extract_strided_slice %get3A_1954 {offsets = [5], sizes = [1], strides = [1]} : vector<16xi32> to vector<1xi32>
          %squeeze3A_1998 = vector.extract %slice3A_1997[0] : i32 from vector<1xi32>
          %slice3A_1999 = vector.extract_strided_slice %get3A_1954 {offsets = [6], sizes = [1], strides = [1]} : vector<16xi32> to vector<1xi32>
          %squeeze3A_2000 = vector.extract %slice3A_1999[0] : i32 from vector<1xi32>
          %slice3A_2001 = vector.extract_strided_slice %get3A_1954 {offsets = [7], sizes = [1], strides = [1]} : vector<16xi32> to vector<1xi32>
          %squeeze3A_2002 = vector.extract %slice3A_2001[0] : i32 from vector<1xi32>
          %slice3A_2003 = vector.extract_strided_slice %get3A_1954 {offsets = [8], sizes = [1], strides = [1]} : vector<16xi32> to vector<1xi32>
          %squeeze3A_2004 = vector.extract %slice3A_2003[0] : i32 from vector<1xi32>
          %slice3A_2005 = vector.extract_strided_slice %get3A_1954 {offsets = [9], sizes = [1], strides = [1]} : vector<16xi32> to vector<1xi32>
          %squeeze3A_2006 = vector.extract %slice3A_2005[0] : i32 from vector<1xi32>
          %add3A_2007 = arith.constant 0 : i32
          %add3A_2008 = arith.addi %squeeze3A_1956, %add3A_2007 : i32
          %get3A_2009 = arith.index_cast %add3A_2008 : i32 to index
          %get3A_2010 = tpu.vector_load %arg7[%get3A_2009] {strides = array<i32>} : memref<31680xi32, #tpu.memory_space<vmem>>, vector<16xi32>,
          %bitcast3A = vector.bitcast %get3A_2010 : vector<16xi32> to vector<32xbf16>
          %unpack3A = tpu.unpack_subelements %bitcast3A, 0 {pack_format = #tpu.pack_format<interleaved>} : vector<32xbf16> -> vector<16xf32>
          %unpack3A_2011 = tpu.unpack_subelements %bitcast3A, 1 {pack_format = #tpu.pack_format<interleaved>} : vector<32xbf16> -> vector<16xf32>
          %add3A_2012 = arith.constant 16 : i32
          %add3A_2013 = arith.addi %squeeze3A_1956, %add3A_2012 : i32
          %get3A_2014 = arith.index_cast %add3A_2013 : i32 to index
          %get3A_2015 = tpu.vector_load %arg7[%get3A_2014] {strides = array<i32>} : memref<31680xi32, #tpu.memory_space<vmem>>, vector<16xi32>,
          %bitcast3A_2016 = vector.bitcast %get3A_2015 : vector<16xi32> to vector<32xbf16>
          %unpack3A_2017 = tpu.unpack_subelements %bitcast3A_2016, 0 {pack_format = #tpu.pack_format<interleaved>} : vector<32xbf16> -> vector<16xf32>
          %unpack3A_2018 = tpu.unpack_subelements %bitcast3A_2016, 1 {pack_format = #tpu.pack_format<interleaved>} : vector<32xbf16> -> vector<16xf32>
          %add3A_2019 = arith.constant 0 : i32
          %add3A_2020 = arith.addi %squeeze3A_1958, %add3A_2019 : i32
          %get3A_2021 = arith.index_cast %add3A_2020 : i32 to index
          %get3A_2022 = tpu.vector_load %arg7[%get3A_2021] {strides = array<i32>} : memref<31680xi32, #tpu.memory_space<vmem>>, vector<16xi32>,
          %bitcast3A_2023 = vector.bitcast %get3A_2022 : vector<16xi32> to vector<32xbf16>
          %unpack3A_2024 = tpu.unpack_subelements %bitcast3A_2023, 0 {pack_format = #tpu.pack_format<interleaved>} : vector<32xbf16> -> vector<16xf32>
          %unpack3A_2025 = tpu.unpack_subelements %bitcast3A_2023, 1 {pack_format = #tpu.pack_format<interleaved>} : vector<32xbf16> -> vector<16xf32>
          %add3A_2026 = arith.constant 16 : i32
          %add3A_2027 = arith.addi %squeeze3A_1958, %add3A_2026 : i32
          %get3A_2028 = arith.index_cast %add3A_2027 : i32 to index
          %get3A_2029 = tpu.vector_load %arg7[%get3A_2028] {strides = array<i32>} : memref<31680xi32, #tpu.memory_space<vmem>>, vector<16xi32>,
          %bitcast3A_2030 = vector.bitcast %get3A_2029 : vector<16xi32> to vector<32xbf16>
          %unpack3A_2031 = tpu.unpack_subelements %bitcast3A_2030, 0 {pack_format = #tpu.pack_format<interleaved>} : vector<32xbf16> -> vector<16xf32>
          %unpack3A_2032 = tpu.unpack_subelements %bitcast3A_2030, 1 {pack_format = #tpu.pack_format<interleaved>} : vector<32xbf16> -> vector<16xf32>
          %add3A_2033 = arith.addf %unpack3A, %unpack3A_2024 : vector<16xf32>
          %add3A_2034 = arith.addf %unpack3A_2011, %unpack3A_2025 : vector<16xf32>
          %add3A_2035 = arith.addf %unpack3A_2017, %unpack3A_2031 : vector<16xf32>
          %add3A_2036 = arith.addf %unpack3A_2018, %unpack3A_2032 : vector<16xf32>
          %add3A_2037 = arith.constant 0 : i32
          %add3A_2038 = arith.addi %squeeze3A_1960, %add3A_2037 : i32
          %get3A_2039 = arith.index_cast %add3A_2038 : i32 to index
          %get3A_2040 = tpu.vector_load %arg7[%get3A_2039] {strides = array<i32>} : memref<31680xi32, #tpu.memory_space<vmem>>, vector<16xi32>,
          %bitcast3A_2041 = vector.bitcast %get3A_2040 : vector<16xi32> to vector<32xbf16>
          %unpack3A_2042 = tpu.unpack_subelements %bitcast3A_2041, 0 {pack_format = #tpu.pack_format<interleaved>} : vector<32xbf16> -> vector<16xf32>
          %unpack3A_2043 = tpu.unpack_subelements %bitcast3A_2041, 1 {pack_format = #tpu.pack_format<interleaved>} : vector<32xbf16> -> vector<16xf32>
          %add3A_2044 = arith.constant 16 : i32
          %add3A_2045 = arith.addi %squeeze3A_1960, %add3A_2044 : i32
          %get3A_2046 = arith.index_cast %add3A_2045 : i32 to index
          %get3A_2047 = tpu.vector_load %arg7[%get3A_2046] {strides = array<i32>} : memref<31680xi32, #tpu.memory_space<vmem>>, vector<16xi32>,
          %bitcast3A_2048 = vector.bitcast %get3A_2047 : vector<16xi32> to vector<32xbf16>
          %unpack3A_2049 = tpu.unpack_subelements %bitcast3A_2048, 0 {pack_format = #tpu.pack_format<interleaved>} : vector<32xbf16> -> vector<16xf32>
          %unpack3A_2050 = tpu.unpack_subelements %bitcast3A_2048, 1 {pack_format = #tpu.pack_format<interleaved>} : vector<32xbf16> -> vector<16xf32>
          %add3A_2051 = arith.addf %add3A_2033, %unpack3A_2042 : vector<16xf32>
          %add3A_2052 = arith.addf %add3A_2034, %unpack3A_2043 : vector<16xf32>
          %add3A_2053 = arith.addf %add3A_2035, %unpack3A_2049 : vector<16xf32>
          %add3A_2054 = arith.addf %add3A_2036, %unpack3A_2050 : vector<16xf32>
          %add3A_2055 = arith.constant 0 : i32
          %add3A_2056 = arith.addi %squeeze3A_1962, %add3A_2055 : i32
          %get3A_2057 = arith.index_cast %add3A_2056 : i32 to index
          %get3A_2058 = tpu.vector_load %arg7[%get3A_2057] {strides = array<i32>} : memref<31680xi32, #tpu.memory_space<vmem>>, vector<16xi32>,
          %bitcast3A_2059 = vector.bitcast %get3A_2058 : vector<16xi32> to vector<32xbf16>
          %unpack3A_2060 = tpu.unpack_subelements %bitcast3A_2059, 0 {pack_format = #tpu.pack_format<interleaved>} : vector<32xbf16> -> vector<16xf32>
          %unpack3A_2061 = tpu.unpack_subelements %bitcast3A_2059, 1 {pack_format = #tpu.pack_format<interleaved>} : vector<32xbf16> -> vector<16xf32>
          %add3A_2062 = arith.constant 16 : i32
          %add3A_2063 = arith.addi %squeeze3A_1962, %add3A_2062 : i32
          %get3A_2064 = arith.index_cast %add3A_2063 : i32 to index
          %get3A_2065 = tpu.vector_load %arg7[%get3A_2064] {strides = array<i32>} : memref<31680xi32, #tpu.memory_space<vmem>>, vector<16xi32>,
          %bitcast3A_2066 = vector.bitcast %get3A_2065 : vector<16xi32> to vector<32xbf16>
          %unpack3A_2067 = tpu.unpack_subelements %bitcast3A_2066, 0 {pack_format = #tpu.pack_format<interleaved>} : vector<32xbf16> -> vector<16xf32>
          %unpack3A_2068 = tpu.unpack_subelements %bitcast3A_2066, 1 {pack_format = #tpu.pack_format<interleaved>} : vector<32xbf16> -> vector<16xf32>
          %add3A_2069 = arith.addf %add3A_2051, %unpack3A_2060 : vector<16xf32>
          %add3A_2070 = arith.addf %add3A_2052, %unpack3A_2061 : vector<16xf32>
          %add3A_2071 = arith.addf %add3A_2053, %unpack3A_2067 : vector<16xf32>
          %add3A_2072 = arith.addf %add3A_2054, %unpack3A_2068 : vector<16xf32>
          %add3A_2073 = arith.constant 0 : i32
          %add3A_2074 = arith.addi %squeeze3A_1964, %add3A_2073 : i32
          %get3A_2075 = arith.index_cast %add3A_2074 : i32 to index
          %get3A_2076 = tpu.vector_load %arg7[%get3A_2075] {strides = array<i32>} : memref<31680xi32, #tpu.memory_space<vmem>>, vector<16xi32>,
          %bitcast3A_2077 = vector.bitcast %get3A_2076 : vector<16xi32> to vector<32xbf16>
          %unpack3A_2078 = tpu.unpack_subelements %bitcast3A_2077, 0 {pack_format = #tpu.pack_format<interleaved>} : vector<32xbf16> -> vector<16xf32>
          %unpack3A_2079 = tpu.unpack_subelements %bitcast3A_2077, 1 {pack_format = #tpu.pack_format<interleaved>} : vector<32xbf16> -> vector<16xf32>
          %add3A_2080 = arith.constant 16 : i32
          %add3A_2081 = arith.addi %squeeze3A_1964, %add3A_2080 : i32
          %get3A_2082 = arith.index_cast %add3A_2081 : i32 to index
          %get3A_2083 = tpu.vector_load %arg7[%get3A_2082] {strides = array<i32>} : memref<31680xi32, #tpu.memory_space<vmem>>, vector<16xi32>,
          %bitcast3A_2084 = vector.bitcast %get3A_2083 : vector<16xi32> to vector<32xbf16>
          %unpack3A_2085 = tpu.unpack_subelements %bitcast3A_2084, 0 {pack_format = #tpu.pack_format<interleaved>} : vector<32xbf16> -> vector<16xf32>
          %unpack3A_2086 = tpu.unpack_subelements %bitcast3A_2084, 1 {pack_format = #tpu.pack_format<interleaved>} : vector<32xbf16> -> vector<16xf32>
          %add3A_2087 = arith.addf %add3A_2069, %unpack3A_2078 : vector<16xf32>
          %add3A_2088 = arith.addf %add3A_2070, %unpack3A_2079 : vector<16xf32>
          %add3A_2089 = arith.addf %add3A_2071, %unpack3A_2085 : vector<16xf32>
          %add3A_2090 = arith.addf %add3A_2072, %unpack3A_2086 : vector<16xf32>
          %add3A_2091 = arith.constant 0 : i32
          %add3A_2092 = arith.addi %squeeze3A_1966, %add3A_2091 : i32
          %get3A_2093 = arith.index_cast %add3A_2092 : i32 to index
          %get3A_2094 = tpu.vector_load %arg7[%get3A_2093] {strides = array<i32>} : memref<31680xi32, #tpu.memory_space<vmem>>, vector<16xi32>,
          %bitcast3A_2095 = vector.bitcast %get3A_2094 : vector<16xi32> to vector<32xbf16>
          %unpack3A_2096 = tpu.unpack_subelements %bitcast3A_2095, 0 {pack_format = #tpu.pack_format<interleaved>} : vector<32xbf16> -> vector<16xf32>
          %unpack3A_2097 = tpu.unpack_subelements %bitcast3A_2095, 1 {pack_format = #tpu.pack_format<interleaved>} : vector<32xbf16> -> vector<16xf32>
          %add3A_2098 = arith.constant 16 : i32
          %add3A_2099 = arith.addi %squeeze3A_1966, %add3A_2098 : i32
          %get3A_2100 = arith.index_cast %add3A_2099 : i32 to index
          %get3A_2101 = tpu.vector_load %arg7[%get3A_2100] {strides = array<i32>} : memref<31680xi32, #tpu.memory_space<vmem>>, vector<16xi32>,
          %bitcast3A_2102 = vector.bitcast %get3A_2101 : vector<16xi32> to vector<32xbf16>
          %unpack3A_2103 = tpu.unpack_subelements %bitcast3A_2102, 0 {pack_format = #tpu.pack_format<interleaved>} : vector<32xbf16> -> vector<16xf32>
          %unpack3A_2104 = tpu.unpack_subelements %bitcast3A_2102, 1 {pack_format = #tpu.pack_format<interleaved>} : vector<32xbf16> -> vector<16xf32>
          %add3A_2105 = arith.addf %add3A_2087, %unpack3A_2096 : vector<16xf32>
          %add3A_2106 = arith.addf %add3A_2088, %unpack3A_2097 : vector<16xf32>
          %add3A_2107 = arith.addf %add3A_2089, %unpack3A_2103 : vector<16xf32>
          %add3A_2108 = arith.addf %add3A_2090, %unpack3A_2104 : vector<16xf32>
          %add3A_2109 = arith.constant 0 : i32
          %add3A_2110 = arith.addi %squeeze3A_1968, %add3A_2109 : i32
          %get3A_2111 = arith.index_cast %add3A_2110 : i32 to index
          %get3A_2112 = tpu.vector_load %arg7[%get3A_2111] {strides = array<i32>} : memref<31680xi32, #tpu.memory_space<vmem>>, vector<16xi32>,
          %bitcast3A_2113 = vector.bitcast %get3A_2112 : vector<16xi32> to vector<32xbf16>
          %unpack3A_2114 = tpu.unpack_subelements %bitcast3A_2113, 0 {pack_format = #tpu.pack_format<interleaved>} : vector<32xbf16> -> vector<16xf32>
          %unpack3A_2115 = tpu.unpack_subelements %bitcast3A_2113, 1 {pack_format = #tpu.pack_format<interleaved>} : vector<32xbf16> -> vector<16xf32>
          %add3A_2116 = arith.constant 16 : i32
          %add3A_2117 = arith.addi %squeeze3A_1968, %add3A_2116 : i32
          %get3A_2118 = arith.index_cast %add3A_2117 : i32 to index
          %get3A_2119 = tpu.vector_load %arg7[%get3A_2118] {strides = array<i32>} : memref<31680xi32, #tpu.memory_space<vmem>>, vector<16xi32>,
          %bitcast3A_2120 = vector.bitcast %get3A_2119 : vector<16xi32> to vector<32xbf16>
          %unpack3A_2121 = tpu.unpack_subelements %bitcast3A_2120, 0 {pack_format = #tpu.pack_format<interleaved>} : vector<32xbf16> -> vector<16xf32>
          %unpack3A_2122 = tpu.unpack_subelements %bitcast3A_2120, 1 {pack_format = #tpu.pack_format<interleaved>} : vector<32xbf16> -> vector<16xf32>
          %add3A_2123 = arith.addf %add3A_2105, %unpack3A_2114 : vector<16xf32>
          %add3A_2124 = arith.addf %add3A_2106, %unpack3A_2115 : vector<16xf32>
          %add3A_2125 = arith.addf %add3A_2107, %unpack3A_2121 : vector<16xf32>
          %add3A_2126 = arith.addf %add3A_2108, %unpack3A_2122 : vector<16xf32>
          %add3A_2127 = arith.constant 0 : i32
          %add3A_2128 = arith.addi %squeeze3A_1970, %add3A_2127 : i32
          %get3A_2129 = arith.index_cast %add3A_2128 : i32 to index
          %get3A_2130 = tpu.vector_load %arg7[%get3A_2129] {strides = array<i32>} : memref<31680xi32, #tpu.memory_space<vmem>>, vector<16xi32>,
          %bitcast3A_2131 = vector.bitcast %get3A_2130 : vector<16xi32> to vector<32xbf16>
          %unpack3A_2132 = tpu.unpack_subelements %bitcast3A_2131, 0 {pack_format = #tpu.pack_format<interleaved>} : vector<32xbf16> -> vector<16xf32>
          %unpack3A_2133 = tpu.unpack_subelements %bitcast3A_2131, 1 {pack_format = #tpu.pack_format<interleaved>} : vector<32xbf16> -> vector<16xf32>
          %add3A_2134 = arith.constant 16 : i32
          %add3A_2135 = arith.addi %squeeze3A_1970, %add3A_2134 : i32
          %get3A_2136 = arith.index_cast %add3A_2135 : i32 to index
          %get3A_2137 = tpu.vector_load %arg7[%get3A_2136] {strides = array<i32>} : memref<31680xi32, #tpu.memory_space<vmem>>, vector<16xi32>,
          %bitcast3A_2138 = vector.bitcast %get3A_2137 : vector<16xi32> to vector<32xbf16>
          %unpack3A_2139 = tpu.unpack_subelements %bitcast3A_2138, 0 {pack_format = #tpu.pack_format<interleaved>} : vector<32xbf16> -> vector<16xf32>
          %unpack3A_2140 = tpu.unpack_subelements %bitcast3A_2138, 1 {pack_format = #tpu.pack_format<interleaved>} : vector<32xbf16> -> vector<16xf32>
          %add3A_2141 = arith.addf %add3A_2123, %unpack3A_2132 : vector<16xf32>
          %add3A_2142 = arith.addf %add3A_2124, %unpack3A_2133 : vector<16xf32>
          %add3A_2143 = arith.addf %add3A_2125, %unpack3A_2139 : vector<16xf32>
          %add3A_2144 = arith.addf %add3A_2126, %unpack3A_2140 : vector<16xf32>
          %add3A_2145 = arith.constant 0 : i32
          %add3A_2146 = arith.addi %squeeze3A_1972, %add3A_2145 : i32
          %get3A_2147 = arith.index_cast %add3A_2146 : i32 to index
          %get3A_2148 = tpu.vector_load %arg7[%get3A_2147] {strides = array<i32>} : memref<31680xi32, #tpu.memory_space<vmem>>, vector<16xi32>,
          %bitcast3A_2149 = vector.bitcast %get3A_2148 : vector<16xi32> to vector<32xbf16>
          %unpack3A_2150 = tpu.unpack_subelements %bitcast3A_2149, 0 {pack_format = #tpu.pack_format<interleaved>} : vector<32xbf16> -> vector<16xf32>
          %unpack3A_2151 = tpu.unpack_subelements %bitcast3A_2149, 1 {pack_format = #tpu.pack_format<interleaved>} : vector<32xbf16> -> vector<16xf32>
          %add3A_2152 = arith.constant 16 : i32
          %add3A_2153 = arith.addi %squeeze3A_1972, %add3A_2152 : i32
          %get3A_2154 = arith.index_cast %add3A_2153 : i32 to index
          %get3A_2155 = tpu.vector_load %arg7[%get3A_2154] {strides = array<i32>} : memref<31680xi32, #tpu.memory_space<vmem>>, vector<16xi32>,
          %bitcast3A_2156 = vector.bitcast %get3A_2155 : vector<16xi32> to vector<32xbf16>
          %unpack3A_2157 = tpu.unpack_subelements %bitcast3A_2156, 0 {pack_format = #tpu.pack_format<interleaved>} : vector<32xbf16> -> vector<16xf32>
          %unpack3A_2158 = tpu.unpack_subelements %bitcast3A_2156, 1 {pack_format = #tpu.pack_format<interleaved>} : vector<32xbf16> -> vector<16xf32>
          %add3A_2159 = arith.addf %add3A_2141, %unpack3A_2150 : vector<16xf32>
          %add3A_2160 = arith.addf %add3A_2142, %unpack3A_2151 : vector<16xf32>
          %add3A_2161 = arith.addf %add3A_2143, %unpack3A_2157 : vector<16xf32>
          %add3A_2162 = arith.addf %add3A_2144, %unpack3A_2158 : vector<16xf32>
          %add3A_2163 = arith.constant 0 : i32
          %add3A_2164 = arith.addi %squeeze3A_1974, %add3A_2163 : i32
          %get3A_2165 = arith.index_cast %add3A_2164 : i32 to index
          %get3A_2166 = tpu.vector_load %arg7[%get3A_2165] {strides = array<i32>} : memref<31680xi32, #tpu.memory_space<vmem>>, vector<16xi32>,
          %bitcast3A_2167 = vector.bitcast %get3A_2166 : vector<16xi32> to vector<32xbf16>
          %unpack3A_2168 = tpu.unpack_subelements %bitcast3A_2167, 0 {pack_format = #tpu.pack_format<interleaved>} : vector<32xbf16> -> vector<16xf32>
          %unpack3A_2169 = tpu.unpack_subelements %bitcast3A_2167, 1 {pack_format = #tpu.pack_format<interleaved>} : vector<32xbf16> -> vector<16xf32>
          %add3A_2170 = arith.constant 16 : i32
          %add3A_2171 = arith.addi %squeeze3A_1974, %add3A_2170 : i32
          %get3A_2172 = arith.index_cast %add3A_2171 : i32 to index
          %get3A_2173 = tpu.vector_load %arg7[%get3A_2172] {strides = array<i32>} : memref<31680xi32, #tpu.memory_space<vmem>>, vector<16xi32>,
          %bitcast3A_2174 = vector.bitcast %get3A_2173 : vector<16xi32> to vector<32xbf16>
          %unpack3A_2175 = tpu.unpack_subelements %bitcast3A_2174, 0 {pack_format = #tpu.pack_format<interleaved>} : vector<32xbf16> -> vector<16xf32>
          %unpack3A_2176 = tpu.unpack_subelements %bitcast3A_2174, 1 {pack_format = #tpu.pack_format<interleaved>} : vector<32xbf16> -> vector<16xf32>
          %add3A_2177 = arith.addf %add3A_2159, %unpack3A_2168 : vector<16xf32>
          %add3A_2178 = arith.addf %add3A_2160, %unpack3A_2169 : vector<16xf32>
          %add3A_2179 = arith.addf %add3A_2161, %unpack3A_2175 : vector<16xf32>
          %add3A_2180 = arith.addf %add3A_2162, %unpack3A_2176 : vector<16xf32>
          %add3A_2181 = arith.constant 0 : i32
          %add3A_2182 = arith.addi %squeeze3A_1976, %add3A_2181 : i32
          %get3A_2183 = arith.index_cast %add3A_2182 : i32 to index
          %get3A_2184 = tpu.vector_load %arg7[%get3A_2183] {strides = array<i32>} : memref<31680xi32, #tpu.memory_space<vmem>>, vector<16xi32>,
          %bitcast3A_2185 = vector.bitcast %get3A_2184 : vector<16xi32> to vector<32xbf16>
          %unpack3A_2186 = tpu.unpack_subelements %bitcast3A_2185, 0 {pack_format = #tpu.pack_format<interleaved>} : vector<32xbf16> -> vector<16xf32>
          %unpack3A_2187 = tpu.unpack_subelements %bitcast3A_2185, 1 {pack_format = #tpu.pack_format<interleaved>} : vector<32xbf16> -> vector<16xf32>
          %add3A_2188 = arith.constant 16 : i32
          %add3A_2189 = arith.addi %squeeze3A_1976, %add3A_2188 : i32
          %get3A_2190 = arith.index_cast %add3A_2189 : i32 to index
          %get3A_2191 = tpu.vector_load %arg7[%get3A_2190] {strides = array<i32>} : memref<31680xi32, #tpu.memory_space<vmem>>, vector<16xi32>,
          %bitcast3A_2192 = vector.bitcast %get3A_2191 : vector<16xi32> to vector<32xbf16>
          %unpack3A_2193 = tpu.unpack_subelements %bitcast3A_2192, 0 {pack_format = #tpu.pack_format<interleaved>} : vector<32xbf16> -> vector<16xf32>
          %unpack3A_2194 = tpu.unpack_subelements %bitcast3A_2192, 1 {pack_format = #tpu.pack_format<interleaved>} : vector<32xbf16> -> vector<16xf32>
          %add3A_2195 = arith.addf %add3A_2177, %unpack3A_2186 : vector<16xf32>
          %add3A_2196 = arith.addf %add3A_2178, %unpack3A_2187 : vector<16xf32>
          %add3A_2197 = arith.addf %add3A_2179, %unpack3A_2193 : vector<16xf32>
          %add3A_2198 = arith.addf %add3A_2180, %unpack3A_2194 : vector<16xf32>
          %add3A_2199 = arith.constant 0 : i32
          %add3A_2200 = arith.addi %squeeze3A_1978, %add3A_2199 : i32
          %get3A_2201 = arith.index_cast %add3A_2200 : i32 to index
          %get3A_2202 = tpu.vector_load %arg7[%get3A_2201] {strides = array<i32>} : memref<31680xi32, #tpu.memory_space<vmem>>, vector<16xi32>,
          %bitcast3A_2203 = vector.bitcast %get3A_2202 : vector<16xi32> to vector<32xbf16>
          %unpack3A_2204 = tpu.unpack_subelements %bitcast3A_2203, 0 {pack_format = #tpu.pack_format<interleaved>} : vector<32xbf16> -> vector<16xf32>
          %unpack3A_2205 = tpu.unpack_subelements %bitcast3A_2203, 1 {pack_format = #tpu.pack_format<interleaved>} : vector<32xbf16> -> vector<16xf32>
          %add3A_2206 = arith.constant 16 : i32
          %add3A_2207 = arith.addi %squeeze3A_1978, %add3A_2206 : i32
          %get3A_2208 = arith.index_cast %add3A_2207 : i32 to index
          %get3A_2209 = tpu.vector_load %arg7[%get3A_2208] {strides = array<i32>} : memref<31680xi32, #tpu.memory_space<vmem>>, vector<16xi32>,
          %bitcast3A_2210 = vector.bitcast %get3A_2209 : vector<16xi32> to vector<32xbf16>
          %unpack3A_2211 = tpu.unpack_subelements %bitcast3A_2210, 0 {pack_format = #tpu.pack_format<interleaved>} : vector<32xbf16> -> vector<16xf32>
          %unpack3A_2212 = tpu.unpack_subelements %bitcast3A_2210, 1 {pack_format = #tpu.pack_format<interleaved>} : vector<32xbf16> -> vector<16xf32>
          %add3A_2213 = arith.addf %add3A_2195, %unpack3A_2204 : vector<16xf32>
          %add3A_2214 = arith.addf %add3A_2196, %unpack3A_2205 : vector<16xf32>
          %add3A_2215 = arith.addf %add3A_2197, %unpack3A_2211 : vector<16xf32>
          %add3A_2216 = arith.addf %add3A_2198, %unpack3A_2212 : vector<16xf32>
          %add3A_2217 = arith.constant 0 : i32
          %add3A_2218 = arith.addi %squeeze3A_1980, %add3A_2217 : i32
          %get3A_2219 = arith.index_cast %add3A_2218 : i32 to index
          %get3A_2220 = tpu.vector_load %arg7[%get3A_2219] {strides = array<i32>} : memref<31680xi32, #tpu.memory_space<vmem>>, vector<16xi32>,
          %bitcast3A_2221 = vector.bitcast %get3A_2220 : vector<16xi32> to vector<32xbf16>
          %unpack3A_2222 = tpu.unpack_subelements %bitcast3A_2221, 0 {pack_format = #tpu.pack_format<interleaved>} : vector<32xbf16> -> vector<16xf32>
          %unpack3A_2223 = tpu.unpack_subelements %bitcast3A_2221, 1 {pack_format = #tpu.pack_format<interleaved>} : vector<32xbf16> -> vector<16xf32>
          %add3A_2224 = arith.constant 16 : i32
          %add3A_2225 = arith.addi %squeeze3A_1980, %add3A_2224 : i32
          %get3A_2226 = arith.index_cast %add3A_2225 : i32 to index
          %get3A_2227 = tpu.vector_load %arg7[%get3A_2226] {strides = array<i32>} : memref<31680xi32, #tpu.memory_space<vmem>>, vector<16xi32>,
          %bitcast3A_2228 = vector.bitcast %get3A_2227 : vector<16xi32> to vector<32xbf16>
          %unpack3A_2229 = tpu.unpack_subelements %bitcast3A_2228, 0 {pack_format = #tpu.pack_format<interleaved>} : vector<32xbf16> -> vector<16xf32>
          %unpack3A_2230 = tpu.unpack_subelements %bitcast3A_2228, 1 {pack_format = #tpu.pack_format<interleaved>} : vector<32xbf16> -> vector<16xf32>
          %add3A_2231 = arith.addf %add3A_2213, %unpack3A_2222 : vector<16xf32>
          %add3A_2232 = arith.addf %add3A_2214, %unpack3A_2223 : vector<16xf32>
          %add3A_2233 = arith.addf %add3A_2215, %unpack3A_2229 : vector<16xf32>
          %add3A_2234 = arith.addf %add3A_2216, %unpack3A_2230 : vector<16xf32>
          %add3A_2235 = arith.constant 0 : i32
          %add3A_2236 = arith.addi %squeeze3A_1982, %add3A_2235 : i32
          %get3A_2237 = arith.index_cast %add3A_2236 : i32 to index
          %get3A_2238 = tpu.vector_load %arg7[%get3A_2237] {strides = array<i32>} : memref<31680xi32, #tpu.memory_space<vmem>>, vector<16xi32>,
          %bitcast3A_2239 = vector.bitcast %get3A_2238 : vector<16xi32> to vector<32xbf16>
          %unpack3A_2240 = tpu.unpack_subelements %bitcast3A_2239, 0 {pack_format = #tpu.pack_format<interleaved>} : vector<32xbf16> -> vector<16xf32>
          %unpack3A_2241 = tpu.unpack_subelements %bitcast3A_2239, 1 {pack_format = #tpu.pack_format<interleaved>} : vector<32xbf16> -> vector<16xf32>
          %add3A_2242 = arith.constant 16 : i32
          %add3A_2243 = arith.addi %squeeze3A_1982, %add3A_2242 : i32
          %get3A_2244 = arith.index_cast %add3A_2243 : i32 to index
          %get3A_2245 = tpu.vector_load %arg7[%get3A_2244] {strides = array<i32>} : memref<31680xi32, #tpu.memory_space<vmem>>, vector<16xi32>,
          %bitcast3A_2246 = vector.bitcast %get3A_2245 : vector<16xi32> to vector<32xbf16>
          %unpack3A_2247 = tpu.unpack_subelements %bitcast3A_2246, 0 {pack_format = #tpu.pack_format<interleaved>} : vector<32xbf16> -> vector<16xf32>
          %unpack3A_2248 = tpu.unpack_subelements %bitcast3A_2246, 1 {pack_format = #tpu.pack_format<interleaved>} : vector<32xbf16> -> vector<16xf32>
          %add3A_2249 = arith.addf %add3A_2231, %unpack3A_2240 : vector<16xf32>
          %add3A_2250 = arith.addf %add3A_2232, %unpack3A_2241 : vector<16xf32>
          %add3A_2251 = arith.addf %add3A_2233, %unpack3A_2247 : vector<16xf32>
          %add3A_2252 = arith.addf %add3A_2234, %unpack3A_2248 : vector<16xf32>
          %add3A_2253 = arith.constant 0 : i32
          %add3A_2254 = arith.addi %squeeze3A_1984, %add3A_2253 : i32
          %get3A_2255 = arith.index_cast %add3A_2254 : i32 to index
          %get3A_2256 = tpu.vector_load %arg7[%get3A_2255] {strides = array<i32>} : memref<31680xi32, #tpu.memory_space<vmem>>, vector<16xi32>,
          %bitcast3A_2257 = vector.bitcast %get3A_2256 : vector<16xi32> to vector<32xbf16>
          %unpack3A_2258 = tpu.unpack_subelements %bitcast3A_2257, 0 {pack_format = #tpu.pack_format<interleaved>} : vector<32xbf16> -> vector<16xf32>
          %unpack3A_2259 = tpu.unpack_subelements %bitcast3A_2257, 1 {pack_format = #tpu.pack_format<interleaved>} : vector<32xbf16> -> vector<16xf32>
          %add3A_2260 = arith.constant 16 : i32
          %add3A_2261 = arith.addi %squeeze3A_1984, %add3A_2260 : i32
          %get3A_2262 = arith.index_cast %add3A_2261 : i32 to index
          %get3A_2263 = tpu.vector_load %arg7[%get3A_2262] {strides = array<i32>} : memref<31680xi32, #tpu.memory_space<vmem>>, vector<16xi32>,
          %bitcast3A_2264 = vector.bitcast %get3A_2263 : vector<16xi32> to vector<32xbf16>
          %unpack3A_2265 = tpu.unpack_subelements %bitcast3A_2264, 0 {pack_format = #tpu.pack_format<interleaved>} : vector<32xbf16> -> vector<16xf32>
          %unpack3A_2266 = tpu.unpack_subelements %bitcast3A_2264, 1 {pack_format = #tpu.pack_format<interleaved>} : vector<32xbf16> -> vector<16xf32>
          %add3A_2267 = arith.addf %add3A_2249, %unpack3A_2258 : vector<16xf32>
          %add3A_2268 = arith.addf %add3A_2250, %unpack3A_2259 : vector<16xf32>
          %add3A_2269 = arith.addf %add3A_2251, %unpack3A_2265 : vector<16xf32>
          %add3A_2270 = arith.addf %add3A_2252, %unpack3A_2266 : vector<16xf32>
          %add3A_2271 = arith.constant 0 : i32
          %add3A_2272 = arith.addi %squeeze3A_1986, %add3A_2271 : i32
          %get3A_2273 = arith.index_cast %add3A_2272 : i32 to index
          %get3A_2274 = tpu.vector_load %arg7[%get3A_2273] {strides = array<i32>} : memref<31680xi32, #tpu.memory_space<vmem>>, vector<16xi32>,
          %bitcast3A_2275 = vector.bitcast %get3A_2274 : vector<16xi32> to vector<32xbf16>
          %unpack3A_2276 = tpu.unpack_subelements %bitcast3A_2275, 0 {pack_format = #tpu.pack_format<interleaved>} : vector<32xbf16> -> vector<16xf32>
          %unpack3A_2277 = tpu.unpack_subelements %bitcast3A_2275, 1 {pack_format = #tpu.pack_format<interleaved>} : vector<32xbf16> -> vector<16xf32>
          %add3A_2278 = arith.constant 16 : i32
          %add3A_2279 = arith.addi %squeeze3A_1986, %add3A_2278 : i32
          %get3A_2280 = arith.index_cast %add3A_2279 : i32 to index
          %get3A_2281 = tpu.vector_load %arg7[%get3A_2280] {strides = array<i32>} : memref<31680xi32, #tpu.memory_space<vmem>>, vector<16xi32>,
          %bitcast3A_2282 = vector.bitcast %get3A_2281 : vector<16xi32> to vector<32xbf16>
          %unpack3A_2283 = tpu.unpack_subelements %bitcast3A_2282, 0 {pack_format = #tpu.pack_format<interleaved>} : vector<32xbf16> -> vector<16xf32>
          %unpack3A_2284 = tpu.unpack_subelements %bitcast3A_2282, 1 {pack_format = #tpu.pack_format<interleaved>} : vector<32xbf16> -> vector<16xf32>
          %add3A_2285 = arith.addf %add3A_2267, %unpack3A_2276 : vector<16xf32>
          %add3A_2286 = arith.addf %add3A_2268, %unpack3A_2277 : vector<16xf32>
          %add3A_2287 = arith.addf %add3A_2269, %unpack3A_2283 : vector<16xf32>
          %add3A_2288 = arith.addf %add3A_2270, %unpack3A_2284 : vector<16xf32>
          %add3A_2289 = arith.constant 0 : i32
          %add3A_2290 = arith.addi %squeeze3A_1988, %add3A_2289 : i32
          %get3A_2291 = arith.index_cast %add3A_2290 : i32 to index
          %get3A_2292 = tpu.vector_load %arg7[%get3A_2291] {strides = array<i32>} : memref<31680xi32, #tpu.memory_space<vmem>>, vector<16xi32>,
          %bitcast3A_2293 = vector.bitcast %get3A_2292 : vector<16xi32> to vector<32xbf16>
          %unpack3A_2294 = tpu.unpack_subelements %bitcast3A_2293, 0 {pack_format = #tpu.pack_format<interleaved>} : vector<32xbf16> -> vector<16xf32>
          %unpack3A_2295 = tpu.unpack_subelements %bitcast3A_2293, 1 {pack_format = #tpu.pack_format<interleaved>} : vector<32xbf16> -> vector<16xf32>
          %add3A_2296 = arith.constant 16 : i32
          %add3A_2297 = arith.addi %squeeze3A_1988, %add3A_2296 : i32
          %get3A_2298 = arith.index_cast %add3A_2297 : i32 to index
          %get3A_2299 = tpu.vector_load %arg7[%get3A_2298] {strides = array<i32>} : memref<31680xi32, #tpu.memory_space<vmem>>, vector<16xi32>,
          %bitcast3A_2300 = vector.bitcast %get3A_2299 : vector<16xi32> to vector<32xbf16>
          %unpack3A_2301 = tpu.unpack_subelements %bitcast3A_2300, 0 {pack_format = #tpu.pack_format<interleaved>} : vector<32xbf16> -> vector<16xf32>
          %unpack3A_2302 = tpu.unpack_subelements %bitcast3A_2300, 1 {pack_format = #tpu.pack_format<interleaved>} : vector<32xbf16> -> vector<16xf32>
          %add3A_2303 = arith.addf %add3A_2285, %unpack3A_2294 : vector<16xf32>
          %add3A_2304 = arith.addf %add3A_2286, %unpack3A_2295 : vector<16xf32>
          %add3A_2305 = arith.addf %add3A_2287, %unpack3A_2301 : vector<16xf32>
          %add3A_2306 = arith.addf %add3A_2288, %unpack3A_2302 : vector<16xf32>
          %add3A_2307 = arith.constant 0 : i32
          %add3A_2308 = arith.addi %squeeze3A_1990, %add3A_2307 : i32
          %get3A_2309 = arith.index_cast %add3A_2308 : i32 to index
          %get3A_2310 = tpu.vector_load %arg7[%get3A_2309] {strides = array<i32>} : memref<31680xi32, #tpu.memory_space<vmem>>, vector<16xi32>,
          %bitcast3A_2311 = vector.bitcast %get3A_2310 : vector<16xi32> to vector<32xbf16>
          %unpack3A_2312 = tpu.unpack_subelements %bitcast3A_2311, 0 {pack_format = #tpu.pack_format<interleaved>} : vector<32xbf16> -> vector<16xf32>
          %unpack3A_2313 = tpu.unpack_subelements %bitcast3A_2311, 1 {pack_format = #tpu.pack_format<interleaved>} : vector<32xbf16> -> vector<16xf32>
          %add3A_2314 = arith.constant 16 : i32
          %add3A_2315 = arith.addi %squeeze3A_1990, %add3A_2314 : i32
          %get3A_2316 = arith.index_cast %add3A_2315 : i32 to index
          %get3A_2317 = tpu.vector_load %arg7[%get3A_2316] {strides = array<i32>} : memref<31680xi32, #tpu.memory_space<vmem>>, vector<16xi32>,
          %bitcast3A_2318 = vector.bitcast %get3A_2317 : vector<16xi32> to vector<32xbf16>
          %unpack3A_2319 = tpu.unpack_subelements %bitcast3A_2318, 0 {pack_format = #tpu.pack_format<interleaved>} : vector<32xbf16> -> vector<16xf32>
          %unpack3A_2320 = tpu.unpack_subelements %bitcast3A_2318, 1 {pack_format = #tpu.pack_format<interleaved>} : vector<32xbf16> -> vector<16xf32>
          %add3A_2321 = arith.addf %add3A_2303, %unpack3A_2312 : vector<16xf32>
          %add3A_2322 = arith.addf %add3A_2304, %unpack3A_2313 : vector<16xf32>
          %add3A_2323 = arith.addf %add3A_2305, %unpack3A_2319 : vector<16xf32>
          %add3A_2324 = arith.addf %add3A_2306, %unpack3A_2320 : vector<16xf32>
          %add3A_2325 = arith.constant 0 : i32
          %add3A_2326 = arith.addi %squeeze3A_1992, %add3A_2325 : i32
          %get3A_2327 = arith.index_cast %add3A_2326 : i32 to index
          %get3A_2328 = tpu.vector_load %arg7[%get3A_2327] {strides = array<i32>} : memref<31680xi32, #tpu.memory_space<vmem>>, vector<16xi32>,
          %bitcast3A_2329 = vector.bitcast %get3A_2328 : vector<16xi32> to vector<32xbf16>
          %unpack3A_2330 = tpu.unpack_subelements %bitcast3A_2329, 0 {pack_format = #tpu.pack_format<interleaved>} : vector<32xbf16> -> vector<16xf32>
          %unpack3A_2331 = tpu.unpack_subelements %bitcast3A_2329, 1 {pack_format = #tpu.pack_format<interleaved>} : vector<32xbf16> -> vector<16xf32>
          %add3A_2332 = arith.constant 16 : i32
          %add3A_2333 = arith.addi %squeeze3A_1992, %add3A_2332 : i32
          %get3A_2334 = arith.index_cast %add3A_2333 : i32 to index
          %get3A_2335 = tpu.vector_load %arg7[%get3A_2334] {strides = array<i32>} : memref<31680xi32, #tpu.memory_space<vmem>>, vector<16xi32>,
          %bitcast3A_2336 = vector.bitcast %get3A_2335 : vector<16xi32> to vector<32xbf16>
          %unpack3A_2337 = tpu.unpack_subelements %bitcast3A_2336, 0 {pack_format = #tpu.pack_format<interleaved>} : vector<32xbf16> -> vector<16xf32>
          %unpack3A_2338 = tpu.unpack_subelements %bitcast3A_2336, 1 {pack_format = #tpu.pack_format<interleaved>} : vector<32xbf16> -> vector<16xf32>
          %add3A_2339 = arith.addf %add3A_2321, %unpack3A_2330 : vector<16xf32>
          %add3A_2340 = arith.addf %add3A_2322, %unpack3A_2331 : vector<16xf32>
          %add3A_2341 = arith.addf %add3A_2323, %unpack3A_2337 : vector<16xf32>
          %add3A_2342 = arith.addf %add3A_2324, %unpack3A_2338 : vector<16xf32>
          %add3A_2343 = arith.constant 0 : i32
          %add3A_2344 = arith.addi %squeeze3A_1994, %add3A_2343 : i32
          %get3A_2345 = arith.index_cast %add3A_2344 : i32 to index
          %get3A_2346 = tpu.vector_load %arg7[%get3A_2345] {strides = array<i32>} : memref<31680xi32, #tpu.memory_space<vmem>>, vector<16xi32>,
          %bitcast3A_2347 = vector.bitcast %get3A_2346 : vector<16xi32> to vector<32xbf16>
          %unpack3A_2348 = tpu.unpack_subelements %bitcast3A_2347, 0 {pack_format = #tpu.pack_format<interleaved>} : vector<32xbf16> -> vector<16xf32>
          %unpack3A_2349 = tpu.unpack_subelements %bitcast3A_2347, 1 {pack_format = #tpu.pack_format<interleaved>} : vector<32xbf16> -> vector<16xf32>
          %add3A_2350 = arith.constant 16 : i32
          %add3A_2351 = arith.addi %squeeze3A_1994, %add3A_2350 : i32
          %get3A_2352 = arith.index_cast %add3A_2351 : i32 to index
          %get3A_2353 = tpu.vector_load %arg7[%get3A_2352] {strides = array<i32>} : memref<31680xi32, #tpu.memory_space<vmem>>, vector<16xi32>,
          %bitcast3A_2354 = vector.bitcast %get3A_2353 : vector<16xi32> to vector<32xbf16>
          %unpack3A_2355 = tpu.unpack_subelements %bitcast3A_2354, 0 {pack_format = #tpu.pack_format<interleaved>} : vector<32xbf16> -> vector<16xf32>
          %unpack3A_2356 = tpu.unpack_subelements %bitcast3A_2354, 1 {pack_format = #tpu.pack_format<interleaved>} : vector<32xbf16> -> vector<16xf32>
          %add3A_2357 = arith.addf %add3A_2339, %unpack3A_2348 : vector<16xf32>
          %add3A_2358 = arith.addf %add3A_2340, %unpack3A_2349 : vector<16xf32>
          %add3A_2359 = arith.addf %add3A_2341, %unpack3A_2355 : vector<16xf32>
          %add3A_2360 = arith.addf %add3A_2342, %unpack3A_2356 : vector<16xf32>
          %add3A_2361 = arith.constant 0 : i32
          %add3A_2362 = arith.addi %squeeze3A_1996, %add3A_2361 : i32
          %get3A_2363 = arith.index_cast %add3A_2362 : i32 to index
          %get3A_2364 = tpu.vector_load %arg7[%get3A_2363] {strides = array<i32>} : memref<31680xi32, #tpu.memory_space<vmem>>, vector<16xi32>,
          %bitcast3A_2365 = vector.bitcast %get3A_2364 : vector<16xi32> to vector<32xbf16>
          %unpack3A_2366 = tpu.unpack_subelements %bitcast3A_2365, 0 {pack_format = #tpu.pack_format<interleaved>} : vector<32xbf16> -> vector<16xf32>
          %unpack3A_2367 = tpu.unpack_subelements %bitcast3A_2365, 1 {pack_format = #tpu.pack_format<interleaved>} : vector<32xbf16> -> vector<16xf32>
          %add3A_2368 = arith.constant 16 : i32
          %add3A_2369 = arith.addi %squeeze3A_1996, %add3A_2368 : i32
          %get3A_2370 = arith.index_cast %add3A_2369 : i32 to index
          %get3A_2371 = tpu.vector_load %arg7[%get3A_2370] {strides = array<i32>} : memref<31680xi32, #tpu.memory_space<vmem>>, vector<16xi32>,
          %bitcast3A_2372 = vector.bitcast %get3A_2371 : vector<16xi32> to vector<32xbf16>
          %unpack3A_2373 = tpu.unpack_subelements %bitcast3A_2372, 0 {pack_format = #tpu.pack_format<interleaved>} : vector<32xbf16> -> vector<16xf32>
          %unpack3A_2374 = tpu.unpack_subelements %bitcast3A_2372, 1 {pack_format = #tpu.pack_format<interleaved>} : vector<32xbf16> -> vector<16xf32>
          %add3A_2375 = arith.addf %add3A_2357, %unpack3A_2366 : vector<16xf32>
          %add3A_2376 = arith.addf %add3A_2358, %unpack3A_2367 : vector<16xf32>
          %add3A_2377 = arith.addf %add3A_2359, %unpack3A_2373 : vector<16xf32>
          %add3A_2378 = arith.addf %add3A_2360, %unpack3A_2374 : vector<16xf32>
          %add3A_2379 = arith.constant 0 : i32
          %add3A_2380 = arith.addi %squeeze3A_1998, %add3A_2379 : i32
          %get3A_2381 = arith.index_cast %add3A_2380 : i32 to index
          %get3A_2382 = tpu.vector_load %arg7[%get3A_2381] {strides = array<i32>} : memref<31680xi32, #tpu.memory_space<vmem>>, vector<16xi32>,
          %bitcast3A_2383 = vector.bitcast %get3A_2382 : vector<16xi32> to vector<32xbf16>
          %unpack3A_2384 = tpu.unpack_subelements %bitcast3A_2383, 0 {pack_format = #tpu.pack_format<interleaved>} : vector<32xbf16> -> vector<16xf32>
          %unpack3A_2385 = tpu.unpack_subelements %bitcast3A_2383, 1 {pack_format = #tpu.pack_format<interleaved>} : vector<32xbf16> -> vector<16xf32>
          %add3A_2386 = arith.constant 16 : i32
          %add3A_2387 = arith.addi %squeeze3A_1998, %add3A_2386 : i32
          %get3A_2388 = arith.index_cast %add3A_2387 : i32 to index
          %get3A_2389 = tpu.vector_load %arg7[%get3A_2388] {strides = array<i32>} : memref<31680xi32, #tpu.memory_space<vmem>>, vector<16xi32>,
          %bitcast3A_2390 = vector.bitcast %get3A_2389 : vector<16xi32> to vector<32xbf16>
          %unpack3A_2391 = tpu.unpack_subelements %bitcast3A_2390, 0 {pack_format = #tpu.pack_format<interleaved>} : vector<32xbf16> -> vector<16xf32>
          %unpack3A_2392 = tpu.unpack_subelements %bitcast3A_2390, 1 {pack_format = #tpu.pack_format<interleaved>} : vector<32xbf16> -> vector<16xf32>
          %add3A_2393 = arith.addf %add3A_2375, %unpack3A_2384 : vector<16xf32>
          %add3A_2394 = arith.addf %add3A_2376, %unpack3A_2385 : vector<16xf32>
          %add3A_2395 = arith.addf %add3A_2377, %unpack3A_2391 : vector<16xf32>
          %add3A_2396 = arith.addf %add3A_2378, %unpack3A_2392 : vector<16xf32>
          %add3A_2397 = arith.constant 0 : i32
          %add3A_2398 = arith.addi %squeeze3A_2000, %add3A_2397 : i32
          %get3A_2399 = arith.index_cast %add3A_2398 : i32 to index
          %get3A_2400 = tpu.vector_load %arg7[%get3A_2399] {strides = array<i32>} : memref<31680xi32, #tpu.memory_space<vmem>>, vector<16xi32>,
          %bitcast3A_2401 = vector.bitcast %get3A_2400 : vector<16xi32> to vector<32xbf16>
          %unpack3A_2402 = tpu.unpack_subelements %bitcast3A_2401, 0 {pack_format = #tpu.pack_format<interleaved>} : vector<32xbf16> -> vector<16xf32>
          %unpack3A_2403 = tpu.unpack_subelements %bitcast3A_2401, 1 {pack_format = #tpu.pack_format<interleaved>} : vector<32xbf16> -> vector<16xf32>
          %add3A_2404 = arith.constant 16 : i32
          %add3A_2405 = arith.addi %squeeze3A_2000, %add3A_2404 : i32
          %get3A_2406 = arith.index_cast %add3A_2405 : i32 to index
          %get3A_2407 = tpu.vector_load %arg7[%get3A_2406] {strides = array<i32>} : memref<31680xi32, #tpu.memory_space<vmem>>, vector<16xi32>,
          %bitcast3A_2408 = vector.bitcast %get3A_2407 : vector<16xi32> to vector<32xbf16>
          %unpack3A_2409 = tpu.unpack_subelements %bitcast3A_2408, 0 {pack_format = #tpu.pack_format<interleaved>} : vector<32xbf16> -> vector<16xf32>
          %unpack3A_2410 = tpu.unpack_subelements %bitcast3A_2408, 1 {pack_format = #tpu.pack_format<interleaved>} : vector<32xbf16> -> vector<16xf32>
          %add3A_2411 = arith.addf %add3A_2393, %unpack3A_2402 : vector<16xf32>
          %add3A_2412 = arith.addf %add3A_2394, %unpack3A_2403 : vector<16xf32>
          %add3A_2413 = arith.addf %add3A_2395, %unpack3A_2409 : vector<16xf32>
          %add3A_2414 = arith.addf %add3A_2396, %unpack3A_2410 : vector<16xf32>
          %add3A_2415 = arith.constant 0 : i32
          %add3A_2416 = arith.addi %squeeze3A_2002, %add3A_2415 : i32
          %get3A_2417 = arith.index_cast %add3A_2416 : i32 to index
          %get3A_2418 = tpu.vector_load %arg7[%get3A_2417] {strides = array<i32>} : memref<31680xi32, #tpu.memory_space<vmem>>, vector<16xi32>,
          %bitcast3A_2419 = vector.bitcast %get3A_2418 : vector<16xi32> to vector<32xbf16>
          %unpack3A_2420 = tpu.unpack_subelements %bitcast3A_2419, 0 {pack_format = #tpu.pack_format<interleaved>} : vector<32xbf16> -> vector<16xf32>
          %unpack3A_2421 = tpu.unpack_subelements %bitcast3A_2419, 1 {pack_format = #tpu.pack_format<interleaved>} : vector<32xbf16> -> vector<16xf32>
          %add3A_2422 = arith.constant 16 : i32
          %add3A_2423 = arith.addi %squeeze3A_2002, %add3A_2422 : i32
          %get3A_2424 = arith.index_cast %add3A_2423 : i32 to index
          %get3A_2425 = tpu.vector_load %arg7[%get3A_2424] {strides = array<i32>} : memref<31680xi32, #tpu.memory_space<vmem>>, vector<16xi32>,
          %bitcast3A_2426 = vector.bitcast %get3A_2425 : vector<16xi32> to vector<32xbf16>
          %unpack3A_2427 = tpu.unpack_subelements %bitcast3A_2426, 0 {pack_format = #tpu.pack_format<interleaved>} : vector<32xbf16> -> vector<16xf32>
          %unpack3A_2428 = tpu.unpack_subelements %bitcast3A_2426, 1 {pack_format = #tpu.pack_format<interleaved>} : vector<32xbf16> -> vector<16xf32>
          %add3A_2429 = arith.addf %add3A_2411, %unpack3A_2420 : vector<16xf32>
          %add3A_2430 = arith.addf %add3A_2412, %unpack3A_2421 : vector<16xf32>
          %add3A_2431 = arith.addf %add3A_2413, %unpack3A_2427 : vector<16xf32>
          %add3A_2432 = arith.addf %add3A_2414, %unpack3A_2428 : vector<16xf32>
          %add3A_2433 = arith.constant 0 : i32
          %add3A_2434 = arith.addi %squeeze3A_2004, %add3A_2433 : i32
          %get3A_2435 = arith.index_cast %add3A_2434 : i32 to index
          %get3A_2436 = tpu.vector_load %arg7[%get3A_2435] {strides = array<i32>} : memref<31680xi32, #tpu.memory_space<vmem>>, vector<16xi32>,
          %bitcast3A_2437 = vector.bitcast %get3A_2436 : vector<16xi32> to vector<32xbf16>
          %unpack3A_2438 = tpu.unpack_subelements %bitcast3A_2437, 0 {pack_format = #tpu.pack_format<interleaved>} : vector<32xbf16> -> vector<16xf32>
          %unpack3A_2439 = tpu.unpack_subelements %bitcast3A_2437, 1 {pack_format = #tpu.pack_format<interleaved>} : vector<32xbf16> -> vector<16xf32>
          %add3A_2440 = arith.constant 16 : i32
          %add3A_2441 = arith.addi %squeeze3A_2004, %add3A_2440 : i32
          %get3A_2442 = arith.index_cast %add3A_2441 : i32 to index
          %get3A_2443 = tpu.vector_load %arg7[%get3A_2442] {strides = array<i32>} : memref<31680xi32, #tpu.memory_space<vmem>>, vector<16xi32>,
          %bitcast3A_2444 = vector.bitcast %get3A_2443 : vector<16xi32> to vector<32xbf16>
          %unpack3A_2445 = tpu.unpack_subelements %bitcast3A_2444, 0 {pack_format = #tpu.pack_format<interleaved>} : vector<32xbf16> -> vector<16xf32>
          %unpack3A_2446 = tpu.unpack_subelements %bitcast3A_2444, 1 {pack_format = #tpu.pack_format<interleaved>} : vector<32xbf16> -> vector<16xf32>
          %add3A_2447 = arith.addf %add3A_2429, %unpack3A_2438 : vector<16xf32>
          %add3A_2448 = arith.addf %add3A_2430, %unpack3A_2439 : vector<16xf32>
          %add3A_2449 = arith.addf %add3A_2431, %unpack3A_2445 : vector<16xf32>
          %add3A_2450 = arith.addf %add3A_2432, %unpack3A_2446 : vector<16xf32>
          %add3A_2451 = arith.constant 0 : i32
          %add3A_2452 = arith.addi %squeeze3A_2006, %add3A_2451 : i32
          %get3A_2453 = arith.index_cast %add3A_2452 : i32 to index
          %get3A_2454 = tpu.vector_load %arg7[%get3A_2453] {strides = array<i32>} : memref<31680xi32, #tpu.memory_space<vmem>>, vector<16xi32>,
          %bitcast3A_2455 = vector.bitcast %get3A_2454 : vector<16xi32> to vector<32xbf16>
          %unpack3A_2456 = tpu.unpack_subelements %bitcast3A_2455, 0 {pack_format = #tpu.pack_format<interleaved>} : vector<32xbf16> -> vector<16xf32>
          %unpack3A_2457 = tpu.unpack_subelements %bitcast3A_2455, 1 {pack_format = #tpu.pack_format<interleaved>} : vector<32xbf16> -> vector<16xf32>
          %add3A_2458 = arith.constant 16 : i32
          %add3A_2459 = arith.addi %squeeze3A_2006, %add3A_2458 : i32
          %get3A_2460 = arith.index_cast %add3A_2459 : i32 to index
          %get3A_2461 = tpu.vector_load %arg7[%get3A_2460] {strides = array<i32>} : memref<31680xi32, #tpu.memory_space<vmem>>, vector<16xi32>,
          %bitcast3A_2462 = vector.bitcast %get3A_2461 : vector<16xi32> to vector<32xbf16>
          %unpack3A_2463 = tpu.unpack_subelements %bitcast3A_2462, 0 {pack_format = #tpu.pack_format<interleaved>} : vector<32xbf16> -> vector<16xf32>
          %unpack3A_2464 = tpu.unpack_subelements %bitcast3A_2462, 1 {pack_format = #tpu.pack_format<interleaved>} : vector<32xbf16> -> vector<16xf32>
          %add3A_2465 = arith.addf %add3A_2447, %unpack3A_2456 : vector<16xf32>
          %add3A_2466 = arith.addf %add3A_2448, %unpack3A_2457 : vector<16xf32>
          %add3A_2467 = arith.addf %add3A_2449, %unpack3A_2463 : vector<16xf32>
          %add3A_2468 = arith.addf %add3A_2450, %unpack3A_2464 : vector<16xf32>
          %add3A_2469 = arith.constant 0 : i32
          %add3A_2470 = arith.addi %add3A_1944, %add3A_2469 : i32
          %swap3A = arith.index_cast %add3A_2470 : i32 to index
          %swap3A_2471 = tpu.vector_load %arg9[%swap3A] {strides = array<i32>} : memref<16384xf32, #tpu.memory_space<vmem>>, vector<16xf32>,
          tpu.vector_store %arg9[%swap3A], %add3A_2465 {strides = array<i32>} : memref<16384xf32, #tpu.memory_space<vmem>>, vector<16xf32>,
          %add3A_2472 = arith.constant 16 : i32
          %add3A_2473 = arith.addi %add3A_1944, %add3A_2472 : i32
          %swap3A_2474 = arith.index_cast %add3A_2473 : i32 to index
          %swap3A_2475 = tpu.vector_load %arg9[%swap3A_2474] {strides = array<i32>} : memref<16384xf32, #tpu.memory_space<vmem>>, vector<16xf32>,
          tpu.vector_store %arg9[%swap3A_2474], %add3A_2466 {strides = array<i32>} : memref<16384xf32, #tpu.memory_space<vmem>>, vector<16xf32>,
          %add3A_2476 = arith.constant 32 : i32
          %add3A_2477 = arith.addi %add3A_1944, %add3A_2476 : i32
          %swap3A_2478 = arith.index_cast %add3A_2477 : i32 to index
          %swap3A_2479 = tpu.vector_load %arg9[%swap3A_2478] {strides = array<i32>} : memref<16384xf32, #tpu.memory_space<vmem>>, vector<16xf32>,
          tpu.vector_store %arg9[%swap3A_2478], %add3A_2467 {strides = array<i32>} : memref<16384xf32, #tpu.memory_space<vmem>>, vector<16xf32>,
          %add3A_2480 = arith.constant 48 : i32
          %add3A_2481 = arith.addi %add3A_1944, %add3A_2480 : i32
          %swap3A_2482 = arith.index_cast %add3A_2481 : i32 to index
          %swap3A_2483 = tpu.vector_load %arg9[%swap3A_2482] {strides = array<i32>} : memref<16384xf32, #tpu.memory_space<vmem>>, vector<16xf32>,
          tpu.vector_store %arg9[%swap3A_2482], %add3A_2468 {strides = array<i32>} : memref<16384xf32, #tpu.memory_space<vmem>>, vector<16xf32>,
        }
        %scan3A_1940 = arith.constant 16 : i32
      }
      %while3A_24 = arith.constant 1 : i32
      scf.for %while3A_30 = %while3A_22 to %while3A_18 step %while3A_24  : i32 {
        %mul3A_31 = arith.constant 16 : i32
        %mul3A_32 = arith.muli %while3A_30, %mul3A_31 : i32
        %add3A_33 = arith.addi %mul3A_2, %mul3A_32 : i32
        %shift_right_arithmetic3A_34 = arith.constant 5 : i32
        %shift_right_arithmetic3A_35 = arith.shrsi %add3A_33, %shift_right_arithmetic3A_34 : i32
        %and3A = arith.constant 511 : i32
        %and3A_36 = arith.andi %shift_right_arithmetic3A_35, %and3A : i32
        %shift_left3A = arith.constant 9 : i32
        %shift_left3A_37 = arith.shli %shift_right_arithmetic3A_3, %shift_left3A : i32
        %add3A_38 = arith.addi %shift_left3A_37, %and3A_36 : i32
        %mul3A_39 = arith.constant 16 : i32
        %mul3A_40 = arith.muli %while3A_30, %mul3A_39 : i32
        %get3A = arith.index_cast %mul3A_40 : i32 to index
        %get3A_41 = tpu.vector_load %arg8[%get3A] {strides = array<i32>} : memref<1024xi32, #tpu.memory_space<vmem>>, vector<16xi32>,
        %shift_left3A_42 = arith.constant 9 : i32
        %shift_left3A_43 = arith.shli %shift_right_arithmetic3A_3, %shift_left3A_42 : i32
        %add3A_44 = vector.broadcast %shift_left3A_43 : i32 to vector<16xi32>
        %add3A_45 = arith.addi %get3A_41, %add3A_44 : vector<16xi32>
        %add3A_46 = arith.constant 0 : i32
        %add3A_47 = arith.addi %add3A_46, %add3A_38 : i32
        %get3A_48 = arith.index_cast %add3A_47 : i32 to index
        %get3A_49 = tpu.vector_load %arg6[%get3A_48] {strides = array<i32>} : memref<15376xf32, #tpu.memory_space<vmem>>, vector<16xf32>,
        %slice3A = vector.extract_strided_slice %get3A_49 {offsets = [0], sizes = [1], strides = [1]} : vector<16xf32> to vector<1xf32>
        %squeeze3A = vector.extract %slice3A[0] : f32 from vector<1xf32>
        %broadcast_in_dim3A = vector.broadcast %squeeze3A : f32 to vector<16xf32>
        %add3A_50 = arith.constant 1024 : i32
        %add3A_51 = arith.addi %add3A_50, %add3A_38 : i32
        %get3A_52 = arith.index_cast %add3A_51 : i32 to index
        %get3A_53 = tpu.vector_load %arg6[%get3A_52] {strides = array<i32>} : memref<15376xf32, #tpu.memory_space<vmem>>, vector<16xf32>,
        %slice3A_54 = vector.extract_strided_slice %get3A_53 {offsets = [0], sizes = [1], strides = [1]} : vector<16xf32> to vector<1xf32>
        %squeeze3A_55 = vector.extract %slice3A_54[0] : f32 from vector<1xf32>
        %broadcast_in_dim3A_56 = vector.broadcast %squeeze3A_55 : f32 to vector<16xf32>
        %add3A_57 = arith.constant 2048 : i32
        %add3A_58 = arith.addi %add3A_57, %add3A_38 : i32
        %get3A_59 = arith.index_cast %add3A_58 : i32 to index
        %get3A_60 = tpu.vector_load %arg6[%get3A_59] {strides = array<i32>} : memref<15376xf32, #tpu.memory_space<vmem>>, vector<16xf32>,
        %slice3A_61 = vector.extract_strided_slice %get3A_60 {offsets = [0], sizes = [1], strides = [1]} : vector<16xf32> to vector<1xf32>
        %squeeze3A_62 = vector.extract %slice3A_61[0] : f32 from vector<1xf32>
        %broadcast_in_dim3A_63 = vector.broadcast %squeeze3A_62 : f32 to vector<16xf32>
        %add3A_64 = arith.constant 3072 : i32
        %add3A_65 = arith.addi %add3A_64, %add3A_38 : i32
        %get3A_66 = arith.index_cast %add3A_65 : i32 to index
        %get3A_67 = tpu.vector_load %arg6[%get3A_66] {strides = array<i32>} : memref<15376xf32, #tpu.memory_space<vmem>>, vector<16xf32>,
        %slice3A_68 = vector.extract_strided_slice %get3A_67 {offsets = [0], sizes = [1], strides = [1]} : vector<16xf32> to vector<1xf32>
        %squeeze3A_69 = vector.extract %slice3A_68[0] : f32 from vector<1xf32>
        %broadcast_in_dim3A_70 = vector.broadcast %squeeze3A_69 : f32 to vector<16xf32>
        %add3A_71 = arith.constant 4096 : i32
        %add3A_72 = arith.addi %add3A_71, %add3A_38 : i32
        %get3A_73 = arith.index_cast %add3A_72 : i32 to index
        %get3A_74 = tpu.vector_load %arg6[%get3A_73] {strides = array<i32>} : memref<15376xf32, #tpu.memory_space<vmem>>, vector<16xf32>,
        %slice3A_75 = vector.extract_strided_slice %get3A_74 {offsets = [0], sizes = [1], strides = [1]} : vector<16xf32> to vector<1xf32>
        %squeeze3A_76 = vector.extract %slice3A_75[0] : f32 from vector<1xf32>
        %broadcast_in_dim3A_77 = vector.broadcast %squeeze3A_76 : f32 to vector<16xf32>
        %add3A_78 = arith.constant 5120 : i32
        %add3A_79 = arith.addi %add3A_78, %add3A_38 : i32
        %get3A_80 = arith.index_cast %add3A_79 : i32 to index
        %get3A_81 = tpu.vector_load %arg6[%get3A_80] {strides = array<i32>} : memref<15376xf32, #tpu.memory_space<vmem>>, vector<16xf32>,
        %slice3A_82 = vector.extract_strided_slice %get3A_81 {offsets = [0], sizes = [1], strides = [1]} : vector<16xf32> to vector<1xf32>
        %squeeze3A_83 = vector.extract %slice3A_82[0] : f32 from vector<1xf32>
        %broadcast_in_dim3A_84 = vector.broadcast %squeeze3A_83 : f32 to vector<16xf32>
        %add3A_85 = arith.constant 6144 : i32
        %add3A_86 = arith.addi %add3A_85, %add3A_38 : i32
        %get3A_87 = arith.index_cast %add3A_86 : i32 to index
        %get3A_88 = tpu.vector_load %arg6[%get3A_87] {strides = array<i32>} : memref<15376xf32, #tpu.memory_space<vmem>>, vector<16xf32>,
        %slice3A_89 = vector.extract_strided_slice %get3A_88 {offsets = [0], sizes = [1], strides = [1]} : vector<16xf32> to vector<1xf32>
        %squeeze3A_90 = vector.extract %slice3A_89[0] : f32 from vector<1xf32>
        %broadcast_in_dim3A_91 = vector.broadcast %squeeze3A_90 : f32 to vector<16xf32>
        %add3A_92 = arith.constant 7168 : i32
        %add3A_93 = arith.addi %add3A_92, %add3A_38 : i32
        %get3A_94 = arith.index_cast %add3A_93 : i32 to index
        %get3A_95 = tpu.vector_load %arg6[%get3A_94] {strides = array<i32>} : memref<15376xf32, #tpu.memory_space<vmem>>, vector<16xf32>,
        %slice3A_96 = vector.extract_strided_slice %get3A_95 {offsets = [0], sizes = [1], strides = [1]} : vector<16xf32> to vector<1xf32>
        %squeeze3A_97 = vector.extract %slice3A_96[0] : f32 from vector<1xf32>
        %broadcast_in_dim3A_98 = vector.broadcast %squeeze3A_97 : f32 to vector<16xf32>
        %add3A_99 = arith.constant 8192 : i32
        %add3A_100 = arith.addi %add3A_99, %add3A_38 : i32
        %get3A_101 = arith.index_cast %add3A_100 : i32 to index
        %get3A_102 = tpu.vector_load %arg6[%get3A_101] {strides = array<i32>} : memref<15376xf32, #tpu.memory_space<vmem>>, vector<16xf32>,
        %slice3A_103 = vector.extract_strided_slice %get3A_102 {offsets = [0], sizes = [1], strides = [1]} : vector<16xf32> to vector<1xf32>
        %squeeze3A_104 = vector.extract %slice3A_103[0] : f32 from vector<1xf32>
        %broadcast_in_dim3A_105 = vector.broadcast %squeeze3A_104 : f32 to vector<16xf32>
        %add3A_106 = arith.constant 9216 : i32
        %add3A_107 = arith.addi %add3A_106, %add3A_38 : i32
        %get3A_108 = arith.index_cast %add3A_107 : i32 to index
        %get3A_109 = tpu.vector_load %arg6[%get3A_108] {strides = array<i32>} : memref<15376xf32, #tpu.memory_space<vmem>>, vector<16xf32>,
        %slice3A_110 = vector.extract_strided_slice %get3A_109 {offsets = [0], sizes = [1], strides = [1]} : vector<16xf32> to vector<1xf32>
        %squeeze3A_111 = vector.extract %slice3A_110[0] : f32 from vector<1xf32>
        %broadcast_in_dim3A_112 = vector.broadcast %squeeze3A_111 : f32 to vector<16xf32>
        %add3A_113 = arith.constant 10240 : i32
        %add3A_114 = arith.addi %add3A_113, %add3A_38 : i32
        %get3A_115 = arith.index_cast %add3A_114 : i32 to index
        %get3A_116 = tpu.vector_load %arg6[%get3A_115] {strides = array<i32>} : memref<15376xf32, #tpu.memory_space<vmem>>, vector<16xf32>,
        %slice3A_117 = vector.extract_strided_slice %get3A_116 {offsets = [0], sizes = [1], strides = [1]} : vector<16xf32> to vector<1xf32>
        %squeeze3A_118 = vector.extract %slice3A_117[0] : f32 from vector<1xf32>
        %broadcast_in_dim3A_119 = vector.broadcast %squeeze3A_118 : f32 to vector<16xf32>
        %add3A_120 = arith.constant 11264 : i32
        %add3A_121 = arith.addi %add3A_120, %add3A_38 : i32
        %get3A_122 = arith.index_cast %add3A_121 : i32 to index
        %get3A_123 = tpu.vector_load %arg6[%get3A_122] {strides = array<i32>} : memref<15376xf32, #tpu.memory_space<vmem>>, vector<16xf32>,
        %slice3A_124 = vector.extract_strided_slice %get3A_123 {offsets = [0], sizes = [1], strides = [1]} : vector<16xf32> to vector<1xf32>
        %squeeze3A_125 = vector.extract %slice3A_124[0] : f32 from vector<1xf32>
        %broadcast_in_dim3A_126 = vector.broadcast %squeeze3A_125 : f32 to vector<16xf32>
        %add3A_127 = arith.constant 12288 : i32
        %add3A_128 = arith.addi %add3A_127, %add3A_38 : i32
        %get3A_129 = arith.index_cast %add3A_128 : i32 to index
        %get3A_130 = tpu.vector_load %arg6[%get3A_129] {strides = array<i32>} : memref<15376xf32, #tpu.memory_space<vmem>>, vector<16xf32>,
        %slice3A_131 = vector.extract_strided_slice %get3A_130 {offsets = [0], sizes = [1], strides = [1]} : vector<16xf32> to vector<1xf32>
        %squeeze3A_132 = vector.extract %slice3A_131[0] : f32 from vector<1xf32>
        %broadcast_in_dim3A_133 = vector.broadcast %squeeze3A_132 : f32 to vector<16xf32>
        %add3A_134 = arith.constant 13312 : i32
        %add3A_135 = arith.addi %add3A_134, %add3A_38 : i32
        %get3A_136 = arith.index_cast %add3A_135 : i32 to index
        %get3A_137 = tpu.vector_load %arg6[%get3A_136] {strides = array<i32>} : memref<15376xf32, #tpu.memory_space<vmem>>, vector<16xf32>,
        %slice3A_138 = vector.extract_strided_slice %get3A_137 {offsets = [0], sizes = [1], strides = [1]} : vector<16xf32> to vector<1xf32>
        %squeeze3A_139 = vector.extract %slice3A_138[0] : f32 from vector<1xf32>
        %broadcast_in_dim3A_140 = vector.broadcast %squeeze3A_139 : f32 to vector<16xf32>
        %add3A_141 = arith.constant 14336 : i32
        %add3A_142 = arith.addi %add3A_141, %add3A_38 : i32
        %get3A_143 = arith.index_cast %add3A_142 : i32 to index
        %get3A_144 = tpu.vector_load %arg6[%get3A_143] {strides = array<i32>} : memref<15376xf32, #tpu.memory_space<vmem>>, vector<16xf32>,
        %slice3A_145 = vector.extract_strided_slice %get3A_144 {offsets = [0], sizes = [1], strides = [1]} : vector<16xf32> to vector<1xf32>
        %squeeze3A_146 = vector.extract %slice3A_145[0] : f32 from vector<1xf32>
        %broadcast_in_dim3A_147 = vector.broadcast %squeeze3A_146 : f32 to vector<16xf32>
        %add3A_148 = arith.constant 0 : i32
        %add3A_149 = vector.broadcast %add3A_148 : i32 to vector<16xi32>
        %add3A_150 = arith.addi %add3A_45, %add3A_149 : vector<16xi32>
        %gather3A = tpu.vector_load_idx %arg6[%add3A_150] : memref<15376xf32, #tpu.memory_space<vmem>>[vector<16xi32>], vector<16xf32>,
        %add3A_151 = arith.constant 1024 : i32
        %add3A_152 = vector.broadcast %add3A_151 : i32 to vector<16xi32>
        %add3A_153 = arith.addi %add3A_45, %add3A_152 : vector<16xi32>
        %gather3A_154 = tpu.vector_load_idx %arg6[%add3A_153] : memref<15376xf32, #tpu.memory_space<vmem>>[vector<16xi32>], vector<16xf32>,
        %add3A_155 = arith.constant 2048 : i32
        %add3A_156 = vector.broadcast %add3A_155 : i32 to vector<16xi32>
        %add3A_157 = arith.addi %add3A_45, %add3A_156 : vector<16xi32>
        %gather3A_158 = tpu.vector_load_idx %arg6[%add3A_157] : memref<15376xf32, #tpu.memory_space<vmem>>[vector<16xi32>], vector<16xf32>,
        %add3A_159 = arith.constant 3072 : i32
        %add3A_160 = vector.broadcast %add3A_159 : i32 to vector<16xi32>
        %add3A_161 = arith.addi %add3A_45, %add3A_160 : vector<16xi32>
        %gather3A_162 = tpu.vector_load_idx %arg6[%add3A_161] : memref<15376xf32, #tpu.memory_space<vmem>>[vector<16xi32>], vector<16xf32>,
        %add3A_163 = arith.constant 4096 : i32
        %add3A_164 = vector.broadcast %add3A_163 : i32 to vector<16xi32>
        %add3A_165 = arith.addi %add3A_45, %add3A_164 : vector<16xi32>
        %gather3A_166 = tpu.vector_load_idx %arg6[%add3A_165] : memref<15376xf32, #tpu.memory_space<vmem>>[vector<16xi32>], vector<16xf32>,
        %add3A_167 = arith.constant 5120 : i32
        %add3A_168 = vector.broadcast %add3A_167 : i32 to vector<16xi32>
        %add3A_169 = arith.addi %add3A_45, %add3A_168 : vector<16xi32>
        %gather3A_170 = tpu.vector_load_idx %arg6[%add3A_169] : memref<15376xf32, #tpu.memory_space<vmem>>[vector<16xi32>], vector<16xf32>,
        %add3A_171 = arith.constant 6144 : i32
        %add3A_172 = vector.broadcast %add3A_171 : i32 to vector<16xi32>
        %add3A_173 = arith.addi %add3A_45, %add3A_172 : vector<16xi32>
        %gather3A_174 = tpu.vector_load_idx %arg6[%add3A_173] : memref<15376xf32, #tpu.memory_space<vmem>>[vector<16xi32>], vector<16xf32>,
        %add3A_175 = arith.constant 7168 : i32
        %add3A_176 = vector.broadcast %add3A_175 : i32 to vector<16xi32>
        %add3A_177 = arith.addi %add3A_45, %add3A_176 : vector<16xi32>
        %gather3A_178 = tpu.vector_load_idx %arg6[%add3A_177] : memref<15376xf32, #tpu.memory_space<vmem>>[vector<16xi32>], vector<16xf32>,
        %add3A_179 = arith.constant 8192 : i32
        %add3A_180 = vector.broadcast %add3A_179 : i32 to vector<16xi32>
        %add3A_181 = arith.addi %add3A_45, %add3A_180 : vector<16xi32>
        %gather3A_182 = tpu.vector_load_idx %arg6[%add3A_181] : memref<15376xf32, #tpu.memory_space<vmem>>[vector<16xi32>], vector<16xf32>,
        %add3A_183 = arith.constant 9216 : i32
        %add3A_184 = vector.broadcast %add3A_183 : i32 to vector<16xi32>
        %add3A_185 = arith.addi %add3A_45, %add3A_184 : vector<16xi32>
        %gather3A_186 = tpu.vector_load_idx %arg6[%add3A_185] : memref<15376xf32, #tpu.memory_space<vmem>>[vector<16xi32>], vector<16xf32>,
        %add3A_187 = arith.constant 10240 : i32
        %add3A_188 = vector.broadcast %add3A_187 : i32 to vector<16xi32>
        %add3A_189 = arith.addi %add3A_45, %add3A_188 : vector<16xi32>
        %gather3A_190 = tpu.vector_load_idx %arg6[%add3A_189] : memref<15376xf32, #tpu.memory_space<vmem>>[vector<16xi32>], vector<16xf32>,
        %add3A_191 = arith.constant 11264 : i32
        %add3A_192 = vector.broadcast %add3A_191 : i32 to vector<16xi32>
        %add3A_193 = arith.addi %add3A_45, %add3A_192 : vector<16xi32>
        %gather3A_194 = tpu.vector_load_idx %arg6[%add3A_193] : memref<15376xf32, #tpu.memory_space<vmem>>[vector<16xi32>], vector<16xf32>,
        %add3A_195 = arith.constant 12288 : i32
        %add3A_196 = vector.broadcast %add3A_195 : i32 to vector<16xi32>
        %add3A_197 = arith.addi %add3A_45, %add3A_196 : vector<16xi32>
        %gather3A_198 = tpu.vector_load_idx %arg6[%add3A_197] : memref<15376xf32, #tpu.memory_space<vmem>>[vector<16xi32>], vector<16xf32>,
        %add3A_199 = arith.constant 13312 : i32
        %add3A_200 = vector.broadcast %add3A_199 : i32 to vector<16xi32>
        %add3A_201 = arith.addi %add3A_45, %add3A_200 : vector<16xi32>
        %gather3A_202 = tpu.vector_load_idx %arg6[%add3A_201] : memref<15376xf32, #tpu.memory_space<vmem>>[vector<16xi32>], vector<16xf32>,
        %add3A_203 = arith.constant 14336 : i32
        %add3A_204 = vector.broadcast %add3A_203 : i32 to vector<16xi32>
        %add3A_205 = arith.addi %add3A_45, %add3A_204 : vector<16xi32>
        %gather3A_206 = tpu.vector_load_idx %arg6[%add3A_205] : memref<15376xf32, #tpu.memory_space<vmem>>[vector<16xi32>], vector<16xf32>,
        %sub3A = arith.subf %broadcast_in_dim3A, %gather3A : vector<16xf32>
        %sub3A_207 = arith.subf %broadcast_in_dim3A_56, %gather3A_154 : vector<16xf32>
        %sub3A_208 = arith.subf %broadcast_in_dim3A_63, %gather3A_158 : vector<16xf32>
        %mul3A_209 = arith.mulf %sub3A, %sub3A : vector<16xf32>
        %mul3A_210 = arith.mulf %sub3A_207, %sub3A_207 : vector<16xf32>
        %add3A_211 = arith.addf %mul3A_209, %mul3A_210 : vector<16xf32>
        %mul3A_212 = arith.mulf %sub3A_208, %sub3A_208 : vector<16xf32>
        %add3A_213 = arith.addf %add3A_211, %mul3A_212 : vector<16xf32>
        %max3A = arith.constant 1.000000e+00 : f32
        %max3A_214 = vector.broadcast %max3A : f32 to vector<16xf32>
        %max3A_215 = arith.maximumf %add3A_213, %max3A_214 : vector<16xf32>
        %bitcast_convert_type3A = tpu.bitcast %max3A_215 : vector<16xf32> -> vector<16xi32>
        %shift_right_arithmetic3A_216 = arith.constant 1 : i32
        %shift_right_arithmetic3A_217 = vector.broadcast %shift_right_arithmetic3A_216 : i32 to vector<16xi32>
        %shift_right_arithmetic3A_218 = arith.shrsi %bitcast_convert_type3A, %shift_right_arithmetic3A_217 : vector<16xi32>
        %sub3A_219 = vector.broadcast %scan3A_4 : i32 to vector<16xi32>
        %sub3A_220 = arith.subi %sub3A_219, %shift_right_arithmetic3A_218 : vector<16xi32>
        %bitcast_convert_type3A_221 = tpu.bitcast %sub3A_220 : vector<16xi32> -> vector<16xf32>
        %mul3A_222 = arith.constant 5.000000e-01 : f32
        %mul3A_223 = vector.broadcast %mul3A_222 : f32 to vector<16xf32>
        %mul3A_224 = arith.mulf %max3A_215, %mul3A_223 : vector<16xf32>
        %mul3A_225 = arith.mulf %mul3A_224, %bitcast_convert_type3A_221 : vector<16xf32>
        %mul3A_226 = arith.mulf %mul3A_225, %bitcast_convert_type3A_221 : vector<16xf32>
        %sub3A_227 = arith.constant 1.500000e+00 : f32
        %sub3A_228 = vector.broadcast %sub3A_227 : f32 to vector<16xf32>
        %sub3A_229 = arith.subf %sub3A_228, %mul3A_226 : vector<16xf32>
        %mul3A_230 = arith.mulf %bitcast_convert_type3A_221, %sub3A_229 : vector<16xf32>
        %mul3A_231 = arith.mulf %mul3A_224, %mul3A_230 : vector<16xf32>
        %mul3A_232 = arith.mulf %mul3A_231, %mul3A_230 : vector<16xf32>
        %sub3A_233 = arith.constant 1.500000e+00 : f32
        %sub3A_234 = vector.broadcast %sub3A_233 : f32 to vector<16xf32>
        %sub3A_235 = arith.subf %sub3A_234, %mul3A_232 : vector<16xf32>
        %mul3A_236 = arith.mulf %mul3A_230, %sub3A_235 : vector<16xf32>
        %mul3A_237 = arith.mulf %mul3A_224, %mul3A_236 : vector<16xf32>
        %mul3A_238 = arith.mulf %mul3A_237, %mul3A_236 : vector<16xf32>
        %sub3A_239 = arith.constant 1.500000e+00 : f32
        %sub3A_240 = vector.broadcast %sub3A_239 : f32 to vector<16xf32>
        %sub3A_241 = arith.subf %sub3A_240, %mul3A_238 : vector<16xf32>
        %mul3A_242 = arith.mulf %mul3A_236, %sub3A_241 : vector<16xf32>
        %mul3A_243 = arith.mulf %max3A_215, %mul3A_242 : vector<16xf32>
        %mul3A_244 = arith.constant 2.000000e+00 : f32
        %mul3A_245 = vector.broadcast %mul3A_244 : f32 to vector<16xf32>
        %mul3A_246 = arith.mulf %mul3A_245, %mul3A_243 : vector<16xf32>
        %sub3A_247 = arith.constant 4.000000e+00 : f32
        %sub3A_248 = vector.broadcast %sub3A_247 : f32 to vector<16xf32>
        %sub3A_249 = arith.subf %mul3A_246, %sub3A_248 : vector<16xf32>
        %convert_element_type3A = arith.fptosi %sub3A_249 : vector<16xf32> to vector<16xi32>
        %convert_element_type3A_250 = arith.sitofp %convert_element_type3A : vector<16xi32> to vector<16xf32>
        %gt3A = arith.cmpf ogt, %sub3A_249, %convert_element_type3A_250 : vector<16xf32>
        %add3A_251 = arith.constant 1 : i32
        %add3A_252 = vector.broadcast %add3A_251 : i32 to vector<16xi32>
        %add3A_253 = arith.addi %convert_element_type3A, %add3A_252 : vector<16xi32>
        %select_n3A = arith.select %gt3A, %add3A_253, %convert_element_type3A : vector<16xi1>, vector<16xi32>
        %jit3A = arith.constant 0 : i32
        %jit3A_254 = arith.constant 36 : i32
        %max3A_255 = vector.broadcast %jit3A : i32 to vector<16xi32>
        %max3A_256 = arith.maxsi %max3A_255, %select_n3A : vector<16xi32>
        %min3A = vector.broadcast %jit3A_254 : i32 to vector<16xi32>
        %min3A_257 = arith.minsi %min3A, %max3A_256 : vector<16xi32>
        %add3A_258 = arith.constant 0 : i32
        %add3A_259 = vector.broadcast %add3A_258 : i32 to vector<16xi32>
        %add3A_260 = arith.addi %min3A_257, %add3A_259 : vector<16xi32>
        %shift_left3A_261 = arith.constant 5 : i32
        %shift_left3A_262 = vector.broadcast %shift_left3A_261 : i32 to vector<16xi32>
        %shift_left3A_263 = arith.shli %add3A_260, %shift_left3A_262 : vector<16xi32>
        %sub3A_264 = arith.subf %broadcast_in_dim3A, %gather3A_162 : vector<16xf32>
        %sub3A_265 = arith.subf %broadcast_in_dim3A_56, %gather3A_166 : vector<16xf32>
        %sub3A_266 = arith.subf %broadcast_in_dim3A_63, %gather3A_170 : vector<16xf32>
        %mul3A_267 = arith.mulf %sub3A_264, %sub3A_264 : vector<16xf32>
        %mul3A_268 = arith.mulf %sub3A_265, %sub3A_265 : vector<16xf32>
        %add3A_269 = arith.addf %mul3A_267, %mul3A_268 : vector<16xf32>
        %mul3A_270 = arith.mulf %sub3A_266, %sub3A_266 : vector<16xf32>
        %add3A_271 = arith.addf %add3A_269, %mul3A_270 : vector<16xf32>
        %max3A_272 = arith.constant 1.000000e+00 : f32
        %max3A_273 = vector.broadcast %max3A_272 : f32 to vector<16xf32>
        %max3A_274 = arith.maximumf %add3A_271, %max3A_273 : vector<16xf32>
        %bitcast_convert_type3A_275 = tpu.bitcast %max3A_274 : vector<16xf32> -> vector<16xi32>
        %shift_right_arithmetic3A_276 = arith.constant 1 : i32
        %shift_right_arithmetic3A_277 = vector.broadcast %shift_right_arithmetic3A_276 : i32 to vector<16xi32>
        %shift_right_arithmetic3A_278 = arith.shrsi %bitcast_convert_type3A_275, %shift_right_arithmetic3A_277 : vector<16xi32>
        %sub3A_279 = vector.broadcast %scan3A_4 : i32 to vector<16xi32>
        %sub3A_280 = arith.subi %sub3A_279, %shift_right_arithmetic3A_278 : vector<16xi32>
        %bitcast_convert_type3A_281 = tpu.bitcast %sub3A_280 : vector<16xi32> -> vector<16xf32>
        %mul3A_282 = arith.constant 5.000000e-01 : f32
        %mul3A_283 = vector.broadcast %mul3A_282 : f32 to vector<16xf32>
        %mul3A_284 = arith.mulf %max3A_274, %mul3A_283 : vector<16xf32>
        %mul3A_285 = arith.mulf %mul3A_284, %bitcast_convert_type3A_281 : vector<16xf32>
        %mul3A_286 = arith.mulf %mul3A_285, %bitcast_convert_type3A_281 : vector<16xf32>
        %sub3A_287 = arith.constant 1.500000e+00 : f32
        %sub3A_288 = vector.broadcast %sub3A_287 : f32 to vector<16xf32>
        %sub3A_289 = arith.subf %sub3A_288, %mul3A_286 : vector<16xf32>
        %mul3A_290 = arith.mulf %bitcast_convert_type3A_281, %sub3A_289 : vector<16xf32>
        %mul3A_291 = arith.mulf %mul3A_284, %mul3A_290 : vector<16xf32>
        %mul3A_292 = arith.mulf %mul3A_291, %mul3A_290 : vector<16xf32>
        %sub3A_293 = arith.constant 1.500000e+00 : f32
        %sub3A_294 = vector.broadcast %sub3A_293 : f32 to vector<16xf32>
        %sub3A_295 = arith.subf %sub3A_294, %mul3A_292 : vector<16xf32>
        %mul3A_296 = arith.mulf %mul3A_290, %sub3A_295 : vector<16xf32>
        %mul3A_297 = arith.mulf %mul3A_284, %mul3A_296 : vector<16xf32>
        %mul3A_298 = arith.mulf %mul3A_297, %mul3A_296 : vector<16xf32>
        %sub3A_299 = arith.constant 1.500000e+00 : f32
        %sub3A_300 = vector.broadcast %sub3A_299 : f32 to vector<16xf32>
        %sub3A_301 = arith.subf %sub3A_300, %mul3A_298 : vector<16xf32>
        %mul3A_302 = arith.mulf %mul3A_296, %sub3A_301 : vector<16xf32>
        %mul3A_303 = arith.mulf %max3A_274, %mul3A_302 : vector<16xf32>
        %mul3A_304 = arith.constant 2.000000e+00 : f32
        %mul3A_305 = vector.broadcast %mul3A_304 : f32 to vector<16xf32>
        %mul3A_306 = arith.mulf %mul3A_305, %mul3A_303 : vector<16xf32>
        %sub3A_307 = arith.constant 4.000000e+00 : f32
        %sub3A_308 = vector.broadcast %sub3A_307 : f32 to vector<16xf32>
        %sub3A_309 = arith.subf %mul3A_306, %sub3A_308 : vector<16xf32>
        %convert_element_type3A_310 = arith.fptosi %sub3A_309 : vector<16xf32> to vector<16xi32>
        %convert_element_type3A_311 = arith.sitofp %convert_element_type3A_310 : vector<16xi32> to vector<16xf32>
        %gt3A_312 = arith.cmpf ogt, %sub3A_309, %convert_element_type3A_311 : vector<16xf32>
        %add3A_313 = arith.constant 1 : i32
        %add3A_314 = vector.broadcast %add3A_313 : i32 to vector<16xi32>
        %add3A_315 = arith.addi %convert_element_type3A_310, %add3A_314 : vector<16xi32>
        %select_n3A_316 = arith.select %gt3A_312, %add3A_315, %convert_element_type3A_310 : vector<16xi1>, vector<16xi32>
        %jit3A_317 = arith.constant 0 : i32
        %jit3A_318 = arith.constant 36 : i32
        %max3A_319 = vector.broadcast %jit3A_317 : i32 to vector<16xi32>
        %max3A_320 = arith.maxsi %max3A_319, %select_n3A_316 : vector<16xi32>
        %min3A_321 = vector.broadcast %jit3A_318 : i32 to vector<16xi32>
        %min3A_322 = arith.minsi %min3A_321, %max3A_320 : vector<16xi32>
        %add3A_323 = arith.constant 37 : i32
        %add3A_324 = vector.broadcast %add3A_323 : i32 to vector<16xi32>
        %add3A_325 = arith.addi %min3A_322, %add3A_324 : vector<16xi32>
        %shift_left3A_326 = arith.constant 5 : i32
        %shift_left3A_327 = vector.broadcast %shift_left3A_326 : i32 to vector<16xi32>
        %shift_left3A_328 = arith.shli %add3A_325, %shift_left3A_327 : vector<16xi32>
        %sub3A_329 = arith.subf %broadcast_in_dim3A, %gather3A_174 : vector<16xf32>
        %sub3A_330 = arith.subf %broadcast_in_dim3A_56, %gather3A_178 : vector<16xf32>
        %sub3A_331 = arith.subf %broadcast_in_dim3A_63, %gather3A_182 : vector<16xf32>
        %mul3A_332 = arith.mulf %sub3A_329, %sub3A_329 : vector<16xf32>
        %mul3A_333 = arith.mulf %sub3A_330, %sub3A_330 : vector<16xf32>
        %add3A_334 = arith.addf %mul3A_332, %mul3A_333 : vector<16xf32>
        %mul3A_335 = arith.mulf %sub3A_331, %sub3A_331 : vector<16xf32>
        %add3A_336 = arith.addf %add3A_334, %mul3A_335 : vector<16xf32>
        %max3A_337 = arith.constant 1.000000e+00 : f32
        %max3A_338 = vector.broadcast %max3A_337 : f32 to vector<16xf32>
        %max3A_339 = arith.maximumf %add3A_336, %max3A_338 : vector<16xf32>
        %bitcast_convert_type3A_340 = tpu.bitcast %max3A_339 : vector<16xf32> -> vector<16xi32>
        %shift_right_arithmetic3A_341 = arith.constant 1 : i32
        %shift_right_arithmetic3A_342 = vector.broadcast %shift_right_arithmetic3A_341 : i32 to vector<16xi32>
        %shift_right_arithmetic3A_343 = arith.shrsi %bitcast_convert_type3A_340, %shift_right_arithmetic3A_342 : vector<16xi32>
        %sub3A_344 = vector.broadcast %scan3A_4 : i32 to vector<16xi32>
        %sub3A_345 = arith.subi %sub3A_344, %shift_right_arithmetic3A_343 : vector<16xi32>
        %bitcast_convert_type3A_346 = tpu.bitcast %sub3A_345 : vector<16xi32> -> vector<16xf32>
        %mul3A_347 = arith.constant 5.000000e-01 : f32
        %mul3A_348 = vector.broadcast %mul3A_347 : f32 to vector<16xf32>
        %mul3A_349 = arith.mulf %max3A_339, %mul3A_348 : vector<16xf32>
        %mul3A_350 = arith.mulf %mul3A_349, %bitcast_convert_type3A_346 : vector<16xf32>
        %mul3A_351 = arith.mulf %mul3A_350, %bitcast_convert_type3A_346 : vector<16xf32>
        %sub3A_352 = arith.constant 1.500000e+00 : f32
        %sub3A_353 = vector.broadcast %sub3A_352 : f32 to vector<16xf32>
        %sub3A_354 = arith.subf %sub3A_353, %mul3A_351 : vector<16xf32>
        %mul3A_355 = arith.mulf %bitcast_convert_type3A_346, %sub3A_354 : vector<16xf32>
        %mul3A_356 = arith.mulf %mul3A_349, %mul3A_355 : vector<16xf32>
        %mul3A_357 = arith.mulf %mul3A_356, %mul3A_355 : vector<16xf32>
        %sub3A_358 = arith.constant 1.500000e+00 : f32
        %sub3A_359 = vector.broadcast %sub3A_358 : f32 to vector<16xf32>
        %sub3A_360 = arith.subf %sub3A_359, %mul3A_357 : vector<16xf32>
        %mul3A_361 = arith.mulf %mul3A_355, %sub3A_360 : vector<16xf32>
        %mul3A_362 = arith.mulf %mul3A_349, %mul3A_361 : vector<16xf32>
        %mul3A_363 = arith.mulf %mul3A_362, %mul3A_361 : vector<16xf32>
        %sub3A_364 = arith.constant 1.500000e+00 : f32
        %sub3A_365 = vector.broadcast %sub3A_364 : f32 to vector<16xf32>
        %sub3A_366 = arith.subf %sub3A_365, %mul3A_363 : vector<16xf32>
        %mul3A_367 = arith.mulf %mul3A_361, %sub3A_366 : vector<16xf32>
        %mul3A_368 = arith.mulf %max3A_339, %mul3A_367 : vector<16xf32>
        %mul3A_369 = arith.constant 2.000000e+00 : f32
        %mul3A_370 = vector.broadcast %mul3A_369 : f32 to vector<16xf32>
        %mul3A_371 = arith.mulf %mul3A_370, %mul3A_368 : vector<16xf32>
        %sub3A_372 = arith.constant 4.000000e+00 : f32
        %sub3A_373 = vector.broadcast %sub3A_372 : f32 to vector<16xf32>
        %sub3A_374 = arith.subf %mul3A_371, %sub3A_373 : vector<16xf32>
        %convert_element_type3A_375 = arith.fptosi %sub3A_374 : vector<16xf32> to vector<16xi32>
        %convert_element_type3A_376 = arith.sitofp %convert_element_type3A_375 : vector<16xi32> to vector<16xf32>
        %gt3A_377 = arith.cmpf ogt, %sub3A_374, %convert_element_type3A_376 : vector<16xf32>
        %add3A_378 = arith.constant 1 : i32
        %add3A_379 = vector.broadcast %add3A_378 : i32 to vector<16xi32>
        %add3A_380 = arith.addi %convert_element_type3A_375, %add3A_379 : vector<16xi32>
        %select_n3A_381 = arith.select %gt3A_377, %add3A_380, %convert_element_type3A_375 : vector<16xi1>, vector<16xi32>
        %jit3A_382 = arith.constant 0 : i32
        %jit3A_383 = arith.constant 36 : i32
        %max3A_384 = vector.broadcast %jit3A_382 : i32 to vector<16xi32>
        %max3A_385 = arith.maxsi %max3A_384, %select_n3A_381 : vector<16xi32>
        %min3A_386 = vector.broadcast %jit3A_383 : i32 to vector<16xi32>
        %min3A_387 = arith.minsi %min3A_386, %max3A_385 : vector<16xi32>
        %add3A_388 = arith.constant 74 : i32
        %add3A_389 = vector.broadcast %add3A_388 : i32 to vector<16xi32>
        %add3A_390 = arith.addi %min3A_387, %add3A_389 : vector<16xi32>
        %shift_left3A_391 = arith.constant 5 : i32
        %shift_left3A_392 = vector.broadcast %shift_left3A_391 : i32 to vector<16xi32>
        %shift_left3A_393 = arith.shli %add3A_390, %shift_left3A_392 : vector<16xi32>
        %sub3A_394 = arith.subf %broadcast_in_dim3A, %gather3A_186 : vector<16xf32>
        %sub3A_395 = arith.subf %broadcast_in_dim3A_56, %gather3A_190 : vector<16xf32>
        %sub3A_396 = arith.subf %broadcast_in_dim3A_63, %gather3A_194 : vector<16xf32>
        %mul3A_397 = arith.mulf %sub3A_394, %sub3A_394 : vector<16xf32>
        %mul3A_398 = arith.mulf %sub3A_395, %sub3A_395 : vector<16xf32>
        %add3A_399 = arith.addf %mul3A_397, %mul3A_398 : vector<16xf32>
        %mul3A_400 = arith.mulf %sub3A_396, %sub3A_396 : vector<16xf32>
        %add3A_401 = arith.addf %add3A_399, %mul3A_400 : vector<16xf32>
        %max3A_402 = arith.constant 1.000000e+00 : f32
        %max3A_403 = vector.broadcast %max3A_402 : f32 to vector<16xf32>
        %max3A_404 = arith.maximumf %add3A_401, %max3A_403 : vector<16xf32>
        %bitcast_convert_type3A_405 = tpu.bitcast %max3A_404 : vector<16xf32> -> vector<16xi32>
        %shift_right_arithmetic3A_406 = arith.constant 1 : i32
        %shift_right_arithmetic3A_407 = vector.broadcast %shift_right_arithmetic3A_406 : i32 to vector<16xi32>
        %shift_right_arithmetic3A_408 = arith.shrsi %bitcast_convert_type3A_405, %shift_right_arithmetic3A_407 : vector<16xi32>
        %sub3A_409 = vector.broadcast %scan3A_4 : i32 to vector<16xi32>
        %sub3A_410 = arith.subi %sub3A_409, %shift_right_arithmetic3A_408 : vector<16xi32>
        %bitcast_convert_type3A_411 = tpu.bitcast %sub3A_410 : vector<16xi32> -> vector<16xf32>
        %mul3A_412 = arith.constant 5.000000e-01 : f32
        %mul3A_413 = vector.broadcast %mul3A_412 : f32 to vector<16xf32>
        %mul3A_414 = arith.mulf %max3A_404, %mul3A_413 : vector<16xf32>
        %mul3A_415 = arith.mulf %mul3A_414, %bitcast_convert_type3A_411 : vector<16xf32>
        %mul3A_416 = arith.mulf %mul3A_415, %bitcast_convert_type3A_411 : vector<16xf32>
        %sub3A_417 = arith.constant 1.500000e+00 : f32
        %sub3A_418 = vector.broadcast %sub3A_417 : f32 to vector<16xf32>
        %sub3A_419 = arith.subf %sub3A_418, %mul3A_416 : vector<16xf32>
        %mul3A_420 = arith.mulf %bitcast_convert_type3A_411, %sub3A_419 : vector<16xf32>
        %mul3A_421 = arith.mulf %mul3A_414, %mul3A_420 : vector<16xf32>
        %mul3A_422 = arith.mulf %mul3A_421, %mul3A_420 : vector<16xf32>
        %sub3A_423 = arith.constant 1.500000e+00 : f32
        %sub3A_424 = vector.broadcast %sub3A_423 : f32 to vector<16xf32>
        %sub3A_425 = arith.subf %sub3A_424, %mul3A_422 : vector<16xf32>
        %mul3A_426 = arith.mulf %mul3A_420, %sub3A_425 : vector<16xf32>
        %mul3A_427 = arith.mulf %mul3A_414, %mul3A_426 : vector<16xf32>
        %mul3A_428 = arith.mulf %mul3A_427, %mul3A_426 : vector<16xf32>
        %sub3A_429 = arith.constant 1.500000e+00 : f32
        %sub3A_430 = vector.broadcast %sub3A_429 : f32 to vector<16xf32>
        %sub3A_431 = arith.subf %sub3A_430, %mul3A_428 : vector<16xf32>
        %mul3A_432 = arith.mulf %mul3A_426, %sub3A_431 : vector<16xf32>
        %mul3A_433 = arith.mulf %max3A_404, %mul3A_432 : vector<16xf32>
        %mul3A_434 = arith.constant 2.000000e+00 : f32
        %mul3A_435 = vector.broadcast %mul3A_434 : f32 to vector<16xf32>
        %mul3A_436 = arith.mulf %mul3A_435, %mul3A_433 : vector<16xf32>
        %sub3A_437 = arith.constant 4.000000e+00 : f32
        %sub3A_438 = vector.broadcast %sub3A_437 : f32 to vector<16xf32>
        %sub3A_439 = arith.subf %mul3A_436, %sub3A_438 : vector<16xf32>
        %convert_element_type3A_440 = arith.fptosi %sub3A_439 : vector<16xf32> to vector<16xi32>
        %convert_element_type3A_441 = arith.sitofp %convert_element_type3A_440 : vector<16xi32> to vector<16xf32>
        %gt3A_442 = arith.cmpf ogt, %sub3A_439, %convert_element_type3A_441 : vector<16xf32>
        %add3A_443 = arith.constant 1 : i32
        %add3A_444 = vector.broadcast %add3A_443 : i32 to vector<16xi32>
        %add3A_445 = arith.addi %convert_element_type3A_440, %add3A_444 : vector<16xi32>
        %select_n3A_446 = arith.select %gt3A_442, %add3A_445, %convert_element_type3A_440 : vector<16xi1>, vector<16xi32>
        %jit3A_447 = arith.constant 0 : i32
        %jit3A_448 = arith.constant 36 : i32
        %max3A_449 = vector.broadcast %jit3A_447 : i32 to vector<16xi32>
        %max3A_450 = arith.maxsi %max3A_449, %select_n3A_446 : vector<16xi32>
        %min3A_451 = vector.broadcast %jit3A_448 : i32 to vector<16xi32>
        %min3A_452 = arith.minsi %min3A_451, %max3A_450 : vector<16xi32>
        %add3A_453 = arith.constant 111 : i32
        %add3A_454 = vector.broadcast %add3A_453 : i32 to vector<16xi32>
        %add3A_455 = arith.addi %min3A_452, %add3A_454 : vector<16xi32>
        %shift_left3A_456 = arith.constant 5 : i32
        %shift_left3A_457 = vector.broadcast %shift_left3A_456 : i32 to vector<16xi32>
        %shift_left3A_458 = arith.shli %add3A_455, %shift_left3A_457 : vector<16xi32>
        %sub3A_459 = arith.subf %broadcast_in_dim3A, %gather3A_198 : vector<16xf32>
        %sub3A_460 = arith.subf %broadcast_in_dim3A_56, %gather3A_202 : vector<16xf32>
        %sub3A_461 = arith.subf %broadcast_in_dim3A_63, %gather3A_206 : vector<16xf32>
        %mul3A_462 = arith.mulf %sub3A_459, %sub3A_459 : vector<16xf32>
        %mul3A_463 = arith.mulf %sub3A_460, %sub3A_460 : vector<16xf32>
        %add3A_464 = arith.addf %mul3A_462, %mul3A_463 : vector<16xf32>
        %mul3A_465 = arith.mulf %sub3A_461, %sub3A_461 : vector<16xf32>
        %add3A_466 = arith.addf %add3A_464, %mul3A_465 : vector<16xf32>
        %max3A_467 = arith.constant 1.000000e+00 : f32
        %max3A_468 = vector.broadcast %max3A_467 : f32 to vector<16xf32>
        %max3A_469 = arith.maximumf %add3A_466, %max3A_468 : vector<16xf32>
        %bitcast_convert_type3A_470 = tpu.bitcast %max3A_469 : vector<16xf32> -> vector<16xi32>
        %shift_right_arithmetic3A_471 = arith.constant 1 : i32
        %shift_right_arithmetic3A_472 = vector.broadcast %shift_right_arithmetic3A_471 : i32 to vector<16xi32>
        %shift_right_arithmetic3A_473 = arith.shrsi %bitcast_convert_type3A_470, %shift_right_arithmetic3A_472 : vector<16xi32>
        %sub3A_474 = vector.broadcast %scan3A_4 : i32 to vector<16xi32>
        %sub3A_475 = arith.subi %sub3A_474, %shift_right_arithmetic3A_473 : vector<16xi32>
        %bitcast_convert_type3A_476 = tpu.bitcast %sub3A_475 : vector<16xi32> -> vector<16xf32>
        %mul3A_477 = arith.constant 5.000000e-01 : f32
        %mul3A_478 = vector.broadcast %mul3A_477 : f32 to vector<16xf32>
        %mul3A_479 = arith.mulf %max3A_469, %mul3A_478 : vector<16xf32>
        %mul3A_480 = arith.mulf %mul3A_479, %bitcast_convert_type3A_476 : vector<16xf32>
        %mul3A_481 = arith.mulf %mul3A_480, %bitcast_convert_type3A_476 : vector<16xf32>
        %sub3A_482 = arith.constant 1.500000e+00 : f32
        %sub3A_483 = vector.broadcast %sub3A_482 : f32 to vector<16xf32>
        %sub3A_484 = arith.subf %sub3A_483, %mul3A_481 : vector<16xf32>
        %mul3A_485 = arith.mulf %bitcast_convert_type3A_476, %sub3A_484 : vector<16xf32>
        %mul3A_486 = arith.mulf %mul3A_479, %mul3A_485 : vector<16xf32>
        %mul3A_487 = arith.mulf %mul3A_486, %mul3A_485 : vector<16xf32>
        %sub3A_488 = arith.constant 1.500000e+00 : f32
        %sub3A_489 = vector.broadcast %sub3A_488 : f32 to vector<16xf32>
        %sub3A_490 = arith.subf %sub3A_489, %mul3A_487 : vector<16xf32>
        %mul3A_491 = arith.mulf %mul3A_485, %sub3A_490 : vector<16xf32>
        %mul3A_492 = arith.mulf %mul3A_479, %mul3A_491 : vector<16xf32>
        %mul3A_493 = arith.mulf %mul3A_492, %mul3A_491 : vector<16xf32>
        %sub3A_494 = arith.constant 1.500000e+00 : f32
        %sub3A_495 = vector.broadcast %sub3A_494 : f32 to vector<16xf32>
        %sub3A_496 = arith.subf %sub3A_495, %mul3A_493 : vector<16xf32>
        %mul3A_497 = arith.mulf %mul3A_491, %sub3A_496 : vector<16xf32>
        %mul3A_498 = arith.mulf %max3A_469, %mul3A_497 : vector<16xf32>
        %mul3A_499 = arith.constant 2.000000e+00 : f32
        %mul3A_500 = vector.broadcast %mul3A_499 : f32 to vector<16xf32>
        %mul3A_501 = arith.mulf %mul3A_500, %mul3A_498 : vector<16xf32>
        %sub3A_502 = arith.constant 4.000000e+00 : f32
        %sub3A_503 = vector.broadcast %sub3A_502 : f32 to vector<16xf32>
        %sub3A_504 = arith.subf %mul3A_501, %sub3A_503 : vector<16xf32>
        %convert_element_type3A_505 = arith.fptosi %sub3A_504 : vector<16xf32> to vector<16xi32>
        %convert_element_type3A_506 = arith.sitofp %convert_element_type3A_505 : vector<16xi32> to vector<16xf32>
        %gt3A_507 = arith.cmpf ogt, %sub3A_504, %convert_element_type3A_506 : vector<16xf32>
        %add3A_508 = arith.constant 1 : i32
        %add3A_509 = vector.broadcast %add3A_508 : i32 to vector<16xi32>
        %add3A_510 = arith.addi %convert_element_type3A_505, %add3A_509 : vector<16xi32>
        %select_n3A_511 = arith.select %gt3A_507, %add3A_510, %convert_element_type3A_505 : vector<16xi1>, vector<16xi32>
        %jit3A_512 = arith.constant 0 : i32
        %jit3A_513 = arith.constant 36 : i32
        %max3A_514 = vector.broadcast %jit3A_512 : i32 to vector<16xi32>
        %max3A_515 = arith.maxsi %max3A_514, %select_n3A_511 : vector<16xi32>
        %min3A_516 = vector.broadcast %jit3A_513 : i32 to vector<16xi32>
        %min3A_517 = arith.minsi %min3A_516, %max3A_515 : vector<16xi32>
        %add3A_518 = arith.constant 148 : i32
        %add3A_519 = vector.broadcast %add3A_518 : i32 to vector<16xi32>
        %add3A_520 = arith.addi %min3A_517, %add3A_519 : vector<16xi32>
        %shift_left3A_521 = arith.constant 5 : i32
        %shift_left3A_522 = vector.broadcast %shift_left3A_521 : i32 to vector<16xi32>
        %shift_left3A_523 = arith.shli %add3A_520, %shift_left3A_522 : vector<16xi32>
        %sub3A_524 = arith.subf %broadcast_in_dim3A_70, %gather3A : vector<16xf32>
        %sub3A_525 = arith.subf %broadcast_in_dim3A_77, %gather3A_154 : vector<16xf32>
        %sub3A_526 = arith.subf %broadcast_in_dim3A_84, %gather3A_158 : vector<16xf32>
        %mul3A_527 = arith.mulf %sub3A_524, %sub3A_524 : vector<16xf32>
        %mul3A_528 = arith.mulf %sub3A_525, %sub3A_525 : vector<16xf32>
        %add3A_529 = arith.addf %mul3A_527, %mul3A_528 : vector<16xf32>
        %mul3A_530 = arith.mulf %sub3A_526, %sub3A_526 : vector<16xf32>
        %add3A_531 = arith.addf %add3A_529, %mul3A_530 : vector<16xf32>
        %max3A_532 = arith.constant 1.000000e+00 : f32
        %max3A_533 = vector.broadcast %max3A_532 : f32 to vector<16xf32>
        %max3A_534 = arith.maximumf %add3A_531, %max3A_533 : vector<16xf32>
        %bitcast_convert_type3A_535 = tpu.bitcast %max3A_534 : vector<16xf32> -> vector<16xi32>
        %shift_right_arithmetic3A_536 = arith.constant 1 : i32
        %shift_right_arithmetic3A_537 = vector.broadcast %shift_right_arithmetic3A_536 : i32 to vector<16xi32>
        %shift_right_arithmetic3A_538 = arith.shrsi %bitcast_convert_type3A_535, %shift_right_arithmetic3A_537 : vector<16xi32>
        %sub3A_539 = vector.broadcast %scan3A_4 : i32 to vector<16xi32>
        %sub3A_540 = arith.subi %sub3A_539, %shift_right_arithmetic3A_538 : vector<16xi32>
        %bitcast_convert_type3A_541 = tpu.bitcast %sub3A_540 : vector<16xi32> -> vector<16xf32>
        %mul3A_542 = arith.constant 5.000000e-01 : f32
        %mul3A_543 = vector.broadcast %mul3A_542 : f32 to vector<16xf32>
        %mul3A_544 = arith.mulf %max3A_534, %mul3A_543 : vector<16xf32>
        %mul3A_545 = arith.mulf %mul3A_544, %bitcast_convert_type3A_541 : vector<16xf32>
        %mul3A_546 = arith.mulf %mul3A_545, %bitcast_convert_type3A_541 : vector<16xf32>
        %sub3A_547 = arith.constant 1.500000e+00 : f32
        %sub3A_548 = vector.broadcast %sub3A_547 : f32 to vector<16xf32>
        %sub3A_549 = arith.subf %sub3A_548, %mul3A_546 : vector<16xf32>
        %mul3A_550 = arith.mulf %bitcast_convert_type3A_541, %sub3A_549 : vector<16xf32>
        %mul3A_551 = arith.mulf %mul3A_544, %mul3A_550 : vector<16xf32>
        %mul3A_552 = arith.mulf %mul3A_551, %mul3A_550 : vector<16xf32>
        %sub3A_553 = arith.constant 1.500000e+00 : f32
        %sub3A_554 = vector.broadcast %sub3A_553 : f32 to vector<16xf32>
        %sub3A_555 = arith.subf %sub3A_554, %mul3A_552 : vector<16xf32>
        %mul3A_556 = arith.mulf %mul3A_550, %sub3A_555 : vector<16xf32>
        %mul3A_557 = arith.mulf %mul3A_544, %mul3A_556 : vector<16xf32>
        %mul3A_558 = arith.mulf %mul3A_557, %mul3A_556 : vector<16xf32>
        %sub3A_559 = arith.constant 1.500000e+00 : f32
        %sub3A_560 = vector.broadcast %sub3A_559 : f32 to vector<16xf32>
        %sub3A_561 = arith.subf %sub3A_560, %mul3A_558 : vector<16xf32>
        %mul3A_562 = arith.mulf %mul3A_556, %sub3A_561 : vector<16xf32>
        %mul3A_563 = arith.mulf %max3A_534, %mul3A_562 : vector<16xf32>
        %mul3A_564 = arith.constant 2.000000e+00 : f32
        %mul3A_565 = vector.broadcast %mul3A_564 : f32 to vector<16xf32>
        %mul3A_566 = arith.mulf %mul3A_565, %mul3A_563 : vector<16xf32>
        %sub3A_567 = arith.constant 4.000000e+00 : f32
        %sub3A_568 = vector.broadcast %sub3A_567 : f32 to vector<16xf32>
        %sub3A_569 = arith.subf %mul3A_566, %sub3A_568 : vector<16xf32>
        %convert_element_type3A_570 = arith.fptosi %sub3A_569 : vector<16xf32> to vector<16xi32>
        %convert_element_type3A_571 = arith.sitofp %convert_element_type3A_570 : vector<16xi32> to vector<16xf32>
        %gt3A_572 = arith.cmpf ogt, %sub3A_569, %convert_element_type3A_571 : vector<16xf32>
        %add3A_573 = arith.constant 1 : i32
        %add3A_574 = vector.broadcast %add3A_573 : i32 to vector<16xi32>
        %add3A_575 = arith.addi %convert_element_type3A_570, %add3A_574 : vector<16xi32>
        %select_n3A_576 = arith.select %gt3A_572, %add3A_575, %convert_element_type3A_570 : vector<16xi1>, vector<16xi32>
        %jit3A_577 = arith.constant 0 : i32
        %jit3A_578 = arith.constant 36 : i32
        %max3A_579 = vector.broadcast %jit3A_577 : i32 to vector<16xi32>
        %max3A_580 = arith.maxsi %max3A_579, %select_n3A_576 : vector<16xi32>
        %min3A_581 = vector.broadcast %jit3A_578 : i32 to vector<16xi32>
        %min3A_582 = arith.minsi %min3A_581, %max3A_580 : vector<16xi32>
        %add3A_583 = arith.constant 185 : i32
        %add3A_584 = vector.broadcast %add3A_583 : i32 to vector<16xi32>
        %add3A_585 = arith.addi %min3A_582, %add3A_584 : vector<16xi32>
        %shift_left3A_586 = arith.constant 5 : i32
        %shift_left3A_587 = vector.broadcast %shift_left3A_586 : i32 to vector<16xi32>
        %shift_left3A_588 = arith.shli %add3A_585, %shift_left3A_587 : vector<16xi32>
        %sub3A_589 = arith.subf %broadcast_in_dim3A_70, %gather3A_162 : vector<16xf32>
        %sub3A_590 = arith.subf %broadcast_in_dim3A_77, %gather3A_166 : vector<16xf32>
        %sub3A_591 = arith.subf %broadcast_in_dim3A_84, %gather3A_170 : vector<16xf32>
        %mul3A_592 = arith.mulf %sub3A_589, %sub3A_589 : vector<16xf32>
        %mul3A_593 = arith.mulf %sub3A_590, %sub3A_590 : vector<16xf32>
        %add3A_594 = arith.addf %mul3A_592, %mul3A_593 : vector<16xf32>
        %mul3A_595 = arith.mulf %sub3A_591, %sub3A_591 : vector<16xf32>
        %add3A_596 = arith.addf %add3A_594, %mul3A_595 : vector<16xf32>
        %max3A_597 = arith.constant 1.000000e+00 : f32
        %max3A_598 = vector.broadcast %max3A_597 : f32 to vector<16xf32>
        %max3A_599 = arith.maximumf %add3A_596, %max3A_598 : vector<16xf32>
        %bitcast_convert_type3A_600 = tpu.bitcast %max3A_599 : vector<16xf32> -> vector<16xi32>
        %shift_right_arithmetic3A_601 = arith.constant 1 : i32
        %shift_right_arithmetic3A_602 = vector.broadcast %shift_right_arithmetic3A_601 : i32 to vector<16xi32>
        %shift_right_arithmetic3A_603 = arith.shrsi %bitcast_convert_type3A_600, %shift_right_arithmetic3A_602 : vector<16xi32>
        %sub3A_604 = vector.broadcast %scan3A_4 : i32 to vector<16xi32>
        %sub3A_605 = arith.subi %sub3A_604, %shift_right_arithmetic3A_603 : vector<16xi32>
        %bitcast_convert_type3A_606 = tpu.bitcast %sub3A_605 : vector<16xi32> -> vector<16xf32>
        %mul3A_607 = arith.constant 5.000000e-01 : f32
        %mul3A_608 = vector.broadcast %mul3A_607 : f32 to vector<16xf32>
        %mul3A_609 = arith.mulf %max3A_599, %mul3A_608 : vector<16xf32>
        %mul3A_610 = arith.mulf %mul3A_609, %bitcast_convert_type3A_606 : vector<16xf32>
        %mul3A_611 = arith.mulf %mul3A_610, %bitcast_convert_type3A_606 : vector<16xf32>
        %sub3A_612 = arith.constant 1.500000e+00 : f32
        %sub3A_613 = vector.broadcast %sub3A_612 : f32 to vector<16xf32>
        %sub3A_614 = arith.subf %sub3A_613, %mul3A_611 : vector<16xf32>
        %mul3A_615 = arith.mulf %bitcast_convert_type3A_606, %sub3A_614 : vector<16xf32>
        %mul3A_616 = arith.mulf %mul3A_609, %mul3A_615 : vector<16xf32>
        %mul3A_617 = arith.mulf %mul3A_616, %mul3A_615 : vector<16xf32>
        %sub3A_618 = arith.constant 1.500000e+00 : f32
        %sub3A_619 = vector.broadcast %sub3A_618 : f32 to vector<16xf32>
        %sub3A_620 = arith.subf %sub3A_619, %mul3A_617 : vector<16xf32>
        %mul3A_621 = arith.mulf %mul3A_615, %sub3A_620 : vector<16xf32>
        %mul3A_622 = arith.mulf %mul3A_609, %mul3A_621 : vector<16xf32>
        %mul3A_623 = arith.mulf %mul3A_622, %mul3A_621 : vector<16xf32>
        %sub3A_624 = arith.constant 1.500000e+00 : f32
        %sub3A_625 = vector.broadcast %sub3A_624 : f32 to vector<16xf32>
        %sub3A_626 = arith.subf %sub3A_625, %mul3A_623 : vector<16xf32>
        %mul3A_627 = arith.mulf %mul3A_621, %sub3A_626 : vector<16xf32>
        %mul3A_628 = arith.mulf %max3A_599, %mul3A_627 : vector<16xf32>
        %mul3A_629 = arith.constant 2.000000e+00 : f32
        %mul3A_630 = vector.broadcast %mul3A_629 : f32 to vector<16xf32>
        %mul3A_631 = arith.mulf %mul3A_630, %mul3A_628 : vector<16xf32>
        %sub3A_632 = arith.constant 4.000000e+00 : f32
        %sub3A_633 = vector.broadcast %sub3A_632 : f32 to vector<16xf32>
        %sub3A_634 = arith.subf %mul3A_631, %sub3A_633 : vector<16xf32>
        %convert_element_type3A_635 = arith.fptosi %sub3A_634 : vector<16xf32> to vector<16xi32>
        %convert_element_type3A_636 = arith.sitofp %convert_element_type3A_635 : vector<16xi32> to vector<16xf32>
        %gt3A_637 = arith.cmpf ogt, %sub3A_634, %convert_element_type3A_636 : vector<16xf32>
        %add3A_638 = arith.constant 1 : i32
        %add3A_639 = vector.broadcast %add3A_638 : i32 to vector<16xi32>
        %add3A_640 = arith.addi %convert_element_type3A_635, %add3A_639 : vector<16xi32>
        %select_n3A_641 = arith.select %gt3A_637, %add3A_640, %convert_element_type3A_635 : vector<16xi1>, vector<16xi32>
        %jit3A_642 = arith.constant 0 : i32
        %jit3A_643 = arith.constant 36 : i32
        %max3A_644 = vector.broadcast %jit3A_642 : i32 to vector<16xi32>
        %max3A_645 = arith.maxsi %max3A_644, %select_n3A_641 : vector<16xi32>
        %min3A_646 = vector.broadcast %jit3A_643 : i32 to vector<16xi32>
        %min3A_647 = arith.minsi %min3A_646, %max3A_645 : vector<16xi32>
        %add3A_648 = arith.constant 222 : i32
        %add3A_649 = vector.broadcast %add3A_648 : i32 to vector<16xi32>
        %add3A_650 = arith.addi %min3A_647, %add3A_649 : vector<16xi32>
        %shift_left3A_651 = arith.constant 5 : i32
        %shift_left3A_652 = vector.broadcast %shift_left3A_651 : i32 to vector<16xi32>
        %shift_left3A_653 = arith.shli %add3A_650, %shift_left3A_652 : vector<16xi32>
        %sub3A_654 = arith.subf %broadcast_in_dim3A_70, %gather3A_174 : vector<16xf32>
        %sub3A_655 = arith.subf %broadcast_in_dim3A_77, %gather3A_178 : vector<16xf32>
        %sub3A_656 = arith.subf %broadcast_in_dim3A_84, %gather3A_182 : vector<16xf32>
        %mul3A_657 = arith.mulf %sub3A_654, %sub3A_654 : vector<16xf32>
        %mul3A_658 = arith.mulf %sub3A_655, %sub3A_655 : vector<16xf32>
        %add3A_659 = arith.addf %mul3A_657, %mul3A_658 : vector<16xf32>
        %mul3A_660 = arith.mulf %sub3A_656, %sub3A_656 : vector<16xf32>
        %add3A_661 = arith.addf %add3A_659, %mul3A_660 : vector<16xf32>
        %max3A_662 = arith.constant 1.000000e+00 : f32
        %max3A_663 = vector.broadcast %max3A_662 : f32 to vector<16xf32>
        %max3A_664 = arith.maximumf %add3A_661, %max3A_663 : vector<16xf32>
        %bitcast_convert_type3A_665 = tpu.bitcast %max3A_664 : vector<16xf32> -> vector<16xi32>
        %shift_right_arithmetic3A_666 = arith.constant 1 : i32
        %shift_right_arithmetic3A_667 = vector.broadcast %shift_right_arithmetic3A_666 : i32 to vector<16xi32>
        %shift_right_arithmetic3A_668 = arith.shrsi %bitcast_convert_type3A_665, %shift_right_arithmetic3A_667 : vector<16xi32>
        %sub3A_669 = vector.broadcast %scan3A_4 : i32 to vector<16xi32>
        %sub3A_670 = arith.subi %sub3A_669, %shift_right_arithmetic3A_668 : vector<16xi32>
        %bitcast_convert_type3A_671 = tpu.bitcast %sub3A_670 : vector<16xi32> -> vector<16xf32>
        %mul3A_672 = arith.constant 5.000000e-01 : f32
        %mul3A_673 = vector.broadcast %mul3A_672 : f32 to vector<16xf32>
        %mul3A_674 = arith.mulf %max3A_664, %mul3A_673 : vector<16xf32>
        %mul3A_675 = arith.mulf %mul3A_674, %bitcast_convert_type3A_671 : vector<16xf32>
        %mul3A_676 = arith.mulf %mul3A_675, %bitcast_convert_type3A_671 : vector<16xf32>
        %sub3A_677 = arith.constant 1.500000e+00 : f32
        %sub3A_678 = vector.broadcast %sub3A_677 : f32 to vector<16xf32>
        %sub3A_679 = arith.subf %sub3A_678, %mul3A_676 : vector<16xf32>
        %mul3A_680 = arith.mulf %bitcast_convert_type3A_671, %sub3A_679 : vector<16xf32>
        %mul3A_681 = arith.mulf %mul3A_674, %mul3A_680 : vector<16xf32>
        %mul3A_682 = arith.mulf %mul3A_681, %mul3A_680 : vector<16xf32>
        %sub3A_683 = arith.constant 1.500000e+00 : f32
        %sub3A_684 = vector.broadcast %sub3A_683 : f32 to vector<16xf32>
        %sub3A_685 = arith.subf %sub3A_684, %mul3A_682 : vector<16xf32>
        %mul3A_686 = arith.mulf %mul3A_680, %sub3A_685 : vector<16xf32>
        %mul3A_687 = arith.mulf %mul3A_674, %mul3A_686 : vector<16xf32>
        %mul3A_688 = arith.mulf %mul3A_687, %mul3A_686 : vector<16xf32>
        %sub3A_689 = arith.constant 1.500000e+00 : f32
        %sub3A_690 = vector.broadcast %sub3A_689 : f32 to vector<16xf32>
        %sub3A_691 = arith.subf %sub3A_690, %mul3A_688 : vector<16xf32>
        %mul3A_692 = arith.mulf %mul3A_686, %sub3A_691 : vector<16xf32>
        %mul3A_693 = arith.mulf %max3A_664, %mul3A_692 : vector<16xf32>
        %mul3A_694 = arith.constant 2.000000e+00 : f32
        %mul3A_695 = vector.broadcast %mul3A_694 : f32 to vector<16xf32>
        %mul3A_696 = arith.mulf %mul3A_695, %mul3A_693 : vector<16xf32>
        %sub3A_697 = arith.constant 4.000000e+00 : f32
        %sub3A_698 = vector.broadcast %sub3A_697 : f32 to vector<16xf32>
        %sub3A_699 = arith.subf %mul3A_696, %sub3A_698 : vector<16xf32>
        %convert_element_type3A_700 = arith.fptosi %sub3A_699 : vector<16xf32> to vector<16xi32>
        %convert_element_type3A_701 = arith.sitofp %convert_element_type3A_700 : vector<16xi32> to vector<16xf32>
        %gt3A_702 = arith.cmpf ogt, %sub3A_699, %convert_element_type3A_701 : vector<16xf32>
        %add3A_703 = arith.constant 1 : i32
        %add3A_704 = vector.broadcast %add3A_703 : i32 to vector<16xi32>
        %add3A_705 = arith.addi %convert_element_type3A_700, %add3A_704 : vector<16xi32>
        %select_n3A_706 = arith.select %gt3A_702, %add3A_705, %convert_element_type3A_700 : vector<16xi1>, vector<16xi32>
        %jit3A_707 = arith.constant 0 : i32
        %jit3A_708 = arith.constant 36 : i32
        %max3A_709 = vector.broadcast %jit3A_707 : i32 to vector<16xi32>
        %max3A_710 = arith.maxsi %max3A_709, %select_n3A_706 : vector<16xi32>
        %min3A_711 = vector.broadcast %jit3A_708 : i32 to vector<16xi32>
        %min3A_712 = arith.minsi %min3A_711, %max3A_710 : vector<16xi32>
        %add3A_713 = arith.constant 259 : i32
        %add3A_714 = vector.broadcast %add3A_713 : i32 to vector<16xi32>
        %add3A_715 = arith.addi %min3A_712, %add3A_714 : vector<16xi32>
        %shift_left3A_716 = arith.constant 5 : i32
        %shift_left3A_717 = vector.broadcast %shift_left3A_716 : i32 to vector<16xi32>
        %shift_left3A_718 = arith.shli %add3A_715, %shift_left3A_717 : vector<16xi32>
        %sub3A_719 = arith.subf %broadcast_in_dim3A_70, %gather3A_186 : vector<16xf32>
        %sub3A_720 = arith.subf %broadcast_in_dim3A_77, %gather3A_190 : vector<16xf32>
        %sub3A_721 = arith.subf %broadcast_in_dim3A_84, %gather3A_194 : vector<16xf32>
        %mul3A_722 = arith.mulf %sub3A_719, %sub3A_719 : vector<16xf32>
        %mul3A_723 = arith.mulf %sub3A_720, %sub3A_720 : vector<16xf32>
        %add3A_724 = arith.addf %mul3A_722, %mul3A_723 : vector<16xf32>
        %mul3A_725 = arith.mulf %sub3A_721, %sub3A_721 : vector<16xf32>
        %add3A_726 = arith.addf %add3A_724, %mul3A_725 : vector<16xf32>
        %max3A_727 = arith.constant 1.000000e+00 : f32
        %max3A_728 = vector.broadcast %max3A_727 : f32 to vector<16xf32>
        %max3A_729 = arith.maximumf %add3A_726, %max3A_728 : vector<16xf32>
        %bitcast_convert_type3A_730 = tpu.bitcast %max3A_729 : vector<16xf32> -> vector<16xi32>
        %shift_right_arithmetic3A_731 = arith.constant 1 : i32
        %shift_right_arithmetic3A_732 = vector.broadcast %shift_right_arithmetic3A_731 : i32 to vector<16xi32>
        %shift_right_arithmetic3A_733 = arith.shrsi %bitcast_convert_type3A_730, %shift_right_arithmetic3A_732 : vector<16xi32>
        %sub3A_734 = vector.broadcast %scan3A_4 : i32 to vector<16xi32>
        %sub3A_735 = arith.subi %sub3A_734, %shift_right_arithmetic3A_733 : vector<16xi32>
        %bitcast_convert_type3A_736 = tpu.bitcast %sub3A_735 : vector<16xi32> -> vector<16xf32>
        %mul3A_737 = arith.constant 5.000000e-01 : f32
        %mul3A_738 = vector.broadcast %mul3A_737 : f32 to vector<16xf32>
        %mul3A_739 = arith.mulf %max3A_729, %mul3A_738 : vector<16xf32>
        %mul3A_740 = arith.mulf %mul3A_739, %bitcast_convert_type3A_736 : vector<16xf32>
        %mul3A_741 = arith.mulf %mul3A_740, %bitcast_convert_type3A_736 : vector<16xf32>
        %sub3A_742 = arith.constant 1.500000e+00 : f32
        %sub3A_743 = vector.broadcast %sub3A_742 : f32 to vector<16xf32>
        %sub3A_744 = arith.subf %sub3A_743, %mul3A_741 : vector<16xf32>
        %mul3A_745 = arith.mulf %bitcast_convert_type3A_736, %sub3A_744 : vector<16xf32>
        %mul3A_746 = arith.mulf %mul3A_739, %mul3A_745 : vector<16xf32>
        %mul3A_747 = arith.mulf %mul3A_746, %mul3A_745 : vector<16xf32>
        %sub3A_748 = arith.constant 1.500000e+00 : f32
        %sub3A_749 = vector.broadcast %sub3A_748 : f32 to vector<16xf32>
        %sub3A_750 = arith.subf %sub3A_749, %mul3A_747 : vector<16xf32>
        %mul3A_751 = arith.mulf %mul3A_745, %sub3A_750 : vector<16xf32>
        %mul3A_752 = arith.mulf %mul3A_739, %mul3A_751 : vector<16xf32>
        %mul3A_753 = arith.mulf %mul3A_752, %mul3A_751 : vector<16xf32>
        %sub3A_754 = arith.constant 1.500000e+00 : f32
        %sub3A_755 = vector.broadcast %sub3A_754 : f32 to vector<16xf32>
        %sub3A_756 = arith.subf %sub3A_755, %mul3A_753 : vector<16xf32>
        %mul3A_757 = arith.mulf %mul3A_751, %sub3A_756 : vector<16xf32>
        %mul3A_758 = arith.mulf %max3A_729, %mul3A_757 : vector<16xf32>
        %mul3A_759 = arith.constant 2.000000e+00 : f32
        %mul3A_760 = vector.broadcast %mul3A_759 : f32 to vector<16xf32>
        %mul3A_761 = arith.mulf %mul3A_760, %mul3A_758 : vector<16xf32>
        %sub3A_762 = arith.constant 4.000000e+00 : f32
        %sub3A_763 = vector.broadcast %sub3A_762 : f32 to vector<16xf32>
        %sub3A_764 = arith.subf %mul3A_761, %sub3A_763 : vector<16xf32>
        %convert_element_type3A_765 = arith.fptosi %sub3A_764 : vector<16xf32> to vector<16xi32>
        %convert_element_type3A_766 = arith.sitofp %convert_element_type3A_765 : vector<16xi32> to vector<16xf32>
        %gt3A_767 = arith.cmpf ogt, %sub3A_764, %convert_element_type3A_766 : vector<16xf32>
        %add3A_768 = arith.constant 1 : i32
        %add3A_769 = vector.broadcast %add3A_768 : i32 to vector<16xi32>
        %add3A_770 = arith.addi %convert_element_type3A_765, %add3A_769 : vector<16xi32>
        %select_n3A_771 = arith.select %gt3A_767, %add3A_770, %convert_element_type3A_765 : vector<16xi1>, vector<16xi32>
        %jit3A_772 = arith.constant 0 : i32
        %jit3A_773 = arith.constant 36 : i32
        %max3A_774 = vector.broadcast %jit3A_772 : i32 to vector<16xi32>
        %max3A_775 = arith.maxsi %max3A_774, %select_n3A_771 : vector<16xi32>
        %min3A_776 = vector.broadcast %jit3A_773 : i32 to vector<16xi32>
        %min3A_777 = arith.minsi %min3A_776, %max3A_775 : vector<16xi32>
        %add3A_778 = arith.constant 296 : i32
        %add3A_779 = vector.broadcast %add3A_778 : i32 to vector<16xi32>
        %add3A_780 = arith.addi %min3A_777, %add3A_779 : vector<16xi32>
        %shift_left3A_781 = arith.constant 5 : i32
        %shift_left3A_782 = vector.broadcast %shift_left3A_781 : i32 to vector<16xi32>
        %shift_left3A_783 = arith.shli %add3A_780, %shift_left3A_782 : vector<16xi32>
        %sub3A_784 = arith.subf %broadcast_in_dim3A_70, %gather3A_198 : vector<16xf32>
        %sub3A_785 = arith.subf %broadcast_in_dim3A_77, %gather3A_202 : vector<16xf32>
        %sub3A_786 = arith.subf %broadcast_in_dim3A_84, %gather3A_206 : vector<16xf32>
        %mul3A_787 = arith.mulf %sub3A_784, %sub3A_784 : vector<16xf32>
        %mul3A_788 = arith.mulf %sub3A_785, %sub3A_785 : vector<16xf32>
        %add3A_789 = arith.addf %mul3A_787, %mul3A_788 : vector<16xf32>
        %mul3A_790 = arith.mulf %sub3A_786, %sub3A_786 : vector<16xf32>
        %add3A_791 = arith.addf %add3A_789, %mul3A_790 : vector<16xf32>
        %max3A_792 = arith.constant 1.000000e+00 : f32
        %max3A_793 = vector.broadcast %max3A_792 : f32 to vector<16xf32>
        %max3A_794 = arith.maximumf %add3A_791, %max3A_793 : vector<16xf32>
        %bitcast_convert_type3A_795 = tpu.bitcast %max3A_794 : vector<16xf32> -> vector<16xi32>
        %shift_right_arithmetic3A_796 = arith.constant 1 : i32
        %shift_right_arithmetic3A_797 = vector.broadcast %shift_right_arithmetic3A_796 : i32 to vector<16xi32>
        %shift_right_arithmetic3A_798 = arith.shrsi %bitcast_convert_type3A_795, %shift_right_arithmetic3A_797 : vector<16xi32>
        %sub3A_799 = vector.broadcast %scan3A_4 : i32 to vector<16xi32>
        %sub3A_800 = arith.subi %sub3A_799, %shift_right_arithmetic3A_798 : vector<16xi32>
        %bitcast_convert_type3A_801 = tpu.bitcast %sub3A_800 : vector<16xi32> -> vector<16xf32>
        %mul3A_802 = arith.constant 5.000000e-01 : f32
        %mul3A_803 = vector.broadcast %mul3A_802 : f32 to vector<16xf32>
        %mul3A_804 = arith.mulf %max3A_794, %mul3A_803 : vector<16xf32>
        %mul3A_805 = arith.mulf %mul3A_804, %bitcast_convert_type3A_801 : vector<16xf32>
        %mul3A_806 = arith.mulf %mul3A_805, %bitcast_convert_type3A_801 : vector<16xf32>
        %sub3A_807 = arith.constant 1.500000e+00 : f32
        %sub3A_808 = vector.broadcast %sub3A_807 : f32 to vector<16xf32>
        %sub3A_809 = arith.subf %sub3A_808, %mul3A_806 : vector<16xf32>
        %mul3A_810 = arith.mulf %bitcast_convert_type3A_801, %sub3A_809 : vector<16xf32>
        %mul3A_811 = arith.mulf %mul3A_804, %mul3A_810 : vector<16xf32>
        %mul3A_812 = arith.mulf %mul3A_811, %mul3A_810 : vector<16xf32>
        %sub3A_813 = arith.constant 1.500000e+00 : f32
        %sub3A_814 = vector.broadcast %sub3A_813 : f32 to vector<16xf32>
        %sub3A_815 = arith.subf %sub3A_814, %mul3A_812 : vector<16xf32>
        %mul3A_816 = arith.mulf %mul3A_810, %sub3A_815 : vector<16xf32>
        %mul3A_817 = arith.mulf %mul3A_804, %mul3A_816 : vector<16xf32>
        %mul3A_818 = arith.mulf %mul3A_817, %mul3A_816 : vector<16xf32>
        %sub3A_819 = arith.constant 1.500000e+00 : f32
        %sub3A_820 = vector.broadcast %sub3A_819 : f32 to vector<16xf32>
        %sub3A_821 = arith.subf %sub3A_820, %mul3A_818 : vector<16xf32>
        %mul3A_822 = arith.mulf %mul3A_816, %sub3A_821 : vector<16xf32>
        %mul3A_823 = arith.mulf %max3A_794, %mul3A_822 : vector<16xf32>
        %mul3A_824 = arith.constant 2.000000e+00 : f32
        %mul3A_825 = vector.broadcast %mul3A_824 : f32 to vector<16xf32>
        %mul3A_826 = arith.mulf %mul3A_825, %mul3A_823 : vector<16xf32>
        %sub3A_827 = arith.constant 4.000000e+00 : f32
        %sub3A_828 = vector.broadcast %sub3A_827 : f32 to vector<16xf32>
        %sub3A_829 = arith.subf %mul3A_826, %sub3A_828 : vector<16xf32>
        %convert_element_type3A_830 = arith.fptosi %sub3A_829 : vector<16xf32> to vector<16xi32>
        %convert_element_type3A_831 = arith.sitofp %convert_element_type3A_830 : vector<16xi32> to vector<16xf32>
        %gt3A_832 = arith.cmpf ogt, %sub3A_829, %convert_element_type3A_831 : vector<16xf32>
        %add3A_833 = arith.constant 1 : i32
        %add3A_834 = vector.broadcast %add3A_833 : i32 to vector<16xi32>
        %add3A_835 = arith.addi %convert_element_type3A_830, %add3A_834 : vector<16xi32>
        %select_n3A_836 = arith.select %gt3A_832, %add3A_835, %convert_element_type3A_830 : vector<16xi1>, vector<16xi32>
        %jit3A_837 = arith.constant 0 : i32
        %jit3A_838 = arith.constant 36 : i32
        %max3A_839 = vector.broadcast %jit3A_837 : i32 to vector<16xi32>
        %max3A_840 = arith.maxsi %max3A_839, %select_n3A_836 : vector<16xi32>
        %min3A_841 = vector.broadcast %jit3A_838 : i32 to vector<16xi32>
        %min3A_842 = arith.minsi %min3A_841, %max3A_840 : vector<16xi32>
        %add3A_843 = arith.constant 333 : i32
        %add3A_844 = vector.broadcast %add3A_843 : i32 to vector<16xi32>
        %add3A_845 = arith.addi %min3A_842, %add3A_844 : vector<16xi32>
        %shift_left3A_846 = arith.constant 5 : i32
        %shift_left3A_847 = vector.broadcast %shift_left3A_846 : i32 to vector<16xi32>
        %shift_left3A_848 = arith.shli %add3A_845, %shift_left3A_847 : vector<16xi32>
        %sub3A_849 = arith.subf %broadcast_in_dim3A_91, %gather3A : vector<16xf32>
        %sub3A_850 = arith.subf %broadcast_in_dim3A_98, %gather3A_154 : vector<16xf32>
        %sub3A_851 = arith.subf %broadcast_in_dim3A_105, %gather3A_158 : vector<16xf32>
        %mul3A_852 = arith.mulf %sub3A_849, %sub3A_849 : vector<16xf32>
        %mul3A_853 = arith.mulf %sub3A_850, %sub3A_850 : vector<16xf32>
        %add3A_854 = arith.addf %mul3A_852, %mul3A_853 : vector<16xf32>
        %mul3A_855 = arith.mulf %sub3A_851, %sub3A_851 : vector<16xf32>
        %add3A_856 = arith.addf %add3A_854, %mul3A_855 : vector<16xf32>
        %max3A_857 = arith.constant 1.000000e+00 : f32
        %max3A_858 = vector.broadcast %max3A_857 : f32 to vector<16xf32>
        %max3A_859 = arith.maximumf %add3A_856, %max3A_858 : vector<16xf32>
        %bitcast_convert_type3A_860 = tpu.bitcast %max3A_859 : vector<16xf32> -> vector<16xi32>
        %shift_right_arithmetic3A_861 = arith.constant 1 : i32
        %shift_right_arithmetic3A_862 = vector.broadcast %shift_right_arithmetic3A_861 : i32 to vector<16xi32>
        %shift_right_arithmetic3A_863 = arith.shrsi %bitcast_convert_type3A_860, %shift_right_arithmetic3A_862 : vector<16xi32>
        %sub3A_864 = vector.broadcast %scan3A_4 : i32 to vector<16xi32>
        %sub3A_865 = arith.subi %sub3A_864, %shift_right_arithmetic3A_863 : vector<16xi32>
        %bitcast_convert_type3A_866 = tpu.bitcast %sub3A_865 : vector<16xi32> -> vector<16xf32>
        %mul3A_867 = arith.constant 5.000000e-01 : f32
        %mul3A_868 = vector.broadcast %mul3A_867 : f32 to vector<16xf32>
        %mul3A_869 = arith.mulf %max3A_859, %mul3A_868 : vector<16xf32>
        %mul3A_870 = arith.mulf %mul3A_869, %bitcast_convert_type3A_866 : vector<16xf32>
        %mul3A_871 = arith.mulf %mul3A_870, %bitcast_convert_type3A_866 : vector<16xf32>
        %sub3A_872 = arith.constant 1.500000e+00 : f32
        %sub3A_873 = vector.broadcast %sub3A_872 : f32 to vector<16xf32>
        %sub3A_874 = arith.subf %sub3A_873, %mul3A_871 : vector<16xf32>
        %mul3A_875 = arith.mulf %bitcast_convert_type3A_866, %sub3A_874 : vector<16xf32>
        %mul3A_876 = arith.mulf %mul3A_869, %mul3A_875 : vector<16xf32>
        %mul3A_877 = arith.mulf %mul3A_876, %mul3A_875 : vector<16xf32>
        %sub3A_878 = arith.constant 1.500000e+00 : f32
        %sub3A_879 = vector.broadcast %sub3A_878 : f32 to vector<16xf32>
        %sub3A_880 = arith.subf %sub3A_879, %mul3A_877 : vector<16xf32>
        %mul3A_881 = arith.mulf %mul3A_875, %sub3A_880 : vector<16xf32>
        %mul3A_882 = arith.mulf %mul3A_869, %mul3A_881 : vector<16xf32>
        %mul3A_883 = arith.mulf %mul3A_882, %mul3A_881 : vector<16xf32>
        %sub3A_884 = arith.constant 1.500000e+00 : f32
        %sub3A_885 = vector.broadcast %sub3A_884 : f32 to vector<16xf32>
        %sub3A_886 = arith.subf %sub3A_885, %mul3A_883 : vector<16xf32>
        %mul3A_887 = arith.mulf %mul3A_881, %sub3A_886 : vector<16xf32>
        %mul3A_888 = arith.mulf %max3A_859, %mul3A_887 : vector<16xf32>
        %mul3A_889 = arith.constant 2.000000e+00 : f32
        %mul3A_890 = vector.broadcast %mul3A_889 : f32 to vector<16xf32>
        %mul3A_891 = arith.mulf %mul3A_890, %mul3A_888 : vector<16xf32>
        %sub3A_892 = arith.constant 4.000000e+00 : f32
        %sub3A_893 = vector.broadcast %sub3A_892 : f32 to vector<16xf32>
        %sub3A_894 = arith.subf %mul3A_891, %sub3A_893 : vector<16xf32>
        %convert_element_type3A_895 = arith.fptosi %sub3A_894 : vector<16xf32> to vector<16xi32>
        %convert_element_type3A_896 = arith.sitofp %convert_element_type3A_895 : vector<16xi32> to vector<16xf32>
        %gt3A_897 = arith.cmpf ogt, %sub3A_894, %convert_element_type3A_896 : vector<16xf32>
        %add3A_898 = arith.constant 1 : i32
        %add3A_899 = vector.broadcast %add3A_898 : i32 to vector<16xi32>
        %add3A_900 = arith.addi %convert_element_type3A_895, %add3A_899 : vector<16xi32>
        %select_n3A_901 = arith.select %gt3A_897, %add3A_900, %convert_element_type3A_895 : vector<16xi1>, vector<16xi32>
        %jit3A_902 = arith.constant 0 : i32
        %jit3A_903 = arith.constant 36 : i32
        %max3A_904 = vector.broadcast %jit3A_902 : i32 to vector<16xi32>
        %max3A_905 = arith.maxsi %max3A_904, %select_n3A_901 : vector<16xi32>
        %min3A_906 = vector.broadcast %jit3A_903 : i32 to vector<16xi32>
        %min3A_907 = arith.minsi %min3A_906, %max3A_905 : vector<16xi32>
        %add3A_908 = arith.constant 370 : i32
        %add3A_909 = vector.broadcast %add3A_908 : i32 to vector<16xi32>
        %add3A_910 = arith.addi %min3A_907, %add3A_909 : vector<16xi32>
        %shift_left3A_911 = arith.constant 5 : i32
        %shift_left3A_912 = vector.broadcast %shift_left3A_911 : i32 to vector<16xi32>
        %shift_left3A_913 = arith.shli %add3A_910, %shift_left3A_912 : vector<16xi32>
        %sub3A_914 = arith.subf %broadcast_in_dim3A_91, %gather3A_162 : vector<16xf32>
        %sub3A_915 = arith.subf %broadcast_in_dim3A_98, %gather3A_166 : vector<16xf32>
        %sub3A_916 = arith.subf %broadcast_in_dim3A_105, %gather3A_170 : vector<16xf32>
        %mul3A_917 = arith.mulf %sub3A_914, %sub3A_914 : vector<16xf32>
        %mul3A_918 = arith.mulf %sub3A_915, %sub3A_915 : vector<16xf32>
        %add3A_919 = arith.addf %mul3A_917, %mul3A_918 : vector<16xf32>
        %mul3A_920 = arith.mulf %sub3A_916, %sub3A_916 : vector<16xf32>
        %add3A_921 = arith.addf %add3A_919, %mul3A_920 : vector<16xf32>
        %max3A_922 = arith.constant 1.000000e+00 : f32
        %max3A_923 = vector.broadcast %max3A_922 : f32 to vector<16xf32>
        %max3A_924 = arith.maximumf %add3A_921, %max3A_923 : vector<16xf32>
        %bitcast_convert_type3A_925 = tpu.bitcast %max3A_924 : vector<16xf32> -> vector<16xi32>
        %shift_right_arithmetic3A_926 = arith.constant 1 : i32
        %shift_right_arithmetic3A_927 = vector.broadcast %shift_right_arithmetic3A_926 : i32 to vector<16xi32>
        %shift_right_arithmetic3A_928 = arith.shrsi %bitcast_convert_type3A_925, %shift_right_arithmetic3A_927 : vector<16xi32>
        %sub3A_929 = vector.broadcast %scan3A_4 : i32 to vector<16xi32>
        %sub3A_930 = arith.subi %sub3A_929, %shift_right_arithmetic3A_928 : vector<16xi32>
        %bitcast_convert_type3A_931 = tpu.bitcast %sub3A_930 : vector<16xi32> -> vector<16xf32>
        %mul3A_932 = arith.constant 5.000000e-01 : f32
        %mul3A_933 = vector.broadcast %mul3A_932 : f32 to vector<16xf32>
        %mul3A_934 = arith.mulf %max3A_924, %mul3A_933 : vector<16xf32>
        %mul3A_935 = arith.mulf %mul3A_934, %bitcast_convert_type3A_931 : vector<16xf32>
        %mul3A_936 = arith.mulf %mul3A_935, %bitcast_convert_type3A_931 : vector<16xf32>
        %sub3A_937 = arith.constant 1.500000e+00 : f32
        %sub3A_938 = vector.broadcast %sub3A_937 : f32 to vector<16xf32>
        %sub3A_939 = arith.subf %sub3A_938, %mul3A_936 : vector<16xf32>
        %mul3A_940 = arith.mulf %bitcast_convert_type3A_931, %sub3A_939 : vector<16xf32>
        %mul3A_941 = arith.mulf %mul3A_934, %mul3A_940 : vector<16xf32>
        %mul3A_942 = arith.mulf %mul3A_941, %mul3A_940 : vector<16xf32>
        %sub3A_943 = arith.constant 1.500000e+00 : f32
        %sub3A_944 = vector.broadcast %sub3A_943 : f32 to vector<16xf32>
        %sub3A_945 = arith.subf %sub3A_944, %mul3A_942 : vector<16xf32>
        %mul3A_946 = arith.mulf %mul3A_940, %sub3A_945 : vector<16xf32>
        %mul3A_947 = arith.mulf %mul3A_934, %mul3A_946 : vector<16xf32>
        %mul3A_948 = arith.mulf %mul3A_947, %mul3A_946 : vector<16xf32>
        %sub3A_949 = arith.constant 1.500000e+00 : f32
        %sub3A_950 = vector.broadcast %sub3A_949 : f32 to vector<16xf32>
        %sub3A_951 = arith.subf %sub3A_950, %mul3A_948 : vector<16xf32>
        %mul3A_952 = arith.mulf %mul3A_946, %sub3A_951 : vector<16xf32>
        %mul3A_953 = arith.mulf %max3A_924, %mul3A_952 : vector<16xf32>
        %mul3A_954 = arith.constant 2.000000e+00 : f32
        %mul3A_955 = vector.broadcast %mul3A_954 : f32 to vector<16xf32>
        %mul3A_956 = arith.mulf %mul3A_955, %mul3A_953 : vector<16xf32>
        %sub3A_957 = arith.constant 4.000000e+00 : f32
        %sub3A_958 = vector.broadcast %sub3A_957 : f32 to vector<16xf32>
        %sub3A_959 = arith.subf %mul3A_956, %sub3A_958 : vector<16xf32>
        %convert_element_type3A_960 = arith.fptosi %sub3A_959 : vector<16xf32> to vector<16xi32>
        %convert_element_type3A_961 = arith.sitofp %convert_element_type3A_960 : vector<16xi32> to vector<16xf32>
        %gt3A_962 = arith.cmpf ogt, %sub3A_959, %convert_element_type3A_961 : vector<16xf32>
        %add3A_963 = arith.constant 1 : i32
        %add3A_964 = vector.broadcast %add3A_963 : i32 to vector<16xi32>
        %add3A_965 = arith.addi %convert_element_type3A_960, %add3A_964 : vector<16xi32>
        %select_n3A_966 = arith.select %gt3A_962, %add3A_965, %convert_element_type3A_960 : vector<16xi1>, vector<16xi32>
        %jit3A_967 = arith.constant 0 : i32
        %jit3A_968 = arith.constant 36 : i32
        %max3A_969 = vector.broadcast %jit3A_967 : i32 to vector<16xi32>
        %max3A_970 = arith.maxsi %max3A_969, %select_n3A_966 : vector<16xi32>
        %min3A_971 = vector.broadcast %jit3A_968 : i32 to vector<16xi32>
        %min3A_972 = arith.minsi %min3A_971, %max3A_970 : vector<16xi32>
        %add3A_973 = arith.constant 407 : i32
        %add3A_974 = vector.broadcast %add3A_973 : i32 to vector<16xi32>
        %add3A_975 = arith.addi %min3A_972, %add3A_974 : vector<16xi32>
        %shift_left3A_976 = arith.constant 5 : i32
        %shift_left3A_977 = vector.broadcast %shift_left3A_976 : i32 to vector<16xi32>
        %shift_left3A_978 = arith.shli %add3A_975, %shift_left3A_977 : vector<16xi32>
        %sub3A_979 = arith.subf %broadcast_in_dim3A_91, %gather3A_174 : vector<16xf32>
        %sub3A_980 = arith.subf %broadcast_in_dim3A_98, %gather3A_178 : vector<16xf32>
        %sub3A_981 = arith.subf %broadcast_in_dim3A_105, %gather3A_182 : vector<16xf32>
        %mul3A_982 = arith.mulf %sub3A_979, %sub3A_979 : vector<16xf32>
        %mul3A_983 = arith.mulf %sub3A_980, %sub3A_980 : vector<16xf32>
        %add3A_984 = arith.addf %mul3A_982, %mul3A_983 : vector<16xf32>
        %mul3A_985 = arith.mulf %sub3A_981, %sub3A_981 : vector<16xf32>
        %add3A_986 = arith.addf %add3A_984, %mul3A_985 : vector<16xf32>
        %max3A_987 = arith.constant 1.000000e+00 : f32
        %max3A_988 = vector.broadcast %max3A_987 : f32 to vector<16xf32>
        %max3A_989 = arith.maximumf %add3A_986, %max3A_988 : vector<16xf32>
        %bitcast_convert_type3A_990 = tpu.bitcast %max3A_989 : vector<16xf32> -> vector<16xi32>
        %shift_right_arithmetic3A_991 = arith.constant 1 : i32
        %shift_right_arithmetic3A_992 = vector.broadcast %shift_right_arithmetic3A_991 : i32 to vector<16xi32>
        %shift_right_arithmetic3A_993 = arith.shrsi %bitcast_convert_type3A_990, %shift_right_arithmetic3A_992 : vector<16xi32>
        %sub3A_994 = vector.broadcast %scan3A_4 : i32 to vector<16xi32>
        %sub3A_995 = arith.subi %sub3A_994, %shift_right_arithmetic3A_993 : vector<16xi32>
        %bitcast_convert_type3A_996 = tpu.bitcast %sub3A_995 : vector<16xi32> -> vector<16xf32>
        %mul3A_997 = arith.constant 5.000000e-01 : f32
        %mul3A_998 = vector.broadcast %mul3A_997 : f32 to vector<16xf32>
        %mul3A_999 = arith.mulf %max3A_989, %mul3A_998 : vector<16xf32>
        %mul3A_1000 = arith.mulf %mul3A_999, %bitcast_convert_type3A_996 : vector<16xf32>
        %mul3A_1001 = arith.mulf %mul3A_1000, %bitcast_convert_type3A_996 : vector<16xf32>
        %sub3A_1002 = arith.constant 1.500000e+00 : f32
        %sub3A_1003 = vector.broadcast %sub3A_1002 : f32 to vector<16xf32>
        %sub3A_1004 = arith.subf %sub3A_1003, %mul3A_1001 : vector<16xf32>
        %mul3A_1005 = arith.mulf %bitcast_convert_type3A_996, %sub3A_1004 : vector<16xf32>
        %mul3A_1006 = arith.mulf %mul3A_999, %mul3A_1005 : vector<16xf32>
        %mul3A_1007 = arith.mulf %mul3A_1006, %mul3A_1005 : vector<16xf32>
        %sub3A_1008 = arith.constant 1.500000e+00 : f32
        %sub3A_1009 = vector.broadcast %sub3A_1008 : f32 to vector<16xf32>
        %sub3A_1010 = arith.subf %sub3A_1009, %mul3A_1007 : vector<16xf32>
        %mul3A_1011 = arith.mulf %mul3A_1005, %sub3A_1010 : vector<16xf32>
        %mul3A_1012 = arith.mulf %mul3A_999, %mul3A_1011 : vector<16xf32>
        %mul3A_1013 = arith.mulf %mul3A_1012, %mul3A_1011 : vector<16xf32>
        %sub3A_1014 = arith.constant 1.500000e+00 : f32
        %sub3A_1015 = vector.broadcast %sub3A_1014 : f32 to vector<16xf32>
        %sub3A_1016 = arith.subf %sub3A_1015, %mul3A_1013 : vector<16xf32>
        %mul3A_1017 = arith.mulf %mul3A_1011, %sub3A_1016 : vector<16xf32>
        %mul3A_1018 = arith.mulf %max3A_989, %mul3A_1017 : vector<16xf32>
        %mul3A_1019 = arith.constant 2.000000e+00 : f32
        %mul3A_1020 = vector.broadcast %mul3A_1019 : f32 to vector<16xf32>
        %mul3A_1021 = arith.mulf %mul3A_1020, %mul3A_1018 : vector<16xf32>
        %sub3A_1022 = arith.constant 4.000000e+00 : f32
        %sub3A_1023 = vector.broadcast %sub3A_1022 : f32 to vector<16xf32>
        %sub3A_1024 = arith.subf %mul3A_1021, %sub3A_1023 : vector<16xf32>
        %convert_element_type3A_1025 = arith.fptosi %sub3A_1024 : vector<16xf32> to vector<16xi32>
        %convert_element_type3A_1026 = arith.sitofp %convert_element_type3A_1025 : vector<16xi32> to vector<16xf32>
        %gt3A_1027 = arith.cmpf ogt, %sub3A_1024, %convert_element_type3A_1026 : vector<16xf32>
        %add3A_1028 = arith.constant 1 : i32
        %add3A_1029 = vector.broadcast %add3A_1028 : i32 to vector<16xi32>
        %add3A_1030 = arith.addi %convert_element_type3A_1025, %add3A_1029 : vector<16xi32>
        %select_n3A_1031 = arith.select %gt3A_1027, %add3A_1030, %convert_element_type3A_1025 : vector<16xi1>, vector<16xi32>
        %jit3A_1032 = arith.constant 0 : i32
        %jit3A_1033 = arith.constant 36 : i32
        %max3A_1034 = vector.broadcast %jit3A_1032 : i32 to vector<16xi32>
        %max3A_1035 = arith.maxsi %max3A_1034, %select_n3A_1031 : vector<16xi32>
        %min3A_1036 = vector.broadcast %jit3A_1033 : i32 to vector<16xi32>
        %min3A_1037 = arith.minsi %min3A_1036, %max3A_1035 : vector<16xi32>
        %add3A_1038 = arith.constant 444 : i32
        %add3A_1039 = vector.broadcast %add3A_1038 : i32 to vector<16xi32>
        %add3A_1040 = arith.addi %min3A_1037, %add3A_1039 : vector<16xi32>
        %shift_left3A_1041 = arith.constant 5 : i32
        %shift_left3A_1042 = vector.broadcast %shift_left3A_1041 : i32 to vector<16xi32>
        %shift_left3A_1043 = arith.shli %add3A_1040, %shift_left3A_1042 : vector<16xi32>
        %sub3A_1044 = arith.subf %broadcast_in_dim3A_91, %gather3A_186 : vector<16xf32>
        %sub3A_1045 = arith.subf %broadcast_in_dim3A_98, %gather3A_190 : vector<16xf32>
        %sub3A_1046 = arith.subf %broadcast_in_dim3A_105, %gather3A_194 : vector<16xf32>
        %mul3A_1047 = arith.mulf %sub3A_1044, %sub3A_1044 : vector<16xf32>
        %mul3A_1048 = arith.mulf %sub3A_1045, %sub3A_1045 : vector<16xf32>
        %add3A_1049 = arith.addf %mul3A_1047, %mul3A_1048 : vector<16xf32>
        %mul3A_1050 = arith.mulf %sub3A_1046, %sub3A_1046 : vector<16xf32>
        %add3A_1051 = arith.addf %add3A_1049, %mul3A_1050 : vector<16xf32>
        %max3A_1052 = arith.constant 1.000000e+00 : f32
        %max3A_1053 = vector.broadcast %max3A_1052 : f32 to vector<16xf32>
        %max3A_1054 = arith.maximumf %add3A_1051, %max3A_1053 : vector<16xf32>
        %bitcast_convert_type3A_1055 = tpu.bitcast %max3A_1054 : vector<16xf32> -> vector<16xi32>
        %shift_right_arithmetic3A_1056 = arith.constant 1 : i32
        %shift_right_arithmetic3A_1057 = vector.broadcast %shift_right_arithmetic3A_1056 : i32 to vector<16xi32>
        %shift_right_arithmetic3A_1058 = arith.shrsi %bitcast_convert_type3A_1055, %shift_right_arithmetic3A_1057 : vector<16xi32>
        %sub3A_1059 = vector.broadcast %scan3A_4 : i32 to vector<16xi32>
        %sub3A_1060 = arith.subi %sub3A_1059, %shift_right_arithmetic3A_1058 : vector<16xi32>
        %bitcast_convert_type3A_1061 = tpu.bitcast %sub3A_1060 : vector<16xi32> -> vector<16xf32>
        %mul3A_1062 = arith.constant 5.000000e-01 : f32
        %mul3A_1063 = vector.broadcast %mul3A_1062 : f32 to vector<16xf32>
        %mul3A_1064 = arith.mulf %max3A_1054, %mul3A_1063 : vector<16xf32>
        %mul3A_1065 = arith.mulf %mul3A_1064, %bitcast_convert_type3A_1061 : vector<16xf32>
        %mul3A_1066 = arith.mulf %mul3A_1065, %bitcast_convert_type3A_1061 : vector<16xf32>
        %sub3A_1067 = arith.constant 1.500000e+00 : f32
        %sub3A_1068 = vector.broadcast %sub3A_1067 : f32 to vector<16xf32>
        %sub3A_1069 = arith.subf %sub3A_1068, %mul3A_1066 : vector<16xf32>
        %mul3A_1070 = arith.mulf %bitcast_convert_type3A_1061, %sub3A_1069 : vector<16xf32>
        %mul3A_1071 = arith.mulf %mul3A_1064, %mul3A_1070 : vector<16xf32>
        %mul3A_1072 = arith.mulf %mul3A_1071, %mul3A_1070 : vector<16xf32>
        %sub3A_1073 = arith.constant 1.500000e+00 : f32
        %sub3A_1074 = vector.broadcast %sub3A_1073 : f32 to vector<16xf32>
        %sub3A_1075 = arith.subf %sub3A_1074, %mul3A_1072 : vector<16xf32>
        %mul3A_1076 = arith.mulf %mul3A_1070, %sub3A_1075 : vector<16xf32>
        %mul3A_1077 = arith.mulf %mul3A_1064, %mul3A_1076 : vector<16xf32>
        %mul3A_1078 = arith.mulf %mul3A_1077, %mul3A_1076 : vector<16xf32>
        %sub3A_1079 = arith.constant 1.500000e+00 : f32
        %sub3A_1080 = vector.broadcast %sub3A_1079 : f32 to vector<16xf32>
        %sub3A_1081 = arith.subf %sub3A_1080, %mul3A_1078 : vector<16xf32>
        %mul3A_1082 = arith.mulf %mul3A_1076, %sub3A_1081 : vector<16xf32>
        %mul3A_1083 = arith.mulf %max3A_1054, %mul3A_1082 : vector<16xf32>
        %mul3A_1084 = arith.constant 2.000000e+00 : f32
        %mul3A_1085 = vector.broadcast %mul3A_1084 : f32 to vector<16xf32>
        %mul3A_1086 = arith.mulf %mul3A_1085, %mul3A_1083 : vector<16xf32>
        %sub3A_1087 = arith.constant 4.000000e+00 : f32
        %sub3A_1088 = vector.broadcast %sub3A_1087 : f32 to vector<16xf32>
        %sub3A_1089 = arith.subf %mul3A_1086, %sub3A_1088 : vector<16xf32>
        %convert_element_type3A_1090 = arith.fptosi %sub3A_1089 : vector<16xf32> to vector<16xi32>
        %convert_element_type3A_1091 = arith.sitofp %convert_element_type3A_1090 : vector<16xi32> to vector<16xf32>
        %gt3A_1092 = arith.cmpf ogt, %sub3A_1089, %convert_element_type3A_1091 : vector<16xf32>
        %add3A_1093 = arith.constant 1 : i32
        %add3A_1094 = vector.broadcast %add3A_1093 : i32 to vector<16xi32>
        %add3A_1095 = arith.addi %convert_element_type3A_1090, %add3A_1094 : vector<16xi32>
        %select_n3A_1096 = arith.select %gt3A_1092, %add3A_1095, %convert_element_type3A_1090 : vector<16xi1>, vector<16xi32>
        %jit3A_1097 = arith.constant 0 : i32
        %jit3A_1098 = arith.constant 36 : i32
        %max3A_1099 = vector.broadcast %jit3A_1097 : i32 to vector<16xi32>
        %max3A_1100 = arith.maxsi %max3A_1099, %select_n3A_1096 : vector<16xi32>
        %min3A_1101 = vector.broadcast %jit3A_1098 : i32 to vector<16xi32>
        %min3A_1102 = arith.minsi %min3A_1101, %max3A_1100 : vector<16xi32>
        %add3A_1103 = arith.constant 481 : i32
        %add3A_1104 = vector.broadcast %add3A_1103 : i32 to vector<16xi32>
        %add3A_1105 = arith.addi %min3A_1102, %add3A_1104 : vector<16xi32>
        %shift_left3A_1106 = arith.constant 5 : i32
        %shift_left3A_1107 = vector.broadcast %shift_left3A_1106 : i32 to vector<16xi32>
        %shift_left3A_1108 = arith.shli %add3A_1105, %shift_left3A_1107 : vector<16xi32>
        %sub3A_1109 = arith.subf %broadcast_in_dim3A_91, %gather3A_198 : vector<16xf32>
        %sub3A_1110 = arith.subf %broadcast_in_dim3A_98, %gather3A_202 : vector<16xf32>
        %sub3A_1111 = arith.subf %broadcast_in_dim3A_105, %gather3A_206 : vector<16xf32>
        %mul3A_1112 = arith.mulf %sub3A_1109, %sub3A_1109 : vector<16xf32>
        %mul3A_1113 = arith.mulf %sub3A_1110, %sub3A_1110 : vector<16xf32>
        %add3A_1114 = arith.addf %mul3A_1112, %mul3A_1113 : vector<16xf32>
        %mul3A_1115 = arith.mulf %sub3A_1111, %sub3A_1111 : vector<16xf32>
        %add3A_1116 = arith.addf %add3A_1114, %mul3A_1115 : vector<16xf32>
        %max3A_1117 = arith.constant 1.000000e+00 : f32
        %max3A_1118 = vector.broadcast %max3A_1117 : f32 to vector<16xf32>
        %max3A_1119 = arith.maximumf %add3A_1116, %max3A_1118 : vector<16xf32>
        %bitcast_convert_type3A_1120 = tpu.bitcast %max3A_1119 : vector<16xf32> -> vector<16xi32>
        %shift_right_arithmetic3A_1121 = arith.constant 1 : i32
        %shift_right_arithmetic3A_1122 = vector.broadcast %shift_right_arithmetic3A_1121 : i32 to vector<16xi32>
        %shift_right_arithmetic3A_1123 = arith.shrsi %bitcast_convert_type3A_1120, %shift_right_arithmetic3A_1122 : vector<16xi32>
        %sub3A_1124 = vector.broadcast %scan3A_4 : i32 to vector<16xi32>
        %sub3A_1125 = arith.subi %sub3A_1124, %shift_right_arithmetic3A_1123 : vector<16xi32>
        %bitcast_convert_type3A_1126 = tpu.bitcast %sub3A_1125 : vector<16xi32> -> vector<16xf32>
        %mul3A_1127 = arith.constant 5.000000e-01 : f32
        %mul3A_1128 = vector.broadcast %mul3A_1127 : f32 to vector<16xf32>
        %mul3A_1129 = arith.mulf %max3A_1119, %mul3A_1128 : vector<16xf32>
        %mul3A_1130 = arith.mulf %mul3A_1129, %bitcast_convert_type3A_1126 : vector<16xf32>
        %mul3A_1131 = arith.mulf %mul3A_1130, %bitcast_convert_type3A_1126 : vector<16xf32>
        %sub3A_1132 = arith.constant 1.500000e+00 : f32
        %sub3A_1133 = vector.broadcast %sub3A_1132 : f32 to vector<16xf32>
        %sub3A_1134 = arith.subf %sub3A_1133, %mul3A_1131 : vector<16xf32>
        %mul3A_1135 = arith.mulf %bitcast_convert_type3A_1126, %sub3A_1134 : vector<16xf32>
        %mul3A_1136 = arith.mulf %mul3A_1129, %mul3A_1135 : vector<16xf32>
        %mul3A_1137 = arith.mulf %mul3A_1136, %mul3A_1135 : vector<16xf32>
        %sub3A_1138 = arith.constant 1.500000e+00 : f32
        %sub3A_1139 = vector.broadcast %sub3A_1138 : f32 to vector<16xf32>
        %sub3A_1140 = arith.subf %sub3A_1139, %mul3A_1137 : vector<16xf32>
        %mul3A_1141 = arith.mulf %mul3A_1135, %sub3A_1140 : vector<16xf32>
        %mul3A_1142 = arith.mulf %mul3A_1129, %mul3A_1141 : vector<16xf32>
        %mul3A_1143 = arith.mulf %mul3A_1142, %mul3A_1141 : vector<16xf32>
        %sub3A_1144 = arith.constant 1.500000e+00 : f32
        %sub3A_1145 = vector.broadcast %sub3A_1144 : f32 to vector<16xf32>
        %sub3A_1146 = arith.subf %sub3A_1145, %mul3A_1143 : vector<16xf32>
        %mul3A_1147 = arith.mulf %mul3A_1141, %sub3A_1146 : vector<16xf32>
        %mul3A_1148 = arith.mulf %max3A_1119, %mul3A_1147 : vector<16xf32>
        %mul3A_1149 = arith.constant 2.000000e+00 : f32
        %mul3A_1150 = vector.broadcast %mul3A_1149 : f32 to vector<16xf32>
        %mul3A_1151 = arith.mulf %mul3A_1150, %mul3A_1148 : vector<16xf32>
        %sub3A_1152 = arith.constant 4.000000e+00 : f32
        %sub3A_1153 = vector.broadcast %sub3A_1152 : f32 to vector<16xf32>
        %sub3A_1154 = arith.subf %mul3A_1151, %sub3A_1153 : vector<16xf32>
        %convert_element_type3A_1155 = arith.fptosi %sub3A_1154 : vector<16xf32> to vector<16xi32>
        %convert_element_type3A_1156 = arith.sitofp %convert_element_type3A_1155 : vector<16xi32> to vector<16xf32>
        %gt3A_1157 = arith.cmpf ogt, %sub3A_1154, %convert_element_type3A_1156 : vector<16xf32>
        %add3A_1158 = arith.constant 1 : i32
        %add3A_1159 = vector.broadcast %add3A_1158 : i32 to vector<16xi32>
        %add3A_1160 = arith.addi %convert_element_type3A_1155, %add3A_1159 : vector<16xi32>
        %select_n3A_1161 = arith.select %gt3A_1157, %add3A_1160, %convert_element_type3A_1155 : vector<16xi1>, vector<16xi32>
        %jit3A_1162 = arith.constant 0 : i32
        %jit3A_1163 = arith.constant 36 : i32
        %max3A_1164 = vector.broadcast %jit3A_1162 : i32 to vector<16xi32>
        %max3A_1165 = arith.maxsi %max3A_1164, %select_n3A_1161 : vector<16xi32>
        %min3A_1166 = vector.broadcast %jit3A_1163 : i32 to vector<16xi32>
        %min3A_1167 = arith.minsi %min3A_1166, %max3A_1165 : vector<16xi32>
        %add3A_1168 = arith.constant 518 : i32
        %add3A_1169 = vector.broadcast %add3A_1168 : i32 to vector<16xi32>
        %add3A_1170 = arith.addi %min3A_1167, %add3A_1169 : vector<16xi32>
        %shift_left3A_1171 = arith.constant 5 : i32
        %shift_left3A_1172 = vector.broadcast %shift_left3A_1171 : i32 to vector<16xi32>
        %shift_left3A_1173 = arith.shli %add3A_1170, %shift_left3A_1172 : vector<16xi32>
        %sub3A_1174 = arith.subf %broadcast_in_dim3A_112, %gather3A : vector<16xf32>
        %sub3A_1175 = arith.subf %broadcast_in_dim3A_119, %gather3A_154 : vector<16xf32>
        %sub3A_1176 = arith.subf %broadcast_in_dim3A_126, %gather3A_158 : vector<16xf32>
        %mul3A_1177 = arith.mulf %sub3A_1174, %sub3A_1174 : vector<16xf32>
        %mul3A_1178 = arith.mulf %sub3A_1175, %sub3A_1175 : vector<16xf32>
        %add3A_1179 = arith.addf %mul3A_1177, %mul3A_1178 : vector<16xf32>
        %mul3A_1180 = arith.mulf %sub3A_1176, %sub3A_1176 : vector<16xf32>
        %add3A_1181 = arith.addf %add3A_1179, %mul3A_1180 : vector<16xf32>
        %max3A_1182 = arith.constant 1.000000e+00 : f32
        %max3A_1183 = vector.broadcast %max3A_1182 : f32 to vector<16xf32>
        %max3A_1184 = arith.maximumf %add3A_1181, %max3A_1183 : vector<16xf32>
        %bitcast_convert_type3A_1185 = tpu.bitcast %max3A_1184 : vector<16xf32> -> vector<16xi32>
        %shift_right_arithmetic3A_1186 = arith.constant 1 : i32
        %shift_right_arithmetic3A_1187 = vector.broadcast %shift_right_arithmetic3A_1186 : i32 to vector<16xi32>
        %shift_right_arithmetic3A_1188 = arith.shrsi %bitcast_convert_type3A_1185, %shift_right_arithmetic3A_1187 : vector<16xi32>
        %sub3A_1189 = vector.broadcast %scan3A_4 : i32 to vector<16xi32>
        %sub3A_1190 = arith.subi %sub3A_1189, %shift_right_arithmetic3A_1188 : vector<16xi32>
        %bitcast_convert_type3A_1191 = tpu.bitcast %sub3A_1190 : vector<16xi32> -> vector<16xf32>
        %mul3A_1192 = arith.constant 5.000000e-01 : f32
        %mul3A_1193 = vector.broadcast %mul3A_1192 : f32 to vector<16xf32>
        %mul3A_1194 = arith.mulf %max3A_1184, %mul3A_1193 : vector<16xf32>
        %mul3A_1195 = arith.mulf %mul3A_1194, %bitcast_convert_type3A_1191 : vector<16xf32>
        %mul3A_1196 = arith.mulf %mul3A_1195, %bitcast_convert_type3A_1191 : vector<16xf32>
        %sub3A_1197 = arith.constant 1.500000e+00 : f32
        %sub3A_1198 = vector.broadcast %sub3A_1197 : f32 to vector<16xf32>
        %sub3A_1199 = arith.subf %sub3A_1198, %mul3A_1196 : vector<16xf32>
        %mul3A_1200 = arith.mulf %bitcast_convert_type3A_1191, %sub3A_1199 : vector<16xf32>
        %mul3A_1201 = arith.mulf %mul3A_1194, %mul3A_1200 : vector<16xf32>
        %mul3A_1202 = arith.mulf %mul3A_1201, %mul3A_1200 : vector<16xf32>
        %sub3A_1203 = arith.constant 1.500000e+00 : f32
        %sub3A_1204 = vector.broadcast %sub3A_1203 : f32 to vector<16xf32>
        %sub3A_1205 = arith.subf %sub3A_1204, %mul3A_1202 : vector<16xf32>
        %mul3A_1206 = arith.mulf %mul3A_1200, %sub3A_1205 : vector<16xf32>
        %mul3A_1207 = arith.mulf %mul3A_1194, %mul3A_1206 : vector<16xf32>
        %mul3A_1208 = arith.mulf %mul3A_1207, %mul3A_1206 : vector<16xf32>
        %sub3A_1209 = arith.constant 1.500000e+00 : f32
        %sub3A_1210 = vector.broadcast %sub3A_1209 : f32 to vector<16xf32>
        %sub3A_1211 = arith.subf %sub3A_1210, %mul3A_1208 : vector<16xf32>
        %mul3A_1212 = arith.mulf %mul3A_1206, %sub3A_1211 : vector<16xf32>
        %mul3A_1213 = arith.mulf %max3A_1184, %mul3A_1212 : vector<16xf32>
        %mul3A_1214 = arith.constant 2.000000e+00 : f32
        %mul3A_1215 = vector.broadcast %mul3A_1214 : f32 to vector<16xf32>
        %mul3A_1216 = arith.mulf %mul3A_1215, %mul3A_1213 : vector<16xf32>
        %sub3A_1217 = arith.constant 4.000000e+00 : f32
        %sub3A_1218 = vector.broadcast %sub3A_1217 : f32 to vector<16xf32>
        %sub3A_1219 = arith.subf %mul3A_1216, %sub3A_1218 : vector<16xf32>
        %convert_element_type3A_1220 = arith.fptosi %sub3A_1219 : vector<16xf32> to vector<16xi32>
        %convert_element_type3A_1221 = arith.sitofp %convert_element_type3A_1220 : vector<16xi32> to vector<16xf32>
        %gt3A_1222 = arith.cmpf ogt, %sub3A_1219, %convert_element_type3A_1221 : vector<16xf32>
        %add3A_1223 = arith.constant 1 : i32
        %add3A_1224 = vector.broadcast %add3A_1223 : i32 to vector<16xi32>
        %add3A_1225 = arith.addi %convert_element_type3A_1220, %add3A_1224 : vector<16xi32>
        %select_n3A_1226 = arith.select %gt3A_1222, %add3A_1225, %convert_element_type3A_1220 : vector<16xi1>, vector<16xi32>
        %jit3A_1227 = arith.constant 0 : i32
        %jit3A_1228 = arith.constant 36 : i32
        %max3A_1229 = vector.broadcast %jit3A_1227 : i32 to vector<16xi32>
        %max3A_1230 = arith.maxsi %max3A_1229, %select_n3A_1226 : vector<16xi32>
        %min3A_1231 = vector.broadcast %jit3A_1228 : i32 to vector<16xi32>
        %min3A_1232 = arith.minsi %min3A_1231, %max3A_1230 : vector<16xi32>
        %add3A_1233 = arith.constant 555 : i32
        %add3A_1234 = vector.broadcast %add3A_1233 : i32 to vector<16xi32>
        %add3A_1235 = arith.addi %min3A_1232, %add3A_1234 : vector<16xi32>
        %shift_left3A_1236 = arith.constant 5 : i32
        %shift_left3A_1237 = vector.broadcast %shift_left3A_1236 : i32 to vector<16xi32>
        %shift_left3A_1238 = arith.shli %add3A_1235, %shift_left3A_1237 : vector<16xi32>
        %sub3A_1239 = arith.subf %broadcast_in_dim3A_112, %gather3A_162 : vector<16xf32>
        %sub3A_1240 = arith.subf %broadcast_in_dim3A_119, %gather3A_166 : vector<16xf32>
        %sub3A_1241 = arith.subf %broadcast_in_dim3A_126, %gather3A_170 : vector<16xf32>
        %mul3A_1242 = arith.mulf %sub3A_1239, %sub3A_1239 : vector<16xf32>
        %mul3A_1243 = arith.mulf %sub3A_1240, %sub3A_1240 : vector<16xf32>
        %add3A_1244 = arith.addf %mul3A_1242, %mul3A_1243 : vector<16xf32>
        %mul3A_1245 = arith.mulf %sub3A_1241, %sub3A_1241 : vector<16xf32>
        %add3A_1246 = arith.addf %add3A_1244, %mul3A_1245 : vector<16xf32>
        %max3A_1247 = arith.constant 1.000000e+00 : f32
        %max3A_1248 = vector.broadcast %max3A_1247 : f32 to vector<16xf32>
        %max3A_1249 = arith.maximumf %add3A_1246, %max3A_1248 : vector<16xf32>
        %bitcast_convert_type3A_1250 = tpu.bitcast %max3A_1249 : vector<16xf32> -> vector<16xi32>
        %shift_right_arithmetic3A_1251 = arith.constant 1 : i32
        %shift_right_arithmetic3A_1252 = vector.broadcast %shift_right_arithmetic3A_1251 : i32 to vector<16xi32>
        %shift_right_arithmetic3A_1253 = arith.shrsi %bitcast_convert_type3A_1250, %shift_right_arithmetic3A_1252 : vector<16xi32>
        %sub3A_1254 = vector.broadcast %scan3A_4 : i32 to vector<16xi32>
        %sub3A_1255 = arith.subi %sub3A_1254, %shift_right_arithmetic3A_1253 : vector<16xi32>
        %bitcast_convert_type3A_1256 = tpu.bitcast %sub3A_1255 : vector<16xi32> -> vector<16xf32>
        %mul3A_1257 = arith.constant 5.000000e-01 : f32
        %mul3A_1258 = vector.broadcast %mul3A_1257 : f32 to vector<16xf32>
        %mul3A_1259 = arith.mulf %max3A_1249, %mul3A_1258 : vector<16xf32>
        %mul3A_1260 = arith.mulf %mul3A_1259, %bitcast_convert_type3A_1256 : vector<16xf32>
        %mul3A_1261 = arith.mulf %mul3A_1260, %bitcast_convert_type3A_1256 : vector<16xf32>
        %sub3A_1262 = arith.constant 1.500000e+00 : f32
        %sub3A_1263 = vector.broadcast %sub3A_1262 : f32 to vector<16xf32>
        %sub3A_1264 = arith.subf %sub3A_1263, %mul3A_1261 : vector<16xf32>
        %mul3A_1265 = arith.mulf %bitcast_convert_type3A_1256, %sub3A_1264 : vector<16xf32>
        %mul3A_1266 = arith.mulf %mul3A_1259, %mul3A_1265 : vector<16xf32>
        %mul3A_1267 = arith.mulf %mul3A_1266, %mul3A_1265 : vector<16xf32>
        %sub3A_1268 = arith.constant 1.500000e+00 : f32
        %sub3A_1269 = vector.broadcast %sub3A_1268 : f32 to vector<16xf32>
        %sub3A_1270 = arith.subf %sub3A_1269, %mul3A_1267 : vector<16xf32>
        %mul3A_1271 = arith.mulf %mul3A_1265, %sub3A_1270 : vector<16xf32>
        %mul3A_1272 = arith.mulf %mul3A_1259, %mul3A_1271 : vector<16xf32>
        %mul3A_1273 = arith.mulf %mul3A_1272, %mul3A_1271 : vector<16xf32>
        %sub3A_1274 = arith.constant 1.500000e+00 : f32
        %sub3A_1275 = vector.broadcast %sub3A_1274 : f32 to vector<16xf32>
        %sub3A_1276 = arith.subf %sub3A_1275, %mul3A_1273 : vector<16xf32>
        %mul3A_1277 = arith.mulf %mul3A_1271, %sub3A_1276 : vector<16xf32>
        %mul3A_1278 = arith.mulf %max3A_1249, %mul3A_1277 : vector<16xf32>
        %mul3A_1279 = arith.constant 2.000000e+00 : f32
        %mul3A_1280 = vector.broadcast %mul3A_1279 : f32 to vector<16xf32>
        %mul3A_1281 = arith.mulf %mul3A_1280, %mul3A_1278 : vector<16xf32>
        %sub3A_1282 = arith.constant 4.000000e+00 : f32
        %sub3A_1283 = vector.broadcast %sub3A_1282 : f32 to vector<16xf32>
        %sub3A_1284 = arith.subf %mul3A_1281, %sub3A_1283 : vector<16xf32>
        %convert_element_type3A_1285 = arith.fptosi %sub3A_1284 : vector<16xf32> to vector<16xi32>
        %convert_element_type3A_1286 = arith.sitofp %convert_element_type3A_1285 : vector<16xi32> to vector<16xf32>
        %gt3A_1287 = arith.cmpf ogt, %sub3A_1284, %convert_element_type3A_1286 : vector<16xf32>
        %add3A_1288 = arith.constant 1 : i32
        %add3A_1289 = vector.broadcast %add3A_1288 : i32 to vector<16xi32>
        %add3A_1290 = arith.addi %convert_element_type3A_1285, %add3A_1289 : vector<16xi32>
        %select_n3A_1291 = arith.select %gt3A_1287, %add3A_1290, %convert_element_type3A_1285 : vector<16xi1>, vector<16xi32>
        %jit3A_1292 = arith.constant 0 : i32
        %jit3A_1293 = arith.constant 36 : i32
        %max3A_1294 = vector.broadcast %jit3A_1292 : i32 to vector<16xi32>
        %max3A_1295 = arith.maxsi %max3A_1294, %select_n3A_1291 : vector<16xi32>
        %min3A_1296 = vector.broadcast %jit3A_1293 : i32 to vector<16xi32>
        %min3A_1297 = arith.minsi %min3A_1296, %max3A_1295 : vector<16xi32>
        %add3A_1298 = arith.constant 592 : i32
        %add3A_1299 = vector.broadcast %add3A_1298 : i32 to vector<16xi32>
        %add3A_1300 = arith.addi %min3A_1297, %add3A_1299 : vector<16xi32>
        %shift_left3A_1301 = arith.constant 5 : i32
        %shift_left3A_1302 = vector.broadcast %shift_left3A_1301 : i32 to vector<16xi32>
        %shift_left3A_1303 = arith.shli %add3A_1300, %shift_left3A_1302 : vector<16xi32>
        %sub3A_1304 = arith.subf %broadcast_in_dim3A_112, %gather3A_174 : vector<16xf32>
        %sub3A_1305 = arith.subf %broadcast_in_dim3A_119, %gather3A_178 : vector<16xf32>
        %sub3A_1306 = arith.subf %broadcast_in_dim3A_126, %gather3A_182 : vector<16xf32>
        %mul3A_1307 = arith.mulf %sub3A_1304, %sub3A_1304 : vector<16xf32>
        %mul3A_1308 = arith.mulf %sub3A_1305, %sub3A_1305 : vector<16xf32>
        %add3A_1309 = arith.addf %mul3A_1307, %mul3A_1308 : vector<16xf32>
        %mul3A_1310 = arith.mulf %sub3A_1306, %sub3A_1306 : vector<16xf32>
        %add3A_1311 = arith.addf %add3A_1309, %mul3A_1310 : vector<16xf32>
        %max3A_1312 = arith.constant 1.000000e+00 : f32
        %max3A_1313 = vector.broadcast %max3A_1312 : f32 to vector<16xf32>
        %max3A_1314 = arith.maximumf %add3A_1311, %max3A_1313 : vector<16xf32>
        %bitcast_convert_type3A_1315 = tpu.bitcast %max3A_1314 : vector<16xf32> -> vector<16xi32>
        %shift_right_arithmetic3A_1316 = arith.constant 1 : i32
        %shift_right_arithmetic3A_1317 = vector.broadcast %shift_right_arithmetic3A_1316 : i32 to vector<16xi32>
        %shift_right_arithmetic3A_1318 = arith.shrsi %bitcast_convert_type3A_1315, %shift_right_arithmetic3A_1317 : vector<16xi32>
        %sub3A_1319 = vector.broadcast %scan3A_4 : i32 to vector<16xi32>
        %sub3A_1320 = arith.subi %sub3A_1319, %shift_right_arithmetic3A_1318 : vector<16xi32>
        %bitcast_convert_type3A_1321 = tpu.bitcast %sub3A_1320 : vector<16xi32> -> vector<16xf32>
        %mul3A_1322 = arith.constant 5.000000e-01 : f32
        %mul3A_1323 = vector.broadcast %mul3A_1322 : f32 to vector<16xf32>
        %mul3A_1324 = arith.mulf %max3A_1314, %mul3A_1323 : vector<16xf32>
        %mul3A_1325 = arith.mulf %mul3A_1324, %bitcast_convert_type3A_1321 : vector<16xf32>
        %mul3A_1326 = arith.mulf %mul3A_1325, %bitcast_convert_type3A_1321 : vector<16xf32>
        %sub3A_1327 = arith.constant 1.500000e+00 : f32
        %sub3A_1328 = vector.broadcast %sub3A_1327 : f32 to vector<16xf32>
        %sub3A_1329 = arith.subf %sub3A_1328, %mul3A_1326 : vector<16xf32>
        %mul3A_1330 = arith.mulf %bitcast_convert_type3A_1321, %sub3A_1329 : vector<16xf32>
        %mul3A_1331 = arith.mulf %mul3A_1324, %mul3A_1330 : vector<16xf32>
        %mul3A_1332 = arith.mulf %mul3A_1331, %mul3A_1330 : vector<16xf32>
        %sub3A_1333 = arith.constant 1.500000e+00 : f32
        %sub3A_1334 = vector.broadcast %sub3A_1333 : f32 to vector<16xf32>
        %sub3A_1335 = arith.subf %sub3A_1334, %mul3A_1332 : vector<16xf32>
        %mul3A_1336 = arith.mulf %mul3A_1330, %sub3A_1335 : vector<16xf32>
        %mul3A_1337 = arith.mulf %mul3A_1324, %mul3A_1336 : vector<16xf32>
        %mul3A_1338 = arith.mulf %mul3A_1337, %mul3A_1336 : vector<16xf32>
        %sub3A_1339 = arith.constant 1.500000e+00 : f32
        %sub3A_1340 = vector.broadcast %sub3A_1339 : f32 to vector<16xf32>
        %sub3A_1341 = arith.subf %sub3A_1340, %mul3A_1338 : vector<16xf32>
        %mul3A_1342 = arith.mulf %mul3A_1336, %sub3A_1341 : vector<16xf32>
        %mul3A_1343 = arith.mulf %max3A_1314, %mul3A_1342 : vector<16xf32>
        %mul3A_1344 = arith.constant 2.000000e+00 : f32
        %mul3A_1345 = vector.broadcast %mul3A_1344 : f32 to vector<16xf32>
        %mul3A_1346 = arith.mulf %mul3A_1345, %mul3A_1343 : vector<16xf32>
        %sub3A_1347 = arith.constant 4.000000e+00 : f32
        %sub3A_1348 = vector.broadcast %sub3A_1347 : f32 to vector<16xf32>
        %sub3A_1349 = arith.subf %mul3A_1346, %sub3A_1348 : vector<16xf32>
        %convert_element_type3A_1350 = arith.fptosi %sub3A_1349 : vector<16xf32> to vector<16xi32>
        %convert_element_type3A_1351 = arith.sitofp %convert_element_type3A_1350 : vector<16xi32> to vector<16xf32>
        %gt3A_1352 = arith.cmpf ogt, %sub3A_1349, %convert_element_type3A_1351 : vector<16xf32>
        %add3A_1353 = arith.constant 1 : i32
        %add3A_1354 = vector.broadcast %add3A_1353 : i32 to vector<16xi32>
        %add3A_1355 = arith.addi %convert_element_type3A_1350, %add3A_1354 : vector<16xi32>
        %select_n3A_1356 = arith.select %gt3A_1352, %add3A_1355, %convert_element_type3A_1350 : vector<16xi1>, vector<16xi32>
        %jit3A_1357 = arith.constant 0 : i32
        %jit3A_1358 = arith.constant 36 : i32
        %max3A_1359 = vector.broadcast %jit3A_1357 : i32 to vector<16xi32>
        %max3A_1360 = arith.maxsi %max3A_1359, %select_n3A_1356 : vector<16xi32>
        %min3A_1361 = vector.broadcast %jit3A_1358 : i32 to vector<16xi32>
        %min3A_1362 = arith.minsi %min3A_1361, %max3A_1360 : vector<16xi32>
        %add3A_1363 = arith.constant 629 : i32
        %add3A_1364 = vector.broadcast %add3A_1363 : i32 to vector<16xi32>
        %add3A_1365 = arith.addi %min3A_1362, %add3A_1364 : vector<16xi32>
        %shift_left3A_1366 = arith.constant 5 : i32
        %shift_left3A_1367 = vector.broadcast %shift_left3A_1366 : i32 to vector<16xi32>
        %shift_left3A_1368 = arith.shli %add3A_1365, %shift_left3A_1367 : vector<16xi32>
        %sub3A_1369 = arith.subf %broadcast_in_dim3A_112, %gather3A_186 : vector<16xf32>
        %sub3A_1370 = arith.subf %broadcast_in_dim3A_119, %gather3A_190 : vector<16xf32>
        %sub3A_1371 = arith.subf %broadcast_in_dim3A_126, %gather3A_194 : vector<16xf32>
        %mul3A_1372 = arith.mulf %sub3A_1369, %sub3A_1369 : vector<16xf32>
        %mul3A_1373 = arith.mulf %sub3A_1370, %sub3A_1370 : vector<16xf32>
        %add3A_1374 = arith.addf %mul3A_1372, %mul3A_1373 : vector<16xf32>
        %mul3A_1375 = arith.mulf %sub3A_1371, %sub3A_1371 : vector<16xf32>
        %add3A_1376 = arith.addf %add3A_1374, %mul3A_1375 : vector<16xf32>
        %max3A_1377 = arith.constant 1.000000e+00 : f32
        %max3A_1378 = vector.broadcast %max3A_1377 : f32 to vector<16xf32>
        %max3A_1379 = arith.maximumf %add3A_1376, %max3A_1378 : vector<16xf32>
        %bitcast_convert_type3A_1380 = tpu.bitcast %max3A_1379 : vector<16xf32> -> vector<16xi32>
        %shift_right_arithmetic3A_1381 = arith.constant 1 : i32
        %shift_right_arithmetic3A_1382 = vector.broadcast %shift_right_arithmetic3A_1381 : i32 to vector<16xi32>
        %shift_right_arithmetic3A_1383 = arith.shrsi %bitcast_convert_type3A_1380, %shift_right_arithmetic3A_1382 : vector<16xi32>
        %sub3A_1384 = vector.broadcast %scan3A_4 : i32 to vector<16xi32>
        %sub3A_1385 = arith.subi %sub3A_1384, %shift_right_arithmetic3A_1383 : vector<16xi32>
        %bitcast_convert_type3A_1386 = tpu.bitcast %sub3A_1385 : vector<16xi32> -> vector<16xf32>
        %mul3A_1387 = arith.constant 5.000000e-01 : f32
        %mul3A_1388 = vector.broadcast %mul3A_1387 : f32 to vector<16xf32>
        %mul3A_1389 = arith.mulf %max3A_1379, %mul3A_1388 : vector<16xf32>
        %mul3A_1390 = arith.mulf %mul3A_1389, %bitcast_convert_type3A_1386 : vector<16xf32>
        %mul3A_1391 = arith.mulf %mul3A_1390, %bitcast_convert_type3A_1386 : vector<16xf32>
        %sub3A_1392 = arith.constant 1.500000e+00 : f32
        %sub3A_1393 = vector.broadcast %sub3A_1392 : f32 to vector<16xf32>
        %sub3A_1394 = arith.subf %sub3A_1393, %mul3A_1391 : vector<16xf32>
        %mul3A_1395 = arith.mulf %bitcast_convert_type3A_1386, %sub3A_1394 : vector<16xf32>
        %mul3A_1396 = arith.mulf %mul3A_1389, %mul3A_1395 : vector<16xf32>
        %mul3A_1397 = arith.mulf %mul3A_1396, %mul3A_1395 : vector<16xf32>
        %sub3A_1398 = arith.constant 1.500000e+00 : f32
        %sub3A_1399 = vector.broadcast %sub3A_1398 : f32 to vector<16xf32>
        %sub3A_1400 = arith.subf %sub3A_1399, %mul3A_1397 : vector<16xf32>
        %mul3A_1401 = arith.mulf %mul3A_1395, %sub3A_1400 : vector<16xf32>
        %mul3A_1402 = arith.mulf %mul3A_1389, %mul3A_1401 : vector<16xf32>
        %mul3A_1403 = arith.mulf %mul3A_1402, %mul3A_1401 : vector<16xf32>
        %sub3A_1404 = arith.constant 1.500000e+00 : f32
        %sub3A_1405 = vector.broadcast %sub3A_1404 : f32 to vector<16xf32>
        %sub3A_1406 = arith.subf %sub3A_1405, %mul3A_1403 : vector<16xf32>
        %mul3A_1407 = arith.mulf %mul3A_1401, %sub3A_1406 : vector<16xf32>
        %mul3A_1408 = arith.mulf %max3A_1379, %mul3A_1407 : vector<16xf32>
        %mul3A_1409 = arith.constant 2.000000e+00 : f32
        %mul3A_1410 = vector.broadcast %mul3A_1409 : f32 to vector<16xf32>
        %mul3A_1411 = arith.mulf %mul3A_1410, %mul3A_1408 : vector<16xf32>
        %sub3A_1412 = arith.constant 4.000000e+00 : f32
        %sub3A_1413 = vector.broadcast %sub3A_1412 : f32 to vector<16xf32>
        %sub3A_1414 = arith.subf %mul3A_1411, %sub3A_1413 : vector<16xf32>
        %convert_element_type3A_1415 = arith.fptosi %sub3A_1414 : vector<16xf32> to vector<16xi32>
        %convert_element_type3A_1416 = arith.sitofp %convert_element_type3A_1415 : vector<16xi32> to vector<16xf32>
        %gt3A_1417 = arith.cmpf ogt, %sub3A_1414, %convert_element_type3A_1416 : vector<16xf32>
        %add3A_1418 = arith.constant 1 : i32
        %add3A_1419 = vector.broadcast %add3A_1418 : i32 to vector<16xi32>
        %add3A_1420 = arith.addi %convert_element_type3A_1415, %add3A_1419 : vector<16xi32>
        %select_n3A_1421 = arith.select %gt3A_1417, %add3A_1420, %convert_element_type3A_1415 : vector<16xi1>, vector<16xi32>
        %jit3A_1422 = arith.constant 0 : i32
        %jit3A_1423 = arith.constant 36 : i32
        %max3A_1424 = vector.broadcast %jit3A_1422 : i32 to vector<16xi32>
        %max3A_1425 = arith.maxsi %max3A_1424, %select_n3A_1421 : vector<16xi32>
        %min3A_1426 = vector.broadcast %jit3A_1423 : i32 to vector<16xi32>
        %min3A_1427 = arith.minsi %min3A_1426, %max3A_1425 : vector<16xi32>
        %add3A_1428 = arith.constant 666 : i32
        %add3A_1429 = vector.broadcast %add3A_1428 : i32 to vector<16xi32>
        %add3A_1430 = arith.addi %min3A_1427, %add3A_1429 : vector<16xi32>
        %shift_left3A_1431 = arith.constant 5 : i32
        %shift_left3A_1432 = vector.broadcast %shift_left3A_1431 : i32 to vector<16xi32>
        %shift_left3A_1433 = arith.shli %add3A_1430, %shift_left3A_1432 : vector<16xi32>
        %sub3A_1434 = arith.subf %broadcast_in_dim3A_112, %gather3A_198 : vector<16xf32>
        %sub3A_1435 = arith.subf %broadcast_in_dim3A_119, %gather3A_202 : vector<16xf32>
        %sub3A_1436 = arith.subf %broadcast_in_dim3A_126, %gather3A_206 : vector<16xf32>
        %mul3A_1437 = arith.mulf %sub3A_1434, %sub3A_1434 : vector<16xf32>
        %mul3A_1438 = arith.mulf %sub3A_1435, %sub3A_1435 : vector<16xf32>
        %add3A_1439 = arith.addf %mul3A_1437, %mul3A_1438 : vector<16xf32>
        %mul3A_1440 = arith.mulf %sub3A_1436, %sub3A_1436 : vector<16xf32>
        %add3A_1441 = arith.addf %add3A_1439, %mul3A_1440 : vector<16xf32>
        %max3A_1442 = arith.constant 1.000000e+00 : f32
        %max3A_1443 = vector.broadcast %max3A_1442 : f32 to vector<16xf32>
        %max3A_1444 = arith.maximumf %add3A_1441, %max3A_1443 : vector<16xf32>
        %bitcast_convert_type3A_1445 = tpu.bitcast %max3A_1444 : vector<16xf32> -> vector<16xi32>
        %shift_right_arithmetic3A_1446 = arith.constant 1 : i32
        %shift_right_arithmetic3A_1447 = vector.broadcast %shift_right_arithmetic3A_1446 : i32 to vector<16xi32>
        %shift_right_arithmetic3A_1448 = arith.shrsi %bitcast_convert_type3A_1445, %shift_right_arithmetic3A_1447 : vector<16xi32>
        %sub3A_1449 = vector.broadcast %scan3A_4 : i32 to vector<16xi32>
        %sub3A_1450 = arith.subi %sub3A_1449, %shift_right_arithmetic3A_1448 : vector<16xi32>
        %bitcast_convert_type3A_1451 = tpu.bitcast %sub3A_1450 : vector<16xi32> -> vector<16xf32>
        %mul3A_1452 = arith.constant 5.000000e-01 : f32
        %mul3A_1453 = vector.broadcast %mul3A_1452 : f32 to vector<16xf32>
        %mul3A_1454 = arith.mulf %max3A_1444, %mul3A_1453 : vector<16xf32>
        %mul3A_1455 = arith.mulf %mul3A_1454, %bitcast_convert_type3A_1451 : vector<16xf32>
        %mul3A_1456 = arith.mulf %mul3A_1455, %bitcast_convert_type3A_1451 : vector<16xf32>
        %sub3A_1457 = arith.constant 1.500000e+00 : f32
        %sub3A_1458 = vector.broadcast %sub3A_1457 : f32 to vector<16xf32>
        %sub3A_1459 = arith.subf %sub3A_1458, %mul3A_1456 : vector<16xf32>
        %mul3A_1460 = arith.mulf %bitcast_convert_type3A_1451, %sub3A_1459 : vector<16xf32>
        %mul3A_1461 = arith.mulf %mul3A_1454, %mul3A_1460 : vector<16xf32>
        %mul3A_1462 = arith.mulf %mul3A_1461, %mul3A_1460 : vector<16xf32>
        %sub3A_1463 = arith.constant 1.500000e+00 : f32
        %sub3A_1464 = vector.broadcast %sub3A_1463 : f32 to vector<16xf32>
        %sub3A_1465 = arith.subf %sub3A_1464, %mul3A_1462 : vector<16xf32>
        %mul3A_1466 = arith.mulf %mul3A_1460, %sub3A_1465 : vector<16xf32>
        %mul3A_1467 = arith.mulf %mul3A_1454, %mul3A_1466 : vector<16xf32>
        %mul3A_1468 = arith.mulf %mul3A_1467, %mul3A_1466 : vector<16xf32>
        %sub3A_1469 = arith.constant 1.500000e+00 : f32
        %sub3A_1470 = vector.broadcast %sub3A_1469 : f32 to vector<16xf32>
        %sub3A_1471 = arith.subf %sub3A_1470, %mul3A_1468 : vector<16xf32>
        %mul3A_1472 = arith.mulf %mul3A_1466, %sub3A_1471 : vector<16xf32>
        %mul3A_1473 = arith.mulf %max3A_1444, %mul3A_1472 : vector<16xf32>
        %mul3A_1474 = arith.constant 2.000000e+00 : f32
        %mul3A_1475 = vector.broadcast %mul3A_1474 : f32 to vector<16xf32>
        %mul3A_1476 = arith.mulf %mul3A_1475, %mul3A_1473 : vector<16xf32>
        %sub3A_1477 = arith.constant 4.000000e+00 : f32
        %sub3A_1478 = vector.broadcast %sub3A_1477 : f32 to vector<16xf32>
        %sub3A_1479 = arith.subf %mul3A_1476, %sub3A_1478 : vector<16xf32>
        %convert_element_type3A_1480 = arith.fptosi %sub3A_1479 : vector<16xf32> to vector<16xi32>
        %convert_element_type3A_1481 = arith.sitofp %convert_element_type3A_1480 : vector<16xi32> to vector<16xf32>
        %gt3A_1482 = arith.cmpf ogt, %sub3A_1479, %convert_element_type3A_1481 : vector<16xf32>
        %add3A_1483 = arith.constant 1 : i32
        %add3A_1484 = vector.broadcast %add3A_1483 : i32 to vector<16xi32>
        %add3A_1485 = arith.addi %convert_element_type3A_1480, %add3A_1484 : vector<16xi32>
        %select_n3A_1486 = arith.select %gt3A_1482, %add3A_1485, %convert_element_type3A_1480 : vector<16xi1>, vector<16xi32>
        %jit3A_1487 = arith.constant 0 : i32
        %jit3A_1488 = arith.constant 36 : i32
        %max3A_1489 = vector.broadcast %jit3A_1487 : i32 to vector<16xi32>
        %max3A_1490 = arith.maxsi %max3A_1489, %select_n3A_1486 : vector<16xi32>
        %min3A_1491 = vector.broadcast %jit3A_1488 : i32 to vector<16xi32>
        %min3A_1492 = arith.minsi %min3A_1491, %max3A_1490 : vector<16xi32>
        %add3A_1493 = arith.constant 703 : i32
        %add3A_1494 = vector.broadcast %add3A_1493 : i32 to vector<16xi32>
        %add3A_1495 = arith.addi %min3A_1492, %add3A_1494 : vector<16xi32>
        %shift_left3A_1496 = arith.constant 5 : i32
        %shift_left3A_1497 = vector.broadcast %shift_left3A_1496 : i32 to vector<16xi32>
        %shift_left3A_1498 = arith.shli %add3A_1495, %shift_left3A_1497 : vector<16xi32>
        %sub3A_1499 = arith.subf %broadcast_in_dim3A_133, %gather3A : vector<16xf32>
        %sub3A_1500 = arith.subf %broadcast_in_dim3A_140, %gather3A_154 : vector<16xf32>
        %sub3A_1501 = arith.subf %broadcast_in_dim3A_147, %gather3A_158 : vector<16xf32>
        %mul3A_1502 = arith.mulf %sub3A_1499, %sub3A_1499 : vector<16xf32>
        %mul3A_1503 = arith.mulf %sub3A_1500, %sub3A_1500 : vector<16xf32>
        %add3A_1504 = arith.addf %mul3A_1502, %mul3A_1503 : vector<16xf32>
        %mul3A_1505 = arith.mulf %sub3A_1501, %sub3A_1501 : vector<16xf32>
        %add3A_1506 = arith.addf %add3A_1504, %mul3A_1505 : vector<16xf32>
        %max3A_1507 = arith.constant 1.000000e+00 : f32
        %max3A_1508 = vector.broadcast %max3A_1507 : f32 to vector<16xf32>
        %max3A_1509 = arith.maximumf %add3A_1506, %max3A_1508 : vector<16xf32>
        %bitcast_convert_type3A_1510 = tpu.bitcast %max3A_1509 : vector<16xf32> -> vector<16xi32>
        %shift_right_arithmetic3A_1511 = arith.constant 1 : i32
        %shift_right_arithmetic3A_1512 = vector.broadcast %shift_right_arithmetic3A_1511 : i32 to vector<16xi32>
        %shift_right_arithmetic3A_1513 = arith.shrsi %bitcast_convert_type3A_1510, %shift_right_arithmetic3A_1512 : vector<16xi32>
        %sub3A_1514 = vector.broadcast %scan3A_4 : i32 to vector<16xi32>
        %sub3A_1515 = arith.subi %sub3A_1514, %shift_right_arithmetic3A_1513 : vector<16xi32>
        %bitcast_convert_type3A_1516 = tpu.bitcast %sub3A_1515 : vector<16xi32> -> vector<16xf32>
        %mul3A_1517 = arith.constant 5.000000e-01 : f32
        %mul3A_1518 = vector.broadcast %mul3A_1517 : f32 to vector<16xf32>
        %mul3A_1519 = arith.mulf %max3A_1509, %mul3A_1518 : vector<16xf32>
        %mul3A_1520 = arith.mulf %mul3A_1519, %bitcast_convert_type3A_1516 : vector<16xf32>
        %mul3A_1521 = arith.mulf %mul3A_1520, %bitcast_convert_type3A_1516 : vector<16xf32>
        %sub3A_1522 = arith.constant 1.500000e+00 : f32
        %sub3A_1523 = vector.broadcast %sub3A_1522 : f32 to vector<16xf32>
        %sub3A_1524 = arith.subf %sub3A_1523, %mul3A_1521 : vector<16xf32>
        %mul3A_1525 = arith.mulf %bitcast_convert_type3A_1516, %sub3A_1524 : vector<16xf32>
        %mul3A_1526 = arith.mulf %mul3A_1519, %mul3A_1525 : vector<16xf32>
        %mul3A_1527 = arith.mulf %mul3A_1526, %mul3A_1525 : vector<16xf32>
        %sub3A_1528 = arith.constant 1.500000e+00 : f32
        %sub3A_1529 = vector.broadcast %sub3A_1528 : f32 to vector<16xf32>
        %sub3A_1530 = arith.subf %sub3A_1529, %mul3A_1527 : vector<16xf32>
        %mul3A_1531 = arith.mulf %mul3A_1525, %sub3A_1530 : vector<16xf32>
        %mul3A_1532 = arith.mulf %mul3A_1519, %mul3A_1531 : vector<16xf32>
        %mul3A_1533 = arith.mulf %mul3A_1532, %mul3A_1531 : vector<16xf32>
        %sub3A_1534 = arith.constant 1.500000e+00 : f32
        %sub3A_1535 = vector.broadcast %sub3A_1534 : f32 to vector<16xf32>
        %sub3A_1536 = arith.subf %sub3A_1535, %mul3A_1533 : vector<16xf32>
        %mul3A_1537 = arith.mulf %mul3A_1531, %sub3A_1536 : vector<16xf32>
        %mul3A_1538 = arith.mulf %max3A_1509, %mul3A_1537 : vector<16xf32>
        %mul3A_1539 = arith.constant 2.000000e+00 : f32
        %mul3A_1540 = vector.broadcast %mul3A_1539 : f32 to vector<16xf32>
        %mul3A_1541 = arith.mulf %mul3A_1540, %mul3A_1538 : vector<16xf32>
        %sub3A_1542 = arith.constant 4.000000e+00 : f32
        %sub3A_1543 = vector.broadcast %sub3A_1542 : f32 to vector<16xf32>
        %sub3A_1544 = arith.subf %mul3A_1541, %sub3A_1543 : vector<16xf32>
        %convert_element_type3A_1545 = arith.fptosi %sub3A_1544 : vector<16xf32> to vector<16xi32>
        %convert_element_type3A_1546 = arith.sitofp %convert_element_type3A_1545 : vector<16xi32> to vector<16xf32>
        %gt3A_1547 = arith.cmpf ogt, %sub3A_1544, %convert_element_type3A_1546 : vector<16xf32>
        %add3A_1548 = arith.constant 1 : i32
        %add3A_1549 = vector.broadcast %add3A_1548 : i32 to vector<16xi32>
        %add3A_1550 = arith.addi %convert_element_type3A_1545, %add3A_1549 : vector<16xi32>
        %select_n3A_1551 = arith.select %gt3A_1547, %add3A_1550, %convert_element_type3A_1545 : vector<16xi1>, vector<16xi32>
        %jit3A_1552 = arith.constant 0 : i32
        %jit3A_1553 = arith.constant 36 : i32
        %max3A_1554 = vector.broadcast %jit3A_1552 : i32 to vector<16xi32>
        %max3A_1555 = arith.maxsi %max3A_1554, %select_n3A_1551 : vector<16xi32>
        %min3A_1556 = vector.broadcast %jit3A_1553 : i32 to vector<16xi32>
        %min3A_1557 = arith.minsi %min3A_1556, %max3A_1555 : vector<16xi32>
        %add3A_1558 = arith.constant 740 : i32
        %add3A_1559 = vector.broadcast %add3A_1558 : i32 to vector<16xi32>
        %add3A_1560 = arith.addi %min3A_1557, %add3A_1559 : vector<16xi32>
        %shift_left3A_1561 = arith.constant 5 : i32
        %shift_left3A_1562 = vector.broadcast %shift_left3A_1561 : i32 to vector<16xi32>
        %shift_left3A_1563 = arith.shli %add3A_1560, %shift_left3A_1562 : vector<16xi32>
        %sub3A_1564 = arith.subf %broadcast_in_dim3A_133, %gather3A_162 : vector<16xf32>
        %sub3A_1565 = arith.subf %broadcast_in_dim3A_140, %gather3A_166 : vector<16xf32>
        %sub3A_1566 = arith.subf %broadcast_in_dim3A_147, %gather3A_170 : vector<16xf32>
        %mul3A_1567 = arith.mulf %sub3A_1564, %sub3A_1564 : vector<16xf32>
        %mul3A_1568 = arith.mulf %sub3A_1565, %sub3A_1565 : vector<16xf32>
        %add3A_1569 = arith.addf %mul3A_1567, %mul3A_1568 : vector<16xf32>
        %mul3A_1570 = arith.mulf %sub3A_1566, %sub3A_1566 : vector<16xf32>
        %add3A_1571 = arith.addf %add3A_1569, %mul3A_1570 : vector<16xf32>
        %max3A_1572 = arith.constant 1.000000e+00 : f32
        %max3A_1573 = vector.broadcast %max3A_1572 : f32 to vector<16xf32>
        %max3A_1574 = arith.maximumf %add3A_1571, %max3A_1573 : vector<16xf32>
        %bitcast_convert_type3A_1575 = tpu.bitcast %max3A_1574 : vector<16xf32> -> vector<16xi32>
        %shift_right_arithmetic3A_1576 = arith.constant 1 : i32
        %shift_right_arithmetic3A_1577 = vector.broadcast %shift_right_arithmetic3A_1576 : i32 to vector<16xi32>
        %shift_right_arithmetic3A_1578 = arith.shrsi %bitcast_convert_type3A_1575, %shift_right_arithmetic3A_1577 : vector<16xi32>
        %sub3A_1579 = vector.broadcast %scan3A_4 : i32 to vector<16xi32>
        %sub3A_1580 = arith.subi %sub3A_1579, %shift_right_arithmetic3A_1578 : vector<16xi32>
        %bitcast_convert_type3A_1581 = tpu.bitcast %sub3A_1580 : vector<16xi32> -> vector<16xf32>
        %mul3A_1582 = arith.constant 5.000000e-01 : f32
        %mul3A_1583 = vector.broadcast %mul3A_1582 : f32 to vector<16xf32>
        %mul3A_1584 = arith.mulf %max3A_1574, %mul3A_1583 : vector<16xf32>
        %mul3A_1585 = arith.mulf %mul3A_1584, %bitcast_convert_type3A_1581 : vector<16xf32>
        %mul3A_1586 = arith.mulf %mul3A_1585, %bitcast_convert_type3A_1581 : vector<16xf32>
        %sub3A_1587 = arith.constant 1.500000e+00 : f32
        %sub3A_1588 = vector.broadcast %sub3A_1587 : f32 to vector<16xf32>
        %sub3A_1589 = arith.subf %sub3A_1588, %mul3A_1586 : vector<16xf32>
        %mul3A_1590 = arith.mulf %bitcast_convert_type3A_1581, %sub3A_1589 : vector<16xf32>
        %mul3A_1591 = arith.mulf %mul3A_1584, %mul3A_1590 : vector<16xf32>
        %mul3A_1592 = arith.mulf %mul3A_1591, %mul3A_1590 : vector<16xf32>
        %sub3A_1593 = arith.constant 1.500000e+00 : f32
        %sub3A_1594 = vector.broadcast %sub3A_1593 : f32 to vector<16xf32>
        %sub3A_1595 = arith.subf %sub3A_1594, %mul3A_1592 : vector<16xf32>
        %mul3A_1596 = arith.mulf %mul3A_1590, %sub3A_1595 : vector<16xf32>
        %mul3A_1597 = arith.mulf %mul3A_1584, %mul3A_1596 : vector<16xf32>
        %mul3A_1598 = arith.mulf %mul3A_1597, %mul3A_1596 : vector<16xf32>
        %sub3A_1599 = arith.constant 1.500000e+00 : f32
        %sub3A_1600 = vector.broadcast %sub3A_1599 : f32 to vector<16xf32>
        %sub3A_1601 = arith.subf %sub3A_1600, %mul3A_1598 : vector<16xf32>
        %mul3A_1602 = arith.mulf %mul3A_1596, %sub3A_1601 : vector<16xf32>
        %mul3A_1603 = arith.mulf %max3A_1574, %mul3A_1602 : vector<16xf32>
        %mul3A_1604 = arith.constant 2.000000e+00 : f32
        %mul3A_1605 = vector.broadcast %mul3A_1604 : f32 to vector<16xf32>
        %mul3A_1606 = arith.mulf %mul3A_1605, %mul3A_1603 : vector<16xf32>
        %sub3A_1607 = arith.constant 4.000000e+00 : f32
        %sub3A_1608 = vector.broadcast %sub3A_1607 : f32 to vector<16xf32>
        %sub3A_1609 = arith.subf %mul3A_1606, %sub3A_1608 : vector<16xf32>
        %convert_element_type3A_1610 = arith.fptosi %sub3A_1609 : vector<16xf32> to vector<16xi32>
        %convert_element_type3A_1611 = arith.sitofp %convert_element_type3A_1610 : vector<16xi32> to vector<16xf32>
        %gt3A_1612 = arith.cmpf ogt, %sub3A_1609, %convert_element_type3A_1611 : vector<16xf32>
        %add3A_1613 = arith.constant 1 : i32
        %add3A_1614 = vector.broadcast %add3A_1613 : i32 to vector<16xi32>
        %add3A_1615 = arith.addi %convert_element_type3A_1610, %add3A_1614 : vector<16xi32>
        %select_n3A_1616 = arith.select %gt3A_1612, %add3A_1615, %convert_element_type3A_1610 : vector<16xi1>, vector<16xi32>
        %jit3A_1617 = arith.constant 0 : i32
        %jit3A_1618 = arith.constant 36 : i32
        %max3A_1619 = vector.broadcast %jit3A_1617 : i32 to vector<16xi32>
        %max3A_1620 = arith.maxsi %max3A_1619, %select_n3A_1616 : vector<16xi32>
        %min3A_1621 = vector.broadcast %jit3A_1618 : i32 to vector<16xi32>
        %min3A_1622 = arith.minsi %min3A_1621, %max3A_1620 : vector<16xi32>
        %add3A_1623 = arith.constant 777 : i32
        %add3A_1624 = vector.broadcast %add3A_1623 : i32 to vector<16xi32>
        %add3A_1625 = arith.addi %min3A_1622, %add3A_1624 : vector<16xi32>
        %shift_left3A_1626 = arith.constant 5 : i32
        %shift_left3A_1627 = vector.broadcast %shift_left3A_1626 : i32 to vector<16xi32>
        %shift_left3A_1628 = arith.shli %add3A_1625, %shift_left3A_1627 : vector<16xi32>
        %sub3A_1629 = arith.subf %broadcast_in_dim3A_133, %gather3A_174 : vector<16xf32>
        %sub3A_1630 = arith.subf %broadcast_in_dim3A_140, %gather3A_178 : vector<16xf32>
        %sub3A_1631 = arith.subf %broadcast_in_dim3A_147, %gather3A_182 : vector<16xf32>
        %mul3A_1632 = arith.mulf %sub3A_1629, %sub3A_1629 : vector<16xf32>
        %mul3A_1633 = arith.mulf %sub3A_1630, %sub3A_1630 : vector<16xf32>
        %add3A_1634 = arith.addf %mul3A_1632, %mul3A_1633 : vector<16xf32>
        %mul3A_1635 = arith.mulf %sub3A_1631, %sub3A_1631 : vector<16xf32>
        %add3A_1636 = arith.addf %add3A_1634, %mul3A_1635 : vector<16xf32>
        %max3A_1637 = arith.constant 1.000000e+00 : f32
        %max3A_1638 = vector.broadcast %max3A_1637 : f32 to vector<16xf32>
        %max3A_1639 = arith.maximumf %add3A_1636, %max3A_1638 : vector<16xf32>
        %bitcast_convert_type3A_1640 = tpu.bitcast %max3A_1639 : vector<16xf32> -> vector<16xi32>
        %shift_right_arithmetic3A_1641 = arith.constant 1 : i32
        %shift_right_arithmetic3A_1642 = vector.broadcast %shift_right_arithmetic3A_1641 : i32 to vector<16xi32>
        %shift_right_arithmetic3A_1643 = arith.shrsi %bitcast_convert_type3A_1640, %shift_right_arithmetic3A_1642 : vector<16xi32>
        %sub3A_1644 = vector.broadcast %scan3A_4 : i32 to vector<16xi32>
        %sub3A_1645 = arith.subi %sub3A_1644, %shift_right_arithmetic3A_1643 : vector<16xi32>
        %bitcast_convert_type3A_1646 = tpu.bitcast %sub3A_1645 : vector<16xi32> -> vector<16xf32>
        %mul3A_1647 = arith.constant 5.000000e-01 : f32
        %mul3A_1648 = vector.broadcast %mul3A_1647 : f32 to vector<16xf32>
        %mul3A_1649 = arith.mulf %max3A_1639, %mul3A_1648 : vector<16xf32>
        %mul3A_1650 = arith.mulf %mul3A_1649, %bitcast_convert_type3A_1646 : vector<16xf32>
        %mul3A_1651 = arith.mulf %mul3A_1650, %bitcast_convert_type3A_1646 : vector<16xf32>
        %sub3A_1652 = arith.constant 1.500000e+00 : f32
        %sub3A_1653 = vector.broadcast %sub3A_1652 : f32 to vector<16xf32>
        %sub3A_1654 = arith.subf %sub3A_1653, %mul3A_1651 : vector<16xf32>
        %mul3A_1655 = arith.mulf %bitcast_convert_type3A_1646, %sub3A_1654 : vector<16xf32>
        %mul3A_1656 = arith.mulf %mul3A_1649, %mul3A_1655 : vector<16xf32>
        %mul3A_1657 = arith.mulf %mul3A_1656, %mul3A_1655 : vector<16xf32>
        %sub3A_1658 = arith.constant 1.500000e+00 : f32
        %sub3A_1659 = vector.broadcast %sub3A_1658 : f32 to vector<16xf32>
        %sub3A_1660 = arith.subf %sub3A_1659, %mul3A_1657 : vector<16xf32>
        %mul3A_1661 = arith.mulf %mul3A_1655, %sub3A_1660 : vector<16xf32>
        %mul3A_1662 = arith.mulf %mul3A_1649, %mul3A_1661 : vector<16xf32>
        %mul3A_1663 = arith.mulf %mul3A_1662, %mul3A_1661 : vector<16xf32>
        %sub3A_1664 = arith.constant 1.500000e+00 : f32
        %sub3A_1665 = vector.broadcast %sub3A_1664 : f32 to vector<16xf32>
        %sub3A_1666 = arith.subf %sub3A_1665, %mul3A_1663 : vector<16xf32>
        %mul3A_1667 = arith.mulf %mul3A_1661, %sub3A_1666 : vector<16xf32>
        %mul3A_1668 = arith.mulf %max3A_1639, %mul3A_1667 : vector<16xf32>
        %mul3A_1669 = arith.constant 2.000000e+00 : f32
        %mul3A_1670 = vector.broadcast %mul3A_1669 : f32 to vector<16xf32>
        %mul3A_1671 = arith.mulf %mul3A_1670, %mul3A_1668 : vector<16xf32>
        %sub3A_1672 = arith.constant 4.000000e+00 : f32
        %sub3A_1673 = vector.broadcast %sub3A_1672 : f32 to vector<16xf32>
        %sub3A_1674 = arith.subf %mul3A_1671, %sub3A_1673 : vector<16xf32>
        %convert_element_type3A_1675 = arith.fptosi %sub3A_1674 : vector<16xf32> to vector<16xi32>
        %convert_element_type3A_1676 = arith.sitofp %convert_element_type3A_1675 : vector<16xi32> to vector<16xf32>
        %gt3A_1677 = arith.cmpf ogt, %sub3A_1674, %convert_element_type3A_1676 : vector<16xf32>
        %add3A_1678 = arith.constant 1 : i32
        %add3A_1679 = vector.broadcast %add3A_1678 : i32 to vector<16xi32>
        %add3A_1680 = arith.addi %convert_element_type3A_1675, %add3A_1679 : vector<16xi32>
        %select_n3A_1681 = arith.select %gt3A_1677, %add3A_1680, %convert_element_type3A_1675 : vector<16xi1>, vector<16xi32>
        %jit3A_1682 = arith.constant 0 : i32
        %jit3A_1683 = arith.constant 36 : i32
        %max3A_1684 = vector.broadcast %jit3A_1682 : i32 to vector<16xi32>
        %max3A_1685 = arith.maxsi %max3A_1684, %select_n3A_1681 : vector<16xi32>
        %min3A_1686 = vector.broadcast %jit3A_1683 : i32 to vector<16xi32>
        %min3A_1687 = arith.minsi %min3A_1686, %max3A_1685 : vector<16xi32>
        %add3A_1688 = arith.constant 814 : i32
        %add3A_1689 = vector.broadcast %add3A_1688 : i32 to vector<16xi32>
        %add3A_1690 = arith.addi %min3A_1687, %add3A_1689 : vector<16xi32>
        %shift_left3A_1691 = arith.constant 5 : i32
        %shift_left3A_1692 = vector.broadcast %shift_left3A_1691 : i32 to vector<16xi32>
        %shift_left3A_1693 = arith.shli %add3A_1690, %shift_left3A_1692 : vector<16xi32>
        %sub3A_1694 = arith.subf %broadcast_in_dim3A_133, %gather3A_186 : vector<16xf32>
        %sub3A_1695 = arith.subf %broadcast_in_dim3A_140, %gather3A_190 : vector<16xf32>
        %sub3A_1696 = arith.subf %broadcast_in_dim3A_147, %gather3A_194 : vector<16xf32>
        %mul3A_1697 = arith.mulf %sub3A_1694, %sub3A_1694 : vector<16xf32>
        %mul3A_1698 = arith.mulf %sub3A_1695, %sub3A_1695 : vector<16xf32>
        %add3A_1699 = arith.addf %mul3A_1697, %mul3A_1698 : vector<16xf32>
        %mul3A_1700 = arith.mulf %sub3A_1696, %sub3A_1696 : vector<16xf32>
        %add3A_1701 = arith.addf %add3A_1699, %mul3A_1700 : vector<16xf32>
        %max3A_1702 = arith.constant 1.000000e+00 : f32
        %max3A_1703 = vector.broadcast %max3A_1702 : f32 to vector<16xf32>
        %max3A_1704 = arith.maximumf %add3A_1701, %max3A_1703 : vector<16xf32>
        %bitcast_convert_type3A_1705 = tpu.bitcast %max3A_1704 : vector<16xf32> -> vector<16xi32>
        %shift_right_arithmetic3A_1706 = arith.constant 1 : i32
        %shift_right_arithmetic3A_1707 = vector.broadcast %shift_right_arithmetic3A_1706 : i32 to vector<16xi32>
        %shift_right_arithmetic3A_1708 = arith.shrsi %bitcast_convert_type3A_1705, %shift_right_arithmetic3A_1707 : vector<16xi32>
        %sub3A_1709 = vector.broadcast %scan3A_4 : i32 to vector<16xi32>
        %sub3A_1710 = arith.subi %sub3A_1709, %shift_right_arithmetic3A_1708 : vector<16xi32>
        %bitcast_convert_type3A_1711 = tpu.bitcast %sub3A_1710 : vector<16xi32> -> vector<16xf32>
        %mul3A_1712 = arith.constant 5.000000e-01 : f32
        %mul3A_1713 = vector.broadcast %mul3A_1712 : f32 to vector<16xf32>
        %mul3A_1714 = arith.mulf %max3A_1704, %mul3A_1713 : vector<16xf32>
        %mul3A_1715 = arith.mulf %mul3A_1714, %bitcast_convert_type3A_1711 : vector<16xf32>
        %mul3A_1716 = arith.mulf %mul3A_1715, %bitcast_convert_type3A_1711 : vector<16xf32>
        %sub3A_1717 = arith.constant 1.500000e+00 : f32
        %sub3A_1718 = vector.broadcast %sub3A_1717 : f32 to vector<16xf32>
        %sub3A_1719 = arith.subf %sub3A_1718, %mul3A_1716 : vector<16xf32>
        %mul3A_1720 = arith.mulf %bitcast_convert_type3A_1711, %sub3A_1719 : vector<16xf32>
        %mul3A_1721 = arith.mulf %mul3A_1714, %mul3A_1720 : vector<16xf32>
        %mul3A_1722 = arith.mulf %mul3A_1721, %mul3A_1720 : vector<16xf32>
        %sub3A_1723 = arith.constant 1.500000e+00 : f32
        %sub3A_1724 = vector.broadcast %sub3A_1723 : f32 to vector<16xf32>
        %sub3A_1725 = arith.subf %sub3A_1724, %mul3A_1722 : vector<16xf32>
        %mul3A_1726 = arith.mulf %mul3A_1720, %sub3A_1725 : vector<16xf32>
        %mul3A_1727 = arith.mulf %mul3A_1714, %mul3A_1726 : vector<16xf32>
        %mul3A_1728 = arith.mulf %mul3A_1727, %mul3A_1726 : vector<16xf32>
        %sub3A_1729 = arith.constant 1.500000e+00 : f32
        %sub3A_1730 = vector.broadcast %sub3A_1729 : f32 to vector<16xf32>
        %sub3A_1731 = arith.subf %sub3A_1730, %mul3A_1728 : vector<16xf32>
        %mul3A_1732 = arith.mulf %mul3A_1726, %sub3A_1731 : vector<16xf32>
        %mul3A_1733 = arith.mulf %max3A_1704, %mul3A_1732 : vector<16xf32>
        %mul3A_1734 = arith.constant 2.000000e+00 : f32
        %mul3A_1735 = vector.broadcast %mul3A_1734 : f32 to vector<16xf32>
        %mul3A_1736 = arith.mulf %mul3A_1735, %mul3A_1733 : vector<16xf32>
        %sub3A_1737 = arith.constant 4.000000e+00 : f32
        %sub3A_1738 = vector.broadcast %sub3A_1737 : f32 to vector<16xf32>
        %sub3A_1739 = arith.subf %mul3A_1736, %sub3A_1738 : vector<16xf32>
        %convert_element_type3A_1740 = arith.fptosi %sub3A_1739 : vector<16xf32> to vector<16xi32>
        %convert_element_type3A_1741 = arith.sitofp %convert_element_type3A_1740 : vector<16xi32> to vector<16xf32>
        %gt3A_1742 = arith.cmpf ogt, %sub3A_1739, %convert_element_type3A_1741 : vector<16xf32>
        %add3A_1743 = arith.constant 1 : i32
        %add3A_1744 = vector.broadcast %add3A_1743 : i32 to vector<16xi32>
        %add3A_1745 = arith.addi %convert_element_type3A_1740, %add3A_1744 : vector<16xi32>
        %select_n3A_1746 = arith.select %gt3A_1742, %add3A_1745, %convert_element_type3A_1740 : vector<16xi1>, vector<16xi32>
        %jit3A_1747 = arith.constant 0 : i32
        %jit3A_1748 = arith.constant 36 : i32
        %max3A_1749 = vector.broadcast %jit3A_1747 : i32 to vector<16xi32>
        %max3A_1750 = arith.maxsi %max3A_1749, %select_n3A_1746 : vector<16xi32>
        %min3A_1751 = vector.broadcast %jit3A_1748 : i32 to vector<16xi32>
        %min3A_1752 = arith.minsi %min3A_1751, %max3A_1750 : vector<16xi32>
        %add3A_1753 = arith.constant 851 : i32
        %add3A_1754 = vector.broadcast %add3A_1753 : i32 to vector<16xi32>
        %add3A_1755 = arith.addi %min3A_1752, %add3A_1754 : vector<16xi32>
        %shift_left3A_1756 = arith.constant 5 : i32
        %shift_left3A_1757 = vector.broadcast %shift_left3A_1756 : i32 to vector<16xi32>
        %shift_left3A_1758 = arith.shli %add3A_1755, %shift_left3A_1757 : vector<16xi32>
        %sub3A_1759 = arith.subf %broadcast_in_dim3A_133, %gather3A_198 : vector<16xf32>
        %sub3A_1760 = arith.subf %broadcast_in_dim3A_140, %gather3A_202 : vector<16xf32>
        %sub3A_1761 = arith.subf %broadcast_in_dim3A_147, %gather3A_206 : vector<16xf32>
        %mul3A_1762 = arith.mulf %sub3A_1759, %sub3A_1759 : vector<16xf32>
        %mul3A_1763 = arith.mulf %sub3A_1760, %sub3A_1760 : vector<16xf32>
        %add3A_1764 = arith.addf %mul3A_1762, %mul3A_1763 : vector<16xf32>
        %mul3A_1765 = arith.mulf %sub3A_1761, %sub3A_1761 : vector<16xf32>
        %add3A_1766 = arith.addf %add3A_1764, %mul3A_1765 : vector<16xf32>
        %max3A_1767 = arith.constant 1.000000e+00 : f32
        %max3A_1768 = vector.broadcast %max3A_1767 : f32 to vector<16xf32>
        %max3A_1769 = arith.maximumf %add3A_1766, %max3A_1768 : vector<16xf32>
        %bitcast_convert_type3A_1770 = tpu.bitcast %max3A_1769 : vector<16xf32> -> vector<16xi32>
        %shift_right_arithmetic3A_1771 = arith.constant 1 : i32
        %shift_right_arithmetic3A_1772 = vector.broadcast %shift_right_arithmetic3A_1771 : i32 to vector<16xi32>
        %shift_right_arithmetic3A_1773 = arith.shrsi %bitcast_convert_type3A_1770, %shift_right_arithmetic3A_1772 : vector<16xi32>
        %sub3A_1774 = vector.broadcast %scan3A_4 : i32 to vector<16xi32>
        %sub3A_1775 = arith.subi %sub3A_1774, %shift_right_arithmetic3A_1773 : vector<16xi32>
        %bitcast_convert_type3A_1776 = tpu.bitcast %sub3A_1775 : vector<16xi32> -> vector<16xf32>
        %mul3A_1777 = arith.constant 5.000000e-01 : f32
        %mul3A_1778 = vector.broadcast %mul3A_1777 : f32 to vector<16xf32>
        %mul3A_1779 = arith.mulf %max3A_1769, %mul3A_1778 : vector<16xf32>
        %mul3A_1780 = arith.mulf %mul3A_1779, %bitcast_convert_type3A_1776 : vector<16xf32>
        %mul3A_1781 = arith.mulf %mul3A_1780, %bitcast_convert_type3A_1776 : vector<16xf32>
        %sub3A_1782 = arith.constant 1.500000e+00 : f32
        %sub3A_1783 = vector.broadcast %sub3A_1782 : f32 to vector<16xf32>
        %sub3A_1784 = arith.subf %sub3A_1783, %mul3A_1781 : vector<16xf32>
        %mul3A_1785 = arith.mulf %bitcast_convert_type3A_1776, %sub3A_1784 : vector<16xf32>
        %mul3A_1786 = arith.mulf %mul3A_1779, %mul3A_1785 : vector<16xf32>
        %mul3A_1787 = arith.mulf %mul3A_1786, %mul3A_1785 : vector<16xf32>
        %sub3A_1788 = arith.constant 1.500000e+00 : f32
        %sub3A_1789 = vector.broadcast %sub3A_1788 : f32 to vector<16xf32>
        %sub3A_1790 = arith.subf %sub3A_1789, %mul3A_1787 : vector<16xf32>
        %mul3A_1791 = arith.mulf %mul3A_1785, %sub3A_1790 : vector<16xf32>
        %mul3A_1792 = arith.mulf %mul3A_1779, %mul3A_1791 : vector<16xf32>
        %mul3A_1793 = arith.mulf %mul3A_1792, %mul3A_1791 : vector<16xf32>
        %sub3A_1794 = arith.constant 1.500000e+00 : f32
        %sub3A_1795 = vector.broadcast %sub3A_1794 : f32 to vector<16xf32>
        %sub3A_1796 = arith.subf %sub3A_1795, %mul3A_1793 : vector<16xf32>
        %mul3A_1797 = arith.mulf %mul3A_1791, %sub3A_1796 : vector<16xf32>
        %mul3A_1798 = arith.mulf %max3A_1769, %mul3A_1797 : vector<16xf32>
        %mul3A_1799 = arith.constant 2.000000e+00 : f32
        %mul3A_1800 = vector.broadcast %mul3A_1799 : f32 to vector<16xf32>
        %mul3A_1801 = arith.mulf %mul3A_1800, %mul3A_1798 : vector<16xf32>
        %sub3A_1802 = arith.constant 4.000000e+00 : f32
        %sub3A_1803 = vector.broadcast %sub3A_1802 : f32 to vector<16xf32>
        %sub3A_1804 = arith.subf %mul3A_1801, %sub3A_1803 : vector<16xf32>
        %convert_element_type3A_1805 = arith.fptosi %sub3A_1804 : vector<16xf32> to vector<16xi32>
        %convert_element_type3A_1806 = arith.sitofp %convert_element_type3A_1805 : vector<16xi32> to vector<16xf32>
        %gt3A_1807 = arith.cmpf ogt, %sub3A_1804, %convert_element_type3A_1806 : vector<16xf32>
        %add3A_1808 = arith.constant 1 : i32
        %add3A_1809 = vector.broadcast %add3A_1808 : i32 to vector<16xi32>
        %add3A_1810 = arith.addi %convert_element_type3A_1805, %add3A_1809 : vector<16xi32>
        %select_n3A_1811 = arith.select %gt3A_1807, %add3A_1810, %convert_element_type3A_1805 : vector<16xi1>, vector<16xi32>
        %jit3A_1812 = arith.constant 0 : i32
        %jit3A_1813 = arith.constant 36 : i32
        %max3A_1814 = vector.broadcast %jit3A_1812 : i32 to vector<16xi32>
        %max3A_1815 = arith.maxsi %max3A_1814, %select_n3A_1811 : vector<16xi32>
        %min3A_1816 = vector.broadcast %jit3A_1813 : i32 to vector<16xi32>
        %min3A_1817 = arith.minsi %min3A_1816, %max3A_1815 : vector<16xi32>
        %add3A_1818 = arith.constant 888 : i32
        %add3A_1819 = vector.broadcast %add3A_1818 : i32 to vector<16xi32>
        %add3A_1820 = arith.addi %min3A_1817, %add3A_1819 : vector<16xi32>
        %shift_left3A_1821 = arith.constant 5 : i32
        %shift_left3A_1822 = vector.broadcast %shift_left3A_1821 : i32 to vector<16xi32>
        %shift_left3A_1823 = arith.shli %add3A_1820, %shift_left3A_1822 : vector<16xi32>
        %sub3A_1824 = vector.broadcast %and3A_36 : i32 to vector<16xi32>
        %sub3A_1825 = arith.subi %get3A_41, %sub3A_1824 : vector<16xi32>
        %jit3A_1826 = arith.constant -32 : i32
        %jit3A_1827 = arith.constant 32 : i32
        %max3A_1828 = vector.broadcast %jit3A_1826 : i32 to vector<16xi32>
        %max3A_1829 = arith.maxsi %max3A_1828, %sub3A_1825 : vector<16xi32>
        %min3A_1830 = vector.broadcast %jit3A_1827 : i32 to vector<16xi32>
        %min3A_1831 = arith.minsi %min3A_1830, %max3A_1829 : vector<16xi32>
        %add3A_1832 = arith.constant 957 : i32
        %add3A_1833 = vector.broadcast %add3A_1832 : i32 to vector<16xi32>
        %add3A_1834 = arith.addi %min3A_1831, %add3A_1833 : vector<16xi32>
        %shift_left3A_1835 = arith.constant 5 : i32
        %shift_left3A_1836 = vector.broadcast %shift_left3A_1835 : i32 to vector<16xi32>
        %shift_left3A_1837 = arith.shli %add3A_1834, %shift_left3A_1836 : vector<16xi32>
        %mul3A_1838 = arith.constant 33 : i32
        %mul3A_1839 = vector.broadcast %mul3A_1838 : i32 to vector<16xi32>
        %mul3A_1840 = arith.muli %iota3A, %mul3A_1839 : vector<16xi32>
        %add3A_1841 = arith.constant 0 : i32
        %add3A_1842 = vector.broadcast %add3A_1841 : i32 to vector<16xi32>
        %add3A_1843 = arith.addi %mul3A_1840, %add3A_1842 : vector<16xi32>
        tpu.vector_store_idx %arg10[%add3A_1843], %shift_left3A_263 : memref<528xi32, #tpu.memory_space<vmem>>[vector<16xi32>], vector<16xi32>,
        %add3A_1844 = arith.constant 1 : i32
        %add3A_1845 = vector.broadcast %add3A_1844 : i32 to vector<16xi32>
        %add3A_1846 = arith.addi %mul3A_1840, %add3A_1845 : vector<16xi32>
        tpu.vector_store_idx %arg10[%add3A_1846], %shift_left3A_328 : memref<528xi32, #tpu.memory_space<vmem>>[vector<16xi32>], vector<16xi32>,
        %add3A_1847 = arith.constant 2 : i32
        %add3A_1848 = vector.broadcast %add3A_1847 : i32 to vector<16xi32>
        %add3A_1849 = arith.addi %mul3A_1840, %add3A_1848 : vector<16xi32>
        tpu.vector_store_idx %arg10[%add3A_1849], %shift_left3A_393 : memref<528xi32, #tpu.memory_space<vmem>>[vector<16xi32>], vector<16xi32>,
        %add3A_1850 = arith.constant 3 : i32
        %add3A_1851 = vector.broadcast %add3A_1850 : i32 to vector<16xi32>
        %add3A_1852 = arith.addi %mul3A_1840, %add3A_1851 : vector<16xi32>
        tpu.vector_store_idx %arg10[%add3A_1852], %shift_left3A_458 : memref<528xi32, #tpu.memory_space<vmem>>[vector<16xi32>], vector<16xi32>,
        %add3A_1853 = arith.constant 4 : i32
        %add3A_1854 = vector.broadcast %add3A_1853 : i32 to vector<16xi32>
        %add3A_1855 = arith.addi %mul3A_1840, %add3A_1854 : vector<16xi32>
        tpu.vector_store_idx %arg10[%add3A_1855], %shift_left3A_523 : memref<528xi32, #tpu.memory_space<vmem>>[vector<16xi32>], vector<16xi32>,
        %add3A_1856 = arith.constant 5 : i32
        %add3A_1857 = vector.broadcast %add3A_1856 : i32 to vector<16xi32>
        %add3A_1858 = arith.addi %mul3A_1840, %add3A_1857 : vector<16xi32>
        tpu.vector_store_idx %arg10[%add3A_1858], %shift_left3A_588 : memref<528xi32, #tpu.memory_space<vmem>>[vector<16xi32>], vector<16xi32>,
        %add3A_1859 = arith.constant 6 : i32
        %add3A_1860 = vector.broadcast %add3A_1859 : i32 to vector<16xi32>
        %add3A_1861 = arith.addi %mul3A_1840, %add3A_1860 : vector<16xi32>
        tpu.vector_store_idx %arg10[%add3A_1861], %shift_left3A_653 : memref<528xi32, #tpu.memory_space<vmem>>[vector<16xi32>], vector<16xi32>,
        %add3A_1862 = arith.constant 7 : i32
        %add3A_1863 = vector.broadcast %add3A_1862 : i32 to vector<16xi32>
        %add3A_1864 = arith.addi %mul3A_1840, %add3A_1863 : vector<16xi32>
        tpu.vector_store_idx %arg10[%add3A_1864], %shift_left3A_718 : memref<528xi32, #tpu.memory_space<vmem>>[vector<16xi32>], vector<16xi32>,
        %add3A_1865 = arith.constant 8 : i32
        %add3A_1866 = vector.broadcast %add3A_1865 : i32 to vector<16xi32>
        %add3A_1867 = arith.addi %mul3A_1840, %add3A_1866 : vector<16xi32>
        tpu.vector_store_idx %arg10[%add3A_1867], %shift_left3A_783 : memref<528xi32, #tpu.memory_space<vmem>>[vector<16xi32>], vector<16xi32>,
        %add3A_1868 = arith.constant 9 : i32
        %add3A_1869 = vector.broadcast %add3A_1868 : i32 to vector<16xi32>
        %add3A_1870 = arith.addi %mul3A_1840, %add3A_1869 : vector<16xi32>
        tpu.vector_store_idx %arg10[%add3A_1870], %shift_left3A_848 : memref<528xi32, #tpu.memory_space<vmem>>[vector<16xi32>], vector<16xi32>,
        %add3A_1871 = arith.constant 10 : i32
        %add3A_1872 = vector.broadcast %add3A_1871 : i32 to vector<16xi32>
        %add3A_1873 = arith.addi %mul3A_1840, %add3A_1872 : vector<16xi32>
        tpu.vector_store_idx %arg10[%add3A_1873], %shift_left3A_913 : memref<528xi32, #tpu.memory_space<vmem>>[vector<16xi32>], vector<16xi32>,
        %add3A_1874 = arith.constant 11 : i32
        %add3A_1875 = vector.broadcast %add3A_1874 : i32 to vector<16xi32>
        %add3A_1876 = arith.addi %mul3A_1840, %add3A_1875 : vector<16xi32>
        tpu.vector_store_idx %arg10[%add3A_1876], %shift_left3A_978 : memref<528xi32, #tpu.memory_space<vmem>>[vector<16xi32>], vector<16xi32>,
        %add3A_1877 = arith.constant 12 : i32
        %add3A_1878 = vector.broadcast %add3A_1877 : i32 to vector<16xi32>
        %add3A_1879 = arith.addi %mul3A_1840, %add3A_1878 : vector<16xi32>
        tpu.vector_store_idx %arg10[%add3A_1879], %shift_left3A_1043 : memref<528xi32, #tpu.memory_space<vmem>>[vector<16xi32>], vector<16xi32>,
        %add3A_1880 = arith.constant 13 : i32
        %add3A_1881 = vector.broadcast %add3A_1880 : i32 to vector<16xi32>
        %add3A_1882 = arith.addi %mul3A_1840, %add3A_1881 : vector<16xi32>
        tpu.vector_store_idx %arg10[%add3A_1882], %shift_left3A_1108 : memref<528xi32, #tpu.memory_space<vmem>>[vector<16xi32>], vector<16xi32>,
        %add3A_1883 = arith.constant 14 : i32
        %add3A_1884 = vector.broadcast %add3A_1883 : i32 to vector<16xi32>
        %add3A_1885 = arith.addi %mul3A_1840, %add3A_1884 : vector<16xi32>
        tpu.vector_store_idx %arg10[%add3A_1885], %shift_left3A_1173 : memref<528xi32, #tpu.memory_space<vmem>>[vector<16xi32>], vector<16xi32>,
        %add3A_1886 = arith.constant 15 : i32
        %add3A_1887 = vector.broadcast %add3A_1886 : i32 to vector<16xi32>
        %add3A_1888 = arith.addi %mul3A_1840, %add3A_1887 : vector<16xi32>
        tpu.vector_store_idx %arg10[%add3A_1888], %shift_left3A_1238 : memref<528xi32, #tpu.memory_space<vmem>>[vector<16xi32>], vector<16xi32>,
        %add3A_1889 = arith.constant 16 : i32
        %add3A_1890 = vector.broadcast %add3A_1889 : i32 to vector<16xi32>
        %add3A_1891 = arith.addi %mul3A_1840, %add3A_1890 : vector<16xi32>
        tpu.vector_store_idx %arg10[%add3A_1891], %shift_left3A_1303 : memref<528xi32, #tpu.memory_space<vmem>>[vector<16xi32>], vector<16xi32>,
        %add3A_1892 = arith.constant 17 : i32
        %add3A_1893 = vector.broadcast %add3A_1892 : i32 to vector<16xi32>
        %add3A_1894 = arith.addi %mul3A_1840, %add3A_1893 : vector<16xi32>
        tpu.vector_store_idx %arg10[%add3A_1894], %shift_left3A_1368 : memref<528xi32, #tpu.memory_space<vmem>>[vector<16xi32>], vector<16xi32>,
        %add3A_1895 = arith.constant 18 : i32
        %add3A_1896 = vector.broadcast %add3A_1895 : i32 to vector<16xi32>
        %add3A_1897 = arith.addi %mul3A_1840, %add3A_1896 : vector<16xi32>
        tpu.vector_store_idx %arg10[%add3A_1897], %shift_left3A_1433 : memref<528xi32, #tpu.memory_space<vmem>>[vector<16xi32>], vector<16xi32>,
        %add3A_1898 = arith.constant 19 : i32
        %add3A_1899 = vector.broadcast %add3A_1898 : i32 to vector<16xi32>
        %add3A_1900 = arith.addi %mul3A_1840, %add3A_1899 : vector<16xi32>
        tpu.vector_store_idx %arg10[%add3A_1900], %shift_left3A_1498 : memref<528xi32, #tpu.memory_space<vmem>>[vector<16xi32>], vector<16xi32>,
        %add3A_1901 = arith.constant 20 : i32
        %add3A_1902 = vector.broadcast %add3A_1901 : i32 to vector<16xi32>
        %add3A_1903 = arith.addi %mul3A_1840, %add3A_1902 : vector<16xi32>
        tpu.vector_store_idx %arg10[%add3A_1903], %shift_left3A_1563 : memref<528xi32, #tpu.memory_space<vmem>>[vector<16xi32>], vector<16xi32>,
        %add3A_1904 = arith.constant 21 : i32
        %add3A_1905 = vector.broadcast %add3A_1904 : i32 to vector<16xi32>
        %add3A_1906 = arith.addi %mul3A_1840, %add3A_1905 : vector<16xi32>
        tpu.vector_store_idx %arg10[%add3A_1906], %shift_left3A_1628 : memref<528xi32, #tpu.memory_space<vmem>>[vector<16xi32>], vector<16xi32>,
        %add3A_1907 = arith.constant 22 : i32
        %add3A_1908 = vector.broadcast %add3A_1907 : i32 to vector<16xi32>
        %add3A_1909 = arith.addi %mul3A_1840, %add3A_1908 : vector<16xi32>
        tpu.vector_store_idx %arg10[%add3A_1909], %shift_left3A_1693 : memref<528xi32, #tpu.memory_space<vmem>>[vector<16xi32>], vector<16xi32>,
        %add3A_1910 = arith.constant 23 : i32
        %add3A_1911 = vector.broadcast %add3A_1910 : i32 to vector<16xi32>
        %add3A_1912 = arith.addi %mul3A_1840, %add3A_1911 : vector<16xi32>
        tpu.vector_store_idx %arg10[%add3A_1912], %shift_left3A_1758 : memref<528xi32, #tpu.memory_space<vmem>>[vector<16xi32>], vector<16xi32>,
        %add3A_1913 = arith.constant 24 : i32
        %add3A_1914 = vector.broadcast %add3A_1913 : i32 to vector<16xi32>
        %add3A_1915 = arith.addi %mul3A_1840, %add3A_1914 : vector<16xi32>
        tpu.vector_store_idx %arg10[%add3A_1915], %shift_left3A_1823 : memref<528xi32, #tpu.memory_space<vmem>>[vector<16xi32>], vector<16xi32>,
        %add3A_1916 = arith.constant 25 : i32
        %add3A_1917 = vector.broadcast %add3A_1916 : i32 to vector<16xi32>
        %add3A_1918 = arith.addi %mul3A_1840, %add3A_1917 : vector<16xi32>
        tpu.vector_store_idx %arg10[%add3A_1918], %shift_left3A_1837 : memref<528xi32, #tpu.memory_space<vmem>>[vector<16xi32>], vector<16xi32>,
        %jit3A_1919 = arith.constant 16 : i32
        %eq3A = arith.constant 0 : i32
        %eq3A_1920 = arith.cmpi eq, %jit3A_1919, %eq3A : i32
        %jit3A_1921 = arith.constant 1 : i32
        %select_n3A_1922 = arith.select %eq3A_1920, %jit3A_1921, %jit3A_1919 : i32
        %rem3A = arith.remsi %while3A_30, %select_n3A_1922 : i32
        %ne3A = arith.constant 0 : i32
        %ne3A_1923 = arith.cmpi ne, %rem3A, %ne3A : i32
        %lt3A = arith.constant 0 : i32
        %lt3A_1924 = arith.cmpi slt, %rem3A, %lt3A : i32
        %lt3A_1925 = arith.constant 0 : i32
        %lt3A_1926 = arith.cmpi slt, %select_n3A_1922, %lt3A_1925 : i32
        %ne3A_1927 = arith.xori %lt3A_1924, %lt3A_1926 : i1
        %and3A_1928 = arith.andi %ne3A_1927, %ne3A_1923 : i1
        %add3A_1929 = arith.addi %rem3A, %select_n3A_1922 : i32
        %select_n3A_1930 = arith.select %and3A_1928, %add3A_1929, %rem3A : i32
        %mul3A_1931 = arith.constant 16 : i32
        %mul3A_1932 = arith.muli %select_n3A_1930, %mul3A_1931 : i32
        %mul3A_1933 = arith.constant 64 : i32
        %mul3A_1934 = arith.muli %mul3A_1932, %mul3A_1933 : i32
        %scan3A_1935 = arith.constant 0 : i32
        %scan3A_1936 = arith.constant 0 : i32
        %scan3A_1937 = arith.constant 16 : i32
        %scan3A_1938 = arith.addi %scan3A_1936, %scan3A_1937 : i32
        %scan3A_1939 = arith.constant 1 : i32
        scf.for %scan3A_1941 = %scan3A_1936 to %scan3A_1938 step %scan3A_1939  : i32 {
          %mul3A_1942 = arith.constant 64 : i32
          %mul3A_1943 = arith.muli %scan3A_1941, %mul3A_1942 : i32
          %add3A_1944 = arith.addi %mul3A_1934, %mul3A_1943 : i32
          %mul3A_1945 = arith.constant 33 : i32
          %mul3A_1946 = arith.muli %scan3A_1941, %mul3A_1945 : i32
          %get3A_1947 = arith.index_cast %mul3A_1946 : i32 to index
          %get3A_1948 = tpu.vector_load %arg10[%get3A_1947] {strides = array<i32>} : memref<528xi32, #tpu.memory_space<vmem>>, vector<16xi32>,
          %mul3A_1949 = arith.constant 33 : i32
          %mul3A_1950 = arith.muli %scan3A_1941, %mul3A_1949 : i32
          %add3A_1951 = arith.constant 16 : i32
          %add3A_1952 = arith.addi %mul3A_1950, %add3A_1951 : i32
          %get3A_1953 = arith.index_cast %add3A_1952 : i32 to index
          %get3A_1954 = tpu.vector_load %arg10[%get3A_1953] {strides = array<i32>} : memref<528xi32, #tpu.memory_space<vmem>>, vector<16xi32>,
          %slice3A_1955 = vector.extract_strided_slice %get3A_1948 {offsets = [0], sizes = [1], strides = [1]} : vector<16xi32> to vector<1xi32>
          %squeeze3A_1956 = vector.extract %slice3A_1955[0] : i32 from vector<1xi32>
          %slice3A_1957 = vector.extract_strided_slice %get3A_1948 {offsets = [1], sizes = [1], strides = [1]} : vector<16xi32> to vector<1xi32>
          %squeeze3A_1958 = vector.extract %slice3A_1957[0] : i32 from vector<1xi32>
          %slice3A_1959 = vector.extract_strided_slice %get3A_1948 {offsets = [2], sizes = [1], strides = [1]} : vector<16xi32> to vector<1xi32>
          %squeeze3A_1960 = vector.extract %slice3A_1959[0] : i32 from vector<1xi32>
          %slice3A_1961 = vector.extract_strided_slice %get3A_1948 {offsets = [3], sizes = [1], strides = [1]} : vector<16xi32> to vector<1xi32>
          %squeeze3A_1962 = vector.extract %slice3A_1961[0] : i32 from vector<1xi32>
          %slice3A_1963 = vector.extract_strided_slice %get3A_1948 {offsets = [4], sizes = [1], strides = [1]} : vector<16xi32> to vector<1xi32>
          %squeeze3A_1964 = vector.extract %slice3A_1963[0] : i32 from vector<1xi32>
          %slice3A_1965 = vector.extract_strided_slice %get3A_1948 {offsets = [5], sizes = [1], strides = [1]} : vector<16xi32> to vector<1xi32>
          %squeeze3A_1966 = vector.extract %slice3A_1965[0] : i32 from vector<1xi32>
          %slice3A_1967 = vector.extract_strided_slice %get3A_1948 {offsets = [6], sizes = [1], strides = [1]} : vector<16xi32> to vector<1xi32>
          %squeeze3A_1968 = vector.extract %slice3A_1967[0] : i32 from vector<1xi32>
          %slice3A_1969 = vector.extract_strided_slice %get3A_1948 {offsets = [7], sizes = [1], strides = [1]} : vector<16xi32> to vector<1xi32>
          %squeeze3A_1970 = vector.extract %slice3A_1969[0] : i32 from vector<1xi32>
          %slice3A_1971 = vector.extract_strided_slice %get3A_1948 {offsets = [8], sizes = [1], strides = [1]} : vector<16xi32> to vector<1xi32>
          %squeeze3A_1972 = vector.extract %slice3A_1971[0] : i32 from vector<1xi32>
          %slice3A_1973 = vector.extract_strided_slice %get3A_1948 {offsets = [9], sizes = [1], strides = [1]} : vector<16xi32> to vector<1xi32>
          %squeeze3A_1974 = vector.extract %slice3A_1973[0] : i32 from vector<1xi32>
          %slice3A_1975 = vector.extract_strided_slice %get3A_1948 {offsets = [10], sizes = [1], strides = [1]} : vector<16xi32> to vector<1xi32>
          %squeeze3A_1976 = vector.extract %slice3A_1975[0] : i32 from vector<1xi32>
          %slice3A_1977 = vector.extract_strided_slice %get3A_1948 {offsets = [11], sizes = [1], strides = [1]} : vector<16xi32> to vector<1xi32>
          %squeeze3A_1978 = vector.extract %slice3A_1977[0] : i32 from vector<1xi32>
          %slice3A_1979 = vector.extract_strided_slice %get3A_1948 {offsets = [12], sizes = [1], strides = [1]} : vector<16xi32> to vector<1xi32>
          %squeeze3A_1980 = vector.extract %slice3A_1979[0] : i32 from vector<1xi32>
          %slice3A_1981 = vector.extract_strided_slice %get3A_1948 {offsets = [13], sizes = [1], strides = [1]} : vector<16xi32> to vector<1xi32>
          %squeeze3A_1982 = vector.extract %slice3A_1981[0] : i32 from vector<1xi32>
          %slice3A_1983 = vector.extract_strided_slice %get3A_1948 {offsets = [14], sizes = [1], strides = [1]} : vector<16xi32> to vector<1xi32>
          %squeeze3A_1984 = vector.extract %slice3A_1983[0] : i32 from vector<1xi32>
          %slice3A_1985 = vector.extract_strided_slice %get3A_1948 {offsets = [15], sizes = [1], strides = [1]} : vector<16xi32> to vector<1xi32>
          %squeeze3A_1986 = vector.extract %slice3A_1985[0] : i32 from vector<1xi32>
          %slice3A_1987 = vector.extract_strided_slice %get3A_1954 {offsets = [0], sizes = [1], strides = [1]} : vector<16xi32> to vector<1xi32>
          %squeeze3A_1988 = vector.extract %slice3A_1987[0] : i32 from vector<1xi32>
          %slice3A_1989 = vector.extract_strided_slice %get3A_1954 {offsets = [1], sizes = [1], strides = [1]} : vector<16xi32> to vector<1xi32>
          %squeeze3A_1990 = vector.extract %slice3A_1989[0] : i32 from vector<1xi32>
          %slice3A_1991 = vector.extract_strided_slice %get3A_1954 {offsets = [2], sizes = [1], strides = [1]} : vector<16xi32> to vector<1xi32>
          %squeeze3A_1992 = vector.extract %slice3A_1991[0] : i32 from vector<1xi32>
          %slice3A_1993 = vector.extract_strided_slice %get3A_1954 {offsets = [3], sizes = [1], strides = [1]} : vector<16xi32> to vector<1xi32>
          %squeeze3A_1994 = vector.extract %slice3A_1993[0] : i32 from vector<1xi32>
          %slice3A_1995 = vector.extract_strided_slice %get3A_1954 {offsets = [4], sizes = [1], strides = [1]} : vector<16xi32> to vector<1xi32>
          %squeeze3A_1996 = vector.extract %slice3A_1995[0] : i32 from vector<1xi32>
          %slice3A_1997 = vector.extract_strided_slice %get3A_1954 {offsets = [5], sizes = [1], strides = [1]} : vector<16xi32> to vector<1xi32>
          %squeeze3A_1998 = vector.extract %slice3A_1997[0] : i32 from vector<1xi32>
          %slice3A_1999 = vector.extract_strided_slice %get3A_1954 {offsets = [6], sizes = [1], strides = [1]} : vector<16xi32> to vector<1xi32>
          %squeeze3A_2000 = vector.extract %slice3A_1999[0] : i32 from vector<1xi32>
          %slice3A_2001 = vector.extract_strided_slice %get3A_1954 {offsets = [7], sizes = [1], strides = [1]} : vector<16xi32> to vector<1xi32>
          %squeeze3A_2002 = vector.extract %slice3A_2001[0] : i32 from vector<1xi32>
          %slice3A_2003 = vector.extract_strided_slice %get3A_1954 {offsets = [8], sizes = [1], strides = [1]} : vector<16xi32> to vector<1xi32>
          %squeeze3A_2004 = vector.extract %slice3A_2003[0] : i32 from vector<1xi32>
          %slice3A_2005 = vector.extract_strided_slice %get3A_1954 {offsets = [9], sizes = [1], strides = [1]} : vector<16xi32> to vector<1xi32>
          %squeeze3A_2006 = vector.extract %slice3A_2005[0] : i32 from vector<1xi32>
          %add3A_2007 = arith.constant 0 : i32
          %add3A_2008 = arith.addi %squeeze3A_1956, %add3A_2007 : i32
          %get3A_2009 = arith.index_cast %add3A_2008 : i32 to index
          %get3A_2010 = tpu.vector_load %arg7[%get3A_2009] {strides = array<i32>} : memref<31680xi32, #tpu.memory_space<vmem>>, vector<16xi32>,
          %bitcast3A = vector.bitcast %get3A_2010 : vector<16xi32> to vector<32xbf16>
          %unpack3A = tpu.unpack_subelements %bitcast3A, 0 {pack_format = #tpu.pack_format<interleaved>} : vector<32xbf16> -> vector<16xf32>
          %unpack3A_2011 = tpu.unpack_subelements %bitcast3A, 1 {pack_format = #tpu.pack_format<interleaved>} : vector<32xbf16> -> vector<16xf32>
          %add3A_2012 = arith.constant 16 : i32
          %add3A_2013 = arith.addi %squeeze3A_1956, %add3A_2012 : i32
          %get3A_2014 = arith.index_cast %add3A_2013 : i32 to index
          %get3A_2015 = tpu.vector_load %arg7[%get3A_2014] {strides = array<i32>} : memref<31680xi32, #tpu.memory_space<vmem>>, vector<16xi32>,
          %bitcast3A_2016 = vector.bitcast %get3A_2015 : vector<16xi32> to vector<32xbf16>
          %unpack3A_2017 = tpu.unpack_subelements %bitcast3A_2016, 0 {pack_format = #tpu.pack_format<interleaved>} : vector<32xbf16> -> vector<16xf32>
          %unpack3A_2018 = tpu.unpack_subelements %bitcast3A_2016, 1 {pack_format = #tpu.pack_format<interleaved>} : vector<32xbf16> -> vector<16xf32>
          %add3A_2019 = arith.constant 0 : i32
          %add3A_2020 = arith.addi %squeeze3A_1958, %add3A_2019 : i32
          %get3A_2021 = arith.index_cast %add3A_2020 : i32 to index
          %get3A_2022 = tpu.vector_load %arg7[%get3A_2021] {strides = array<i32>} : memref<31680xi32, #tpu.memory_space<vmem>>, vector<16xi32>,
          %bitcast3A_2023 = vector.bitcast %get3A_2022 : vector<16xi32> to vector<32xbf16>
          %unpack3A_2024 = tpu.unpack_subelements %bitcast3A_2023, 0 {pack_format = #tpu.pack_format<interleaved>} : vector<32xbf16> -> vector<16xf32>
          %unpack3A_2025 = tpu.unpack_subelements %bitcast3A_2023, 1 {pack_format = #tpu.pack_format<interleaved>} : vector<32xbf16> -> vector<16xf32>
          %add3A_2026 = arith.constant 16 : i32
          %add3A_2027 = arith.addi %squeeze3A_1958, %add3A_2026 : i32
          %get3A_2028 = arith.index_cast %add3A_2027 : i32 to index
          %get3A_2029 = tpu.vector_load %arg7[%get3A_2028] {strides = array<i32>} : memref<31680xi32, #tpu.memory_space<vmem>>, vector<16xi32>,
          %bitcast3A_2030 = vector.bitcast %get3A_2029 : vector<16xi32> to vector<32xbf16>
          %unpack3A_2031 = tpu.unpack_subelements %bitcast3A_2030, 0 {pack_format = #tpu.pack_format<interleaved>} : vector<32xbf16> -> vector<16xf32>
          %unpack3A_2032 = tpu.unpack_subelements %bitcast3A_2030, 1 {pack_format = #tpu.pack_format<interleaved>} : vector<32xbf16> -> vector<16xf32>
          %add3A_2033 = arith.addf %unpack3A, %unpack3A_2024 : vector<16xf32>
          %add3A_2034 = arith.addf %unpack3A_2011, %unpack3A_2025 : vector<16xf32>
          %add3A_2035 = arith.addf %unpack3A_2017, %unpack3A_2031 : vector<16xf32>
          %add3A_2036 = arith.addf %unpack3A_2018, %unpack3A_2032 : vector<16xf32>
          %add3A_2037 = arith.constant 0 : i32
          %add3A_2038 = arith.addi %squeeze3A_1960, %add3A_2037 : i32
          %get3A_2039 = arith.index_cast %add3A_2038 : i32 to index
          %get3A_2040 = tpu.vector_load %arg7[%get3A_2039] {strides = array<i32>} : memref<31680xi32, #tpu.memory_space<vmem>>, vector<16xi32>,
          %bitcast3A_2041 = vector.bitcast %get3A_2040 : vector<16xi32> to vector<32xbf16>
          %unpack3A_2042 = tpu.unpack_subelements %bitcast3A_2041, 0 {pack_format = #tpu.pack_format<interleaved>} : vector<32xbf16> -> vector<16xf32>
          %unpack3A_2043 = tpu.unpack_subelements %bitcast3A_2041, 1 {pack_format = #tpu.pack_format<interleaved>} : vector<32xbf16> -> vector<16xf32>
          %add3A_2044 = arith.constant 16 : i32
          %add3A_2045 = arith.addi %squeeze3A_1960, %add3A_2044 : i32
          %get3A_2046 = arith.index_cast %add3A_2045 : i32 to index
          %get3A_2047 = tpu.vector_load %arg7[%get3A_2046] {strides = array<i32>} : memref<31680xi32, #tpu.memory_space<vmem>>, vector<16xi32>,
          %bitcast3A_2048 = vector.bitcast %get3A_2047 : vector<16xi32> to vector<32xbf16>
          %unpack3A_2049 = tpu.unpack_subelements %bitcast3A_2048, 0 {pack_format = #tpu.pack_format<interleaved>} : vector<32xbf16> -> vector<16xf32>
          %unpack3A_2050 = tpu.unpack_subelements %bitcast3A_2048, 1 {pack_format = #tpu.pack_format<interleaved>} : vector<32xbf16> -> vector<16xf32>
          %add3A_2051 = arith.addf %add3A_2033, %unpack3A_2042 : vector<16xf32>
          %add3A_2052 = arith.addf %add3A_2034, %unpack3A_2043 : vector<16xf32>
          %add3A_2053 = arith.addf %add3A_2035, %unpack3A_2049 : vector<16xf32>
          %add3A_2054 = arith.addf %add3A_2036, %unpack3A_2050 : vector<16xf32>
          %add3A_2055 = arith.constant 0 : i32
          %add3A_2056 = arith.addi %squeeze3A_1962, %add3A_2055 : i32
          %get3A_2057 = arith.index_cast %add3A_2056 : i32 to index
          %get3A_2058 = tpu.vector_load %arg7[%get3A_2057] {strides = array<i32>} : memref<31680xi32, #tpu.memory_space<vmem>>, vector<16xi32>,
          %bitcast3A_2059 = vector.bitcast %get3A_2058 : vector<16xi32> to vector<32xbf16>
          %unpack3A_2060 = tpu.unpack_subelements %bitcast3A_2059, 0 {pack_format = #tpu.pack_format<interleaved>} : vector<32xbf16> -> vector<16xf32>
          %unpack3A_2061 = tpu.unpack_subelements %bitcast3A_2059, 1 {pack_format = #tpu.pack_format<interleaved>} : vector<32xbf16> -> vector<16xf32>
          %add3A_2062 = arith.constant 16 : i32
          %add3A_2063 = arith.addi %squeeze3A_1962, %add3A_2062 : i32
          %get3A_2064 = arith.index_cast %add3A_2063 : i32 to index
          %get3A_2065 = tpu.vector_load %arg7[%get3A_2064] {strides = array<i32>} : memref<31680xi32, #tpu.memory_space<vmem>>, vector<16xi32>,
          %bitcast3A_2066 = vector.bitcast %get3A_2065 : vector<16xi32> to vector<32xbf16>
          %unpack3A_2067 = tpu.unpack_subelements %bitcast3A_2066, 0 {pack_format = #tpu.pack_format<interleaved>} : vector<32xbf16> -> vector<16xf32>
          %unpack3A_2068 = tpu.unpack_subelements %bitcast3A_2066, 1 {pack_format = #tpu.pack_format<interleaved>} : vector<32xbf16> -> vector<16xf32>
          %add3A_2069 = arith.addf %add3A_2051, %unpack3A_2060 : vector<16xf32>
          %add3A_2070 = arith.addf %add3A_2052, %unpack3A_2061 : vector<16xf32>
          %add3A_2071 = arith.addf %add3A_2053, %unpack3A_2067 : vector<16xf32>
          %add3A_2072 = arith.addf %add3A_2054, %unpack3A_2068 : vector<16xf32>
          %add3A_2073 = arith.constant 0 : i32
          %add3A_2074 = arith.addi %squeeze3A_1964, %add3A_2073 : i32
          %get3A_2075 = arith.index_cast %add3A_2074 : i32 to index
          %get3A_2076 = tpu.vector_load %arg7[%get3A_2075] {strides = array<i32>} : memref<31680xi32, #tpu.memory_space<vmem>>, vector<16xi32>,
          %bitcast3A_2077 = vector.bitcast %get3A_2076 : vector<16xi32> to vector<32xbf16>
          %unpack3A_2078 = tpu.unpack_subelements %bitcast3A_2077, 0 {pack_format = #tpu.pack_format<interleaved>} : vector<32xbf16> -> vector<16xf32>
          %unpack3A_2079 = tpu.unpack_subelements %bitcast3A_2077, 1 {pack_format = #tpu.pack_format<interleaved>} : vector<32xbf16> -> vector<16xf32>
          %add3A_2080 = arith.constant 16 : i32
          %add3A_2081 = arith.addi %squeeze3A_1964, %add3A_2080 : i32
          %get3A_2082 = arith.index_cast %add3A_2081 : i32 to index
          %get3A_2083 = tpu.vector_load %arg7[%get3A_2082] {strides = array<i32>} : memref<31680xi32, #tpu.memory_space<vmem>>, vector<16xi32>,
          %bitcast3A_2084 = vector.bitcast %get3A_2083 : vector<16xi32> to vector<32xbf16>
          %unpack3A_2085 = tpu.unpack_subelements %bitcast3A_2084, 0 {pack_format = #tpu.pack_format<interleaved>} : vector<32xbf16> -> vector<16xf32>
          %unpack3A_2086 = tpu.unpack_subelements %bitcast3A_2084, 1 {pack_format = #tpu.pack_format<interleaved>} : vector<32xbf16> -> vector<16xf32>
          %add3A_2087 = arith.addf %add3A_2069, %unpack3A_2078 : vector<16xf32>
          %add3A_2088 = arith.addf %add3A_2070, %unpack3A_2079 : vector<16xf32>
          %add3A_2089 = arith.addf %add3A_2071, %unpack3A_2085 : vector<16xf32>
          %add3A_2090 = arith.addf %add3A_2072, %unpack3A_2086 : vector<16xf32>
          %add3A_2091 = arith.constant 0 : i32
          %add3A_2092 = arith.addi %squeeze3A_1966, %add3A_2091 : i32
          %get3A_2093 = arith.index_cast %add3A_2092 : i32 to index
          %get3A_2094 = tpu.vector_load %arg7[%get3A_2093] {strides = array<i32>} : memref<31680xi32, #tpu.memory_space<vmem>>, vector<16xi32>,
          %bitcast3A_2095 = vector.bitcast %get3A_2094 : vector<16xi32> to vector<32xbf16>
          %unpack3A_2096 = tpu.unpack_subelements %bitcast3A_2095, 0 {pack_format = #tpu.pack_format<interleaved>} : vector<32xbf16> -> vector<16xf32>
          %unpack3A_2097 = tpu.unpack_subelements %bitcast3A_2095, 1 {pack_format = #tpu.pack_format<interleaved>} : vector<32xbf16> -> vector<16xf32>
          %add3A_2098 = arith.constant 16 : i32
          %add3A_2099 = arith.addi %squeeze3A_1966, %add3A_2098 : i32
          %get3A_2100 = arith.index_cast %add3A_2099 : i32 to index
          %get3A_2101 = tpu.vector_load %arg7[%get3A_2100] {strides = array<i32>} : memref<31680xi32, #tpu.memory_space<vmem>>, vector<16xi32>,
          %bitcast3A_2102 = vector.bitcast %get3A_2101 : vector<16xi32> to vector<32xbf16>
          %unpack3A_2103 = tpu.unpack_subelements %bitcast3A_2102, 0 {pack_format = #tpu.pack_format<interleaved>} : vector<32xbf16> -> vector<16xf32>
          %unpack3A_2104 = tpu.unpack_subelements %bitcast3A_2102, 1 {pack_format = #tpu.pack_format<interleaved>} : vector<32xbf16> -> vector<16xf32>
          %add3A_2105 = arith.addf %add3A_2087, %unpack3A_2096 : vector<16xf32>
          %add3A_2106 = arith.addf %add3A_2088, %unpack3A_2097 : vector<16xf32>
          %add3A_2107 = arith.addf %add3A_2089, %unpack3A_2103 : vector<16xf32>
          %add3A_2108 = arith.addf %add3A_2090, %unpack3A_2104 : vector<16xf32>
          %add3A_2109 = arith.constant 0 : i32
          %add3A_2110 = arith.addi %squeeze3A_1968, %add3A_2109 : i32
          %get3A_2111 = arith.index_cast %add3A_2110 : i32 to index
          %get3A_2112 = tpu.vector_load %arg7[%get3A_2111] {strides = array<i32>} : memref<31680xi32, #tpu.memory_space<vmem>>, vector<16xi32>,
          %bitcast3A_2113 = vector.bitcast %get3A_2112 : vector<16xi32> to vector<32xbf16>
          %unpack3A_2114 = tpu.unpack_subelements %bitcast3A_2113, 0 {pack_format = #tpu.pack_format<interleaved>} : vector<32xbf16> -> vector<16xf32>
          %unpack3A_2115 = tpu.unpack_subelements %bitcast3A_2113, 1 {pack_format = #tpu.pack_format<interleaved>} : vector<32xbf16> -> vector<16xf32>
          %add3A_2116 = arith.constant 16 : i32
          %add3A_2117 = arith.addi %squeeze3A_1968, %add3A_2116 : i32
          %get3A_2118 = arith.index_cast %add3A_2117 : i32 to index
          %get3A_2119 = tpu.vector_load %arg7[%get3A_2118] {strides = array<i32>} : memref<31680xi32, #tpu.memory_space<vmem>>, vector<16xi32>,
          %bitcast3A_2120 = vector.bitcast %get3A_2119 : vector<16xi32> to vector<32xbf16>
          %unpack3A_2121 = tpu.unpack_subelements %bitcast3A_2120, 0 {pack_format = #tpu.pack_format<interleaved>} : vector<32xbf16> -> vector<16xf32>
          %unpack3A_2122 = tpu.unpack_subelements %bitcast3A_2120, 1 {pack_format = #tpu.pack_format<interleaved>} : vector<32xbf16> -> vector<16xf32>
          %add3A_2123 = arith.addf %add3A_2105, %unpack3A_2114 : vector<16xf32>
          %add3A_2124 = arith.addf %add3A_2106, %unpack3A_2115 : vector<16xf32>
          %add3A_2125 = arith.addf %add3A_2107, %unpack3A_2121 : vector<16xf32>
          %add3A_2126 = arith.addf %add3A_2108, %unpack3A_2122 : vector<16xf32>
          %add3A_2127 = arith.constant 0 : i32
          %add3A_2128 = arith.addi %squeeze3A_1970, %add3A_2127 : i32
          %get3A_2129 = arith.index_cast %add3A_2128 : i32 to index
          %get3A_2130 = tpu.vector_load %arg7[%get3A_2129] {strides = array<i32>} : memref<31680xi32, #tpu.memory_space<vmem>>, vector<16xi32>,
          %bitcast3A_2131 = vector.bitcast %get3A_2130 : vector<16xi32> to vector<32xbf16>
          %unpack3A_2132 = tpu.unpack_subelements %bitcast3A_2131, 0 {pack_format = #tpu.pack_format<interleaved>} : vector<32xbf16> -> vector<16xf32>
          %unpack3A_2133 = tpu.unpack_subelements %bitcast3A_2131, 1 {pack_format = #tpu.pack_format<interleaved>} : vector<32xbf16> -> vector<16xf32>
          %add3A_2134 = arith.constant 16 : i32
          %add3A_2135 = arith.addi %squeeze3A_1970, %add3A_2134 : i32
          %get3A_2136 = arith.index_cast %add3A_2135 : i32 to index
          %get3A_2137 = tpu.vector_load %arg7[%get3A_2136] {strides = array<i32>} : memref<31680xi32, #tpu.memory_space<vmem>>, vector<16xi32>,
          %bitcast3A_2138 = vector.bitcast %get3A_2137 : vector<16xi32> to vector<32xbf16>
          %unpack3A_2139 = tpu.unpack_subelements %bitcast3A_2138, 0 {pack_format = #tpu.pack_format<interleaved>} : vector<32xbf16> -> vector<16xf32>
          %unpack3A_2140 = tpu.unpack_subelements %bitcast3A_2138, 1 {pack_format = #tpu.pack_format<interleaved>} : vector<32xbf16> -> vector<16xf32>
          %add3A_2141 = arith.addf %add3A_2123, %unpack3A_2132 : vector<16xf32>
          %add3A_2142 = arith.addf %add3A_2124, %unpack3A_2133 : vector<16xf32>
          %add3A_2143 = arith.addf %add3A_2125, %unpack3A_2139 : vector<16xf32>
          %add3A_2144 = arith.addf %add3A_2126, %unpack3A_2140 : vector<16xf32>
          %add3A_2145 = arith.constant 0 : i32
          %add3A_2146 = arith.addi %squeeze3A_1972, %add3A_2145 : i32
          %get3A_2147 = arith.index_cast %add3A_2146 : i32 to index
          %get3A_2148 = tpu.vector_load %arg7[%get3A_2147] {strides = array<i32>} : memref<31680xi32, #tpu.memory_space<vmem>>, vector<16xi32>,
          %bitcast3A_2149 = vector.bitcast %get3A_2148 : vector<16xi32> to vector<32xbf16>
          %unpack3A_2150 = tpu.unpack_subelements %bitcast3A_2149, 0 {pack_format = #tpu.pack_format<interleaved>} : vector<32xbf16> -> vector<16xf32>
          %unpack3A_2151 = tpu.unpack_subelements %bitcast3A_2149, 1 {pack_format = #tpu.pack_format<interleaved>} : vector<32xbf16> -> vector<16xf32>
          %add3A_2152 = arith.constant 16 : i32
          %add3A_2153 = arith.addi %squeeze3A_1972, %add3A_2152 : i32
          %get3A_2154 = arith.index_cast %add3A_2153 : i32 to index
          %get3A_2155 = tpu.vector_load %arg7[%get3A_2154] {strides = array<i32>} : memref<31680xi32, #tpu.memory_space<vmem>>, vector<16xi32>,
          %bitcast3A_2156 = vector.bitcast %get3A_2155 : vector<16xi32> to vector<32xbf16>
          %unpack3A_2157 = tpu.unpack_subelements %bitcast3A_2156, 0 {pack_format = #tpu.pack_format<interleaved>} : vector<32xbf16> -> vector<16xf32>
          %unpack3A_2158 = tpu.unpack_subelements %bitcast3A_2156, 1 {pack_format = #tpu.pack_format<interleaved>} : vector<32xbf16> -> vector<16xf32>
          %add3A_2159 = arith.addf %add3A_2141, %unpack3A_2150 : vector<16xf32>
          %add3A_2160 = arith.addf %add3A_2142, %unpack3A_2151 : vector<16xf32>
          %add3A_2161 = arith.addf %add3A_2143, %unpack3A_2157 : vector<16xf32>
          %add3A_2162 = arith.addf %add3A_2144, %unpack3A_2158 : vector<16xf32>
          %add3A_2163 = arith.constant 0 : i32
          %add3A_2164 = arith.addi %squeeze3A_1974, %add3A_2163 : i32
          %get3A_2165 = arith.index_cast %add3A_2164 : i32 to index
          %get3A_2166 = tpu.vector_load %arg7[%get3A_2165] {strides = array<i32>} : memref<31680xi32, #tpu.memory_space<vmem>>, vector<16xi32>,
          %bitcast3A_2167 = vector.bitcast %get3A_2166 : vector<16xi32> to vector<32xbf16>
          %unpack3A_2168 = tpu.unpack_subelements %bitcast3A_2167, 0 {pack_format = #tpu.pack_format<interleaved>} : vector<32xbf16> -> vector<16xf32>
          %unpack3A_2169 = tpu.unpack_subelements %bitcast3A_2167, 1 {pack_format = #tpu.pack_format<interleaved>} : vector<32xbf16> -> vector<16xf32>
          %add3A_2170 = arith.constant 16 : i32
          %add3A_2171 = arith.addi %squeeze3A_1974, %add3A_2170 : i32
          %get3A_2172 = arith.index_cast %add3A_2171 : i32 to index
          %get3A_2173 = tpu.vector_load %arg7[%get3A_2172] {strides = array<i32>} : memref<31680xi32, #tpu.memory_space<vmem>>, vector<16xi32>,
          %bitcast3A_2174 = vector.bitcast %get3A_2173 : vector<16xi32> to vector<32xbf16>
          %unpack3A_2175 = tpu.unpack_subelements %bitcast3A_2174, 0 {pack_format = #tpu.pack_format<interleaved>} : vector<32xbf16> -> vector<16xf32>
          %unpack3A_2176 = tpu.unpack_subelements %bitcast3A_2174, 1 {pack_format = #tpu.pack_format<interleaved>} : vector<32xbf16> -> vector<16xf32>
          %add3A_2177 = arith.addf %add3A_2159, %unpack3A_2168 : vector<16xf32>
          %add3A_2178 = arith.addf %add3A_2160, %unpack3A_2169 : vector<16xf32>
          %add3A_2179 = arith.addf %add3A_2161, %unpack3A_2175 : vector<16xf32>
          %add3A_2180 = arith.addf %add3A_2162, %unpack3A_2176 : vector<16xf32>
          %add3A_2181 = arith.constant 0 : i32
          %add3A_2182 = arith.addi %squeeze3A_1976, %add3A_2181 : i32
          %get3A_2183 = arith.index_cast %add3A_2182 : i32 to index
          %get3A_2184 = tpu.vector_load %arg7[%get3A_2183] {strides = array<i32>} : memref<31680xi32, #tpu.memory_space<vmem>>, vector<16xi32>,
          %bitcast3A_2185 = vector.bitcast %get3A_2184 : vector<16xi32> to vector<32xbf16>
          %unpack3A_2186 = tpu.unpack_subelements %bitcast3A_2185, 0 {pack_format = #tpu.pack_format<interleaved>} : vector<32xbf16> -> vector<16xf32>
          %unpack3A_2187 = tpu.unpack_subelements %bitcast3A_2185, 1 {pack_format = #tpu.pack_format<interleaved>} : vector<32xbf16> -> vector<16xf32>
          %add3A_2188 = arith.constant 16 : i32
          %add3A_2189 = arith.addi %squeeze3A_1976, %add3A_2188 : i32
          %get3A_2190 = arith.index_cast %add3A_2189 : i32 to index
          %get3A_2191 = tpu.vector_load %arg7[%get3A_2190] {strides = array<i32>} : memref<31680xi32, #tpu.memory_space<vmem>>, vector<16xi32>,
          %bitcast3A_2192 = vector.bitcast %get3A_2191 : vector<16xi32> to vector<32xbf16>
          %unpack3A_2193 = tpu.unpack_subelements %bitcast3A_2192, 0 {pack_format = #tpu.pack_format<interleaved>} : vector<32xbf16> -> vector<16xf32>
          %unpack3A_2194 = tpu.unpack_subelements %bitcast3A_2192, 1 {pack_format = #tpu.pack_format<interleaved>} : vector<32xbf16> -> vector<16xf32>
          %add3A_2195 = arith.addf %add3A_2177, %unpack3A_2186 : vector<16xf32>
          %add3A_2196 = arith.addf %add3A_2178, %unpack3A_2187 : vector<16xf32>
          %add3A_2197 = arith.addf %add3A_2179, %unpack3A_2193 : vector<16xf32>
          %add3A_2198 = arith.addf %add3A_2180, %unpack3A_2194 : vector<16xf32>
          %add3A_2199 = arith.constant 0 : i32
          %add3A_2200 = arith.addi %squeeze3A_1978, %add3A_2199 : i32
          %get3A_2201 = arith.index_cast %add3A_2200 : i32 to index
          %get3A_2202 = tpu.vector_load %arg7[%get3A_2201] {strides = array<i32>} : memref<31680xi32, #tpu.memory_space<vmem>>, vector<16xi32>,
          %bitcast3A_2203 = vector.bitcast %get3A_2202 : vector<16xi32> to vector<32xbf16>
          %unpack3A_2204 = tpu.unpack_subelements %bitcast3A_2203, 0 {pack_format = #tpu.pack_format<interleaved>} : vector<32xbf16> -> vector<16xf32>
          %unpack3A_2205 = tpu.unpack_subelements %bitcast3A_2203, 1 {pack_format = #tpu.pack_format<interleaved>} : vector<32xbf16> -> vector<16xf32>
          %add3A_2206 = arith.constant 16 : i32
          %add3A_2207 = arith.addi %squeeze3A_1978, %add3A_2206 : i32
          %get3A_2208 = arith.index_cast %add3A_2207 : i32 to index
          %get3A_2209 = tpu.vector_load %arg7[%get3A_2208] {strides = array<i32>} : memref<31680xi32, #tpu.memory_space<vmem>>, vector<16xi32>,
          %bitcast3A_2210 = vector.bitcast %get3A_2209 : vector<16xi32> to vector<32xbf16>
          %unpack3A_2211 = tpu.unpack_subelements %bitcast3A_2210, 0 {pack_format = #tpu.pack_format<interleaved>} : vector<32xbf16> -> vector<16xf32>
          %unpack3A_2212 = tpu.unpack_subelements %bitcast3A_2210, 1 {pack_format = #tpu.pack_format<interleaved>} : vector<32xbf16> -> vector<16xf32>
          %add3A_2213 = arith.addf %add3A_2195, %unpack3A_2204 : vector<16xf32>
          %add3A_2214 = arith.addf %add3A_2196, %unpack3A_2205 : vector<16xf32>
          %add3A_2215 = arith.addf %add3A_2197, %unpack3A_2211 : vector<16xf32>
          %add3A_2216 = arith.addf %add3A_2198, %unpack3A_2212 : vector<16xf32>
          %add3A_2217 = arith.constant 0 : i32
          %add3A_2218 = arith.addi %squeeze3A_1980, %add3A_2217 : i32
          %get3A_2219 = arith.index_cast %add3A_2218 : i32 to index
          %get3A_2220 = tpu.vector_load %arg7[%get3A_2219] {strides = array<i32>} : memref<31680xi32, #tpu.memory_space<vmem>>, vector<16xi32>,
          %bitcast3A_2221 = vector.bitcast %get3A_2220 : vector<16xi32> to vector<32xbf16>
          %unpack3A_2222 = tpu.unpack_subelements %bitcast3A_2221, 0 {pack_format = #tpu.pack_format<interleaved>} : vector<32xbf16> -> vector<16xf32>
          %unpack3A_2223 = tpu.unpack_subelements %bitcast3A_2221, 1 {pack_format = #tpu.pack_format<interleaved>} : vector<32xbf16> -> vector<16xf32>
          %add3A_2224 = arith.constant 16 : i32
          %add3A_2225 = arith.addi %squeeze3A_1980, %add3A_2224 : i32
          %get3A_2226 = arith.index_cast %add3A_2225 : i32 to index
          %get3A_2227 = tpu.vector_load %arg7[%get3A_2226] {strides = array<i32>} : memref<31680xi32, #tpu.memory_space<vmem>>, vector<16xi32>,
          %bitcast3A_2228 = vector.bitcast %get3A_2227 : vector<16xi32> to vector<32xbf16>
          %unpack3A_2229 = tpu.unpack_subelements %bitcast3A_2228, 0 {pack_format = #tpu.pack_format<interleaved>} : vector<32xbf16> -> vector<16xf32>
          %unpack3A_2230 = tpu.unpack_subelements %bitcast3A_2228, 1 {pack_format = #tpu.pack_format<interleaved>} : vector<32xbf16> -> vector<16xf32>
          %add3A_2231 = arith.addf %add3A_2213, %unpack3A_2222 : vector<16xf32>
          %add3A_2232 = arith.addf %add3A_2214, %unpack3A_2223 : vector<16xf32>
          %add3A_2233 = arith.addf %add3A_2215, %unpack3A_2229 : vector<16xf32>
          %add3A_2234 = arith.addf %add3A_2216, %unpack3A_2230 : vector<16xf32>
          %add3A_2235 = arith.constant 0 : i32
          %add3A_2236 = arith.addi %squeeze3A_1982, %add3A_2235 : i32
          %get3A_2237 = arith.index_cast %add3A_2236 : i32 to index
          %get3A_2238 = tpu.vector_load %arg7[%get3A_2237] {strides = array<i32>} : memref<31680xi32, #tpu.memory_space<vmem>>, vector<16xi32>,
          %bitcast3A_2239 = vector.bitcast %get3A_2238 : vector<16xi32> to vector<32xbf16>
          %unpack3A_2240 = tpu.unpack_subelements %bitcast3A_2239, 0 {pack_format = #tpu.pack_format<interleaved>} : vector<32xbf16> -> vector<16xf32>
          %unpack3A_2241 = tpu.unpack_subelements %bitcast3A_2239, 1 {pack_format = #tpu.pack_format<interleaved>} : vector<32xbf16> -> vector<16xf32>
          %add3A_2242 = arith.constant 16 : i32
          %add3A_2243 = arith.addi %squeeze3A_1982, %add3A_2242 : i32
          %get3A_2244 = arith.index_cast %add3A_2243 : i32 to index
          %get3A_2245 = tpu.vector_load %arg7[%get3A_2244] {strides = array<i32>} : memref<31680xi32, #tpu.memory_space<vmem>>, vector<16xi32>,
          %bitcast3A_2246 = vector.bitcast %get3A_2245 : vector<16xi32> to vector<32xbf16>
          %unpack3A_2247 = tpu.unpack_subelements %bitcast3A_2246, 0 {pack_format = #tpu.pack_format<interleaved>} : vector<32xbf16> -> vector<16xf32>
          %unpack3A_2248 = tpu.unpack_subelements %bitcast3A_2246, 1 {pack_format = #tpu.pack_format<interleaved>} : vector<32xbf16> -> vector<16xf32>
          %add3A_2249 = arith.addf %add3A_2231, %unpack3A_2240 : vector<16xf32>
          %add3A_2250 = arith.addf %add3A_2232, %unpack3A_2241 : vector<16xf32>
          %add3A_2251 = arith.addf %add3A_2233, %unpack3A_2247 : vector<16xf32>
          %add3A_2252 = arith.addf %add3A_2234, %unpack3A_2248 : vector<16xf32>
          %add3A_2253 = arith.constant 0 : i32
          %add3A_2254 = arith.addi %squeeze3A_1984, %add3A_2253 : i32
          %get3A_2255 = arith.index_cast %add3A_2254 : i32 to index
          %get3A_2256 = tpu.vector_load %arg7[%get3A_2255] {strides = array<i32>} : memref<31680xi32, #tpu.memory_space<vmem>>, vector<16xi32>,
          %bitcast3A_2257 = vector.bitcast %get3A_2256 : vector<16xi32> to vector<32xbf16>
          %unpack3A_2258 = tpu.unpack_subelements %bitcast3A_2257, 0 {pack_format = #tpu.pack_format<interleaved>} : vector<32xbf16> -> vector<16xf32>
          %unpack3A_2259 = tpu.unpack_subelements %bitcast3A_2257, 1 {pack_format = #tpu.pack_format<interleaved>} : vector<32xbf16> -> vector<16xf32>
          %add3A_2260 = arith.constant 16 : i32
          %add3A_2261 = arith.addi %squeeze3A_1984, %add3A_2260 : i32
          %get3A_2262 = arith.index_cast %add3A_2261 : i32 to index
          %get3A_2263 = tpu.vector_load %arg7[%get3A_2262] {strides = array<i32>} : memref<31680xi32, #tpu.memory_space<vmem>>, vector<16xi32>,
          %bitcast3A_2264 = vector.bitcast %get3A_2263 : vector<16xi32> to vector<32xbf16>
          %unpack3A_2265 = tpu.unpack_subelements %bitcast3A_2264, 0 {pack_format = #tpu.pack_format<interleaved>} : vector<32xbf16> -> vector<16xf32>
          %unpack3A_2266 = tpu.unpack_subelements %bitcast3A_2264, 1 {pack_format = #tpu.pack_format<interleaved>} : vector<32xbf16> -> vector<16xf32>
          %add3A_2267 = arith.addf %add3A_2249, %unpack3A_2258 : vector<16xf32>
          %add3A_2268 = arith.addf %add3A_2250, %unpack3A_2259 : vector<16xf32>
          %add3A_2269 = arith.addf %add3A_2251, %unpack3A_2265 : vector<16xf32>
          %add3A_2270 = arith.addf %add3A_2252, %unpack3A_2266 : vector<16xf32>
          %add3A_2271 = arith.constant 0 : i32
          %add3A_2272 = arith.addi %squeeze3A_1986, %add3A_2271 : i32
          %get3A_2273 = arith.index_cast %add3A_2272 : i32 to index
          %get3A_2274 = tpu.vector_load %arg7[%get3A_2273] {strides = array<i32>} : memref<31680xi32, #tpu.memory_space<vmem>>, vector<16xi32>,
          %bitcast3A_2275 = vector.bitcast %get3A_2274 : vector<16xi32> to vector<32xbf16>
          %unpack3A_2276 = tpu.unpack_subelements %bitcast3A_2275, 0 {pack_format = #tpu.pack_format<interleaved>} : vector<32xbf16> -> vector<16xf32>
          %unpack3A_2277 = tpu.unpack_subelements %bitcast3A_2275, 1 {pack_format = #tpu.pack_format<interleaved>} : vector<32xbf16> -> vector<16xf32>
          %add3A_2278 = arith.constant 16 : i32
          %add3A_2279 = arith.addi %squeeze3A_1986, %add3A_2278 : i32
          %get3A_2280 = arith.index_cast %add3A_2279 : i32 to index
          %get3A_2281 = tpu.vector_load %arg7[%get3A_2280] {strides = array<i32>} : memref<31680xi32, #tpu.memory_space<vmem>>, vector<16xi32>,
          %bitcast3A_2282 = vector.bitcast %get3A_2281 : vector<16xi32> to vector<32xbf16>
          %unpack3A_2283 = tpu.unpack_subelements %bitcast3A_2282, 0 {pack_format = #tpu.pack_format<interleaved>} : vector<32xbf16> -> vector<16xf32>
          %unpack3A_2284 = tpu.unpack_subelements %bitcast3A_2282, 1 {pack_format = #tpu.pack_format<interleaved>} : vector<32xbf16> -> vector<16xf32>
          %add3A_2285 = arith.addf %add3A_2267, %unpack3A_2276 : vector<16xf32>
          %add3A_2286 = arith.addf %add3A_2268, %unpack3A_2277 : vector<16xf32>
          %add3A_2287 = arith.addf %add3A_2269, %unpack3A_2283 : vector<16xf32>
          %add3A_2288 = arith.addf %add3A_2270, %unpack3A_2284 : vector<16xf32>
          %add3A_2289 = arith.constant 0 : i32
          %add3A_2290 = arith.addi %squeeze3A_1988, %add3A_2289 : i32
          %get3A_2291 = arith.index_cast %add3A_2290 : i32 to index
          %get3A_2292 = tpu.vector_load %arg7[%get3A_2291] {strides = array<i32>} : memref<31680xi32, #tpu.memory_space<vmem>>, vector<16xi32>,
          %bitcast3A_2293 = vector.bitcast %get3A_2292 : vector<16xi32> to vector<32xbf16>
          %unpack3A_2294 = tpu.unpack_subelements %bitcast3A_2293, 0 {pack_format = #tpu.pack_format<interleaved>} : vector<32xbf16> -> vector<16xf32>
          %unpack3A_2295 = tpu.unpack_subelements %bitcast3A_2293, 1 {pack_format = #tpu.pack_format<interleaved>} : vector<32xbf16> -> vector<16xf32>
          %add3A_2296 = arith.constant 16 : i32
          %add3A_2297 = arith.addi %squeeze3A_1988, %add3A_2296 : i32
          %get3A_2298 = arith.index_cast %add3A_2297 : i32 to index
          %get3A_2299 = tpu.vector_load %arg7[%get3A_2298] {strides = array<i32>} : memref<31680xi32, #tpu.memory_space<vmem>>, vector<16xi32>,
          %bitcast3A_2300 = vector.bitcast %get3A_2299 : vector<16xi32> to vector<32xbf16>
          %unpack3A_2301 = tpu.unpack_subelements %bitcast3A_2300, 0 {pack_format = #tpu.pack_format<interleaved>} : vector<32xbf16> -> vector<16xf32>
          %unpack3A_2302 = tpu.unpack_subelements %bitcast3A_2300, 1 {pack_format = #tpu.pack_format<interleaved>} : vector<32xbf16> -> vector<16xf32>
          %add3A_2303 = arith.addf %add3A_2285, %unpack3A_2294 : vector<16xf32>
          %add3A_2304 = arith.addf %add3A_2286, %unpack3A_2295 : vector<16xf32>
          %add3A_2305 = arith.addf %add3A_2287, %unpack3A_2301 : vector<16xf32>
          %add3A_2306 = arith.addf %add3A_2288, %unpack3A_2302 : vector<16xf32>
          %add3A_2307 = arith.constant 0 : i32
          %add3A_2308 = arith.addi %squeeze3A_1990, %add3A_2307 : i32
          %get3A_2309 = arith.index_cast %add3A_2308 : i32 to index
          %get3A_2310 = tpu.vector_load %arg7[%get3A_2309] {strides = array<i32>} : memref<31680xi32, #tpu.memory_space<vmem>>, vector<16xi32>,
          %bitcast3A_2311 = vector.bitcast %get3A_2310 : vector<16xi32> to vector<32xbf16>
          %unpack3A_2312 = tpu.unpack_subelements %bitcast3A_2311, 0 {pack_format = #tpu.pack_format<interleaved>} : vector<32xbf16> -> vector<16xf32>
          %unpack3A_2313 = tpu.unpack_subelements %bitcast3A_2311, 1 {pack_format = #tpu.pack_format<interleaved>} : vector<32xbf16> -> vector<16xf32>
          %add3A_2314 = arith.constant 16 : i32
          %add3A_2315 = arith.addi %squeeze3A_1990, %add3A_2314 : i32
          %get3A_2316 = arith.index_cast %add3A_2315 : i32 to index
          %get3A_2317 = tpu.vector_load %arg7[%get3A_2316] {strides = array<i32>} : memref<31680xi32, #tpu.memory_space<vmem>>, vector<16xi32>,
          %bitcast3A_2318 = vector.bitcast %get3A_2317 : vector<16xi32> to vector<32xbf16>
          %unpack3A_2319 = tpu.unpack_subelements %bitcast3A_2318, 0 {pack_format = #tpu.pack_format<interleaved>} : vector<32xbf16> -> vector<16xf32>
          %unpack3A_2320 = tpu.unpack_subelements %bitcast3A_2318, 1 {pack_format = #tpu.pack_format<interleaved>} : vector<32xbf16> -> vector<16xf32>
          %add3A_2321 = arith.addf %add3A_2303, %unpack3A_2312 : vector<16xf32>
          %add3A_2322 = arith.addf %add3A_2304, %unpack3A_2313 : vector<16xf32>
          %add3A_2323 = arith.addf %add3A_2305, %unpack3A_2319 : vector<16xf32>
          %add3A_2324 = arith.addf %add3A_2306, %unpack3A_2320 : vector<16xf32>
          %add3A_2325 = arith.constant 0 : i32
          %add3A_2326 = arith.addi %squeeze3A_1992, %add3A_2325 : i32
          %get3A_2327 = arith.index_cast %add3A_2326 : i32 to index
          %get3A_2328 = tpu.vector_load %arg7[%get3A_2327] {strides = array<i32>} : memref<31680xi32, #tpu.memory_space<vmem>>, vector<16xi32>,
          %bitcast3A_2329 = vector.bitcast %get3A_2328 : vector<16xi32> to vector<32xbf16>
          %unpack3A_2330 = tpu.unpack_subelements %bitcast3A_2329, 0 {pack_format = #tpu.pack_format<interleaved>} : vector<32xbf16> -> vector<16xf32>
          %unpack3A_2331 = tpu.unpack_subelements %bitcast3A_2329, 1 {pack_format = #tpu.pack_format<interleaved>} : vector<32xbf16> -> vector<16xf32>
          %add3A_2332 = arith.constant 16 : i32
          %add3A_2333 = arith.addi %squeeze3A_1992, %add3A_2332 : i32
          %get3A_2334 = arith.index_cast %add3A_2333 : i32 to index
          %get3A_2335 = tpu.vector_load %arg7[%get3A_2334] {strides = array<i32>} : memref<31680xi32, #tpu.memory_space<vmem>>, vector<16xi32>,
          %bitcast3A_2336 = vector.bitcast %get3A_2335 : vector<16xi32> to vector<32xbf16>
          %unpack3A_2337 = tpu.unpack_subelements %bitcast3A_2336, 0 {pack_format = #tpu.pack_format<interleaved>} : vector<32xbf16> -> vector<16xf32>
          %unpack3A_2338 = tpu.unpack_subelements %bitcast3A_2336, 1 {pack_format = #tpu.pack_format<interleaved>} : vector<32xbf16> -> vector<16xf32>
          %add3A_2339 = arith.addf %add3A_2321, %unpack3A_2330 : vector<16xf32>
          %add3A_2340 = arith.addf %add3A_2322, %unpack3A_2331 : vector<16xf32>
          %add3A_2341 = arith.addf %add3A_2323, %unpack3A_2337 : vector<16xf32>
          %add3A_2342 = arith.addf %add3A_2324, %unpack3A_2338 : vector<16xf32>
          %add3A_2343 = arith.constant 0 : i32
          %add3A_2344 = arith.addi %squeeze3A_1994, %add3A_2343 : i32
          %get3A_2345 = arith.index_cast %add3A_2344 : i32 to index
          %get3A_2346 = tpu.vector_load %arg7[%get3A_2345] {strides = array<i32>} : memref<31680xi32, #tpu.memory_space<vmem>>, vector<16xi32>,
          %bitcast3A_2347 = vector.bitcast %get3A_2346 : vector<16xi32> to vector<32xbf16>
          %unpack3A_2348 = tpu.unpack_subelements %bitcast3A_2347, 0 {pack_format = #tpu.pack_format<interleaved>} : vector<32xbf16> -> vector<16xf32>
          %unpack3A_2349 = tpu.unpack_subelements %bitcast3A_2347, 1 {pack_format = #tpu.pack_format<interleaved>} : vector<32xbf16> -> vector<16xf32>
          %add3A_2350 = arith.constant 16 : i32
          %add3A_2351 = arith.addi %squeeze3A_1994, %add3A_2350 : i32
          %get3A_2352 = arith.index_cast %add3A_2351 : i32 to index
          %get3A_2353 = tpu.vector_load %arg7[%get3A_2352] {strides = array<i32>} : memref<31680xi32, #tpu.memory_space<vmem>>, vector<16xi32>,
          %bitcast3A_2354 = vector.bitcast %get3A_2353 : vector<16xi32> to vector<32xbf16>
          %unpack3A_2355 = tpu.unpack_subelements %bitcast3A_2354, 0 {pack_format = #tpu.pack_format<interleaved>} : vector<32xbf16> -> vector<16xf32>
          %unpack3A_2356 = tpu.unpack_subelements %bitcast3A_2354, 1 {pack_format = #tpu.pack_format<interleaved>} : vector<32xbf16> -> vector<16xf32>
          %add3A_2357 = arith.addf %add3A_2339, %unpack3A_2348 : vector<16xf32>
          %add3A_2358 = arith.addf %add3A_2340, %unpack3A_2349 : vector<16xf32>
          %add3A_2359 = arith.addf %add3A_2341, %unpack3A_2355 : vector<16xf32>
          %add3A_2360 = arith.addf %add3A_2342, %unpack3A_2356 : vector<16xf32>
          %add3A_2361 = arith.constant 0 : i32
          %add3A_2362 = arith.addi %squeeze3A_1996, %add3A_2361 : i32
          %get3A_2363 = arith.index_cast %add3A_2362 : i32 to index
          %get3A_2364 = tpu.vector_load %arg7[%get3A_2363] {strides = array<i32>} : memref<31680xi32, #tpu.memory_space<vmem>>, vector<16xi32>,
          %bitcast3A_2365 = vector.bitcast %get3A_2364 : vector<16xi32> to vector<32xbf16>
          %unpack3A_2366 = tpu.unpack_subelements %bitcast3A_2365, 0 {pack_format = #tpu.pack_format<interleaved>} : vector<32xbf16> -> vector<16xf32>
          %unpack3A_2367 = tpu.unpack_subelements %bitcast3A_2365, 1 {pack_format = #tpu.pack_format<interleaved>} : vector<32xbf16> -> vector<16xf32>
          %add3A_2368 = arith.constant 16 : i32
          %add3A_2369 = arith.addi %squeeze3A_1996, %add3A_2368 : i32
          %get3A_2370 = arith.index_cast %add3A_2369 : i32 to index
          %get3A_2371 = tpu.vector_load %arg7[%get3A_2370] {strides = array<i32>} : memref<31680xi32, #tpu.memory_space<vmem>>, vector<16xi32>,
          %bitcast3A_2372 = vector.bitcast %get3A_2371 : vector<16xi32> to vector<32xbf16>
          %unpack3A_2373 = tpu.unpack_subelements %bitcast3A_2372, 0 {pack_format = #tpu.pack_format<interleaved>} : vector<32xbf16> -> vector<16xf32>
          %unpack3A_2374 = tpu.unpack_subelements %bitcast3A_2372, 1 {pack_format = #tpu.pack_format<interleaved>} : vector<32xbf16> -> vector<16xf32>
          %add3A_2375 = arith.addf %add3A_2357, %unpack3A_2366 : vector<16xf32>
          %add3A_2376 = arith.addf %add3A_2358, %unpack3A_2367 : vector<16xf32>
          %add3A_2377 = arith.addf %add3A_2359, %unpack3A_2373 : vector<16xf32>
          %add3A_2378 = arith.addf %add3A_2360, %unpack3A_2374 : vector<16xf32>
          %add3A_2379 = arith.constant 0 : i32
          %add3A_2380 = arith.addi %squeeze3A_1998, %add3A_2379 : i32
          %get3A_2381 = arith.index_cast %add3A_2380 : i32 to index
          %get3A_2382 = tpu.vector_load %arg7[%get3A_2381] {strides = array<i32>} : memref<31680xi32, #tpu.memory_space<vmem>>, vector<16xi32>,
          %bitcast3A_2383 = vector.bitcast %get3A_2382 : vector<16xi32> to vector<32xbf16>
          %unpack3A_2384 = tpu.unpack_subelements %bitcast3A_2383, 0 {pack_format = #tpu.pack_format<interleaved>} : vector<32xbf16> -> vector<16xf32>
          %unpack3A_2385 = tpu.unpack_subelements %bitcast3A_2383, 1 {pack_format = #tpu.pack_format<interleaved>} : vector<32xbf16> -> vector<16xf32>
          %add3A_2386 = arith.constant 16 : i32
          %add3A_2387 = arith.addi %squeeze3A_1998, %add3A_2386 : i32
          %get3A_2388 = arith.index_cast %add3A_2387 : i32 to index
          %get3A_2389 = tpu.vector_load %arg7[%get3A_2388] {strides = array<i32>} : memref<31680xi32, #tpu.memory_space<vmem>>, vector<16xi32>,
          %bitcast3A_2390 = vector.bitcast %get3A_2389 : vector<16xi32> to vector<32xbf16>
          %unpack3A_2391 = tpu.unpack_subelements %bitcast3A_2390, 0 {pack_format = #tpu.pack_format<interleaved>} : vector<32xbf16> -> vector<16xf32>
          %unpack3A_2392 = tpu.unpack_subelements %bitcast3A_2390, 1 {pack_format = #tpu.pack_format<interleaved>} : vector<32xbf16> -> vector<16xf32>
          %add3A_2393 = arith.addf %add3A_2375, %unpack3A_2384 : vector<16xf32>
          %add3A_2394 = arith.addf %add3A_2376, %unpack3A_2385 : vector<16xf32>
          %add3A_2395 = arith.addf %add3A_2377, %unpack3A_2391 : vector<16xf32>
          %add3A_2396 = arith.addf %add3A_2378, %unpack3A_2392 : vector<16xf32>
          %add3A_2397 = arith.constant 0 : i32
          %add3A_2398 = arith.addi %squeeze3A_2000, %add3A_2397 : i32
          %get3A_2399 = arith.index_cast %add3A_2398 : i32 to index
          %get3A_2400 = tpu.vector_load %arg7[%get3A_2399] {strides = array<i32>} : memref<31680xi32, #tpu.memory_space<vmem>>, vector<16xi32>,
          %bitcast3A_2401 = vector.bitcast %get3A_2400 : vector<16xi32> to vector<32xbf16>
          %unpack3A_2402 = tpu.unpack_subelements %bitcast3A_2401, 0 {pack_format = #tpu.pack_format<interleaved>} : vector<32xbf16> -> vector<16xf32>
          %unpack3A_2403 = tpu.unpack_subelements %bitcast3A_2401, 1 {pack_format = #tpu.pack_format<interleaved>} : vector<32xbf16> -> vector<16xf32>
          %add3A_2404 = arith.constant 16 : i32
          %add3A_2405 = arith.addi %squeeze3A_2000, %add3A_2404 : i32
          %get3A_2406 = arith.index_cast %add3A_2405 : i32 to index
          %get3A_2407 = tpu.vector_load %arg7[%get3A_2406] {strides = array<i32>} : memref<31680xi32, #tpu.memory_space<vmem>>, vector<16xi32>,
          %bitcast3A_2408 = vector.bitcast %get3A_2407 : vector<16xi32> to vector<32xbf16>
          %unpack3A_2409 = tpu.unpack_subelements %bitcast3A_2408, 0 {pack_format = #tpu.pack_format<interleaved>} : vector<32xbf16> -> vector<16xf32>
          %unpack3A_2410 = tpu.unpack_subelements %bitcast3A_2408, 1 {pack_format = #tpu.pack_format<interleaved>} : vector<32xbf16> -> vector<16xf32>
          %add3A_2411 = arith.addf %add3A_2393, %unpack3A_2402 : vector<16xf32>
          %add3A_2412 = arith.addf %add3A_2394, %unpack3A_2403 : vector<16xf32>
          %add3A_2413 = arith.addf %add3A_2395, %unpack3A_2409 : vector<16xf32>
          %add3A_2414 = arith.addf %add3A_2396, %unpack3A_2410 : vector<16xf32>
          %add3A_2415 = arith.constant 0 : i32
          %add3A_2416 = arith.addi %squeeze3A_2002, %add3A_2415 : i32
          %get3A_2417 = arith.index_cast %add3A_2416 : i32 to index
          %get3A_2418 = tpu.vector_load %arg7[%get3A_2417] {strides = array<i32>} : memref<31680xi32, #tpu.memory_space<vmem>>, vector<16xi32>,
          %bitcast3A_2419 = vector.bitcast %get3A_2418 : vector<16xi32> to vector<32xbf16>
          %unpack3A_2420 = tpu.unpack_subelements %bitcast3A_2419, 0 {pack_format = #tpu.pack_format<interleaved>} : vector<32xbf16> -> vector<16xf32>
          %unpack3A_2421 = tpu.unpack_subelements %bitcast3A_2419, 1 {pack_format = #tpu.pack_format<interleaved>} : vector<32xbf16> -> vector<16xf32>
          %add3A_2422 = arith.constant 16 : i32
          %add3A_2423 = arith.addi %squeeze3A_2002, %add3A_2422 : i32
          %get3A_2424 = arith.index_cast %add3A_2423 : i32 to index
          %get3A_2425 = tpu.vector_load %arg7[%get3A_2424] {strides = array<i32>} : memref<31680xi32, #tpu.memory_space<vmem>>, vector<16xi32>,
          %bitcast3A_2426 = vector.bitcast %get3A_2425 : vector<16xi32> to vector<32xbf16>
          %unpack3A_2427 = tpu.unpack_subelements %bitcast3A_2426, 0 {pack_format = #tpu.pack_format<interleaved>} : vector<32xbf16> -> vector<16xf32>
          %unpack3A_2428 = tpu.unpack_subelements %bitcast3A_2426, 1 {pack_format = #tpu.pack_format<interleaved>} : vector<32xbf16> -> vector<16xf32>
          %add3A_2429 = arith.addf %add3A_2411, %unpack3A_2420 : vector<16xf32>
          %add3A_2430 = arith.addf %add3A_2412, %unpack3A_2421 : vector<16xf32>
          %add3A_2431 = arith.addf %add3A_2413, %unpack3A_2427 : vector<16xf32>
          %add3A_2432 = arith.addf %add3A_2414, %unpack3A_2428 : vector<16xf32>
          %add3A_2433 = arith.constant 0 : i32
          %add3A_2434 = arith.addi %squeeze3A_2004, %add3A_2433 : i32
          %get3A_2435 = arith.index_cast %add3A_2434 : i32 to index
          %get3A_2436 = tpu.vector_load %arg7[%get3A_2435] {strides = array<i32>} : memref<31680xi32, #tpu.memory_space<vmem>>, vector<16xi32>,
          %bitcast3A_2437 = vector.bitcast %get3A_2436 : vector<16xi32> to vector<32xbf16>
          %unpack3A_2438 = tpu.unpack_subelements %bitcast3A_2437, 0 {pack_format = #tpu.pack_format<interleaved>} : vector<32xbf16> -> vector<16xf32>
          %unpack3A_2439 = tpu.unpack_subelements %bitcast3A_2437, 1 {pack_format = #tpu.pack_format<interleaved>} : vector<32xbf16> -> vector<16xf32>
          %add3A_2440 = arith.constant 16 : i32
          %add3A_2441 = arith.addi %squeeze3A_2004, %add3A_2440 : i32
          %get3A_2442 = arith.index_cast %add3A_2441 : i32 to index
          %get3A_2443 = tpu.vector_load %arg7[%get3A_2442] {strides = array<i32>} : memref<31680xi32, #tpu.memory_space<vmem>>, vector<16xi32>,
          %bitcast3A_2444 = vector.bitcast %get3A_2443 : vector<16xi32> to vector<32xbf16>
          %unpack3A_2445 = tpu.unpack_subelements %bitcast3A_2444, 0 {pack_format = #tpu.pack_format<interleaved>} : vector<32xbf16> -> vector<16xf32>
          %unpack3A_2446 = tpu.unpack_subelements %bitcast3A_2444, 1 {pack_format = #tpu.pack_format<interleaved>} : vector<32xbf16> -> vector<16xf32>
          %add3A_2447 = arith.addf %add3A_2429, %unpack3A_2438 : vector<16xf32>
          %add3A_2448 = arith.addf %add3A_2430, %unpack3A_2439 : vector<16xf32>
          %add3A_2449 = arith.addf %add3A_2431, %unpack3A_2445 : vector<16xf32>
          %add3A_2450 = arith.addf %add3A_2432, %unpack3A_2446 : vector<16xf32>
          %add3A_2451 = arith.constant 0 : i32
          %add3A_2452 = arith.addi %squeeze3A_2006, %add3A_2451 : i32
          %get3A_2453 = arith.index_cast %add3A_2452 : i32 to index
          %get3A_2454 = tpu.vector_load %arg7[%get3A_2453] {strides = array<i32>} : memref<31680xi32, #tpu.memory_space<vmem>>, vector<16xi32>,
          %bitcast3A_2455 = vector.bitcast %get3A_2454 : vector<16xi32> to vector<32xbf16>
          %unpack3A_2456 = tpu.unpack_subelements %bitcast3A_2455, 0 {pack_format = #tpu.pack_format<interleaved>} : vector<32xbf16> -> vector<16xf32>
          %unpack3A_2457 = tpu.unpack_subelements %bitcast3A_2455, 1 {pack_format = #tpu.pack_format<interleaved>} : vector<32xbf16> -> vector<16xf32>
          %add3A_2458 = arith.constant 16 : i32
          %add3A_2459 = arith.addi %squeeze3A_2006, %add3A_2458 : i32
          %get3A_2460 = arith.index_cast %add3A_2459 : i32 to index
          %get3A_2461 = tpu.vector_load %arg7[%get3A_2460] {strides = array<i32>} : memref<31680xi32, #tpu.memory_space<vmem>>, vector<16xi32>,
          %bitcast3A_2462 = vector.bitcast %get3A_2461 : vector<16xi32> to vector<32xbf16>
          %unpack3A_2463 = tpu.unpack_subelements %bitcast3A_2462, 0 {pack_format = #tpu.pack_format<interleaved>} : vector<32xbf16> -> vector<16xf32>
          %unpack3A_2464 = tpu.unpack_subelements %bitcast3A_2462, 1 {pack_format = #tpu.pack_format<interleaved>} : vector<32xbf16> -> vector<16xf32>
          %add3A_2465 = arith.addf %add3A_2447, %unpack3A_2456 : vector<16xf32>
          %add3A_2466 = arith.addf %add3A_2448, %unpack3A_2457 : vector<16xf32>
          %add3A_2467 = arith.addf %add3A_2449, %unpack3A_2463 : vector<16xf32>
          %add3A_2468 = arith.addf %add3A_2450, %unpack3A_2464 : vector<16xf32>
          %add3A_2469 = arith.constant 0 : i32
          %add3A_2470 = arith.addi %add3A_1944, %add3A_2469 : i32
          %swap3A = arith.index_cast %add3A_2470 : i32 to index
          %swap3A_2471 = tpu.vector_load %arg9[%swap3A] {strides = array<i32>} : memref<16384xf32, #tpu.memory_space<vmem>>, vector<16xf32>,
          tpu.vector_store %arg9[%swap3A], %add3A_2465 {strides = array<i32>} : memref<16384xf32, #tpu.memory_space<vmem>>, vector<16xf32>,
          %add3A_2472 = arith.constant 16 : i32
          %add3A_2473 = arith.addi %add3A_1944, %add3A_2472 : i32
          %swap3A_2474 = arith.index_cast %add3A_2473 : i32 to index
          %swap3A_2475 = tpu.vector_load %arg9[%swap3A_2474] {strides = array<i32>} : memref<16384xf32, #tpu.memory_space<vmem>>, vector<16xf32>,
          tpu.vector_store %arg9[%swap3A_2474], %add3A_2466 {strides = array<i32>} : memref<16384xf32, #tpu.memory_space<vmem>>, vector<16xf32>,
          %add3A_2476 = arith.constant 32 : i32
          %add3A_2477 = arith.addi %add3A_1944, %add3A_2476 : i32
          %swap3A_2478 = arith.index_cast %add3A_2477 : i32 to index
          %swap3A_2479 = tpu.vector_load %arg9[%swap3A_2478] {strides = array<i32>} : memref<16384xf32, #tpu.memory_space<vmem>>, vector<16xf32>,
          tpu.vector_store %arg9[%swap3A_2478], %add3A_2467 {strides = array<i32>} : memref<16384xf32, #tpu.memory_space<vmem>>, vector<16xf32>,
          %add3A_2480 = arith.constant 48 : i32
          %add3A_2481 = arith.addi %add3A_1944, %add3A_2480 : i32
          %swap3A_2482 = arith.index_cast %add3A_2481 : i32 to index
          %swap3A_2483 = tpu.vector_load %arg9[%swap3A_2482] {strides = array<i32>} : memref<16384xf32, #tpu.memory_space<vmem>>, vector<16xf32>,
          tpu.vector_store %arg9[%swap3A_2482], %add3A_2468 {strides = array<i32>} : memref<16384xf32, #tpu.memory_space<vmem>>, vector<16xf32>,
        }
        %scan3A_1940 = arith.constant 16 : i32
      }
      %mul3A_25 = arith.constant 256 : i32
      %mul3A_26 = arith.muli %scan3A_10, %mul3A_25 : i32
      %add3A_27 = arith.addi %mul3A_2, %mul3A_26 : i32
      %mul3A_28 = arith.constant 64 : i32
      %mul3A_29 = arith.muli %add3A_27, %mul3A_28 : i32
      "tpu.region"() ({
        %run_scoped3A = tpu.sem_alloc : memref<!tpu.dma_semaphore, #tpu.memory_space<semaphore_mem>>
        %dma_start3A = tpu.memref_slice %arg5[%mul3A_29] : memref<2097152xf32, #tpu.memory_space<hbm>> -> memref<16384xf32, #tpu.memory_space<hbm>>
        %dma_start3A_30 = tpu.memref_slice %arg5[%mul3A_29] : memref<2097152xf32, #tpu.memory_space<hbm>> -> memref<16384xf32, #tpu.memory_space<hbm>>
        tpu.enqueue_dma source(%arg9 : memref<16384xf32, #tpu.memory_space<vmem>>) target(%dma_start3A_30 : memref<16384xf32, #tpu.memory_space<hbm>>) target_semaphore(%run_scoped3A : memref<!tpu.dma_semaphore, #tpu.memory_space<semaphore_mem>>)
        %dma_wait3A = tpu.memref_slice %arg5[%mul3A_29] : memref<2097152xf32, #tpu.memory_space<hbm>> -> memref<16384xf32, #tpu.memory_space<hbm>>
        %dma_wait3A_31 = tpu.memref_slice %arg5[%mul3A_29] : memref<2097152xf32, #tpu.memory_space<hbm>> -> memref<16384xf32, #tpu.memory_space<hbm>>
        tpu.wait_dma2 semaphore(%run_scoped3A : memref<!tpu.dma_semaphore, #tpu.memory_space<semaphore_mem>>) src(%arg9 : memref<16384xf32, #tpu.memory_space<vmem>>) dst(%dma_wait3A_31 : memref<16384xf32, #tpu.memory_space<hbm>>)
        tpu.yield
      }) : () -> ()
    }
    %scan3A_9 = arith.constant 4 : i32
    return
  }
}

module attributes {stable_mosaic.version = 14 : i64} {
  func.func @_prep_body(%arg0: memref<12x1024xf32, #tpu.memory_space<vmem>>, %arg1: memref<989x64xf32, #tpu.memory_space<vmem>>, %arg2: memref<1x64xf32, #tpu.memory_space<vmem>>, %arg3: memref<15x1024xf32, #tpu.memory_space<vmem>>, %arg4: memref<925x64xf32, #tpu.memory_space<vmem>>, %arg5: memref<65x64xf32, #tpu.memory_space<vmem>>) attributes {dimension_semantics = [], scalar_prefetch = 0 : i64, scratch_operands = 0 : i64, tpu.core_type = #tpu.core_type<tc>} {
    %get3A = arith.constant 0 : index
    %get3A_0 = arith.constant 0 : index
    %get3A_1 = vector.load %arg0[%get3A, %get3A_0] : memref<12x1024xf32, #tpu.memory_space<vmem>>, vector<12x1024xf32>
    %slice3A = vector.extract_strided_slice %get3A_1 {offsets = [0, 0], sizes = [3, 1024], strides = [1, 1]} : vector<12x1024xf32> to vector<3x1024xf32>
    %slice3A_2 = vector.extract_strided_slice %get3A_1 {offsets = [3, 0], sizes = [3, 1024], strides = [1, 1]} : vector<12x1024xf32> to vector<3x1024xf32>
    %slice3A_3 = vector.extract_strided_slice %get3A_1 {offsets = [6, 0], sizes = [3, 1024], strides = [1, 1]} : vector<12x1024xf32> to vector<3x1024xf32>
    %sub3A = arith.subf %slice3A, %slice3A_2 : vector<3x1024xf32>
    %mul3A = arith.mulf %sub3A, %sub3A : vector<3x1024xf32>
    %reduce_sum3A = arith.constant dense<0.000000e+00> : vector<1024xf32>
    %reduce_sum3A_4 = vector.multi_reduction <add>, %mul3A, %reduce_sum3A [0] : vector<3x1024xf32> to vector<1024xf32>
    %broadcast_in_dim3A = vector.shape_cast %reduce_sum3A_4 : vector<1024xf32> to vector<1x1024xf32>
    %sqrt3A = math.sqrt %broadcast_in_dim3A : vector<1x1024xf32>
    %max3A = arith.constant 9.99999996E-13 : f32
    %max3A_5 = vector.broadcast %max3A : f32 to vector<1x1024xf32>
    %max3A_6 = arith.maximumf %sqrt3A, %max3A_5 : vector<1x1024xf32>
    %div3A = vector.broadcast %max3A_6 : vector<1x1024xf32> to vector<3x1024xf32>
    %div3A_7 = arith.divf %sub3A, %div3A : vector<3x1024xf32>
    %sub3A_8 = arith.subf %slice3A_3, %slice3A_2 : vector<3x1024xf32>
    %mul3A_9 = arith.mulf %sub3A_8, %sub3A_8 : vector<3x1024xf32>
    %reduce_sum3A_10 = arith.constant dense<0.000000e+00> : vector<1024xf32>
    %reduce_sum3A_11 = vector.multi_reduction <add>, %mul3A_9, %reduce_sum3A_10 [0] : vector<3x1024xf32> to vector<1024xf32>
    %broadcast_in_dim3A_12 = vector.shape_cast %reduce_sum3A_11 : vector<1024xf32> to vector<1x1024xf32>
    %sqrt3A_13 = math.sqrt %broadcast_in_dim3A_12 : vector<1x1024xf32>
    %max3A_14 = arith.constant 9.99999996E-13 : f32
    %max3A_15 = vector.broadcast %max3A_14 : f32 to vector<1x1024xf32>
    %max3A_16 = arith.maximumf %sqrt3A_13, %max3A_15 : vector<1x1024xf32>
    %div3A_17 = vector.broadcast %max3A_16 : vector<1x1024xf32> to vector<3x1024xf32>
    %div3A_18 = arith.divf %sub3A_8, %div3A_17 : vector<3x1024xf32>
    %add3A = arith.addf %div3A_7, %div3A_18 : vector<3x1024xf32>
    %mul3A_19 = arith.mulf %add3A, %add3A : vector<3x1024xf32>
    %reduce_sum3A_20 = arith.constant dense<0.000000e+00> : vector<1024xf32>
    %reduce_sum3A_21 = vector.multi_reduction <add>, %mul3A_19, %reduce_sum3A_20 [0] : vector<3x1024xf32> to vector<1024xf32>
    %broadcast_in_dim3A_22 = vector.shape_cast %reduce_sum3A_21 : vector<1024xf32> to vector<1x1024xf32>
    %sqrt3A_23 = math.sqrt %broadcast_in_dim3A_22 : vector<1x1024xf32>
    %max3A_24 = arith.constant 9.99999996E-13 : f32
    %max3A_25 = vector.broadcast %max3A_24 : f32 to vector<1x1024xf32>
    %max3A_26 = arith.maximumf %sqrt3A_23, %max3A_25 : vector<1x1024xf32>
    %div3A_27 = vector.broadcast %max3A_26 : vector<1x1024xf32> to vector<3x1024xf32>
    %div3A_28 = arith.divf %add3A, %div3A_27 : vector<3x1024xf32>
    %slice3A_29 = vector.extract_strided_slice %div3A_7 {offsets = [1, 0], sizes = [1, 1024], strides = [1, 1]} : vector<3x1024xf32> to vector<1x1024xf32>
    %squeeze3A = vector.shape_cast %slice3A_29 : vector<1x1024xf32> to vector<1024xf32>
    %slice3A_30 = vector.extract_strided_slice %div3A_18 {offsets = [2, 0], sizes = [1, 1024], strides = [1, 1]} : vector<3x1024xf32> to vector<1x1024xf32>
    %squeeze3A_31 = vector.shape_cast %slice3A_30 : vector<1x1024xf32> to vector<1024xf32>
    %mul3A_32 = arith.mulf %squeeze3A, %squeeze3A_31 : vector<1024xf32>
    %slice3A_33 = vector.extract_strided_slice %div3A_7 {offsets = [2, 0], sizes = [1, 1024], strides = [1, 1]} : vector<3x1024xf32> to vector<1x1024xf32>
    %squeeze3A_34 = vector.shape_cast %slice3A_33 : vector<1x1024xf32> to vector<1024xf32>
    %slice3A_35 = vector.extract_strided_slice %div3A_18 {offsets = [1, 0], sizes = [1, 1024], strides = [1, 1]} : vector<3x1024xf32> to vector<1x1024xf32>
    %squeeze3A_36 = vector.shape_cast %slice3A_35 : vector<1x1024xf32> to vector<1024xf32>
    %mul3A_37 = arith.mulf %squeeze3A_34, %squeeze3A_36 : vector<1024xf32>
    %sub3A_38 = arith.subf %mul3A_32, %mul3A_37 : vector<1024xf32>
    %slice3A_39 = vector.extract_strided_slice %div3A_7 {offsets = [2, 0], sizes = [1, 1024], strides = [1, 1]} : vector<3x1024xf32> to vector<1x1024xf32>
    %squeeze3A_40 = vector.shape_cast %slice3A_39 : vector<1x1024xf32> to vector<1024xf32>
    %slice3A_41 = vector.extract_strided_slice %div3A_18 {offsets = [0, 0], sizes = [1, 1024], strides = [1, 1]} : vector<3x1024xf32> to vector<1x1024xf32>
    %squeeze3A_42 = vector.shape_cast %slice3A_41 : vector<1x1024xf32> to vector<1024xf32>
    %mul3A_43 = arith.mulf %squeeze3A_40, %squeeze3A_42 : vector<1024xf32>
    %slice3A_44 = vector.extract_strided_slice %div3A_7 {offsets = [0, 0], sizes = [1, 1024], strides = [1, 1]} : vector<3x1024xf32> to vector<1x1024xf32>
    %squeeze3A_45 = vector.shape_cast %slice3A_44 : vector<1x1024xf32> to vector<1024xf32>
    %slice3A_46 = vector.extract_strided_slice %div3A_18 {offsets = [2, 0], sizes = [1, 1024], strides = [1, 1]} : vector<3x1024xf32> to vector<1x1024xf32>
    %squeeze3A_47 = vector.shape_cast %slice3A_46 : vector<1x1024xf32> to vector<1024xf32>
    %mul3A_48 = arith.mulf %squeeze3A_45, %squeeze3A_47 : vector<1024xf32>
    %sub3A_49 = arith.subf %mul3A_43, %mul3A_48 : vector<1024xf32>
    %slice3A_50 = vector.extract_strided_slice %div3A_7 {offsets = [0, 0], sizes = [1, 1024], strides = [1, 1]} : vector<3x1024xf32> to vector<1x1024xf32>
    %squeeze3A_51 = vector.shape_cast %slice3A_50 : vector<1x1024xf32> to vector<1024xf32>
    %slice3A_52 = vector.extract_strided_slice %div3A_18 {offsets = [1, 0], sizes = [1, 1024], strides = [1, 1]} : vector<3x1024xf32> to vector<1x1024xf32>
    %squeeze3A_53 = vector.shape_cast %slice3A_52 : vector<1x1024xf32> to vector<1024xf32>
    %mul3A_54 = arith.mulf %squeeze3A_51, %squeeze3A_53 : vector<1024xf32>
    %slice3A_55 = vector.extract_strided_slice %div3A_7 {offsets = [1, 0], sizes = [1, 1024], strides = [1, 1]} : vector<3x1024xf32> to vector<1x1024xf32>
    %squeeze3A_56 = vector.shape_cast %slice3A_55 : vector<1x1024xf32> to vector<1024xf32>
    %slice3A_57 = vector.extract_strided_slice %div3A_18 {offsets = [0, 0], sizes = [1, 1024], strides = [1, 1]} : vector<3x1024xf32> to vector<1x1024xf32>
    %squeeze3A_58 = vector.shape_cast %slice3A_57 : vector<1x1024xf32> to vector<1024xf32>
    %mul3A_59 = arith.mulf %squeeze3A_56, %squeeze3A_58 : vector<1024xf32>
    %sub3A_60 = arith.subf %mul3A_54, %mul3A_59 : vector<1024xf32>
    %stack3A = vector.shape_cast %sub3A_38 : vector<1024xf32> to vector<1x1024xf32>
    %stack3A_61 = vector.shape_cast %sub3A_49 : vector<1024xf32> to vector<1x1024xf32>
    %stack3A_62 = vector.shape_cast %sub3A_60 : vector<1024xf32> to vector<1x1024xf32>
    %stack3A_63 = tpu.concatenate %stack3A, %stack3A_61, %stack3A_62 in 0 : vector<1x1024xf32>, vector<1x1024xf32>, vector<1x1024xf32> -> vector<3x1024xf32>
    %mul3A_64 = arith.mulf %stack3A_63, %stack3A_63 : vector<3x1024xf32>
    %reduce_sum3A_65 = arith.constant dense<0.000000e+00> : vector<1024xf32>
    %reduce_sum3A_66 = vector.multi_reduction <add>, %mul3A_64, %reduce_sum3A_65 [0] : vector<3x1024xf32> to vector<1024xf32>
    %broadcast_in_dim3A_67 = vector.shape_cast %reduce_sum3A_66 : vector<1024xf32> to vector<1x1024xf32>
    %sqrt3A_68 = math.sqrt %broadcast_in_dim3A_67 : vector<1x1024xf32>
    %max3A_69 = arith.constant 9.99999996E-13 : f32
    %max3A_70 = vector.broadcast %max3A_69 : f32 to vector<1x1024xf32>
    %max3A_71 = arith.maximumf %sqrt3A_68, %max3A_70 : vector<1x1024xf32>
    %div3A_72 = vector.broadcast %max3A_71 : vector<1x1024xf32> to vector<3x1024xf32>
    %div3A_73 = arith.divf %stack3A_63, %div3A_72 : vector<3x1024xf32>
    %neg3A = arith.constant 0.000000e+00 : f32
    %neg3A_74 = vector.broadcast %neg3A : f32 to vector<3x1024xf32>
    %neg3A_75 = arith.subf %neg3A_74, %div3A_28 : vector<3x1024xf32>
    %mul3A_76 = arith.constant 5.000000e-01 : f32
    %mul3A_77 = vector.broadcast %mul3A_76 : f32 to vector<3x1024xf32>
    %mul3A_78 = arith.mulf %mul3A_77, %div3A_73 : vector<3x1024xf32>
    %add3A_79 = arith.addf %neg3A_75, %mul3A_78 : vector<3x1024xf32>
    %mul3A_80 = arith.mulf %add3A_79, %add3A_79 : vector<3x1024xf32>
    %reduce_sum3A_81 = arith.constant dense<0.000000e+00> : vector<1024xf32>
    %reduce_sum3A_82 = vector.multi_reduction <add>, %mul3A_80, %reduce_sum3A_81 [0] : vector<3x1024xf32> to vector<1024xf32>
    %broadcast_in_dim3A_83 = vector.shape_cast %reduce_sum3A_82 : vector<1024xf32> to vector<1x1024xf32>
    %sqrt3A_84 = math.sqrt %broadcast_in_dim3A_83 : vector<1x1024xf32>
    %max3A_85 = arith.constant 9.99999996E-13 : f32
    %max3A_86 = vector.broadcast %max3A_85 : f32 to vector<1x1024xf32>
    %max3A_87 = arith.maximumf %sqrt3A_84, %max3A_86 : vector<1x1024xf32>
    %div3A_88 = vector.broadcast %max3A_87 : vector<1x1024xf32> to vector<3x1024xf32>
    %div3A_89 = arith.divf %add3A_79, %div3A_88 : vector<3x1024xf32>
    %mul3A_90 = arith.constant 1.540000e+00 : f32
    %mul3A_91 = vector.broadcast %mul3A_90 : f32 to vector<3x1024xf32>
    %mul3A_92 = arith.mulf %mul3A_91, %div3A_89 : vector<3x1024xf32>
    %add3A_93 = arith.addf %slice3A_2, %mul3A_92 : vector<3x1024xf32>
    %concatenate3A = tpu.concatenate %get3A_1, %add3A_93 in 0 : vector<12x1024xf32>, vector<3x1024xf32> -> vector<15x1024xf32>
    %swap3A = arith.constant 0 : index
    %swap3A_94 = arith.constant 0 : index
    %swap3A_95 = vector.load %arg3[%swap3A, %swap3A_94] : memref<15x1024xf32, #tpu.memory_space<vmem>>, vector<15x1024xf32>
    tpu.vector_store %arg3[%swap3A, %swap3A_94], %concatenate3A {strides = array<i32>} : memref<15x1024xf32, #tpu.memory_space<vmem>>, vector<15x1024xf32>,
    %get3A_96 = arith.constant 0 : index
    %get3A_97 = arith.constant 0 : index
    %get3A_98 = vector.load %arg1[%get3A_96, %get3A_97] : memref<989x64xf32, #tpu.memory_space<vmem>>, vector<925x64xf32>
    %swap3A_99 = arith.constant 0 : index
    %swap3A_100 = arith.constant 0 : index
    %swap3A_101 = vector.load %arg4[%swap3A_99, %swap3A_100] : memref<925x64xf32, #tpu.memory_space<vmem>>, vector<925x64xf32>
    tpu.vector_store %arg4[%swap3A_99, %swap3A_100], %get3A_98 {strides = array<i32>} : memref<925x64xf32, #tpu.memory_space<vmem>>, vector<925x64xf32>,
    %iota3A = tpu.iota {dimensions = array<i32: 0>} : vector<65x64xi32>
    %convert_element_type3A = arith.sitofp %iota3A : vector<65x64xi32> to vector<65x64xf32>
    %sub3A_102 = arith.constant 3.200000e+01 : f32
    %sub3A_103 = vector.broadcast %sub3A_102 : f32 to vector<65x64xf32>
    %sub3A_104 = arith.subf %convert_element_type3A, %sub3A_103 : vector<65x64xf32>
    %iota3A_105 = tpu.iota {dimensions = array<i32: 1>} : vector<65x64xi32>
    %shift_right_arithmetic3A = arith.constant 1 : i32
    %shift_right_arithmetic3A_106 = vector.broadcast %shift_right_arithmetic3A : i32 to vector<65x64xi32>
    %shift_right_arithmetic3A_107 = arith.shrsi %iota3A_105, %shift_right_arithmetic3A_106 : vector<65x64xi32>
    %mul3A_108 = arith.constant 2 : i32
    %mul3A_109 = vector.broadcast %mul3A_108 : i32 to vector<65x64xi32>
    %mul3A_110 = arith.muli %shift_right_arithmetic3A_107, %mul3A_109 : vector<65x64xi32>
    %convert_element_type3A_111 = arith.sitofp %mul3A_110 : vector<65x64xi32> to vector<65x64xf32>
    %mul3A_112 = arith.constant -0.14391157 : f32
    %mul3A_113 = vector.broadcast %mul3A_112 : f32 to vector<65x64xf32>
    %mul3A_114 = arith.mulf %convert_element_type3A_111, %mul3A_113 : vector<65x64xf32>
    %exp3A = math.exp %mul3A_114 : vector<65x64xf32>
    %mul3A_115 = arith.mulf %sub3A_104, %exp3A : vector<65x64xf32>
    %jit3A = arith.constant 2 : i32
    %eq3A = arith.constant 0 : i32
    %eq3A_116 = arith.cmpi eq, %jit3A, %eq3A : i32
    %jit3A_117 = arith.constant 1 : i32
    %select_n3A = arith.select %eq3A_116, %jit3A_117, %jit3A : i32
    %rem3A = vector.broadcast %select_n3A : i32 to vector<65x64xi32>
    %rem3A_118 = arith.remsi %iota3A_105, %rem3A : vector<65x64xi32>
    %ne3A = arith.constant 0 : i32
    %ne3A_119 = vector.broadcast %ne3A : i32 to vector<65x64xi32>
    %ne3A_120 = arith.cmpi ne, %rem3A_118, %ne3A_119 : vector<65x64xi32>
    %lt3A = arith.constant 0 : i32
    %lt3A_121 = vector.broadcast %lt3A : i32 to vector<65x64xi32>
    %lt3A_122 = arith.cmpi slt, %rem3A_118, %lt3A_121 : vector<65x64xi32>
    %lt3A_123 = arith.constant 0 : i32
    %lt3A_124 = arith.cmpi slt, %select_n3A, %lt3A_123 : i32
    %ne3A_125 = vector.broadcast %lt3A_124 : i1 to vector<65x64xi1>
    %ne3A_126 = vector.broadcast %ne3A_125 : vector<65x64xi1> to vector<65x64xi1>
    %ne3A_127 = arith.xori %lt3A_122, %ne3A_126 : vector<65x64xi1>
    %and3A = arith.andi %ne3A_127, %ne3A_120 : vector<65x64xi1>
    %add3A_128 = vector.broadcast %select_n3A : i32 to vector<65x64xi32>
    %add3A_129 = arith.addi %rem3A_118, %add3A_128 : vector<65x64xi32>
    %select_n3A_130 = arith.select %and3A, %add3A_129, %rem3A_118 : vector<65x64xi1>, vector<65x64xi32>
    %eq3A_131 = arith.constant 0 : i32
    %eq3A_132 = vector.broadcast %eq3A_131 : i32 to vector<65x64xi32>
    %eq3A_133 = arith.cmpi eq, %select_n3A_130, %eq3A_132 : vector<65x64xi32>
    %sin3A = math.sin %mul3A_115 : vector<65x64xf32>
    %cos3A = math.cos %mul3A_115 : vector<65x64xf32>
    %select_n3A_134 = arith.select %eq3A_133, %sin3A, %cos3A : vector<65x64xi1>, vector<65x64xf32>
    %get3A_135 = arith.constant 925 : index
    %get3A_136 = arith.constant 0 : index
    %get3A_137 = vector.load %arg1[%get3A_135, %get3A_136] : memref<989x64xf32, #tpu.memory_space<vmem>>, vector<64x64xf32>
    %dot_general3A = arith.constant dense<0.000000e+00> : vector<65x64xf32>
    %dot_general3A_138 = tpu.matmul %select_n3A_134, %get3A_137, %dot_general3A {dimension_numbers = #tpu.dot_dimension_numbers<[1], [0], [0], [1], [0, 0, 1, 1], [], []>, transpose_lhs_hint = false} : vector<65x64xf32>, vector<64x64xf32>, vector<65x64xf32> -> vector<65x64xf32>
    %get3A_139 = arith.constant 0 : index
    %get3A_140 = arith.constant 0 : index
    %get3A_141 = vector.load %arg2[%get3A_139, %get3A_140] : memref<1x64xf32, #tpu.memory_space<vmem>>, vector<1x64xf32>
    %add3A_142 = vector.broadcast %get3A_141 : vector<1x64xf32> to vector<65x64xf32>
    %add3A_143 = arith.addf %dot_general3A_138, %add3A_142 : vector<65x64xf32>
    %swap3A_144 = arith.constant 0 : index
    %swap3A_145 = arith.constant 0 : index
    %swap3A_146 = vector.load %arg5[%swap3A_144, %swap3A_145] : memref<65x64xf32, #tpu.memory_space<vmem>>, vector<65x64xf32>
    tpu.vector_store %arg5[%swap3A_144, %swap3A_145], %add3A_143 {strides = array<i32>} : memref<65x64xf32, #tpu.memory_space<vmem>>, vector<65x64xf32>,
    return
  }
}

</mosaic_0001>

<sc_bundles>
// kernel: kernel.4.cloned.1.call-start
scs
__scs_entry_jumppad:
0x0: {  	(pc) =	sbr.rel $0x88, $3  }
0x1: {  	(tag) =	ssettag $0x0;
	lr =	simm.s32 $0x1  }
0x2: {  	[smem:$0x3F9D] =	sst lr;
	_ =	strace $0xD0000000  }
0x3: {  	_ = 	snop  }
0x4: {  	_ = 	snop  }
0x5: {  	_ = 	snop  }
0x6: {  	_ = 	snop  }
0x7: {  	_ = 	snop  }
__scs_overlays_trampoline_lowered:
0x8: {  	[smem:$0x3FAC] =	sst s0  }
0x9: {  	[smem:$0x3FAD] =	sst s1  }
0xa: {  	[smem:$0x3FAE] =	sst s2  }
0xb: {  	[smem:$0x3FAF] =	sst s3  }
0xc: {  	[smem:$0x3FB0] =	sst s4  }
0xd: {  	[smem:$0x3FB1] =	sst s5  }
0xe: {  	[smem:$0x3FB2] =	sst s6  }
0xf: {  	[smem:$0x3FB3] =	sst s7  }
0x10: {  	[smem:$0x3FB4] =	sst s8  }
0x11: {  	[smem:$0x3FB5] =	sst s9;
	s0 =	simm.s32 @!p0 $0x0  }
0x12: {  	s1 =	sld [smem:$0x3F9B];
	s0 =	simm.s32 @p0 $0x1  }
0x13: {  	[smem:$0x3FB6] =	sst s0;
	s0 =	simm.s32 @!p1 $0x0  }
0x14: {  	s2 =	sld [smem:$0x3F9A];
	s0 =	simm.s32 @p1 $0x1  }
0x15: {  	[smem:$0x3FB7] =	sst s0;
	s0 =	simm.s32 @!p2 $0x0  }
0x16: {  	s3 =	sld [smem:$0x3FDB];
	s0 =	simm.s32 @p2 $0x1  }
0x17: {  	s4 =	simm.s32 $0x1BF5;
	[smem:$0x3FB9] =	sst s0  }
0x18: {  	s0 =	sld [smem:$0x3F9C];
	_ =	swait.ge [sflag:s4], $0x0  }
0x19: {  	s7 =	sld [smem:$0x3F9D]  }
0x1a: {  	s8 =	sadd.s32 $0xFFFFE003, lr  }
0x1b: {  	s9 =	sadd.s32 $0xFFFFFEF7, lr;
	s5 =	simm.s32 $0xFFFFFFFF;
	p2 =	slt.u32 s8, $0xFFFFF086  }
0x1c: {  	p1 =	slt.u32 s9, $0xF7A;
	s5 =	simm.s32 @!p2 $0x0  }
0x1d: {  	s5 =	simm.s32 @p1 $0x1;
	p0 =	seq.s32 s7, s2  }
0x1e: {  	s7 =	smul.u32 @!p0 $0xF7A, s2;
	p2 =	seq.s32 @!p0 s5, $0x0  }
0x1f: {  	s9 =	smul.u32 $0xF7A, s1;
	s8 =	simm.s32 @!p0 $0x1BF5;
	p2 =	por !p2, p0  }
0x20: {  	[sflag:s8] =	ssyncset.s32 @!p0 $0xFFFFF086;
	s6 =	sadd.s32 @!p0 s3, s7;
	s7 =	simm.s32 @!p0 $0x108  }
0x21: {  	s3 =	sadd.s32 s3, s9;
	s6 =	sadd.s32 @!p0 $0x88, s6;
	s7 =	simm.s32 @p2 $0x1082  }
0x22: {  	[simem:s7], [sflag:s8] =	dma.local @!p0 [hbm:s6], $0xF7A  }
0x23: {  	s9 =	sor.u32 $0xD0000000, s2;
	s6 =	simm.s32 $0x108;
	_ =	swait.ge @!p0 [sflag:s8], $0x0  }
0x24: {  	s3 =	sadd.s32 $0x88, s3;
	s6 =	simm.s32 @!p1 $0x1082;
	[sflag:s4] =	ssyncset.s32 $0xFFFFF086  }
0x25: {  	[simem:s6], [sflag:s4] =	dma.local [hbm:s3], $0xF7A  }
0x26: {  	[smem:$0x3F9D] =	sst s1;
	(tag) =	ssettag s2;
	_ =	strace s9  }
0x27: {  	s1 =	sld [smem:$0x3FAD]  }
0x28: {  	s2 =	sld [smem:$0x3FAE]  }
0x29: {  	s4 =	sld [smem:$0x3FB0]  }
0x2a: {  	p0 =	seq.s32 s5, $0x0;
	s5 =	sld [smem:$0x3FB1]  }
0x2b: {  	s6 =	sld [smem:$0x3FB2]  }
0x2c: {  	s7 =	sld [smem:$0x3FB3]  }
0x2d: {  	s3 =	simm.s32 $0x108;
	s8 =	sld [smem:$0x3FB4]  }
0x2e: {  	s3 =	simm.s32 @!p0 $0x1082;
	s9 =	sld [smem:$0x3FB5]  }
0x2f: {  	lr =	sadd.s32 s0, s3;
	s0 =	sld [smem:$0x3FAC]  }
0x30: {  	s3 =	sld [smem:$0x3FAF]  }
0x31: {  	[smem:$0x3FB8] =	sst s10  }
0x32: {  	s10 =	sld [smem:$0x3FB6];
	_ =	sdelay $0x3  }
0x33: {  	p0 =	seq.s32 s10, $0x1;
	s10 =	sld [smem:$0x3FB8];
	_ =	sdelay $0x3  }
0x34: {  	[smem:$0x3FB8] =	sst s10  }
0x35: {  	s10 =	sld [smem:$0x3FB7];
	_ =	sdelay $0x3  }
0x36: {  	p1 =	seq.s32 s10, $0x1;
	s10 =	sld [smem:$0x3FB8];
	_ =	sdelay $0x3  }
0x37: {  	[smem:$0x3FB8] =	sst s10  }
0x38: {  	s10 =	sld [smem:$0x3FB9]  }
0x39: {  	_ = 	snop;
	(pc) =	sbr.ind lr, $3  }
0x3a: {  	_ = 	snop  }
0x3b: {  	_ = 	snop  }
0x3c: {  	p2 =	seq.s32 s10, $0x1;
	s10 =	sld [smem:$0x3FB8]  }
0x3d: {  	_ =	shalt  }
0x3e: {  	_ =	shalt  }
0x3f: {  	_ =	shalt  }
0x40: {  	_ =	shalt  }
0x41: {  	_ =	shalt  }
0x42: {  	_ =	shalt  }
0x43: {  	_ =	shalt  }
0x44: {  	_ =	shalt  }
0x45: {  	_ =	shalt  }
0x46: {  	_ =	shalt  }
0x47: {  	_ =	shalt  }
0x48: {  	_ =	shalt  }
0x49: {  	_ =	shalt  }
0x4a: {  	_ =	shalt  }
0x4b: {  	_ =	shalt  }
0x4c: {  	_ =	shalt  }
0x4d: {  	_ =	shalt  }
0x4e: {  	_ =	shalt  }
0x4f: {  	_ =	shalt  }
0x50: {  	_ =	shalt  }
0x51: {  	_ =	shalt  }
0x52: {  	_ =	shalt  }
0x53: {  	_ =	shalt  }
0x54: {  	_ =	shalt  }
0x55: {  	_ =	shalt  }
0x56: {  	_ =	shalt  }
0x57: {  	_ =	shalt  }
0x58: {  	_ =	shalt  }
0x59: {  	_ =	shalt  }
0x5a: {  	_ =	shalt  }
0x5b: {  	_ =	shalt  }
0x5c: {  	_ =	shalt  }
0x5d: {  	_ =	shalt  }
0x5e: {  	_ =	shalt  }
0x5f: {  	_ =	shalt  }
0x60: {  	_ =	shalt  }
0x61: {  	_ =	shalt  }
0x62: {  	_ =	shalt  }
0x63: {  	_ =	shalt  }
0x64: {  	_ =	shalt  }
0x65: {  	_ =	shalt  }
0x66: {  	_ =	shalt  }
0x67: {  	_ =	shalt  }
0x68: {  	_ =	shalt  }
0x69: {  	_ =	shalt  }
0x6a: {  	_ =	shalt  }
0x6b: {  	_ =	shalt  }
0x6c: {  	_ =	shalt  }
0x6d: {  	_ =	shalt  }
0x6e: {  	_ =	shalt  }
0x6f: {  	_ =	shalt  }
0x70: {  	_ =	shalt  }
0x71: {  	_ =	shalt  }
0x72: {  	_ =	shalt  }
0x73: {  	_ =	shalt  }
0x74: {  	_ =	shalt  }
0x75: {  	_ =	shalt  }
0x76: {  	_ =	shalt  }
0x77: {  	_ =	shalt  }
0x78: {  	_ =	shalt  }
0x79: {  	_ =	shalt  }
0x7a: {  	_ =	shalt  }
0x7b: {  	_ =	shalt  }
0x7c: {  	_ =	shalt  }
0x7d: {  	_ =	shalt  }
0x7e: {  	_ =	shalt  }
0x7f: {  	_ =	shalt  }
0x80: {  	_ =	shalt  }
0x81: {  	_ =	shalt  }
0x82: {  	_ =	shalt  }
0x83: {  	_ =	shalt  }
0x84: {  	_ =	shalt  }
0x85: {  	_ =	shalt  }
0x86: {  	_ =	shalt  }
0x87: {  	_ =	shalt  }
.Lfunc_end0:
.L_simem_size_0:
called_computation_lowered:
.L_overlay_start_0:
0x88: {  	s2 =	sld [smem:$0x3FD9]  }
0x89: {  	s3 =	sld [smem:$0x3FFE];
	_ =	sdelay $0x1  }
0x8a: {  	s1 =	srdreg.scid  }
0x8b: {  	s0 =	sand.u32 $0x1, s1  }
0x8c: {  	s17 =	sshll.u32 s0, $0xA;
	s2 =	sadd.s32 s3, s2  }
0x8d: {  	s2 =	sadd.s32 s2, s17  }
0x8e: {  	[smem:$0x3FC4] =	sst s2  }
0x8f: {  	_ = 	snop  }
0x90: {  	s2 =	sld [smem:$0x3FD0];
	(tm) =	ssettm $0x1  }
0x91: {  	s18 =	sld [smem:$0x3FFB];
	_ =	sdelay $0x3  }
0x92: {  	_ =	strace s18  }
0x93: {  	s3 =	sld [smem:$0x3FFC];
	_ =	sdelay $0x3  }
0x94: {  	_ =	strace s3  }
0x95: {  	s3 =	sld [smem:$0x3FFD];
	_ =	sdelay $0x3  }
0x96: {  	_ =	strace s3  }
0x97: {  	_ =	strace $0x8FFFFFFF  }
0x98: {  	s19 =	sld [smem:$0x3FDB];
	_ =	sdelay $0x1  }
0x99: {  	s4 =	simm.s32 $_scs_section_size  }
0x9a: {  	s5 =	simm.s32 $_size__tile_overlayer_lowered;
	s6 =	simm.s32 $_tile_overlayer_lowered  }
0x9b: {  	s22 =	simm.s32 $0x1BFF;
	s21 =	sshll.u32 s6, $0x1;
	s3 =	sadd.s32 s4, s19  }
0x9c: {  	s7 =	simm.s32 $0x0;
	s20 =	sshll.u32 s5, $0x1;
	s5 =	sadd.s32 s21, s3  }
0x9d: {  	[timem:s7], [sflag:s22] =	dma.local [hbm:s5], s20  }
0x9e: {  	_ =	swait.ge [sflag:s22], s20  }
0x9f: {  	s4 =	ssub.s32 $0x0, s20;
	[sflag:s22] =	ssyncset.done $0x0  }
0xa0: {  	[sflag:s22] =	ssyncadd.s32 s4;
	_ =	sdelay $0x1  }
0xa1: {  	s23 =	simm.s32 $0x1B8B  }
0xa2: {  	_ =	swait.ge [sflag:s23], $0x1  }
0xa3: {  	[sflag:s23] =	ssyncset.done $0x0  }
0xa4: {  	s25 =	simm.s32 $0x1B8E;
	s24 =	sld [smem:$0x3FFE];
	[sflag:s23] =	ssyncadd.s32 $0xFFFFFFFF  }
0xa5: {  	s26 =	simm.s32 $execute0_lowered;
	[smem:$0x3FD2] =	sst s25  }
0xa6: {  	s5 =	sshll.u32 s26, $0x1;
	_ =	strace $0x80000046;
	[dreg:$0x1] =	wrdreg $0xFFFFFFFF  }
0xa7: {  	s28 =	simm.s32 $_size_execute0_lowered;
	s3 =	sadd.s32 s3, s5;
	[dreg:$0x0] =	wrdreg $0x0  }
0xa8: {  	s5 =	sshll.u32 s28, $0x1;
	[dreg:$0x2] =	wrdreg s3  }
0xa9: {  	[dreg:$0x3] =	wrdreg s5  }
0xaa: {  	[dreg:$0x4] =	wrdreg $0xC0  }
0xab: {  	_ =	task [dreg:s7], $0x5FFFF  }
0xac: {  	[dreg:$0x1] =	wrdreg $0xFFFFFFFF  }
0xad: {  	[dreg:$0x0] =	wrdreg $0x60  }
0xae: {  	[dreg:$0x2] =	wrdreg s24  }
0xaf: {  	[dreg:$0x3] =	wrdreg s2  }
0xb0: {  	[dreg:$0x4] =	wrdreg $0x9  }
0xb1: {  	_ =	task.clear_ibuf [dreg:s7], $0x5FFFF;
	_ =	strace $0x90000046  }
0xb2: {  	s29 =	simm.s32 $0x9;
	_ =	strace $0x80000048  }
0xb3: {  	_ =	swait.ge [sflag:s29], $0x1  }
0xb4: {  	[sflag:s29] =	ssyncadd.s32 $0xFFFFFFFF  }
0xb5: {  	_ =	strace $0x90000048  }
0xb6: {  	_ =	sfence  }
0xb7: {  	s30 =	sld [smem:$0x0];
	_ =	sdelay $0x2  }
0xb8: {  	s31 =	sshll.u32 s1, $0xD;
	s1 =	sshrl.u32 s1, $0x2  }
0xb9: {  	s3 =	sand.u32 $0x4000, s31;
	s1 =	sadd.s32 s1, s30  }
0xba: {  	s0 =	sor.u32 s3, s0;
	s1 =	sshll.u32 s1, $0x11  }
0xbb: {  	s0 =	sor.u32 s1, s0  }
0xbc: {  	s0 =	sadd.s32 $0x8F2B, s0  }
0xbd: {  	[sflag:s0] =	ssyncadd.remote.s32 $0x1  }
0xbe: {  	_ =	sfence.sel $0xFFFF  }
0xbf: {  	[dreg:$0x0] =	wrdreg $0xFFFFFFFF;
	(pc) =	sbr.abs _section_cstart, $3  }
0xc0: {  	[dreg:$0x1] =	wrdreg $0xFFFFFFFF  }
0xc1: {  	_ =	task.clear_ibuf [dreg:s7], $0x2FFFF;
	_ =	strace $0x9FFFFFFF  }
0xc2: {  	(tm) =	ssettm $0x7FFFFFFF  }
0xc3: {  	_ =	shalt  }
tec
execute0_lowered:
.L_overlay_start_1:
0x0: {  	(tag) =	ssettag $0x1  }
0x1: {  	s0 =	stileid.u32  }
0x2: {  	v0 =	vlaneseq.u32;
	s1 =	sshll.u32 s0, $0x6  }
0x3: {  	v0 =	vmul.u32 $0x21, v0;
	s2 =	sand.u32 $0x200, s1  }
0x4: {  	v1 =	vmov s2  }
0x5: {  	[tilespmem:$0x1FF00] =	vst v1;
	v1 =	vadd.s32 $0x1, v0  }
0x6: {  	[tilespmem:$0x1FF10] =	vst v1;
	v1 =	vadd.s32 $0x2, v0  }
0x7: {  	s7 =	rddreg [dreg:$0x0];
	[tilespmem:$0x1FF20] =	vst v1;
	v1 =	vadd.s32 $0x3, v0  }
0x8: {  	s8 =	rddreg [dreg:$0x1];
	s3 =	simm.s32 $0x0;
	[tilespmem:$0x1FF30] =	vst v1;
	v1 =	vadd.s32 $0x4, v0  }
0x9: {  	[smem:$0x7FF] =	sst s3;
	[tilespmem:$0x1FF40] =	vst v1;
	v1 =	vadd.s32 $0x5, v0  }
0xa: {  	s1 =	rddreg [dreg:$0x2];
	_ =	strace $0x80000047;
	[tilespmem:$0x1FF50] =	vst v1;
	v1 =	vadd.s32 $0x6, v0  }
0xb: {  	[tilespmem:$0x1FF60] =	vst v1;
	v1 =	vadd.s32 $0x7, v0  }
0xc: {  	[tilespmem:$0x1FF70] =	vst v1;
	v1 =	vadd.s32 $0x8, v0  }
0xd: {  	s4 =	srdreg.scid;
	[tilespmem:$0x1FF80] =	vst v1;
	v1 =	vadd.s32 $0x9, v0  }
0xe: {  	s12 =	simm.s32 $0xB880;
	s13 =	simm.s32 $0xFC80;
	s14 =	simm.s32 $0xBC80;
	[tilespmem:$0x1FF90] =	vst v1;
	v1 =	vadd.s32 $0xA, v0  }
0xf: {  	s15 =	simm.s32 $0x0;
	s6 =	sand.u32 $0x1, s4;
	s5 =	sshll.u32 s0, $0xB;
	[tilespmem:$0x1FFA0] =	vst v1;
	v1 =	vadd.s32 $0xB, v0  }
0x10: {  	v2 =	vimm.s32 $0x0;
	s4 =	sadd.s32 $0x600, s7;
	s9 =	sshll.u32 s6, $0xA;
	s30 =	ssub.s32 $0x2, s6;
	v18 =	vadd.s32 $0x10, v0;
	[tilespmem:$0x1FFB0] =	vst v1;
	v1 =	vadd.s32 $0xC, v0  }
0x11: {  	s6 =	sadd.s32 $0x1E00, s7;
	s5 =	sor.u32 s9, s5;
	s11 =	sshrl.u32 s30, $0x1;
	v19 =	vadd.s32 $0x11, v0;
	v20 =	vadd.s32 $0x12, v0;
	[tilespmem:$0x1FFC0] =	vst v1;
	v1 =	vadd.s32 $0xD, v0  }
0x12: {  	v21 =	vadd.s32 $0x13, v0;
	v22 =	vadd.s32 $0x14, v0;
	s10 =	sshrl.u32 s5, $0x3;
	s9 =	ssub.s32 s30, s11;
	s31 =	sshll.u32 s5, $0x3;
	[tilespmem:$0x1FFD0] =	vst v1;
	v1 =	vadd.s32 $0xE, v0  }
0x13: {  	v23 =	vadd.s32 $0x15, v0;
	v24 =	vadd.s32 $0x16, v0;
	s11 =	simm.s32 $0x3C80;
	s7 =	sadd.s32 s10, s7;
	s8 =	sadd.s32 s8, s31;
	[tilespmem:$0x1FFE0] =	vst v1;
	v1 =	vadd.s32 $0xF, v0  }
0x14: {  	v25 =	vadd.s32 $0x17, v0;
	v26 =	vadd.s32 $0x18, v0;
	v17 =	vmovc v0;
	v27 =	vadd.s32 $0x19, v0;
	s9 =	smax.u32 s9, $0x1;
	s10 =	simm.s32 $0x1;
	s7 =	sadd.s32 $0xE00, s7;
	[tilespmem:$0x1FFF0] =	vst v1  }
.LBB2_1:
0x15: {  	[tilespmem:s3], [sflag:$0x1] =	stream.linear.gather [hbm4b:s4+s3], $0x3C00, $0x38;
	[tilespmem:$0xFF00] =	vst v63  }
0x16: {  	_ =	swait.ge [sflag:s10], $0x3C00  }
0x17: {  	[sflag:s10] =	ssyncset.done $0x0  }
0x18: {  	[sflag:s10] =	ssyncadd.s32 $0xFFFFC400  }
0x19: {  	[tilespmem:s11], [sflag:$0x1] =	stream.linear.gather [hbm4b:s6+s3], $0x7C00, $0x38;
	[tilespmem:$0xFF00] =	vst v63  }
0x1a: {  	_ =	swait.ge [sflag:s10], $0x7C00  }
0x1b: {  	[sflag:s10] =	ssyncset.done $0x0  }
0x1c: {  	[sflag:s10] =	ssyncadd.s32 $0xFFFF8400  }
0x1d: {  	[tilespmem:s12], [sflag:$0x1] =	stream.linear.gather [hbm4b:s7+s3], $0x400, $0x38;
	[tilespmem:$0xFF00] =	vst v63  }
0x1e: {  	_ =	swait.ge [sflag:s10], $0x400  }
0x1f: {  	s16 =	simm.s32 $0x10;
	[sflag:s10] =	ssyncset.done $0x0  }
0x20: {  	s17 =	simm.s32 $0x0;
	s18 =	simm.s32 $0x0;
	[sflag:s10] =	ssyncadd.s32 $0xFFFFFC00  }
.LBB2_2:
0x21: {  	s19 =	sshll.u32 s18, $0x4;
	s20 =	smov.u32 s17  }
.LBB2_3:
0x22: {  	s21 =	sshll.u32 s19, $0x4;
	v0 =	vld [tilespmem:$0x1FF00]  }
0x23: {  	v28 =	vld [tilespmem:s21+$0xB880];
	_ =	sdelay $0x3  }
0x24: {  	s21 =	sadd.s32 s5, s21  }
0x25: {  	s22 =	sshrl.u32 s21, $0x5;
	v29 =	vadd.s32 v0, v28  }
0x26: {  	s21 =	sand.u32 $0x180, s22;
	v31 =	vand.u32 $0x7F, v28;
	v30 =	vand.u32 $0xFFFFFF80, v29  }
0x27: {  	s23 =	sand.u32 $0x7F, s22;
	s21 =	sadd.s32 s21, s2;
	v30 =	vor.u32 v31, v30  }
0x28: {  	s23 =	sadd.s32 s23, s21;
	v31 =	vadd.s32 $0x400, v30  }
0x29: {  	v40 =	vld.msk [tilespmem:s23+$0x0 ss:$0x0], $0xffff;
	v32 =	vadd.s32 $0x800, v30  }
0x2a: {  	s21 =	simm.s32 $0x0;
	v47 =	vld.msk [tilespmem:s23+$0x400 ss:$0x0], $0xffff  }
0x2b: {  	v45 =	vld.idx.msk [tilespmem:v29+s21+$0x0], $0xffff  }
0x2c: {  	v29 =	vld.msk [tilespmem:s23+$0x800 ss:$0x0], $0xffff  }
0x2d: {  	v49 =	vadd.s32 $0x1000, v30;
	v46 =	vld.idx.msk [tilespmem:v31+s21+$0x0], $0xffff  }
0x2e: {  	v48 =	vadd.s32 $0xC00, v30;
	v44 =	vld.idx.msk [tilespmem:v32+s21+$0x0], $0xffff;
	_ =	sdelay $0x1  }
0x2f: {  	v35 =	vadd.s32 $0x1400, v30;
	_ =	sdelay $0x1  }
0x30: {  	v39 =	vld.idx.msk [tilespmem:v49+s21+$0x0], $0xffff;
	v33 =	vsub.f32 v40, v45;
	v34 =	vsub.f32 v47, v46  }
0x31: {  	v38 =	vld.idx.msk [tilespmem:v48+s21+$0x0], $0xffff;
	v36 =	vsub.f32 v29, v44  }
0x32: {  	v33 =	vmul.f32 v33, v33;
	v34 =	vmul.f32 v34, v34  }
0x33: {  	v51 =	vmul.f32 v36, v36;
	v36 =	vld.idx.msk [tilespmem:v35+s21+$0x0], $0xffff  }
0x34: {  	v50 =	vadd.f32 v34, v33  }
0x35: {  	v52 =	vadd.s32 $0x1800, v30;
	v55 =	vsub.f32 v47, v39  }
0x36: {  	v53 =	vadd.s32 $0x1C00, v30;
	v54 =	vsub.f32 v40, v38;
	v31 =	vadd.f32 v51, v50  }
0x37: {  	v41 =	vadd.s32 $0x2000, v30;
	v43 =	vmul.f32 v55, v55  }
0x38: {  	v34 =	vmul.f32 v54, v54;
	v37 =	vsub.f32 v29, v36;
	v48 =	vmax.f32 v31, $1.000000000e+00  }
0x39: {  	v31 =	vshra.s32 v48, $0x1;
	v42 =	vmul.f32 $5.000000000e-01, v48  }
0x3a: {  	v35 =	vld.idx.msk [tilespmem:v52+s21+$0x0], $0xffff;
	v56 =	vadd.f32 v43, v34;
	v57 =	vmul.f32 v37, v37;
	v31 =	vsub.s32 $0x5F3759DF, v31  }
0x3b: {  	v37 =	vld.idx.msk [tilespmem:v53+s21+$0x0], $0xffff;
	v49 =	vmul.f32 v31, v42  }
0x3c: {  	v34 =	vadd.f32 v57, v56  }
0x3d: {  	v32 =	vld.idx.msk [tilespmem:v41+s21+$0x0], $0xffff;
	v58 =	vmul.f32 v31, v49  }
0x3e: {  	v59 =	vadd.s32 $0x2400, v30;
	v55 =	vadd.s32 $0x2C00, v30;
	v50 =	vmax.f32 v34, $1.000000000e+00  }
0x3f: {  	v61 =	vshra.s32 v50, $0x1;
	v49 =	vmul.f32 $5.000000000e-01, v50;
	v33 =	vsub.f32 $1.500000000e+00, v58  }
0x40: {  	v63 =	vsub.f32 v40, v35;
	v4 =	vsub.f32 v47, v37;
	v62 =	vsub.s32 $0x5F3759DF, v61  }
0x41: {  	v51 =	vadd.s32 $0x2800, v30;
	v53 =	vmul.f32 v62, v49;
	v60 =	vmul.f32 v31, v33  }
0x42: {  	v54 =	vsub.f32 v29, v32;
	v31 =	vmul.f32 v63, v63;
	v33 =	vmul.f32 v4, v4  }
0x43: {  	v53 =	vmul.f32 v62, v53  }
0x44: {  	v54 =	vmul.f32 v54, v54;
	v52 =	vmul.f32 v60, v42;
	v33 =	vadd.f32 v33, v31  }
0x45: {  	v31 =	vld.idx.msk [tilespmem:v59+s21+$0x0], $0xffff;
	v53 =	vsub.f32 $1.500000000e+00, v53  }
0x46: {  	v52 =	vmul.f32 v52, v60;
	v6 =	vadd.f32 v54, v33;
	v33 =	vld.idx.msk [tilespmem:v51+s21+$0x0], $0xffff  }
0x47: {  	v10 =	vadd.s32 $0x3000, v30;
	v56 =	vadd.s32 $0x3400, v30;
	v34 =	vld.idx.msk [tilespmem:v55+s21+$0x0], $0xffff;
	v43 =	vmul.f32 v62, v53  }
0x48: {  	v30 =	vadd.s32 $0x3800, v30;
	v5 =	vsub.f32 $1.500000000e+00, v52;
	v52 =	vmax.f32 v6, $1.000000000e+00  }
0x49: {  	v8 =	vmul.f32 v43, v49;
	v9 =	vshra.s32 v52, $0x1;
	v54 =	vmul.f32 $5.000000000e-01, v52  }
0x4a: {  	v58 =	vsub.f32 v40, v31;
	v7 =	vmul.f32 v5, v60;
	v53 =	vsub.s32 $0x5F3759DF, v9  }
0x4b: {  	v41 =	vmul.f32 v8, v43;
	v57 =	vmul.f32 v53, v54;
	v59 =	vsub.f32 v47, v33  }
0x4c: {  	v61 =	vsub.f32 v29, v34;
	v58 =	vmul.f32 v58, v58;
	v42 =	vmul.f32 v7, v42  }
0x4d: {  	v60 =	vsub.f32 $1.500000000e+00, v41;
	v57 =	vmul.f32 v53, v57;
	v59 =	vmul.f32 v59, v59;
	v41 =	vld.idx.msk [tilespmem:v10+s21+$0x0], $0xffff  }
0x4e: {  	v14 =	vmul.f32 v61, v61;
	v42 =	vmul.f32 v42, v7  }
0x4f: {  	v60 =	vmul.f32 v60, v43;
	v12 =	vsub.f32 $1.500000000e+00, v57;
	v13 =	vadd.f32 v59, v58;
	v43 =	vld.idx.msk [tilespmem:v30+s21+$0x0], $0xffff  }
0x50: {  	v11 =	vsub.f32 $1.500000000e+00, v42;
	v42 =	vld.idx.msk [tilespmem:v56+s21+$0x0], $0xffff  }
0x51: {  	v61 =	vmul.f32 v60, v49;
	v62 =	vmul.f32 v53, v12;
	v63 =	vadd.f32 v14, v13  }
0x52: {  	v51 =	vmul.f32 v11, v7;
	v40 =	vsub.f32 v40, v41  }
0x53: {  	v30 =	vmul.f32 v61, v60;
	v4 =	vmul.f32 v62, v54;
	v53 =	vmax.f32 v63, $1.000000000e+00  }
0x54: {  	v49 =	vld.msk [tilespmem:s23+$0x1400 ss:$0x0], $0xffff;
	v48 =	vmul.f32 v51, v48;
	v5 =	vshra.s32 v53, $0x1;
	v56 =	vmul.f32 $5.000000000e-01, v53  }
0x55: {  	v29 =	vsub.f32 v29, v43;
	v40 =	vmul.f32 v40, v40;
	v47 =	vsub.f32 v47, v42  }
0x56: {  	s24 =	sor.u32 $0x1000, s23;
	v51 =	vmul.f32 v4, v62;
	v55 =	vsub.s32 $0x5F3759DF, v5;
	v30 =	vsub.f32 $1.500000000e+00, v30  }
0x57: {  	v7 =	vadd.f32 v48, v48;
	v8 =	vmul.f32 v55, v56;
	v29 =	vmul.f32 v29, v29;
	v48 =	vld.msk [tilespmem:s24+$0x0 ss:$0x0], $0xffff  }
0x58: {  	v6 =	vmul.f32 v47, v47;
	v51 =	vsub.f32 $1.500000000e+00, v51;
	v30 =	vmul.f32 v30, v60  }
0x59: {  	v63 =	vsub.f32 v49, v44;
	v47 =	vld.msk [tilespmem:s23+$0xC00 ss:$0x0], $0xffff;
	v9 =	vadd.f32 $-4.000000000e+00, v7;
	v10 =	vmul.f32 v55, v8  }
0x5a: {  	v40 =	vadd.f32 v6, v40;
	v51 =	vmul.f32 v51, v62;
	v30 =	vmul.f32 v30, v50  }
0x5b: {  	v6 =	vmul.f32 v63, v63;
	v11 =	vtrunc.f32 v9;
	v58 =	vsub.f32 $1.500000000e+00, v10  }
0x5c: {  	v29 =	vadd.f32 v29, v40;
	v12 =	vmul.f32 v51, v54;
	v4 =	vsub.f32 v48, v46  }
0x5d: {  	v30 =	vadd.f32 v30, v30;
	v7 =	vcvt.f32.s32 v11;
	vm0 =	vgt.f32 v9, v11  }
0x5e: {  	v14 =	vsub.f32 v47, v45;
	v54 =	vmax.f32 v29, $1.000000000e+00;
	v29 =	vmul.f32 v55, v58  }
0x5f: {  	v60 =	vmul.f32 v4, v4;
	v30 =	vadd.f32 $-4.000000000e+00, v30;
	v50 =	vmul.f32 v12, v51  }
0x60: {  	v13 =	vshra.s32 v54, $0x1;
	v58 =	vmul.f32 $5.000000000e-01, v54;
	v59 =	vmul.f32 v14, v14  }
0x61: {  	v55 =	vsub.s32 $0x5F3759DF, v13;
	v5 =	vmul.f32 v29, v56;
	v50 =	vsub.f32 $1.500000000e+00, v50  }
0x62: {  	v11 =	vtrunc.f32 v30;
	v62 =	vmul.f32 v55, v58;
	v59 =	vadd.f32 v60, v59  }
0x63: {  	v4 =	vcvt.f32.s32 v11;
	vm15 =	vgt.f32 v30, v11;
	v61 =	vmul.f32 v5, v29  }
0x64: {  	v11 =	vsub.f32 v48, v39;
	v50 =	vmul.f32 v50, v51;
	v62 =	vmul.f32 v55, v62  }
0x65: {  	v10 =	vsel vm0, $0x1, v2;
	v9 =	vadd.f32 v6, v59;
	v8 =	vsub.f32 $1.500000000e+00, v61  }
0x66: {  	v63 =	vmul.f32 v11, v11;
	v50 =	vmul.f32 v50, v52;
	v62 =	vsub.f32 $1.500000000e+00, v62  }
0x67: {  	v51 =	vmax.f32 v9, $1.000000000e+00;
	v9 =	vsel vm15, $0x1, v2;
	v40 =	vmul.f32 v8, v29  }
0x68: {  	v29 =	vshra.s32 v51, $0x1;
	v61 =	vmul.f32 $5.000000000e-01, v51;
	v5 =	vadd.f32 v50, v50  }
0x69: {  	v30 =	vadd.s32 v4, v9;
	v55 =	vmul.f32 v55, v62;
	v13 =	vmul.f32 v40, v56  }
0x6a: {  	v56 =	vsub.s32 $0x5F3759DF, v29;
	v29 =	vadd.s32 v7, v10;
	v10 =	vsub.f32 v47, v38  }
0x6b: {  	v9 =	vsub.f32 v49, v32;
	v12 =	vmul.f32 v55, v58;
	v14 =	vmul.f32 v56, v61  }
0x6c: {  	v0 =	vadd.f32 $-4.000000000e+00, v5;
	v6 =	vmul.f32 v13, v40;
	v60 =	vmul.f32 v10, v10  }
0x6d: {  	v13 =	vsub.f32 v49, v36;
	v57 =	vmul.f32 v12, v55;
	v8 =	vmul.f32 v56, v14  }
0x6e: {  	v62 =	vtrunc.f32 v0;
	v50 =	vsub.f32 $1.500000000e+00, v6;
	v60 =	vadd.f32 v63, v60  }
0x6f: {  	v7 =	vsub.f32 $1.500000000e+00, v57;
	v12 =	vsub.f32 $1.500000000e+00, v8;
	v57 =	vmul.f32 v13, v13  }
0x70: {  	vm4 =	vgt.f32 v0, v62;
	v8 =	vsub.f32 v48, v37;
	v40 =	vmul.f32 v50, v40  }
0x71: {  	v52 =	vmul.f32 v7, v55;
	v55 =	vmul.f32 v56, v12;
	v56 =	vadd.f32 v57, v60  }
0x72: {  	v7 =	vsub.f32 v47, v35;
	v59 =	vmul.f32 v8, v8;
	v40 =	vmul.f32 v40, v53  }
0x73: {  	v13 =	vsel vm4, $0x1, v2;
	v14 =	vmul.f32 v52, v58;
	v63 =	vmul.f32 v55, v61  }
0x74: {  	v12 =	vmul.f32 v9, v9;
	v56 =	vmax.f32 v56, $1.000000000e+00;
	v58 =	vmul.f32 v7, v7  }
0x75: {  	v0 =	vadd.f32 v40, v40;
	v50 =	vmul.f32 v14, v52;
	v5 =	vmul.f32 v63, v55  }
0x76: {  	v6 =	vshra.s32 v56, $0x1;
	v60 =	vmul.f32 $5.000000000e-01, v56;
	v11 =	vadd.f32 v59, v58  }
0x77: {  	v53 =	vsub.s32 $0x5F3759DF, v6;
	v4 =	vsub.f32 $1.500000000e+00, v50;
	v50 =	vsub.f32 $1.500000000e+00, v5  }
0x78: {  	v57 =	vcvt.f32.s32 v62;
	v0 =	vadd.f32 $-4.000000000e+00, v0;
	v10 =	vmul.f32 v53, v60  }
0x79: {  	v40 =	vmul.f32 v4, v52;
	v50 =	vmul.f32 v50, v55;
	v55 =	vadd.f32 v12, v11  }
0x7a: {  	v52 =	vmul.f32 v53, v10;
	v10 =	vsub.f32 v47, v31;
	v11 =	vsub.f32 v48, v33  }
0x7b: {  	v14 =	vtrunc.f32 v0;
	v4 =	vsub.f32 v49, v34;
	v47 =	vsub.f32 v47, v41  }
0x7c: {  	vm5 =	vgt.f32 v0, v14;
	v48 =	vsub.f32 v48, v42;
	v49 =	vsub.f32 v49, v43  }
0x7d: {  	v54 =	vmul.f32 v40, v54;
	v61 =	vmul.f32 v50, v61;
	v40 =	vadd.s32 v57, v13  }
0x7e: {  	v57 =	vcvt.f32.s32 v14;
	v52 =	vsub.f32 $1.500000000e+00, v52;
	v63 =	vmul.f32 v11, v11  }
0x7f: {  	v55 =	vmax.f32 v55, $1.000000000e+00;
	v4 =	vmul.f32 v4, v4;
	v47 =	vmul.f32 v47, v47  }
0x80: {  	v48 =	vmul.f32 v48, v48;
	v9 =	vshra.s32 v55, $0x1;
	v59 =	vmul.f32 $5.000000000e-01, v55  }
0x81: {  	v8 =	vmul.f32 v61, v50;
	v52 =	vmul.f32 v53, v52;
	v53 =	vsub.s32 $0x5F3759DF, v9  }
0x82: {  	v14 =	vsel vm5, $0x1, v2;
	v61 =	vmul.f32 v10, v10;
	v3 =	vmul.f32 v53, v59  }
0x83: {  	v49 =	vmul.f32 v49, v49;
	v54 =	vadd.f32 v54, v54;
	v58 =	vsub.f32 $1.500000000e+00, v8  }
0x84: {  	v1 =	vmul.f32 v52, v60;
	v12 =	vadd.f32 v63, v61;
	v3 =	vmul.f32 v53, v3  }
0x85: {  	v48 =	vadd.f32 v48, v47;
	v54 =	vadd.f32 $-4.000000000e+00, v54;
	v50 =	vmul.f32 v58, v50  }
0x86: {  	v1 =	vmul.f32 v1, v52;
	v4 =	vadd.f32 v4, v12;
	v3 =	vsub.f32 $1.500000000e+00, v3  }
0x87: {  	v47 =	vadd.s32 v57, v14;
	v13 =	vtrunc.f32 v54;
	v0 =	vmul.f32 v50, v51  }
0x88: {  	v1 =	vsub.f32 $1.500000000e+00, v1;
	v4 =	vmax.f32 v4, $1.000000000e+00;
	v3 =	vmul.f32 v53, v3  }
0x89: {  	v6 =	vshra.s32 v4, $0x1;
	v62 =	vmul.f32 $5.000000000e-01, v4;
	v0 =	vadd.f32 v0, v0  }
0x8a: {  	v1 =	vmul.f32 v1, v52;
	v7 =	vsub.s32 $0x5F3759DF, v6;
	v53 =	vmul.f32 v3, v59  }
0x8b: {  	v48 =	vadd.f32 v49, v48;
	vm6 =	vgt.f32 v54, v13;
	v52 =	vmul.f32 v7, v62  }
0x8c: {  	s30 =	sor.u32 $0x2000, s23;
	v0 =	vadd.f32 $-4.000000000e+00, v0;
	v60 =	vmul.f32 v1, v60;
	v53 =	vmul.f32 v53, v3  }
0x8d: {  	v58 =	vcvt.f32.s32 v13;
	v54 =	vld.msk [tilespmem:s30+$0x0 ss:$0x0], $0xffff;
	v13 =	vsel vm6, $0x1, v2;
	v8 =	vmul.f32 v7, v52  }
0x8e: {  	v52 =	vld.msk [tilespmem:s23+$0x1800 ss:$0x0], $0xffff;
	v51 =	vtrunc.f32 v0;
	v60 =	vmul.f32 v60, v1;
	v9 =	vsub.f32 $1.500000000e+00, v53  }
0x8f: {  	v53 =	vld.msk [tilespmem:s23+$0x1C00 ss:$0x0], $0xffff;
	v49 =	vcvt.f32.s32 v51;
	v10 =	vsub.f32 $1.500000000e+00, v8;
	vm7 =	vgt.f32 v0, v51  }
0x90: {  	v11 =	vsub.f32 $1.500000000e+00, v60;
	v60 =	vmax.f32 v48, $1.000000000e+00;
	v3 =	vmul.f32 v9, v3  }
0x91: {  	v50 =	vmul.f32 v7, v10;
	v48 =	vshra.s32 v60, $0x1;
	v61 =	vmul.f32 $5.000000000e-01, v60  }
0x92: {  	v1 =	vmul.f32 v11, v1;
	v12 =	vmul.f32 v3, v59;
	v59 =	vsub.s32 $0x5F3759DF, v48  }
0x93: {  	v10 =	vsub.f32 v54, v44;
	v6 =	vsub.f32 v52, v45;
	v5 =	vmul.f32 v59, v61  }
0x94: {  	v14 =	vmul.f32 v50, v62;
	v7 =	vsub.f32 v53, v46;
	v1 =	vmul.f32 v1, v56  }
0x95: {  	v48 =	vadd.s32 v58, v13;
	v57 =	vmul.f32 v12, v3;
	v5 =	vmul.f32 v59, v5  }
0x96: {  	v6 =	vmul.f32 v6, v6;
	v7 =	vmul.f32 v7, v7;
	v0 =	vadd.f32 v1, v1  }
0x97: {  	v9 =	vmul.f32 v14, v50;
	v11 =	vsub.f32 $1.500000000e+00, v57;
	v5 =	vsub.f32 $1.500000000e+00, v5  }
0x98: {  	v13 =	vmul.f32 v10, v10;
	v6 =	vadd.f32 v7, v6;
	v0 =	vadd.f32 $-4.000000000e+00, v0  }
0x99: {  	v14 =	vsel vm7, $0x1, v2;
	v12 =	vsub.f32 $1.500000000e+00, v9;
	v3 =	vmul.f32 v11, v3  }
0x9a: {  	v1 =	vmul.f32 v59, v5;
	v6 =	vadd.f32 v13, v6;
	v9 =	vtrunc.f32 v0  }
0x9b: {  	v5 =	vmul.f32 v12, v50;
	v3 =	vmul.f32 v3, v55;
	vm8 =	vgt.f32 v0, v9  }
0x9c: {  	v12 =	vcvt.f32.s32 v9;
	v59 =	vmul.f32 v1, v61;
	v6 =	vmax.f32 v6, $1.000000000e+00  }
0x9d: {  	v63 =	vmul.f32 v5, v62;
	v8 =	vshra.s32 v6, $0x1;
	v56 =	vmul.f32 $5.000000000e-01, v6  }
0x9e: {  	v9 =	vsub.f32 v54, v36;
	v50 =	vmul.f32 v59, v1;
	v55 =	vsub.s32 $0x5F3759DF, v8  }
0x9f: {  	v3 =	vadd.f32 v3, v3;
	v51 =	vmul.f32 v63, v5;
	v10 =	vmul.f32 v55, v56  }
0xa0: {  	v49 =	vadd.s32 v49, v14;
	v62 =	vsub.f32 v53, v39;
	v50 =	vsub.f32 $1.500000000e+00, v50  }
0xa1: {  	v3 =	vadd.f32 $-4.000000000e+00, v3;
	v0 =	vsub.f32 $1.500000000e+00, v51;
	v11 =	vmul.f32 v55, v10  }
0xa2: {  	v13 =	vsel vm8, $0x1, v2;
	v10 =	vmul.f32 v62, v62;
	v1 =	vmul.f32 v50, v1  }
0xa3: {  	v8 =	vsub.f32 v53, v33;
	v0 =	vmul.f32 v0, v5;
	v5 =	vtrunc.f32 v3  }
0xa4: {  	v50 =	vadd.s32 v12, v13;
	v12 =	vmul.f32 v9, v9;
	v9 =	vsub.f32 v53, v37  }
0xa5: {  	v53 =	vsub.f32 v53, v42;
	vm9 =	vgt.f32 v3, v5;
	v5 =	vcvt.f32.s32 v5  }
0xa6: {  	v7 =	vsub.f32 $1.500000000e+00, v11;
	v14 =	vmul.f32 v1, v61;
	v0 =	vmul.f32 v0, v4  }
0xa7: {  	v61 =	vsub.f32 v52, v38;
	v58 =	vmul.f32 v9, v9;
	v53 =	vmul.f32 v53, v53  }
0xa8: {  	v9 =	vsub.f32 v54, v34;
	v7 =	vmul.f32 v55, v7;
	v63 =	vmul.f32 v14, v1  }
0xa9: {  	v4 =	vmul.f32 v61, v61;
	v0 =	vadd.f32 v0, v0;
	v14 =	vsub.f32 v52, v35  }
0xaa: {  	v55 =	vsel vm9, $0x1, v2;
	v11 =	vmul.f32 v7, v56;
	v51 =	vsub.f32 $1.500000000e+00, v63  }
0xab: {  	v3 =	vadd.f32 v10, v4;
	v0 =	vadd.f32 $-4.000000000e+00, v0;
	v57 =	vmul.f32 v14, v14  }
0xac: {  	v13 =	vmul.f32 v11, v7;
	v11 =	vsub.f32 v54, v32;
	v54 =	vsub.f32 v54, v43  }
0xad: {  	v1 =	vmul.f32 v51, v1;
	v3 =	vadd.f32 v12, v3;
	v4 =	vtrunc.f32 v0  }
0xae: {  	v57 =	vadd.f32 v58, v57;
	v51 =	vsub.f32 $1.500000000e+00, v13;
	v14 =	vmul.f32 v11, v11  }
0xaf: {  	vm10 =	vgt.f32 v0, v4;
	v0 =	vsub.f32 v52, v31;
	v11 =	vmul.f32 v9, v9  }
0xb0: {  	v1 =	vmul.f32 v1, v60;
	v3 =	vmax.f32 v3, $1.000000000e+00;
	v7 =	vmul.f32 v51, v7  }
0xb1: {  	v10 =	vshra.s32 v3, $0x1;
	v59 =	vmul.f32 $5.000000000e-01, v3;
	v51 =	vadd.s32 v5, v55  }
0xb2: {  	v5 =	vcvt.f32.s32 v4;
	v12 =	vsub.s32 $0x5F3759DF, v10;
	v56 =	vmul.f32 v7, v56  }
0xb3: {  	v52 =	vsub.f32 v52, v41;
	v0 =	vmul.f32 v0, v0;
	v13 =	vmul.f32 v12, v59  }
0xb4: {  	v57 =	vadd.f32 v14, v57;
	v4 =	vmul.f32 v8, v8;
	v60 =	vmul.f32 v56, v7  }
0xb5: {  	v52 =	vmul.f32 v52, v52;
	v1 =	vadd.f32 v1, v1;
	v63 =	vmul.f32 v12, v13  }
0xb6: {  	v54 =	vmul.f32 v54, v54;
	v0 =	vadd.f32 v4, v0;
	v55 =	vsub.f32 $1.500000000e+00, v60  }
0xb7: {  	v14 =	vsel vm10, $0x1, v2;
	v53 =	vadd.f32 v53, v52;
	v56 =	vsub.f32 $1.500000000e+00, v63  }
0xb8: {  	v0 =	vadd.f32 v11, v0;
	v60 =	vmax.f32 v57, $1.000000000e+00;
	v7 =	vmul.f32 v55, v7  }
0xb9: {  	v10 =	vshra.s32 v60, $0x1;
	v61 =	vmul.f32 $5.000000000e-01, v60;
	v55 =	vmul.f32 v12, v56  }
0xba: {  	v52 =	vadd.s32 v5, v14;
	v6 =	vmul.f32 v7, v6;
	v7 =	vsub.s32 $0x5F3759DF, v10  }
0xbb: {  	v0 =	vmax.f32 v0, $1.000000000e+00;
	v12 =	vmul.f32 v55, v59;
	v13 =	vmul.f32 v7, v61  }
0xbc: {  	v1 =	vadd.f32 $-4.000000000e+00, v1;
	v9 =	vmul.f32 $5.000000000e-01, v0;
	v10 =	vshra.s32 v0, $0x1  }
0xbd: {  	v8 =	vsub.s32 $0x5F3759DF, v10;
	v56 =	vmul.f32 v12, v55;
	v57 =	vmul.f32 v7, v13  }
0xbe: {  	v53 =	vadd.f32 v54, v53;
	v62 =	vtrunc.f32 v1;
	v58 =	vmul.f32 v8, v9  }
0xbf: {  	v63 =	vcvt.f32.s32 v62;
	v56 =	vsub.f32 $1.500000000e+00, v56;
	v57 =	vsub.f32 $1.500000000e+00, v57  }
0xc0: {  	vm11 =	vgt.f32 v1, v62;
	v6 =	vadd.f32 v6, v6;
	v11 =	vmul.f32 v8, v58  }
0xc1: {  	v62 =	vmax.f32 v53, $1.000000000e+00;
	v55 =	vmul.f32 v56, v55;
	v7 =	vmul.f32 v7, v57  }
0xc2: {  	v10 =	vmul.f32 $5.000000000e-01, v62;
	v6 =	vadd.f32 $-4.000000000e+00, v6;
	v58 =	vld.msk [tilespmem:s23+$0x2800 ss:$0x0], $0xffff;
	v5 =	vsub.f32 $1.500000000e+00, v11  }
0xc3: {  	v57 =	vld.msk [tilespmem:s23+$0x2400 ss:$0x0], $0xffff;
	v13 =	vmul.f32 v55, v59;
	v12 =	vmul.f32 v7, v61  }
0xc4: {  	v14 =	vshra.s32 v62, $0x1;
	v4 =	vtrunc.f32 v6;
	v59 =	vld.msk [tilespmem:s23+$0x2C00 ss:$0x0], $0xffff;
	v5 =	vmul.f32 v8, v5  }
0xc5: {  	v8 =	vsub.s32 $0x5F3759DF, v14;
	v53 =	vmul.f32 v13, v55;
	v56 =	vmul.f32 v12, v7  }
0xc6: {  	v11 =	vmul.f32 v5, v9;
	v12 =	vmul.f32 v8, v10  }
0xc7: {  	v1 =	vcvt.f32.s32 v4;
	v13 =	vsub.f32 v58, v46;
	v54 =	vsub.f32 $1.500000000e+00, v56  }
0xc8: {  	v53 =	vsub.f32 $1.500000000e+00, v53;
	v11 =	vmul.f32 v11, v5;
	v12 =	vmul.f32 v8, v12  }
0xc9: {  	v14 =	vsub.f32 v59, v44;
	v7 =	vmul.f32 v54, v7;
	v54 =	vsub.f32 v57, v45  }
0xca: {  	v13 =	vmul.f32 v13, v13;
	v55 =	vmul.f32 v53, v55;
	v11 =	vsub.f32 $1.500000000e+00, v11  }
0xcb: {  	v12 =	vsub.f32 $1.500000000e+00, v12;
	v14 =	vmul.f32 v14, v14;
	v54 =	vmul.f32 v54, v54  }
0xcc: {  	v56 =	vsel vm11, $0x1, v2;
	v5 =	vmul.f32 v11, v5;
	v61 =	vmul.f32 v7, v61  }
0xcd: {  	v3 =	vmul.f32 v55, v3;
	v8 =	vmul.f32 v8, v12;
	v13 =	vadd.f32 v13, v54  }
0xce: {  	v53 =	vadd.s32 v63, v56;
	v9 =	vmul.f32 v5, v9;
	v63 =	vmul.f32 v61, v7  }
0xcf: {  	vm12 =	vgt.f32 v6, v4;
	v3 =	vadd.f32 v3, v3;
	v13 =	vadd.f32 v14, v13  }
0xd0: {  	v56 =	vmul.f32 v9, v5;
	v14 =	vmul.f32 v8, v10;
	v54 =	vsub.f32 $1.500000000e+00, v63  }
0xd1: {  	v61 =	vsel vm12, $0x1, v2;
	v3 =	vadd.f32 $-4.000000000e+00, v3;
	v11 =	vmax.f32 v13, $1.000000000e+00  }
0xd2: {  	v4 =	vmul.f32 v14, v8;
	v6 =	vmul.f32 v54, v7;
	v7 =	vsub.f32 $1.500000000e+00, v56  }
0xd3: {  	v54 =	vadd.s32 v1, v61;
	v14 =	vtrunc.f32 v3;
	v55 =	vshra.s32 v11, $0x1  }
0xd4: {  	v56 =	vsub.f32 v57, v38;
	v13 =	vmul.f32 $5.000000000e-01, v11;
	v9 =	vsub.s32 $0x5F3759DF, v55  }
0xd5: {  	v4 =	vsub.f32 $1.500000000e+00, v4;
	v6 =	vmul.f32 v6, v60;
	v5 =	vmul.f32 v7, v5  }
0xd6: {  	vm13 =	vgt.f32 v3, v14;
	v7 =	vcvt.f32.s32 v14;
	v63 =	vmul.f32 v9, v13  }
0xd7: {  	v60 =	vsub.f32 v58, v39;
	v1 =	vmul.f32 v4, v8;
	v6 =	vadd.f32 v6, v6  }
0xd8: {  	v14 =	vsub.f32 v59, v36;
	v12 =	vmul.f32 v9, v63;
	v63 =	vsub.f32 v59, v34  }
0xd9: {  	v0 =	vmul.f32 v5, v0;
	v10 =	vmul.f32 v1, v10;
	v3 =	vadd.f32 $-4.000000000e+00, v6  }
0xda: {  	v5 =	vsel vm13, $0x1, v2;
	v4 =	vsub.f32 $1.500000000e+00, v12;
	v63 =	vmul.f32 v63, v63  }
0xdb: {  	v0 =	vadd.f32 v0, v0;
	v55 =	vmul.f32 v10, v1;
	v8 =	vtrunc.f32 v3  }
0xdc: {  	v10 =	vmul.f32 v60, v60;
	v60 =	vsub.f32 v58, v37;
	v4 =	vmul.f32 v9, v4  }
0xdd: {  	v0 =	vadd.f32 $-4.000000000e+00, v0;
	v9 =	vmul.f32 v56, v56;
	v56 =	vcvt.f32.s32 v8  }
0xde: {  	v6 =	vsub.f32 $1.500000000e+00, v55;
	v55 =	vsub.f32 v57, v35;
	v12 =	vmul.f32 v4, v13  }
0xdf: {  	v60 =	vmul.f32 v60, v60;
	v9 =	vadd.f32 v10, v9;
	v10 =	vmul.f32 v14, v14  }
0xe0: {  	v14 =	vsub.f32 v59, v32;
	v55 =	vmul.f32 v55, v55;
	v12 =	vmul.f32 v12, v4  }
0xe1: {  	vm14 =	vgt.f32 v3, v8;
	v1 =	vmul.f32 v6, v1;
	v61 =	vadd.f32 v10, v9  }
0xe2: {  	v10 =	vadd.f32 v60, v55;
	v9 =	vsub.f32 $1.500000000e+00, v12;
	v12 =	vmul.f32 v14, v14  }
0xe3: {  	v55 =	vsub.f32 v58, v33;
	v1 =	vmul.f32 v1, v62;
	v6 =	vmax.f32 v61, $1.000000000e+00  }
0xe4: {  	v60 =	vshra.s32 v6, $0x1;
	v61 =	vmul.f32 $5.000000000e-01, v6;
	v10 =	vadd.f32 v12, v10  }
0xe5: {  	v62 =	vsel vm14, $0x1, v2;
	v14 =	vsub.f32 v57, v31;
	v12 =	vsub.s32 $0x5F3759DF, v60  }
0xe6: {  	v55 =	vmul.f32 v55, v55;
	v60 =	vmul.f32 v12, v61;
	v10 =	vmax.f32 v10, $1.000000000e+00  }
0xe7: {  	v14 =	vmul.f32 v14, v14;
	v15 =	vshra.s32 v10, $0x1;
	v16 =	vmul.f32 $5.000000000e-01, v10  }
0xe8: {  	v56 =	vadd.s32 v56, v62;
	v60 =	vmul.f32 v12, v60;
	v15 =	vsub.s32 $0x5F3759DF, v15  }
0xe9: {  	v14 =	vadd.f32 v55, v14;
	v55 =	vadd.s32 v7, v5;
	v5 =	vmul.f32 v15, v16  }
0xea: {  	v57 =	vsub.f32 v57, v41;
	v4 =	vmul.f32 v9, v4;
	v60 =	vsub.f32 $1.500000000e+00, v60  }
0xeb: {  	v9 =	vtrunc.f32 v0;
	v63 =	vadd.f32 v63, v14;
	v3 =	vmul.f32 v15, v5  }
0xec: {  	v1 =	vadd.f32 v1, v1;
	vm15 =	vgt.f32 v0, v9;
	v8 =	vmul.f32 v12, v60  }
0xed: {  	v5 =	vmul.f32 v4, v13;
	v60 =	vmax.f32 v63, $1.000000000e+00;
	v3 =	vsub.f32 $1.500000000e+00, v3  }
0xee: {  	v7 =	vshra.s32 v60, $0x1;
	v12 =	vmul.f32 $5.000000000e-01, v60;
	v63 =	vmul.f32 v8, v61  }
0xef: {  	v5 =	vmul.f32 v5, v4;
	v7 =	vsub.s32 $0x5F3759DF, v7;
	v3 =	vmul.f32 v15, v3  }
0xf0: {  	v0 =	vadd.f32 $-4.000000000e+00, v1;
	v15 =	vmul.f32 v7, v12;
	v13 =	vmul.f32 v63, v8  }
0xf1: {  	v9 =	vcvt.f32.s32 v9;
	v5 =	vsub.f32 $1.500000000e+00, v5;
	v63 =	vmul.f32 v3, v16  }
0xf2: {  	v14 =	vmul.f32 v57, v57;
	v15 =	vmul.f32 v7, v15;
	v1 =	vsub.f32 $1.500000000e+00, v13  }
0xf3: {  	v4 =	vmul.f32 v5, v4;
	v13 =	vsub.f32 v59, v43;
	v59 =	vld.msk [tilespmem:s23+$0x3400 ss:$0x0], $0xffff;
	v62 =	vmul.f32 v63, v3  }
0xf4: {  	s31 =	sor.u32 $0x3000, s23;
	v63 =	vsub.f32 $1.500000000e+00, v15;
	v15 =	vsub.f32 v58, v42;
	v1 =	vmul.f32 v1, v8  }
0xf5: {  	vm14 =	vgt.s32 v29, $0x0;
	v8 =	vld.msk [tilespmem:s31+$0x0 ss:$0x0], $0xffff;
	v13 =	vmul.f32 v13, v13;
	v4 =	vmul.f32 v4, v11  }
0xf6: {  	v11 =	vld.msk [tilespmem:s23+$0x3800 ss:$0x0], $0xffff;
	v5 =	vsub.f32 $1.500000000e+00, v62;
	v7 =	vmul.f32 v7, v63;
	v15 =	vmul.f32 v15, v15  }
0xf7: {  	v62 =	vsel vm15, $0x1, v2;
	v61 =	vmul.f32 v1, v61;
	v4 =	vadd.f32 v4, v4  }
0xf8: {  	vm15 =	vgt.s32 v30, $0x0;
	v57 =	vadd.s32 v9, v62;
	v42 =	vsub.f32 v59, v42  }
0xf9: {  	v3 =	vmul.f32 v5, v3;
	v63 =	vmul.f32 v7, v12;
	v14 =	vadd.f32 v15, v14  }
0xfa: {  	v15 =	vtrunc.f32 v0;
	v9 =	vmul.f32 v61, v1;
	v4 =	vadd.f32 $-4.000000000e+00, v4  }
0xfb: {  	v62 =	vsub.f32 v8, v45;
	vm4 =	vgt.f32 v0, v15;
	v44 =	vsub.f32 v11, v44  }
0xfc: {  	v38 =	vsub.f32 v8, v38;
	v32 =	vsub.f32 v11, v32;
	v5 =	vmul.f32 v63, v7  }
0xfd: {  	v13 =	vadd.f32 v13, v14;
	v14 =	vcvt.f32.s32 v15;
	v63 =	vsub.f32 v59, v46  }
0xfe: {  	v16 =	vmul.f32 v3, v16;
	v9 =	vsub.f32 $1.500000000e+00, v9;
	v46 =	vsub.f32 v59, v39  }
0xff: {  	v32 =	vmul.f32 v32, v32;
	v58 =	vmax.f32 v13, $1.000000000e+00;
	v13 =	vmul.f32 v62, v62  }
0x100: {  	v5 =	vsub.f32 $1.500000000e+00, v5;
	v15 =	vmul.f32 v63, v63;
	v16 =	vmul.f32 v16, v3  }
0x101: {  	v62 =	vsel vm4, $0x1, v2;
	v63 =	vmul.f32 v44, v44;
	v1 =	vmul.f32 v9, v1  }
0x102: {  	v61 =	vshra.s32 v58, $0x1;
	v0 =	vmul.f32 v5, v7;
	v5 =	vmul.f32 $5.000000000e-01, v58  }
0x103: {  	v7 =	vsub.s32 $0x5F3759DF, v61;
	v13 =	vadd.f32 v15, v13;
	v16 =	vsub.f32 $1.500000000e+00, v16  }
0x104: {  	vm4 =	vgt.s32 v40, $0x0;
	v1 =	vmul.f32 v1, v6;
	v15 =	vmul.f32 v7, v5  }
0x105: {  	v3 =	vmul.f32 v16, v3;
	v12 =	vmul.f32 v0, v12;
	v13 =	vadd.f32 v63, v13  }
0x106: {  	v44 =	vadd.s32 v14, v62;
	v1 =	vadd.f32 v1, v1;
	v61 =	vmul.f32 v7, v15  }
0x107: {  	v3 =	vmul.f32 v3, v10;
	v63 =	vmul.f32 v12, v0;
	v45 =	vmax.f32 v13, $1.000000000e+00  }
0x108: {  	v12 =	vmul.f32 v38, v38;
	v13 =	vmul.f32 v46, v46;
	v1 =	vadd.f32 $-4.000000000e+00, v1  }
0x109: {  	v46 =	vsub.f32 v8, v35;
	v14 =	vshra.s32 v45, $0x1;
	v62 =	vsub.f32 $1.500000000e+00, v61  }
0x10a: {  	v10 =	vmul.f32 $5.000000000e-01, v45;
	v9 =	vsub.f32 $1.500000000e+00, v63;
	v63 =	vtrunc.f32 v4  }
0x10b: {  	v12 =	vadd.f32 v13, v12;
	v13 =	vcvt.f32.s32 v63;
	v6 =	vmul.f32 v7, v62  }
0x10c: {  	v7 =	vsub.s32 $0x5F3759DF, v14;
	v0 =	vmul.f32 v9, v0;
	v62 =	vsub.f32 v11, v36  }
0x10d: {  	v3 =	vadd.f32 v3, v3;
	v15 =	vmul.f32 v7, v10;
	v61 =	vmul.f32 v6, v5  }
0x10e: {  	vm5 =	vgt.f32 v4, v63;
	v9 =	vmul.f32 v62, v62;
	v0 =	vmul.f32 v0, v60  }
0x10f: {  	v3 =	vadd.f32 $-4.000000000e+00, v3;
	v15 =	vmul.f32 v7, v15;
	v14 =	vmul.f32 v61, v6  }
0x110: {  	v9 =	vadd.f32 v9, v12;
	v12 =	vtrunc.f32 v1;
	v61 =	vsub.f32 v59, v37  }
0x111: {  	v0 =	vadd.f32 v0, v0;
	v38 =	vsub.f32 $1.500000000e+00, v15;
	v15 =	vsel vm5, $0x1, v2  }
0x112: {  	vm1 =	vgt.f32 v1, v12;
	v36 =	vsub.f32 $1.500000000e+00, v14;
	v35 =	vadd.s32 v13, v15  }
0x113: {  	v14 =	vmul.f32 v61, v61;
	v39 =	vmul.f32 v7, v38;
	v7 =	vmax.f32 v9, $1.000000000e+00  }
0x114: {  	v9 =	vmul.f32 v46, v46;
	v15 =	vmul.f32 $5.000000000e-01, v7;
	v16 =	vshra.s32 v7, $0x1  }
0x115: {  	v4 =	vmul.f32 v36, v6;
	v62 =	vmul.f32 v39, v10;
	v16 =	vsub.s32 $0x5F3759DF, v16  }
0x116: {  	v12 =	vcvt.f32.s32 v12;
	v9 =	vadd.f32 v14, v9;
	v63 =	vmul.f32 v16, v15  }
0x117: {  	v46 =	vsub.f32 v11, v34;
	v5 =	vmul.f32 v4, v5;
	v13 =	vmul.f32 v62, v39  }
0x118: {  	v11 =	vsub.f32 v11, v43;
	v14 =	vtrunc.f32 v3;
	v9 =	vadd.f32 v32, v9  }
0x119: {  	v36 =	vmul.f32 v16, v63;
	v5 =	vmul.f32 v5, v4;
	v1 =	vsub.f32 $1.500000000e+00, v13  }
0x11a: {  	v11 =	vmul.f32 v11, v11;
	vm6 =	vgt.f32 v3, v14;
	v6 =	vmax.f32 v9, $1.000000000e+00  }
0x11b: {  	v3 =	vsub.f32 $1.500000000e+00, v36;
	v5 =	vsub.f32 $1.500000000e+00, v5;
	v1 =	vmul.f32 v1, v39  }
0x11c: {  	v39 =	vsub.f32 v8, v31;
	v8 =	vsub.f32 v8, v41;
	v31 =	vmul.f32 v42, v42  }
0x11d: {  	v3 =	vmul.f32 v16, v3;
	v16 =	vsub.f32 v59, v33;
	v33 =	vmul.f32 $5.000000000e-01, v6  }
0x11e: {  	v38 =	vshra.s32 v6, $0x1;
	v4 =	vmul.f32 v5, v4;
	v37 =	vmul.f32 v1, v10  }
0x11f: {  	v10 =	vsub.s32 $0x5F3759DF, v38;
	v13 =	vmul.f32 v39, v39;
	v8 =	vmul.f32 v8, v8  }
0x120: {  	vm5 =	vgt.s32 v47, $0x0;
	v16 =	vmul.f32 v16, v16;
	v59 =	vmul.f32 v10, v33  }
0x121: {  	v0 =	vadd.f32 $-4.000000000e+00, v0;
	v60 =	vmul.f32 v3, v15;
	v4 =	vmul.f32 v4, v58  }
0x122: {  	v9 =	vmul.f32 v37, v1;
	v8 =	vadd.f32 v31, v8;
	v13 =	vadd.f32 v16, v13  }
0x123: {  	v16 =	vmul.f32 v46, v46;
	v61 =	vmul.f32 v10, v59;
	v4 =	vadd.f32 v4, v4  }
0x124: {  	v63 =	vmul.f32 v60, v3;
	v62 =	vsub.f32 $1.500000000e+00, v9;
	v8 =	vadd.f32 v11, v8  }
0x125: {  	v14 =	vcvt.f32.s32 v14;
	v13 =	vadd.f32 v16, v13;
	v41 =	vsub.f32 $1.500000000e+00, v61  }
0x126: {  	v9 =	vsub.f32 $1.500000000e+00, v63;
	v4 =	vadd.f32 $-4.000000000e+00, v4;
	v8 =	vmax.f32 v8, $1.000000000e+00  }
0x127: {  	v1 =	vmul.f32 v62, v1;
	v62 =	vsel vm1, $0x1, v2;
	v13 =	vmax.f32 v13, $1.000000000e+00  }
0x128: {  	v42 =	vshra.s32 v8, $0x1;
	v36 =	vmul.f32 $5.000000000e-01, v8;
	v10 =	vmul.f32 v10, v41  }
0x129: {  	v3 =	vmul.f32 v9, v3;
	v31 =	vadd.s32 v12, v62;
	v16 =	vshra.s32 v13, $0x1  }
0x12a: {  	v34 =	vmul.f32 $5.000000000e-01, v13;
	v46 =	vsub.s32 $0x5F3759DF, v42;
	v1 =	vmul.f32 v1, v45  }
0x12b: {  	v45 =	vtrunc.f32 v4;
	v16 =	vsub.s32 $0x5F3759DF, v16;
	v59 =	vmul.f32 v46, v36  }
0x12c: {  	v60 =	vmul.f32 v10, v33;
	v63 =	vmul.f32 v3, v15;
	v15 =	vsel vm6, $0x1, v2  }
0x12d: {  	v58 =	vcvt.f32.s32 v45;
	v43 =	vmul.f32 v16, v34;
	v1 =	vadd.f32 v1, v1  }
0x12e: {  	vm8 =	vgt.f32 v4, v45;
	v5 =	vmul.f32 v46, v59;
	v61 =	vmul.f32 v60, v10  }
0x12f: {  	v12 =	vmul.f32 v63, v3;
	v11 =	vmul.f32 v16, v43;
	v1 =	vadd.f32 $-4.000000000e+00, v1  }
0x130: {  	vm6 =	vgt.s32 v48, $0x0;
	v5 =	vsub.f32 $1.500000000e+00, v5;
	v9 =	vsub.f32 $1.500000000e+00, v61  }
0x131: {  	v12 =	vsub.f32 $1.500000000e+00, v12;
	v11 =	vsub.f32 $1.500000000e+00, v11;
	v62 =	vtrunc.f32 v1  }
0x132: {  	v32 =	vadd.s32 v14, v15;
	v5 =	vmul.f32 v46, v5;
	v9 =	vmul.f32 v9, v10  }
0x133: {  	v60 =	vsel vm8, $0x1, v2;
	v3 =	vmul.f32 v12, v3;
	v11 =	vmul.f32 v16, v11  }
0x134: {  	vm8 =	vgt.s32 v50, $0x0;
	v16 =	vtrunc.f32 v0;
	v38 =	vmul.f32 v5, v36  }
0x135: {  	vm7 =	vgt.f32 v0, v16;
	v0 =	vmul.f32 v9, v33;
	v41 =	vcvt.f32.s32 v16  }
0x136: {  	vm9 =	vgt.f32 v1, v62;
	v3 =	vmul.f32 v3, v7;
	v37 =	vmul.f32 v11, v34  }
0x137: {  	v42 =	vsel vm7, $0x1, v2;
	vm7 =	vgt.s32 v49, $0x0;
	v14 =	vmul.f32 v38, v5  }
0x138: {  	v0 =	vmul.f32 v0, v9;
	v33 =	vadd.s32 v41, v42;
	v3 =	vadd.f32 v3, v3  }
0x139: {  	v41 =	vnsel vm6, $0x0, v48;
	v10 =	vmul.f32 v37, v11;
	v39 =	vsub.f32 $1.500000000e+00, v14  }
0x13a: {  	v42 =	vnsel vm7, $0x0, v49;
	v0 =	vsub.f32 $1.500000000e+00, v0;
	v3 =	vadd.f32 $-4.000000000e+00, v3  }
0x13b: {  	vm6 =	vgt.s32 v31, $0x0;
	v10 =	vsub.f32 $1.500000000e+00, v10;
	v5 =	vmul.f32 v39, v5  }
0x13c: {  	vm7 =	vgt.s32 v32, $0x0;
	v0 =	vmul.f32 v0, v9;
	v12 =	vtrunc.f32 v3  }
0x13d: {  	v10 =	vmul.f32 v10, v11;
	v11 =	vsel vm9, $0x1, v2;
	vm10 =	vgt.f32 v3, v12  }
0x13e: {  	vm9 =	vgt.s32 v51, $0x0;
	v46 =	vmul.f32 v5, v36;
	v0 =	vmul.f32 v0, v6  }
0x13f: {  	v6 =	vmin.u32 v42, $0x24;
	v45 =	vnsel vm9, $0x0, v51;
	v43 =	vmul.f32 v10, v34  }
0x140: {  	v6 =	vshll.u32 v6, $0x5;
	v59 =	vmul.f32 v46, v5;
	v0 =	vadd.f32 v0, v0  }
0x141: {  	v34 =	vadd.s32 v58, v60;
	v6 =	vadd.s32 $0x1720, v6;
	v9 =	vmul.f32 v43, v10  }
0x142: {  	vm9 =	vgt.s32 v34, $0x0;
	v7 =	vsub.f32 $1.500000000e+00, v59;
	v0 =	vadd.f32 $-4.000000000e+00, v0  }
0x143: {  	v43 =	vnsel vm8, $0x0, v50;
	vm8 =	vgt.s32 v33, $0x0;
	v61 =	vsub.f32 $1.500000000e+00, v9  }
0x144: {  	v63 =	vmul.f32 v7, v5;
	v3 =	vtrunc.f32 v0;
	v5 =	vmin.u32 v41, $0x24  }
0x145: {  	v7 =	vmin.u32 v43, $0x24;
	v41 =	vnsel vm7, $0x0, v32;
	v1 =	vmul.f32 v61, v10  }
0x146: {  	v43 =	vnsel vm8, $0x0, v33;
	v10 =	vcvt.f32.s32 v62;
	v14 =	vcvt.f32.s32 v3  }
0x147: {  	vm11 =	vgt.f32 v0, v3;
	v5 =	vshll.u32 v5, $0x5;
	v7 =	vshll.u32 v7, $0x5  }
0x148: {  	v4 =	vmul.f32 v63, v8;
	v3 =	vsel vm11, $0x1, v2;
	v1 =	vmul.f32 v1, v13  }
0x149: {  	v5 =	vadd.s32 $0x1280, v5;
	v7 =	vadd.s32 $0x1BC0, v7;
	v8 =	vmin.u32 v45, $0x24  }
0x14a: {  	vm11 =	vgt.s32 v53, $0x0;
	v37 =	vadd.s32 v10, v11;
	v1 =	vadd.f32 v1, v1  }
0x14b: {  	v13 =	vcvt.f32.s32 v12;
	v8 =	vshll.u32 v8, $0x5;
	v4 =	vadd.f32 v4, v4  }
0x14c: {  	v36 =	vadd.s32 v14, v3;
	v8 =	vadd.s32 $0x2060, v8;
	v0 =	vadd.f32 $-4.000000000e+00, v1  }
0x14d: {  	v4 =	vadd.f32 $-4.000000000e+00, v4;
	v1 =	vsel vm10, $0x1, v2;
	vm10 =	vgt.s32 v52, $0x0  }
0x14e: {  	v39 =	vadd.s32 v13, v1;
	v46 =	vnsel vm10, $0x0, v52;
	v1 =	vtrunc.f32 v0  }
0x14f: {  	vm12 =	vgt.f32 v0, v1;
	v0 =	vcvt.f32.s32 v1;
	v1 =	vtrunc.f32 v4  }
0x150: {  	vm13 =	vgt.f32 v4, v1;
	v3 =	vsel vm12, $0x1, v2;
	v1 =	vcvt.f32.s32 v1  }
0x151: {  	s22 =	sand.u32 $0x1FF, s22;
	v38 =	vadd.s32 v0, v3;
	v0 =	vsel vm13, $0x1, v2;
	v3 =	vnsel vm14, $0x0, v29  }
0x152: {  	vm13 =	vgt.s32 v55, $0x0;
	v29 =	vadd.s32 v1, v0;
	v0 =	vmov s22  }
0x153: {  	vm14 =	vgt.s32 v56, $0x0;
	v28 =	vsub.s32 v28, v0;
	v0 =	vmin.u32 v3, $0x24  }
0x154: {  	v3 =	vnsel vm4, $0x0, v40;
	v40 =	vnsel vm5, $0x0, v47;
	v47 =	vnsel vm11, $0x0, v53;
	v53 =	vld [tilespmem:$0x1FF10]  }
0x155: {  	v1 =	vnsel vm15, $0x0, v30;
	v49 =	vnsel vm13, $0x0, v55;
	vm15 =	vgt.s32 v57, $0x0;
	v55 =	vld [tilespmem:$0x1FF20]  }
0x156: {  	v9 =	vmin.u32 v46, $0x24;
	v50 =	vnsel vm14, $0x0, v56;
	v56 =	vnsel vm15, $0x0, v57;
	v57 =	vld [tilespmem:$0x1FF30]  }
0x157: {  	v60 =	vld [tilespmem:$0x1FF40];
	vm10 =	vgt.s32 v37, $0x0;
	v9 =	vshll.u32 v9, $0x5;
	vm12 =	vgt.s32 v54, $0x0  }
0x158: {  	v63 =	vld [tilespmem:$0x1FF50];
	v46 =	vmin.u32 v43, $0x24;
	v9 =	vadd.s32 $0x2500, v9;
	v48 =	vnsel vm12, $0x0, v54  }
0x159: {  	v14 =	vld [tilespmem:$0x1FF60];
	vm12 =	vgt.s32 v36, $0x0;
	v11 =	vmin.u32 v48, $0x24;
	v1 =	vmin.u32 v1, $0x24  }
0x15a: {  	v30 =	vld [tilespmem:$0x1FF70];
	v0 =	vshll.u32 v0, $0x5;
	v1 =	vshll.u32 v1, $0x5;
	v3 =	vmin.u32 v3, $0x24  }
0x15b: {  	v4 =	vmin.u32 v40, $0x24;
	v40 =	vld [tilespmem:$0x1FF80];
	v1 =	vadd.s32 $0x4A0, v1;
	v3 =	vshll.u32 v3, $0x5;
	[tilespmem:v17+s13+$0x0] =	vst.idx.msk $0xffff, v0  }
0x15c: {  	v42 =	vld [tilespmem:$0x1FF90];
	vm4 =	vgt.s32 v44, $0x0;
	v4 =	vshll.u32 v4, $0x5;
	v3 =	vadd.s32 $0x940, v3;
	[tilespmem:v53+s13+$0x0] =	vst.idx.msk $0xffff, v1  }
0x15d: {  	v48 =	vshll.u32 v46, $0x5;
	v59 =	vnsel vm4, $0x0, v44;
	v44 =	vld [tilespmem:$0x1FFA0];
	v4 =	vadd.s32 $0xDE0, v4;
	[tilespmem:v55+s13+$0x0] =	vst.idx.msk $0xffff, v3  }
0x15e: {  	vm13 =	vgt.s32 v38, $0x0;
	v12 =	vmin.u32 v49, $0x24;
	v10 =	vmin.u32 v47, $0x24;
	v47 =	vld [tilespmem:$0x1FFB0];
	[tilespmem:v57+s13+$0x0] =	vst.idx.msk $0xffff, v4  }
0x15f: {  	v11 =	vshll.u32 v11, $0x5;
	v52 =	vmin.u32 v50, $0x24;
	v49 =	vld [tilespmem:$0x1FFC0];
	v51 =	vshll.u32 v12, $0x5;
	[tilespmem:v60+s13+$0x0] =	vst.idx.msk $0xffff, v5  }
0x160: {  	vm5 =	vgt.s32 v35, $0x0;
	v54 =	vshll.u32 v52, $0x5;
	v1 =	vadd.s32 $0x32E0, v51;
	v51 =	vld [tilespmem:$0x1FFD0];
	[tilespmem:v63+s13+$0x0] =	vst.idx.msk $0xffff, v6  }
0x161: {  	v50 =	vnsel vm9, $0x0, v34;
	vm11 =	vgt.s32 v39, $0x0;
	v3 =	vadd.s32 $0x3780, v54;
	v54 =	vld [tilespmem:$0x1FFE0];
	[tilespmem:v14+s13+$0x0] =	vst.idx.msk $0xffff, v7  }
0x162: {  	vm14 =	vgt.s32 v29, $0x0;
	v58 =	vmin.u32 v56, $0x24;
	v10 =	vshll.u32 v10, $0x5;
	v57 =	vld [tilespmem:$0x1FFF0];
	[tilespmem:v30+s13+$0x0] =	vst.idx.msk $0xffff, v8  }
0x163: {  	v62 =	vnsel vm5, $0x0, v35;
	v35 =	vnsel vm6, $0x0, v31;
	v10 =	vadd.s32 $0x29A0, v10;
	[tilespmem:v40+s13+$0x0] =	vst.idx.msk $0xffff, v9  }
0x164: {  	v52 =	vmin.u32 v50, $0x24;
	v56 =	vnsel vm11, $0x0, v39;
	v0 =	vadd.s32 $0x2E40, v11;
	[tilespmem:v42+s13+$0x0] =	vst.idx.msk $0xffff, v10  }
0x165: {  	vm15 =	vgt.s32 v28, $0xFFFFFFE0;
	v61 =	vmin.u32 v59, $0x24;
	v13 =	vmin.u32 v62, $0x24;
	[tilespmem:v44+s13+$0x0] =	vst.idx.msk $0xffff, v0  }
0x166: {  	v62 =	vnsel vm14, $0x0, v29;
	v53 =	vnsel vm10, $0x0, v37;
	v4 =	vshll.u32 v58, $0x5;
	[tilespmem:v47+s13+$0x0] =	vst.idx.msk $0xffff, v1  }
0x167: {  	v55 =	vmin.u32 v53, $0x24;
	v4 =	vadd.s32 $0x3C20, v4;
	v5 =	vshll.u32 v61, $0x5;
	[tilespmem:v49+s13+$0x0] =	vst.idx.msk $0xffff, v3  }
0x168: {  	v5 =	vadd.s32 $0x40C0, v5;
	v6 =	vshll.u32 v13, $0x5;
	v7 =	vmin.u32 v35, $0x24;
	[tilespmem:v51+s13+$0x0] =	vst.idx.msk $0xffff, v4  }
0x169: {  	v6 =	vadd.s32 $0x4560, v6;
	v7 =	vshll.u32 v7, $0x5;
	v8 =	vmin.u32 v41, $0x24;
	[tilespmem:v54+s13+$0x0] =	vst.idx.msk $0xffff, v5  }
0x16a: {  	v58 =	vmin.u32 v56, $0x24;
	v45 =	vshll.u32 v8, $0x5;
	v0 =	vadd.s32 $0x4A00, v7;
	[tilespmem:v57+s13+$0x0] =	vst.idx.msk $0xffff, v6  }
0x16b: {  	v59 =	vshll.u32 v58, $0x5;
	v60 =	vnsel vm12, $0x0, v36;
	v1 =	vadd.s32 $0x4EA0, v45;
	[tilespmem:v18+s13+$0x0] =	vst.idx.msk $0xffff, v0  }
0x16c: {  	v61 =	vnsel vm13, $0x0, v38;
	v3 =	vadd.s32 $0x5340, v48;
	v4 =	vshll.u32 v52, $0x5;
	[tilespmem:v19+s13+$0x0] =	vst.idx.msk $0xffff, v1  }
0x16d: {  	v4 =	vadd.s32 $0x57E0, v4;
	v5 =	vshll.u32 v55, $0x5;
	[tilespmem:v20+s13+$0x0] =	vst.idx.msk $0xffff, v3;
	v3 =	vmin.u32 v60, $0x24  }
0x16e: {  	v63 =	vnsel vm15, $0xFFFFFFE0, v28;
	v0 =	vadd.s32 $0x5C80, v5;
	[tilespmem:v21+s13+$0x0] =	vst.idx.msk $0xffff, v4;
	v3 =	vshll.u32 v3, $0x5  }
0x16f: {  	v1 =	vadd.s32 $0x6120, v59;
	[tilespmem:v22+s13+$0x0] =	vst.idx.msk $0xffff, v0;
	v0 =	vadd.s32 $0x65C0, v3;
	v3 =	vmin.u32 v61, $0x24  }
0x170: {  	vm0 =	vlt.s32 v63, $0x20;
	[tilespmem:v23+s13+$0x0] =	vst.idx.msk $0xffff, v1;
	v1 =	vshll.u32 v3, $0x5;
	v3 =	vmin.u32 v62, $0x24  }
0x171: {  	[tilespmem:v24+s13+$0x0] =	vst.idx.msk $0xffff, v0;
	v0 =	vadd.s32 $0x6A60, v1;
	v1 =	vshll.u32 v3, $0x5;
	v3 =	vnsel vm0, $0x20, v63  }
0x172: {  	[tilespmem:v25+s13+$0x0] =	vst.idx.msk $0xffff, v0;
	v0 =	vadd.s32 $0x6F00, v1;
	v1 =	vshll.u32 v3, $0x5  }
0x173: {  	[tilespmem:v26+s13+$0x0] =	vst.idx.msk $0xffff, v0;
	v0 =	vadd.s32 $0x77A0, v1  }
0x174: {  	s22 =	simm.s32 $0xFC90;
	[tilespmem:v27+s13+$0x0] =	vst.idx.msk $0xffff, v0  }
.LBB2_4:
0x175: {  	v0 =	vld [tilespmem:s22+$0xFFFFFFF0];
	_ =	sdelay $0x4  }
0x176: {  	(v2sf) =	vpush v0, $0x0;
	_ =	sdelay $0x1  }
0x177: {  	(v2sf) =	vpush v0, $0x1  }
0x178: {  	(v2sf) =	vpush v0, $0x2  }
0x179: {  	(v2sf) =	vpush v0, $0x3  }
0x17a: {  	(v2sf) =	vpush v0, $0x4  }
0x17b: {  	(v2sf) =	vpush v0, $0x5  }
0x17c: {  	(v2sf) =	vpush v0, $0x6  }
0x17d: {  	(v2sf) =	vpush v0, $0x7  }
0x17e: {  	(v2sf) =	vpush v0, $0x8  }
0x17f: {  	(v2sf) =	vpush v0, $0x9  }
0x180: {  	(v2sf) =	vpush v0, $0xA  }
0x181: {  	v1 =	vld [tilespmem:s22+$0x0];
	(v2sf) =	vpush v0, $0xB  }
0x182: {  	(v2sf) =	vpush v0, $0xC  }
0x183: {  	(v2sf) =	vpush v0, $0xD  }
0x184: {  	(v2sf) =	vpush v0, $0xE;
	s23 =	spop (v2sf)  }
0x185: {  	(v2sf) =	vpush v0, $0xF;
	v0 =	vld [tilespmem:s23+$0x3C80]  }
0x186: {  	(v2sf) =	vpush v1, $0x0;
	s24 =	spop (v2sf);
	v3 =	vld [tilespmem:s23+$0x3C90]  }
0x187: {  	(v2sf) =	vpush v1, $0x1;
	v4 =	vld [tilespmem:s24+$0x3C80]  }
0x188: {  	s29 =	spop (v2sf);
	v5 =	vld [tilespmem:s24+$0x3C90];
	(v2sf) =	vpush v1, $0x2  }
0x189: {  	v6 =	vld [tilespmem:s29+$0x3C80];
	(v2sf) =	vpush v1, $0x3  }
0x18a: {  	s25 =	spop (v2sf);
	v7 =	vld [tilespmem:s29+$0x3C90];
	(v2sf) =	vpush v1, $0x4  }
0x18b: {  	v57 =	vld [tilespmem:s25+$0x3C80];
	(v2sf) =	vpush v1, $0x5;
	v8 =	vunpack.i.u.bf16.f32 v3  }
0x18c: {  	s26 =	spop (v2sf);
	v10 =	vld [tilespmem:s25+$0x3C90];
	v3 =	vunpack.i.l.bf16.f32 v3;
	(v2sf) =	vpush v1, $0x6;
	v9 =	vunpack.i.l.bf16.f32 v4  }
0x18d: {  	v61 =	vld [tilespmem:s26+$0x3C80];
	v11 =	vunpack.i.u.bf16.f32 v5;
	v5 =	vunpack.i.l.bf16.f32 v5;
	(v2sf) =	vpush v1, $0x7  }
0x18e: {  	s30 =	spop (v2sf);
	v62 =	vld [tilespmem:s26+$0x3C90];
	v4 =	vunpack.i.u.bf16.f32 v4;
	v3 =	vadd.f32 v5, v3;
	v58 =	vadd.f32 v11, v8  }
0x18f: {  	v14 =	vld [tilespmem:s30+$0x3C80];
	v59 =	vunpack.i.u.bf16.f32 v6;
	v6 =	vunpack.i.l.bf16.f32 v6;
	v60 =	vunpack.i.u.bf16.f32 v7  }
0x190: {  	v30 =	vld [tilespmem:s30+$0x3C90];
	s31 =	spop (v2sf);
	v7 =	vunpack.i.l.bf16.f32 v7;
	(v2sf) =	vpush v1, $0x8;
	v63 =	vunpack.i.u.bf16.f32 v57  }
0x191: {  	v34 =	vld [tilespmem:s31+$0x3C80];
	v12 =	vunpack.i.l.bf16.f32 v57;
	v13 =	vunpack.i.u.bf16.f32 v10;
	v10 =	vunpack.i.l.bf16.f32 v10  }
0x192: {  	v35 =	vld [tilespmem:s31+$0x3C90];
	(v2sf) =	vpush v1, $0x9;
	v1 =	vunpack.i.u.bf16.f32 v0;
	v0 =	vunpack.i.l.bf16.f32 v0  }
0x193: {  	s24 =	spop (v2sf);
	v3 =	vadd.f32 v7, v3;
	v31 =	vunpack.i.u.bf16.f32 v61;
	v32 =	vunpack.i.l.bf16.f32 v61  }
0x194: {  	v39 =	vld [tilespmem:s24+$0x3C80];
	v33 =	vunpack.i.u.bf16.f32 v62;
	v5 =	vunpack.i.l.bf16.f32 v62;
	v0 =	vadd.f32 v9, v0  }
0x195: {  	v40 =	vld [tilespmem:s24+$0x3C90];
	s25 =	spop (v2sf);
	v1 =	vadd.f32 v4, v1;
	v4 =	vadd.f32 v60, v58;
	v36 =	vunpack.i.u.bf16.f32 v14  }
0x196: {  	v44 =	vld [tilespmem:s25+$0x3C80];
	v37 =	vunpack.i.l.bf16.f32 v14;
	v38 =	vunpack.i.u.bf16.f32 v30;
	v3 =	vadd.f32 v10, v3  }
0x197: {  	v45 =	vld [tilespmem:s25+$0x3C90];
	s26 =	spop (v2sf);
	v41 =	vunpack.i.u.bf16.f32 v34;
	v42 =	vunpack.i.l.bf16.f32 v34;
	v43 =	vunpack.i.u.bf16.f32 v35  }
0x198: {  	v49 =	vld [tilespmem:s26+$0x3C80];
	v7 =	vunpack.i.l.bf16.f32 v35;
	v0 =	vadd.f32 v6, v0;
	v1 =	vadd.f32 v59, v1  }
0x199: {  	v50 =	vld [tilespmem:s26+$0x3C90];
	s28 =	spop (v2sf);
	v4 =	vadd.f32 v13, v4;
	v6 =	vunpack.i.l.bf16.f32 v30;
	v46 =	vunpack.i.u.bf16.f32 v39  }
0x19a: {  	v54 =	vld [tilespmem:s28+$0x3C80];
	v47 =	vunpack.i.l.bf16.f32 v39;
	v48 =	vunpack.i.u.bf16.f32 v40;
	v3 =	vadd.f32 v5, v3  }
0x19b: {  	v55 =	vld [tilespmem:s28+$0x3C90];
	s29 =	spop (v2sf);
	v5 =	vunpack.i.l.bf16.f32 v40;
	v51 =	vunpack.i.u.bf16.f32 v44;
	v52 =	vunpack.i.l.bf16.f32 v44  }
0x19c: {  	v60 =	vld [tilespmem:s29+$0x3C90];
	v53 =	vunpack.i.u.bf16.f32 v45;
	v0 =	vadd.f32 v12, v0;
	v1 =	vadd.f32 v63, v1  }
0x19d: {  	s30 =	spop (v2sf);
	v59 =	vld [tilespmem:s29+$0x3C80];
	v4 =	vadd.f32 v33, v4;
	v56 =	vunpack.i.u.bf16.f32 v49;
	v57 =	vunpack.i.l.bf16.f32 v49  }
0x19e: {  	v13 =	vld [tilespmem:s30+$0x3C90];
	v58 =	vunpack.i.u.bf16.f32 v50;
	v3 =	vadd.f32 v6, v3;
	v6 =	vunpack.i.l.bf16.f32 v45  }
0x19f: {  	v12 =	vld [tilespmem:s30+$0x3C80];
	v61 =	vunpack.i.u.bf16.f32 v54;
	v62 =	vunpack.i.l.bf16.f32 v54;
	v0 =	vadd.f32 v32, v0  }
0x1a0: {  	s31 =	spop (v2sf);
	v63 =	vunpack.i.u.bf16.f32 v55;
	v1 =	vadd.f32 v31, v1;
	v4 =	vadd.f32 v38, v4  }
0x1a1: {  	v33 =	vld [tilespmem:s31+$0x3C90];
	v31 =	vunpack.i.u.bf16.f32 v60;
	v3 =	vadd.f32 v7, v3;
	v7 =	vunpack.i.l.bf16.f32 v50  }
0x1a2: {  	v32 =	vld [tilespmem:s31+$0x3C80];
	v14 =	vunpack.i.u.bf16.f32 v59;
	v30 =	vunpack.i.l.bf16.f32 v59;
	v0 =	vadd.f32 v37, v0  }
0x1a3: {  	s24 =	spop (v2sf);
	v1 =	vadd.f32 v36, v1;
	v4 =	vadd.f32 v43, v4;
	v36 =	vunpack.i.u.bf16.f32 v13  }
0x1a4: {  	v38 =	vld [tilespmem:s24+$0x3C90];
	v3 =	vadd.f32 v5, v3;
	v5 =	vunpack.i.l.bf16.f32 v55;
	v34 =	vunpack.i.u.bf16.f32 v12  }
0x1a5: {  	s25 =	spop (v2sf);
	v37 =	vld [tilespmem:s24+$0x3C80];
	v35 =	vunpack.i.l.bf16.f32 v12;
	v0 =	vadd.f32 v42, v0;
	v1 =	vadd.f32 v41, v1  }
0x1a6: {  	v43 =	vld [tilespmem:s25+$0x3C90];
	v4 =	vadd.f32 v48, v4;
	v41 =	vunpack.i.u.bf16.f32 v33;
	v3 =	vadd.f32 v6, v3  }
0x1a7: {  	v42 =	vld [tilespmem:s25+$0x3C80];
	v6 =	vunpack.i.l.bf16.f32 v60;
	v39 =	vunpack.i.u.bf16.f32 v32;
	v0 =	vadd.f32 v47, v0  }
0x1a8: {  	s26 =	spop (v2sf);
	v40 =	vunpack.i.l.bf16.f32 v32;
	v1 =	vadd.f32 v46, v1;
	v4 =	vadd.f32 v53, v4  }
0x1a9: {  	v48 =	vld [tilespmem:s26+$0x3C90];
	v46 =	vunpack.i.u.bf16.f32 v38;
	v3 =	vadd.f32 v7, v3;
	v7 =	vunpack.i.l.bf16.f32 v13  }
0x1aa: {  	v47 =	vld [tilespmem:s26+$0x3C80];
	v44 =	vunpack.i.u.bf16.f32 v37;
	v45 =	vunpack.i.l.bf16.f32 v37;
	v0 =	vadd.f32 v52, v0  }
0x1ab: {  	s28 =	spop (v2sf);
	v1 =	vadd.f32 v51, v1;
	v4 =	vadd.f32 v58, v4;
	v51 =	vunpack.i.u.bf16.f32 v43  }
0x1ac: {  	v53 =	vld [tilespmem:s28+$0x3C90];
	v3 =	vadd.f32 v5, v3;
	v5 =	vunpack.i.l.bf16.f32 v33;
	v49 =	vunpack.i.u.bf16.f32 v42  }
0x1ad: {  	s29 =	spop (v2sf);
	v52 =	vld [tilespmem:s28+$0x3C80];
	v50 =	vunpack.i.l.bf16.f32 v42;
	v0 =	vadd.f32 v57, v0;
	v1 =	vadd.f32 v56, v1  }
0x1ae: {  	v58 =	vld [tilespmem:s29+$0x3C90];
	v4 =	vadd.f32 v63, v4;
	v56 =	vunpack.i.u.bf16.f32 v48;
	v3 =	vadd.f32 v6, v3  }
0x1af: {  	s30 =	spop (v2sf);
	v57 =	vld [tilespmem:s29+$0x3C80];
	v6 =	vunpack.i.l.bf16.f32 v38;
	v54 =	vunpack.i.u.bf16.f32 v47;
	v0 =	vadd.f32 v62, v0  }
0x1b0: {  	s31 =	spop (v2sf);
	v55 =	vunpack.i.l.bf16.f32 v47;
	v1 =	vadd.f32 v61, v1;
	v4 =	vadd.f32 v31, v4  }
0x1b1: {  	s24 =	spop (v2sf);
	v63 =	vld [tilespmem:s30+$0x3C90];
	v61 =	vunpack.i.u.bf16.f32 v53;
	v3 =	vadd.f32 v7, v3;
	v7 =	vunpack.i.l.bf16.f32 v43  }
0x1b2: {  	s25 =	spop (v2sf);
	v62 =	vld [tilespmem:s30+$0x3C80];
	v59 =	vunpack.i.u.bf16.f32 v52;
	v60 =	vunpack.i.l.bf16.f32 v52;
	v0 =	vadd.f32 v30, v0  }
0x1b3: {  	s26 =	spop (v2sf);
	v31 =	vld [tilespmem:s31+$0x3C90];
	v1 =	vadd.f32 v14, v1;
	v4 =	vadd.f32 v36, v4;
	v14 =	vunpack.i.u.bf16.f32 v58  }
0x1b4: {  	v43 =	vld [tilespmem:s26+$0x3C80];
	v3 =	vadd.f32 v5, v3;
	v5 =	vunpack.i.l.bf16.f32 v48;
	v12 =	vunpack.i.u.bf16.f32 v57  }
0x1b5: {  	v13 =	vunpack.i.l.bf16.f32 v57;
	v0 =	vadd.f32 v35, v0;
	v1 =	vadd.f32 v34, v1  }
0x1b6: {  	v30 =	vld [tilespmem:s31+$0x3C80];
	v4 =	vadd.f32 v41, v4;
	v34 =	vunpack.i.u.bf16.f32 v63;
	v3 =	vadd.f32 v6, v3  }
0x1b7: {  	v6 =	vunpack.i.l.bf16.f32 v53;
	v32 =	vunpack.i.u.bf16.f32 v62;
	v0 =	vadd.f32 v40, v0  }
0x1b8: {  	v36 =	vld [tilespmem:s24+$0x3C90];
	v33 =	vunpack.i.l.bf16.f32 v62;
	v1 =	vadd.f32 v39, v1;
	v4 =	vadd.f32 v46, v4  }
0x1b9: {  	v39 =	vunpack.i.u.bf16.f32 v31;
	v53 =	vunpack.i.l.bf16.f32 v43;
	v0 =	vadd.f32 v45, v0  }
0x1ba: {  	v8 =	vunpack.i.u.bf16.f32 v43;
	v3 =	vadd.f32 v7, v3;
	v1 =	vadd.f32 v44, v1  }
0x1bb: {  	v35 =	vld [tilespmem:s24+$0x3C80];
	v7 =	vunpack.i.l.bf16.f32 v58;
	v37 =	vunpack.i.u.bf16.f32 v30;
	v0 =	vadd.f32 v50, v0  }
0x1bc: {  	v38 =	vunpack.i.l.bf16.f32 v30;
	v3 =	vadd.f32 v5, v3;
	v1 =	vadd.f32 v49, v1  }
0x1bd: {  	v41 =	vld [tilespmem:s25+$0x3C90];
	v46 =	vunpack.i.u.bf16.f32 v36;
	v4 =	vadd.f32 v51, v4;
	v0 =	vadd.f32 v55, v0  }
0x1be: {  	v45 =	vunpack.i.l.bf16.f32 v36;
	v3 =	vadd.f32 v6, v3;
	v1 =	vadd.f32 v54, v1  }
0x1bf: {  	v40 =	vld [tilespmem:s25+$0x3C80];
	v5 =	vunpack.i.l.bf16.f32 v63;
	v4 =	vadd.f32 v56, v4;
	v0 =	vadd.f32 v60, v0  }
0x1c0: {  	v42 =	vunpack.i.l.bf16.f32 v35;
	v3 =	vadd.f32 v7, v3;
	v1 =	vadd.f32 v59, v1  }
0x1c1: {  	v47 =	vld [tilespmem:s26+$0x3C90];
	v44 =	vunpack.i.u.bf16.f32 v35;
	v4 =	vadd.f32 v61, v4;
	v0 =	vadd.f32 v13, v0  }
0x1c2: {  	s28 =	spop (v2sf);
	v51 =	vunpack.i.u.bf16.f32 v41;
	v3 =	vadd.f32 v5, v3;
	v1 =	vadd.f32 v12, v1  }
0x1c3: {  	v52 =	vld [tilespmem:s28+$0x3C90];
	v6 =	vunpack.i.l.bf16.f32 v31;
	v4 =	vadd.f32 v14, v4;
	v0 =	vadd.f32 v33, v0  }
0x1c4: {  	v48 =	vunpack.i.u.bf16.f32 v40;
	v3 =	vadd.f32 v6, v3;
	v1 =	vadd.f32 v32, v1  }
0x1c5: {  	v49 =	vunpack.i.l.bf16.f32 v40;
	v4 =	vadd.f32 v34, v4;
	v0 =	vadd.f32 v38, v0  }
0x1c6: {  	v50 =	vld [tilespmem:s28+$0x3C80];
	v55 =	vunpack.i.u.bf16.f32 v47;
	v3 =	vadd.f32 v45, v3;
	v1 =	vadd.f32 v37, v1  }
0x1c7: {  	s29 =	spop (v2sf);
	v5 =	vunpack.i.l.bf16.f32 v41;
	v4 =	vadd.f32 v39, v4;
	v0 =	vadd.f32 v42, v0  }
0x1c8: {  	v56 =	vld [tilespmem:s29+$0x3C90];
	v61 =	vunpack.i.u.bf16.f32 v52;
	v3 =	vadd.f32 v5, v3;
	v1 =	vadd.f32 v44, v1  }
0x1c9: {  	v54 =	vld [tilespmem:s29+$0x3C80];
	v7 =	vunpack.i.l.bf16.f32 v47;
	v4 =	vadd.f32 v46, v4;
	v0 =	vadd.f32 v49, v0  }
0x1ca: {  	v59 =	vunpack.i.l.bf16.f32 v52;
	v3 =	vadd.f32 v7, v3;
	v1 =	vadd.f32 v48, v1  }
0x1cb: {  	v57 =	vunpack.i.l.bf16.f32 v50;
	v4 =	vadd.f32 v51, v4;
	v0 =	vadd.f32 v53, v0  }
0x1cc: {  	v58 =	vunpack.i.u.bf16.f32 v50;
	v3 =	vadd.f32 v59, v3;
	v1 =	vadd.f32 v8, v1  }
0x1cd: {  	s30 =	sadd.s32 s21, s20;
	v62 =	vunpack.i.l.bf16.f32 v56;
	v4 =	vadd.f32 v55, v4;
	v0 =	vadd.f32 v57, v0  }
0x1ce: {  	p0 =	sne.s32 s21, $0x3C0;
	s23 =	sand.u32 $0x3F80, s30;
	s31 =	sand.u32 $0x40, s21;
	v60 =	vunpack.i.l.bf16.f32 v54;
	v3 =	vadd.f32 v62, v3;
	v1 =	vadd.f32 v58, v1  }
.Ltmp0:
0x1cf: {  	s23 =	sor.u32 s31, s23;
	v6 =	vunpack.i.u.bf16.f32 v54;
	v4 =	vadd.f32 v61, v4;
	v0 =	vadd.f32 v60, v0;
	(pc) =	sbr.rel @p0 .LBB2_4-.Ltmp0, $4  }
0x1d0: {  	v63 =	vunpack.i.u.bf16.f32 v56;
	[tilespmem:s23+$0xBCA0] =	vst v3;
	v1 =	vadd.f32 v6, v1  }
0x1d1: {  	[tilespmem:s23+$0xBC80] =	vst v0;
	v0 =	vadd.f32 v63, v4  }
0x1d2: {  	[tilespmem:s23+$0xBC90] =	vst v1  }
0x1d3: {  	s22 =	sadd.s32 $0x21, s22;
	s21 =	sadd.s32 $0x40, s21;
	[tilespmem:s23+$0xBCB0] =	vst v0  }
0x1d4: {  	s19 =	sadd.s32 $0x1, s19  }
0x1d5: {  	p0 =	sne.s32 s19, s16  }
.Ltmp1:
0x1d6: {  	_ = 	snop;
	(pc) =	sbr.rel @p0 .LBB2_3-.Ltmp1, $2  }
0x1d7: {  	_ =	sdelay $0x2  }
0x1d8: {  	s20 =	sadd.s32 $0x400, s20  }
0x1d9: {  	s19 =	sshll.u32 s18, $0xB;
	s18 =	sadd.s32 $0x1, s18  }
0x1da: {  	p0 =	sne.s32 s18, $0x4  }
.Ltmp2:
0x1db: {  	s19 =	sadd.s32 s19, s8;
	(pc) =	sbr.rel @p0 .LBB2_2-.Ltmp2, $4  }
0x1dc: {  	[hbm4b:s19+s3] =	stream.linear.scatter [tilespmem:s14], [sflag:$0x1], $0x4000, $0x38;
	[tilespmem:$0xFF00] =	vst v63  }
0x1dd: {  	_ =	swait.ge [sflag:s10], $0x4000  }
0x1de: {  	[sflag:s10] =	ssyncset.done $0x0  }
0x1df: {  	s16 =	sadd.s32 $0x10, s16;
	s17 =	sadd.s32 $0x4000, s17;
	[sflag:s10] =	ssyncadd.s32 $0xFFFFC000  }
0x1e0: {  	s15 =	sadd.s32 $0x1, s15  }
0x1e1: {  	p0 =	sne.s32 s15, s9  }
.Ltmp3:
0x1e2: {  	_ = 	snop;
	(pc) =	sbr.rel @p0 .LBB2_1-.Ltmp3, $1  }
0x1e3: {  	_ =	sdelay $0x3  }
0x1e4: {  	_ =	sfence.sel $0x180000  }
0x1e5: {  	[bflag:$0x0] =	sbarrier.arrive $0xFFFF  }
0x1e6: {  	p0 =	sne.s32 s0, $0x0;
	_ =	strace $0x90000047  }
0x1e7: {  	s0 =	sadd.s32 @!p0 $0x100000, s1;
	[bflag:$0x2] =	sbarrier.arrive $0xFFFF  }
0x1e8: {  	[sflag:s0] =	ssyncadd.tile.s32 @!p0 $0x1;
	_ =	shalt  }
.Lfunc_end2:
_tile_overlayer_lowered:
.L_overlay_start_2:
0x1e9: {  	(tag) =	ssettag $0x2  }
0x1ea: {  	s0 =	rddreg [dreg:$0x0];
	s2 =	stileid.u32  }
0x1eb: {  	s1 =	rddreg [dreg:$0x1];
	p0 =	sne.s32 s2, $0x0  }
0x1ec: {  	s3 =	rddreg [dreg:$0x2];
	[bflag:$0x3] =	sbarrier.arrive $0xFFFF;
	s2 =	simm.s32 @!p0 $0x1C01  }
0x1ed: {  	[timem:s3], [sflag:s2] =	dma.local @!p0 [hbm:s0], s1  }
0x1ee: {  	s0 =	simm.s32 @!p0 $0x1  }
0x1ef: {  	_ =	swait.ge @!p0 [sflag:s0], s1  }
0x1f0: {  	s1 =	ssub.s32 @!p0 $0x0, s1;
	[sflag:s0] =	ssyncset.done @!p0 $0x0  }
0x1f1: {  	[sflag:s0] =	ssyncadd.s32 @!p0 s1  }
0x1f2: {  	[bflag:$0x3] =	sbarrier.arrive $0xFFFF  }
0x1f3: {  	_ =	shalt  }

</sc_bundles>
